<compile_context>
chip_gen: v7x
topology: tpu7x:2x2x1
jax: 0.10.2.dev20260603
libtpu: 0.0.44.dev20260713+nightly
codegen_flags: <defaults>
</compile_context>

<pallas_src>
import jax
import jax.numpy as jnp
from jax import lax
from jax.experimental import pallas as pl
from jax.experimental.pallas import tpu as pltpu
from jax.experimental.pallas import tpu_sc as plsc

BATCH = 16384
EMBED_DIM = 64
ROWS = 1000001

_NC = 2
_NS = 16
_L = 16
_NW = _NC * _NS

_REM1 = (ROWS // 128) * 128
_WT = 245
_WW = _WT * 128
_WWL = _WW - 256
_LOMAX = _REM1 - _WWL
_CAP = 768
_SENT = BATCH
_STRIDE = 72
_STG = (BATCH + 1) * _STRIDE


def _gather_body(uids, iids, utab, itab, utail, itail, ug, ig,
                 idbuf, cr_u, cb_u, cr_i, cb_i, slab_a, slab_b, rows,
                 sem_a, sem_b, esem):
    cid = lax.axis_index("c")
    sid = lax.axis_index("s")
    wid = sid * _NC + cid
    lanes = lax.iota(jnp.int32, _L)
    lo = jnp.minimum(wid * _WW, _LOMAX)
    hi = lo + _WW
    last = wid == _NW - 1

    def extract(ids_hbm, cr, cb):
        def chunk(c, ou):
            pltpu.sync_copy(
                ids_hbm.at[pl.ds(pl.multiple_of(c * 4096, 4096), 4096)],
                idbuf)

            def vec(i, ou):
                r = idbuf[pl.ds(pl.multiple_of(i * _L, _L), _L)] + 1
                b = c * 4096 + i * _L + lanes
                m = (r >= lo) & (r < hi)
                cnt = plsc.all_reduce_population_count(m)[0]
                plsc.store_compressed(cr.at[pl.ds(ou, _L)], r - lo, mask=m)
                plsc.store_compressed(cb.at[pl.ds(ou, _L)], b, mask=m)
                return jnp.minimum(ou + cnt, _CAP)

            return lax.fori_loop(0, 4096 // _L, vec, ou)

        ou = lax.fori_loop(0, BATCH // 4096, chunk, jnp.int32(0))
        full = jnp.ones((_L,), jnp.bool_)
        plsc.store_compressed(cr.at[pl.ds(ou, _L)],
                              jnp.zeros((_L,), jnp.int32), mask=full)
        plsc.store_compressed(cb.at[pl.ds(ou, _L)],
                              jnp.full((_L,), _SENT, jnp.int32), mask=full)
        return (ou + _L - 1) // _L

    def stage(tab, tail, slab, d, s):
        @pl.when(jnp.logical_not(last))
        def _main():
            pltpu.async_copy(tab.at[d, pl.ds(pl.multiple_of(lo, 128), _WW)],
                             slab, s)

        @pl.when(last)
        def _last():
            pltpu.async_copy(
                tab.at[d, pl.ds(pl.multiple_of(lo, 128), _WWL)],
                slab.at[pl.ds(0, _WWL)], s)
            pltpu.async_copy(tail.at[d], slab.at[pl.ds(_WWL, 128)], s)

    def stage_wait(tab, tail, slab, d, s):
        @pl.when(jnp.logical_not(last))
        def _main():
            pltpu.make_async_copy(
                tab.at[d, pl.ds(pl.multiple_of(lo, 128), _WW)],
                slab, s).wait()

        @pl.when(last)
        def _last():
            pltpu.make_async_copy(
                tab.at[d, pl.ds(pl.multiple_of(lo, 128), _WWL)],
                slab.at[pl.ds(0, _WWL)], s).wait()
            pltpu.make_async_copy(tail.at[d], slab.at[pl.ds(_WWL, 128)],
                                  s).wait()

    def table_phase(tab, tail, cr, cb, ng, out_hbm, nxt, prolog=True):
        def gather_d(slab, d):
            def grp(g, _):
                rl = cr[pl.ds(pl.multiple_of(g * _L, _L), _L)]
                vals = plsc.load_gather(slab, [rl])
                plsc.store_scatter(rows,
                                   [(g * _L + lanes) * _STRIDE + d], vals)
                return 0

            lax.fori_loop(0, ng, grp, 0)

        if prolog:
            stage(tab, tail, slab_a, 0, sem_a)

        def pair(dp, _):
            d0 = dp * 2
            stage_wait(tab, tail, slab_a, d0, sem_a)
            stage(tab, tail, slab_b, d0 + 1, sem_b)
            gather_d(slab_a, d0)
            stage_wait(tab, tail, slab_b, d0 + 1, sem_b)

            @pl.when(dp + 1 < EMBED_DIM // 2)
            def _pf():
                stage(tab, tail, slab_a, d0 + 2, sem_a)

            gather_d(slab_b, d0 + 1)
            return 0

        lax.fori_loop(0, EMBED_DIM // 2, pair, 0)
        nxt()

        def egrp(g, _):
            bv = cb[pl.ds(pl.multiple_of(g * _L, _L), _L)]
            for l in range(_L):
                k = g * _L + l
                src = rows.at[pl.ds(k * _STRIDE, EMBED_DIM)]
                dst = out_hbm.at[pl.ds(pl.multiple_of(bv[l] * _STRIDE, 8),
                                       EMBED_DIM)]
                pltpu.async_copy(src, dst, esem)
            return 0

        lax.fori_loop(0, ng, egrp, 0)

        def edrain(k, _):
            pltpu.make_async_copy(
                rows.at[pl.ds(0, EMBED_DIM)],
                out_hbm.at[pl.ds(_SENT * _STRIDE, EMBED_DIM)], esem).wait()
            return 0

        lax.fori_loop(0, ng * _L, edrain, 0)

    stage(utab, utail, slab_a, 0, sem_a)
    ng_u = extract(uids, cr_u, cb_u)
    ng_i = extract(iids, cr_i, cb_i)
    table_phase(utab, utail, cr_u, cb_u, ng_u, ug,
                lambda: stage(itab, itail, slab_a, 0, sem_a), prolog=False)
    table_phase(itab, itail, cr_i, cb_i, ng_i, ig, lambda: None,
                prolog=False)


_BPT2 = BATCH // _NW


def _dot_body(ug, ig, out, us, vs, outv, sem):
    cid = lax.axis_index("c")
    sid = lax.axis_index("s")
    wid = sid * _NC + cid
    base = wid * _BPT2
    lanes = lax.iota(jnp.int32, _L)

    b0 = pl.multiple_of(base * _STRIDE, 8)
    pltpu.sync_copy(ug.at[pl.ds(b0, _BPT2 * _STRIDE)], us)
    pltpu.sync_copy(ig.at[pl.ds(b0, _BPT2 * _STRIDE)], vs)

    def grp(g, _):
        flat = (g * _L + lanes) * _STRIDE
        acc = jnp.zeros((_L,), jnp.float32)
        for d in range(EMBED_DIM):
            u = plsc.load_gather(us, [flat + d])
            v = plsc.load_gather(vs, [flat + d])
            acc = acc + u * v
        outv[pl.ds(pl.multiple_of(g * _L, _L), _L)] = acc
        return 0

    lax.fori_loop(0, _BPT2 // _L, grp, 0)

    pltpu.sync_copy(outv, out.at[pl.ds(pl.multiple_of(base, 8), _BPT2)])


@jax.jit
def kernel(user_ids, item_ids, user_table, item_table):
    mesh = plsc.VectorSubcoreMesh(
        core_axis_name="c", subcore_axis_name="s",
        num_cores=_NC, num_subcores=_NS)
    gather_run = pl.kernel(
        _gather_body,
        out_type=(jax.ShapeDtypeStruct((_STG,), jnp.float32),
                  jax.ShapeDtypeStruct((_STG,), jnp.float32)),
        mesh=mesh,
        scratch_types=[
            pltpu.VMEM((4096,), jnp.int32),
            pltpu.VMEM((_CAP + _L,), jnp.int32),
            pltpu.VMEM((_CAP + _L,), jnp.int32),
            pltpu.VMEM((_CAP + _L,), jnp.int32),
            pltpu.VMEM((_CAP + _L,), jnp.int32),
            pltpu.VMEM((_WW,), jnp.float32),
            pltpu.VMEM((_WW,), jnp.float32),
            pltpu.VMEM((_CAP * _STRIDE,), jnp.float32),
            pltpu.SemaphoreType.DMA,
            pltpu.SemaphoreType.DMA,
            pltpu.SemaphoreType.DMA,
        ],
        compiler_params=pltpu.CompilerParams(needs_layout_passes=False),
    )
    dot_run = pl.kernel(
        _dot_body,
        out_type=jax.ShapeDtypeStruct((BATCH,), jnp.float32),
        mesh=mesh,
        scratch_types=[
            pltpu.VMEM((_BPT2 * _STRIDE,), jnp.float32),
            pltpu.VMEM((_BPT2 * _STRIDE,), jnp.float32),
            pltpu.VMEM((_BPT2,), jnp.float32),
            pltpu.SemaphoreType.DMA,
        ],
        compiler_params=pltpu.CompilerParams(needs_layout_passes=False),
    )
    utail = jnp.pad(user_table[_REM1:], ((0, 128 - (ROWS - _REM1)), (0, 0))).T
    itail = jnp.pad(item_table[_REM1:], ((0, 128 - (ROWS - _REM1)), (0, 0))).T
    ug, ig = gather_run(user_ids, item_ids, user_table.T, item_table.T,
                        utail, itail)
    return dot_run(ug, ig)

# --- scband reference (transcript-rebuilt; emitter-appended) ---
"""Pipeline reference for scband-matrix-factorization-13280038879248 (READ-ONLY COPY).

The authoritative reference and input builder live on the scoring server;
editing this copy changes nothing except your own understanding.
"""

import jax, jax.numpy as jnp
import numpy as np

NUM_USERS = 1000000
NUM_ITEMS = 1000000
EMBED_DIM = 64
BATCH = 16384

def setup_inputs(seed: int = 0) -> dict:
    key = jax.random.key(seed)
    k1, k2, k3, k4 = jax.random.split(key, 4)
    user_ids = jax.random.randint(k1, (BATCH,), 0, NUM_USERS, dtype=jnp.int64 if jax.config.jax_enable_x64 else jnp.int32)
    item_ids = jax.random.randint(k2, (BATCH,), 0, NUM_ITEMS, dtype=jnp.int64 if jax.config.jax_enable_x64 else jnp.int32)
    # Embedding tables sized unique_count + 1 (index 0 reserved for OOV by IntegerLookup),
    # keras 'uniform' initializer: U(-0.05, 0.05)
    user_table = jax.random.uniform(k3, (NUM_USERS + 1, EMBED_DIM), minval=-0.05, maxval=0.05, dtype=jnp.float32)
    item_table = jax.random.uniform(k4, (NUM_ITEMS + 1, EMBED_DIM), minval=-0.05, maxval=0.05, dtype=jnp.float32)
    return {"user_ids": user_ids, "item_ids": item_ids, "user_table": user_table, "item_table": item_table}

def reference(user_ids, item_ids, user_table, item_table):
    # IntegerLookup with vocabulary = arange(N): token i -> index i + 1 (index 0 = OOV).
    user_indices = user_ids + 1
    item_indices = item_ids + 1
    user_embedding = jnp.take(user_table, user_indices, axis=0)
    item_embedding = jnp.take(item_table, item_indices, axis=0)
    predicted_interaction_probability = jnp.sum(user_embedding * item_embedding, axis=1)
    return predicted_interaction_probability

if __name__ == "__main__":
    import jax
    _d = setup_inputs()
    print(jax.jit(kernel)(*tuple(_d.values())))

</pallas_src>

<mosaic_0001>
#map = affine_map<(d0, d1) -> (0)>
#map1 = affine_map<(d0, d1) -> (0, 0)>
module attributes {stable_mosaic.version = 14 : i64} {
  func.func @_gather_body(%arg0: i32, %arg1: i32, %arg2: memref<16384xi32, #tpu.memory_space<hbm>>, %arg3: memref<16384xi32, #tpu.memory_space<hbm>>, %arg4: memref<64x1000001xf32, #tpu.memory_space<hbm>>, %arg5: memref<64x1000001xf32, #tpu.memory_space<hbm>>, %arg6: memref<64x128xf32, #tpu.memory_space<hbm>>, %arg7: memref<64x128xf32, #tpu.memory_space<hbm>>, %arg8: memref<1179720xf32, #tpu.memory_space<hbm>>, %arg9: memref<1179720xf32, #tpu.memory_space<hbm>>, %arg10: memref<4096xi32, #tpu.memory_space<vmem>>, %arg11: memref<784xi32, #tpu.memory_space<vmem>>, %arg12: memref<784xi32, #tpu.memory_space<vmem>>, %arg13: memref<784xi32, #tpu.memory_space<vmem>>, %arg14: memref<784xi32, #tpu.memory_space<vmem>>, %arg15: memref<31360xf32, #tpu.memory_space<vmem>>, %arg16: memref<31360xf32, #tpu.memory_space<vmem>>, %arg17: memref<55296xf32, #tpu.memory_space<vmem>>, %arg18: memref<!tpu.dma_semaphore, #tpu.memory_space<semaphore_mem>>, %arg19: memref<!tpu.dma_semaphore, #tpu.memory_space<semaphore_mem>>, %arg20: memref<!tpu.dma_semaphore, #tpu.memory_space<semaphore_mem>>) attributes {dimension_semantics = [#tpu.dimension_semantics<core_parallel>, #tpu.dimension_semantics<subcore_parallel>], iteration_bounds = array<i64: 2, 16>, scalar_prefetch = 0 : i64, scratch_operands = 11 : i64, tpu.core_type = #tpu.core_type<sc_vector_subcore>, window_params = [{transform_indices = #map}, {transform_indices = #map}, {transform_indices = #map1}, {transform_indices = #map1}, {transform_indices = #map1}, {transform_indices = #map1}, {transform_indices = #map}, {transform_indices = #map}]} {
    %mul3A = arith.constant 2 : i32
    %mul3A_0 = arith.muli %arg1, %mul3A : i32
    %add3A = arith.addi %mul3A_0, %arg0 : i32
    %iota3A = tpu.iota {dimensions = array<i32: 0>} : vector<16xi32>
    %mul3A_1 = arith.constant 31360 : i32
    %mul3A_2 = arith.muli %add3A, %mul3A_1 : i32
    %min3A = arith.constant 968832 : i32
    %min3A_3 = arith.minsi %mul3A_2, %min3A : i32
    %add3A_4 = arith.constant 31360 : i32
    %add3A_5 = arith.addi %min3A_3, %add3A_4 : i32
    %eq3A = arith.constant 31 : i32
    %eq3A_6 = arith.cmpi eq, %add3A, %eq3A : i32
    %not3A = arith.constant true
    %not3A_7 = arith.xori %eq3A_6, %not3A : i1
    %convert_element_type3A = arith.extui %not3A_7 : i1 to i32
    %cond3A = arith.constant 0 : i32
    %cond3A_8 = arith.cmpi ne, %convert_element_type3A, %cond3A : i32
    scf.if %cond3A_8 {
      %multiple_of3A = tpu.assume_multiple %min3A_3, 128 : i32
      %dma_start3A = arith.constant 0 : i32
      %dma_start3A_164 = tpu.memref_slice %arg4[%dma_start3A, %multiple_of3A] : memref<64x1000001xf32, #tpu.memory_space<hbm>> -> memref<1x31360xf32, #tpu.memory_space<hbm>>
      %dma_start3A_165 = tpu.memref_squeeze %dma_start3A_164 : memref<1x31360xf32, #tpu.memory_space<hbm>> -> memref<31360xf32, #tpu.memory_space<hbm>>
      %dma_start3A_166 = tpu.memref_slice %arg4[%dma_start3A, %multiple_of3A] : memref<64x1000001xf32, #tpu.memory_space<hbm>> -> memref<1x31360xf32, #tpu.memory_space<hbm>>
      %dma_start3A_167 = tpu.memref_squeeze %dma_start3A_166 : memref<1x31360xf32, #tpu.memory_space<hbm>> -> memref<31360xf32, #tpu.memory_space<hbm>>
      tpu.enqueue_dma source(%dma_start3A_167 : memref<31360xf32, #tpu.memory_space<hbm>>) target(%arg15 : memref<31360xf32, #tpu.memory_space<vmem>>) target_semaphore(%arg18 : memref<!tpu.dma_semaphore, #tpu.memory_space<semaphore_mem>>)
    } else {
    }
    %convert_element_type3A_9 = arith.extui %eq3A_6 : i1 to i32
    %cond3A_10 = arith.constant 0 : i32
    %cond3A_11 = arith.cmpi ne, %convert_element_type3A_9, %cond3A_10 : i32
    scf.if %cond3A_11 {
      %multiple_of3A = tpu.assume_multiple %min3A_3, 128 : i32
      %dma_start3A = arith.constant 0 : i32
      %dma_start3A_164 = arith.constant 0 : i32
      %dma_start3A_165 = tpu.memref_slice %arg15[%dma_start3A_164] : memref<31360xf32, #tpu.memory_space<vmem>> -> memref<31104xf32, #tpu.memory_space<vmem>>
      %dma_start3A_166 = tpu.memref_slice %arg4[%dma_start3A, %multiple_of3A] : memref<64x1000001xf32, #tpu.memory_space<hbm>> -> memref<1x31104xf32, #tpu.memory_space<hbm>>
      %dma_start3A_167 = tpu.memref_squeeze %dma_start3A_166 : memref<1x31104xf32, #tpu.memory_space<hbm>> -> memref<31104xf32, #tpu.memory_space<hbm>>
      %dma_start3A_168 = arith.constant 0 : i32
      %dma_start3A_169 = tpu.memref_slice %arg15[%dma_start3A_168] : memref<31360xf32, #tpu.memory_space<vmem>> -> memref<31104xf32, #tpu.memory_space<vmem>>
      %dma_start3A_170 = tpu.memref_slice %arg4[%dma_start3A, %multiple_of3A] : memref<64x1000001xf32, #tpu.memory_space<hbm>> -> memref<1x31104xf32, #tpu.memory_space<hbm>>
      %dma_start3A_171 = tpu.memref_squeeze %dma_start3A_170 : memref<1x31104xf32, #tpu.memory_space<hbm>> -> memref<31104xf32, #tpu.memory_space<hbm>>
      tpu.enqueue_dma source(%dma_start3A_171 : memref<31104xf32, #tpu.memory_space<hbm>>) target(%dma_start3A_169 : memref<31104xf32, #tpu.memory_space<vmem>>) target_semaphore(%arg18 : memref<!tpu.dma_semaphore, #tpu.memory_space<semaphore_mem>>)
      %dma_start3A_172 = arith.constant 0 : i32
      %dma_start3A_173 = arith.constant 31104 : i32
      %dma_start3A_174 = tpu.memref_slice %arg15[%dma_start3A_173] : memref<31360xf32, #tpu.memory_space<vmem>> -> memref<128xf32, #tpu.memory_space<vmem>>
      %dma_start3A_175 = arith.constant 0 : i32
      %dma_start3A_176 = tpu.memref_slice %arg6[%dma_start3A_172, %dma_start3A_175] : memref<64x128xf32, #tpu.memory_space<hbm>> -> memref<1x128xf32, #tpu.memory_space<hbm>>
      %dma_start3A_177 = tpu.memref_squeeze %dma_start3A_176 : memref<1x128xf32, #tpu.memory_space<hbm>> -> memref<128xf32, #tpu.memory_space<hbm>>
      %dma_start3A_178 = arith.constant 31104 : i32
      %dma_start3A_179 = tpu.memref_slice %arg15[%dma_start3A_178] : memref<31360xf32, #tpu.memory_space<vmem>> -> memref<128xf32, #tpu.memory_space<vmem>>
      %dma_start3A_180 = arith.constant 0 : i32
      %dma_start3A_181 = tpu.memref_slice %arg6[%dma_start3A_172, %dma_start3A_180] : memref<64x128xf32, #tpu.memory_space<hbm>> -> memref<1x128xf32, #tpu.memory_space<hbm>>
      %dma_start3A_182 = tpu.memref_squeeze %dma_start3A_181 : memref<1x128xf32, #tpu.memory_space<hbm>> -> memref<128xf32, #tpu.memory_space<hbm>>
      tpu.enqueue_dma source(%dma_start3A_182 : memref<128xf32, #tpu.memory_space<hbm>>) target(%dma_start3A_179 : memref<128xf32, #tpu.memory_space<vmem>>) target_semaphore(%arg18 : memref<!tpu.dma_semaphore, #tpu.memory_space<semaphore_mem>>)
    } else {
    }
    %scan3A = arith.constant 0 : i32
    %scan3A_12 = arith.constant 0 : i32
    %scan3A_13 = arith.constant 4 : i32
    %scan3A_14 = arith.addi %scan3A_12, %scan3A_13 : i32
    %scan3A_15 = arith.constant 1 : i32
    %scan3A_16 = scf.for %scan3A_164 = %scan3A_12 to %scan3A_14 step %scan3A_15 iter_args(%scan3A_165 = %scan3A) -> (i32)  : i32 {
      %mul3A_166 = arith.constant 4096 : i32
      %mul3A_167 = arith.muli %scan3A_164, %mul3A_166 : i32
      %multiple_of3A = tpu.assume_multiple %mul3A_167, 4096 : i32
      "tpu.region"() ({
        %run_scoped3A = tpu.sem_alloc : memref<!tpu.dma_semaphore, #tpu.memory_space<semaphore_mem>>
        %dma_start3A = tpu.memref_slice %arg2[%multiple_of3A] : memref<16384xi32, #tpu.memory_space<hbm>> -> memref<4096xi32, #tpu.memory_space<hbm>>
        %dma_start3A_174 = tpu.memref_slice %arg2[%multiple_of3A] : memref<16384xi32, #tpu.memory_space<hbm>> -> memref<4096xi32, #tpu.memory_space<hbm>>
        tpu.enqueue_dma source(%dma_start3A_174 : memref<4096xi32, #tpu.memory_space<hbm>>) target(%arg10 : memref<4096xi32, #tpu.memory_space<vmem>>) target_semaphore(%run_scoped3A : memref<!tpu.dma_semaphore, #tpu.memory_space<semaphore_mem>>)
        %dma_wait3A = tpu.memref_slice %arg2[%multiple_of3A] : memref<16384xi32, #tpu.memory_space<hbm>> -> memref<4096xi32, #tpu.memory_space<hbm>>
        %dma_wait3A_175 = tpu.memref_slice %arg2[%multiple_of3A] : memref<16384xi32, #tpu.memory_space<hbm>> -> memref<4096xi32, #tpu.memory_space<hbm>>
        tpu.wait_dma2 semaphore(%run_scoped3A : memref<!tpu.dma_semaphore, #tpu.memory_space<semaphore_mem>>) src(%dma_wait3A_175 : memref<4096xi32, #tpu.memory_space<hbm>>) dst(%arg10 : memref<4096xi32, #tpu.memory_space<vmem>>)
        tpu.yield
      }) : () -> ()
      %scan3A_168 = arith.constant 0 : i32
      %scan3A_169 = arith.constant 256 : i32
      %scan3A_170 = arith.addi %scan3A_168, %scan3A_169 : i32
      %scan3A_171 = arith.constant 1 : i32
      %scan3A_172 = scf.for %scan3A_174 = %scan3A_168 to %scan3A_170 step %scan3A_171 iter_args(%scan3A_175 = %scan3A_165) -> (i32)  : i32 {
        %mul3A_176 = arith.constant 16 : i32
        %mul3A_177 = arith.muli %scan3A_174, %mul3A_176 : i32
        %multiple_of3A_178 = tpu.assume_multiple %mul3A_177, 16 : i32
        %get3A = arith.index_cast %multiple_of3A_178 : i32 to index
        %get3A_179 = tpu.vector_load %arg10[%get3A] {strides = array<i32>} : memref<4096xi32, #tpu.memory_space<vmem>>, vector<16xi32>,
        %add3A_180 = arith.constant 1 : i32
        %add3A_181 = vector.broadcast %add3A_180 : i32 to vector<16xi32>
        %add3A_182 = arith.addi %get3A_179, %add3A_181 : vector<16xi32>
        %mul3A_183 = arith.constant 4096 : i32
        %mul3A_184 = arith.muli %scan3A_164, %mul3A_183 : i32
        %mul3A_185 = arith.constant 16 : i32
        %mul3A_186 = arith.muli %scan3A_174, %mul3A_185 : i32
        %add3A_187 = arith.addi %mul3A_184, %mul3A_186 : i32
        %add3A_188 = vector.broadcast %add3A_187 : i32 to vector<16xi32>
        %add3A_189 = arith.addi %add3A_188, %iota3A : vector<16xi32>
        %ge3A = vector.broadcast %min3A_3 : i32 to vector<16xi32>
        %ge3A_190 = arith.cmpi sge, %add3A_182, %ge3A : vector<16xi32>
        %lt3A = vector.broadcast %add3A_5 : i32 to vector<16xi32>
        %lt3A_191 = arith.cmpi slt, %add3A_182, %lt3A : vector<16xi32>
        %and3A_192 = arith.andi %ge3A_190, %lt3A_191 : vector<16xi1>
        %all_reduce_population_count3A = tpu.all_reduce %and3A_192 {dim = 0 : i64, kind = #tpu.reduction_kind<sum>} : vector<16xi1> -> vector<16xi32>
        %slice3A = vector.extract_strided_slice %all_reduce_population_count3A {offsets = [0], sizes = [1], strides = [1]} : vector<16xi32> to vector<1xi32>
        %squeeze3A = vector.extract %slice3A[0] : i32 from vector<1xi32>
        %sub3A_193 = vector.broadcast %min3A_3 : i32 to vector<16xi32>
        %sub3A_194 = arith.subi %add3A_182, %sub3A_193 : vector<16xi32>
        %swap3A_195 = arith.index_cast %scan3A_175 : i32 to index
        %swap3A_196 = tpu.vector_load %arg11[%swap3A_195] masked %and3A_192 {strides = array<i32>} : memref<784xi32, #tpu.memory_space<vmem>>, vector<16xi32>, vector<16xi1>
        tpu.vector_store %arg11[%swap3A_195], %sub3A_194 masked %and3A_192 {strides = array<i32>} : memref<784xi32, #tpu.memory_space<vmem>>, vector<16xi32>, vector<16xi1>
        %swap3A_197 = arith.index_cast %scan3A_175 : i32 to index
        %swap3A_198 = tpu.vector_load %arg12[%swap3A_197] masked %and3A_192 {strides = array<i32>} : memref<784xi32, #tpu.memory_space<vmem>>, vector<16xi32>, vector<16xi1>
        tpu.vector_store %arg12[%swap3A_197], %add3A_189 masked %and3A_192 {strides = array<i32>} : memref<784xi32, #tpu.memory_space<vmem>>, vector<16xi32>, vector<16xi1>
        %add3A_199 = arith.addi %scan3A_175, %squeeze3A : i32
        %min3A_200 = arith.constant 768 : i32
        %min3A_201 = arith.minsi %add3A_199, %min3A_200 : i32
        scf.yield %min3A_201 : i32
      }
      %scan3A_173 = arith.constant 256 : i32
      scf.yield %scan3A_172 : i32
    }
    %scan3A_17 = arith.constant 4 : i32
    %broadcast_in_dim3A = arith.constant true
    %broadcast_in_dim3A_18 = vector.broadcast %broadcast_in_dim3A : i1 to vector<16xi1>
    %broadcast_in_dim3A_19 = arith.constant 0 : i32
    %broadcast_in_dim3A_20 = vector.broadcast %broadcast_in_dim3A_19 : i32 to vector<16xi32>
    %swap3A = arith.index_cast %scan3A_16 : i32 to index
    %swap3A_21 = tpu.vector_load %arg11[%swap3A] masked %broadcast_in_dim3A_18 {strides = array<i32>} : memref<784xi32, #tpu.memory_space<vmem>>, vector<16xi32>, vector<16xi1>
    tpu.vector_store %arg11[%swap3A], %broadcast_in_dim3A_20 masked %broadcast_in_dim3A_18 {strides = array<i32>} : memref<784xi32, #tpu.memory_space<vmem>>, vector<16xi32>, vector<16xi1>
    %broadcast_in_dim3A_22 = arith.constant 16384 : i32
    %broadcast_in_dim3A_23 = vector.broadcast %broadcast_in_dim3A_22 : i32 to vector<16xi32>
    %swap3A_24 = arith.index_cast %scan3A_16 : i32 to index
    %swap3A_25 = tpu.vector_load %arg12[%swap3A_24] masked %broadcast_in_dim3A_18 {strides = array<i32>} : memref<784xi32, #tpu.memory_space<vmem>>, vector<16xi32>, vector<16xi1>
    tpu.vector_store %arg12[%swap3A_24], %broadcast_in_dim3A_23 masked %broadcast_in_dim3A_18 {strides = array<i32>} : memref<784xi32, #tpu.memory_space<vmem>>, vector<16xi32>, vector<16xi1>
    %add3A_26 = arith.constant 16 : i32
    %add3A_27 = arith.addi %scan3A_16, %add3A_26 : i32
    %sub3A = arith.constant 1 : i32
    %sub3A_28 = arith.subi %add3A_27, %sub3A : i32
    %jit3A = arith.constant 16 : i32
    %div3A = arith.divsi %sub3A_28, %jit3A : i32
    %sign3A = arith.constant 0 : i32
    %sign3A_29 = arith.cmpi sgt, %sub3A_28, %sign3A : i32
    %sign3A_30 = arith.extui %sign3A_29 : i1 to i32
    %sign3A_31 = arith.constant 0 : i32
    %sign3A_32 = arith.cmpi slt, %sub3A_28, %sign3A_31 : i32
    %sign3A_33 = arith.extui %sign3A_32 : i1 to i32
    %sign3A_34 = arith.subi %sign3A_30, %sign3A_33 : i32
    %sign3A_35 = arith.constant 0 : i32
    %sign3A_36 = arith.cmpi sgt, %jit3A, %sign3A_35 : i32
    %sign3A_37 = arith.extui %sign3A_36 : i1 to i32
    %sign3A_38 = arith.constant 0 : i32
    %sign3A_39 = arith.cmpi slt, %jit3A, %sign3A_38 : i32
    %sign3A_40 = arith.extui %sign3A_39 : i1 to i32
    %sign3A_41 = arith.subi %sign3A_37, %sign3A_40 : i32
    %ne3A = arith.cmpi ne, %sign3A_34, %sign3A_41 : i32
    %rem3A = arith.remsi %sub3A_28, %jit3A : i32
    %ne3A_42 = arith.constant 0 : i32
    %ne3A_43 = arith.cmpi ne, %rem3A, %ne3A_42 : i32
    %and3A = arith.andi %ne3A, %ne3A_43 : i1
    %sub3A_44 = arith.constant 1 : i32
    %sub3A_45 = arith.subi %div3A, %sub3A_44 : i32
    %select_n3A = arith.select %and3A, %sub3A_45, %div3A : i32
    %scan3A_46 = arith.constant 0 : i32
    %scan3A_47 = arith.constant 0 : i32
    %scan3A_48 = arith.constant 4 : i32
    %scan3A_49 = arith.addi %scan3A_47, %scan3A_48 : i32
    %scan3A_50 = arith.constant 1 : i32
    %scan3A_51 = scf.for %scan3A_164 = %scan3A_47 to %scan3A_49 step %scan3A_50 iter_args(%scan3A_165 = %scan3A_46) -> (i32)  : i32 {
      %mul3A_166 = arith.constant 4096 : i32
      %mul3A_167 = arith.muli %scan3A_164, %mul3A_166 : i32
      %multiple_of3A = tpu.assume_multiple %mul3A_167, 4096 : i32
      "tpu.region"() ({
        %run_scoped3A = tpu.sem_alloc : memref<!tpu.dma_semaphore, #tpu.memory_space<semaphore_mem>>
        %dma_start3A = tpu.memref_slice %arg3[%multiple_of3A] : memref<16384xi32, #tpu.memory_space<hbm>> -> memref<4096xi32, #tpu.memory_space<hbm>>
        %dma_start3A_174 = tpu.memref_slice %arg3[%multiple_of3A] : memref<16384xi32, #tpu.memory_space<hbm>> -> memref<4096xi32, #tpu.memory_space<hbm>>
        tpu.enqueue_dma source(%dma_start3A_174 : memref<4096xi32, #tpu.memory_space<hbm>>) target(%arg10 : memref<4096xi32, #tpu.memory_space<vmem>>) target_semaphore(%run_scoped3A : memref<!tpu.dma_semaphore, #tpu.memory_space<semaphore_mem>>)
        %dma_wait3A = tpu.memref_slice %arg3[%multiple_of3A] : memref<16384xi32, #tpu.memory_space<hbm>> -> memref<4096xi32, #tpu.memory_space<hbm>>
        %dma_wait3A_175 = tpu.memref_slice %arg3[%multiple_of3A] : memref<16384xi32, #tpu.memory_space<hbm>> -> memref<4096xi32, #tpu.memory_space<hbm>>
        tpu.wait_dma2 semaphore(%run_scoped3A : memref<!tpu.dma_semaphore, #tpu.memory_space<semaphore_mem>>) src(%dma_wait3A_175 : memref<4096xi32, #tpu.memory_space<hbm>>) dst(%arg10 : memref<4096xi32, #tpu.memory_space<vmem>>)
        tpu.yield
      }) : () -> ()
      %scan3A_168 = arith.constant 0 : i32
      %scan3A_169 = arith.constant 256 : i32
      %scan3A_170 = arith.addi %scan3A_168, %scan3A_169 : i32
      %scan3A_171 = arith.constant 1 : i32
      %scan3A_172 = scf.for %scan3A_174 = %scan3A_168 to %scan3A_170 step %scan3A_171 iter_args(%scan3A_175 = %scan3A_165) -> (i32)  : i32 {
        %mul3A_176 = arith.constant 16 : i32
        %mul3A_177 = arith.muli %scan3A_174, %mul3A_176 : i32
        %multiple_of3A_178 = tpu.assume_multiple %mul3A_177, 16 : i32
        %get3A = arith.index_cast %multiple_of3A_178 : i32 to index
        %get3A_179 = tpu.vector_load %arg10[%get3A] {strides = array<i32>} : memref<4096xi32, #tpu.memory_space<vmem>>, vector<16xi32>,
        %add3A_180 = arith.constant 1 : i32
        %add3A_181 = vector.broadcast %add3A_180 : i32 to vector<16xi32>
        %add3A_182 = arith.addi %get3A_179, %add3A_181 : vector<16xi32>
        %mul3A_183 = arith.constant 4096 : i32
        %mul3A_184 = arith.muli %scan3A_164, %mul3A_183 : i32
        %mul3A_185 = arith.constant 16 : i32
        %mul3A_186 = arith.muli %scan3A_174, %mul3A_185 : i32
        %add3A_187 = arith.addi %mul3A_184, %mul3A_186 : i32
        %add3A_188 = vector.broadcast %add3A_187 : i32 to vector<16xi32>
        %add3A_189 = arith.addi %add3A_188, %iota3A : vector<16xi32>
        %ge3A = vector.broadcast %min3A_3 : i32 to vector<16xi32>
        %ge3A_190 = arith.cmpi sge, %add3A_182, %ge3A : vector<16xi32>
        %lt3A = vector.broadcast %add3A_5 : i32 to vector<16xi32>
        %lt3A_191 = arith.cmpi slt, %add3A_182, %lt3A : vector<16xi32>
        %and3A_192 = arith.andi %ge3A_190, %lt3A_191 : vector<16xi1>
        %all_reduce_population_count3A = tpu.all_reduce %and3A_192 {dim = 0 : i64, kind = #tpu.reduction_kind<sum>} : vector<16xi1> -> vector<16xi32>
        %slice3A = vector.extract_strided_slice %all_reduce_population_count3A {offsets = [0], sizes = [1], strides = [1]} : vector<16xi32> to vector<1xi32>
        %squeeze3A = vector.extract %slice3A[0] : i32 from vector<1xi32>
        %sub3A_193 = vector.broadcast %min3A_3 : i32 to vector<16xi32>
        %sub3A_194 = arith.subi %add3A_182, %sub3A_193 : vector<16xi32>
        %swap3A_195 = arith.index_cast %scan3A_175 : i32 to index
        %swap3A_196 = tpu.vector_load %arg13[%swap3A_195] masked %and3A_192 {strides = array<i32>} : memref<784xi32, #tpu.memory_space<vmem>>, vector<16xi32>, vector<16xi1>
        tpu.vector_store %arg13[%swap3A_195], %sub3A_194 masked %and3A_192 {strides = array<i32>} : memref<784xi32, #tpu.memory_space<vmem>>, vector<16xi32>, vector<16xi1>
        %swap3A_197 = arith.index_cast %scan3A_175 : i32 to index
        %swap3A_198 = tpu.vector_load %arg14[%swap3A_197] masked %and3A_192 {strides = array<i32>} : memref<784xi32, #tpu.memory_space<vmem>>, vector<16xi32>, vector<16xi1>
        tpu.vector_store %arg14[%swap3A_197], %add3A_189 masked %and3A_192 {strides = array<i32>} : memref<784xi32, #tpu.memory_space<vmem>>, vector<16xi32>, vector<16xi1>
        %add3A_199 = arith.addi %scan3A_175, %squeeze3A : i32
        %min3A_200 = arith.constant 768 : i32
        %min3A_201 = arith.minsi %add3A_199, %min3A_200 : i32
        scf.yield %min3A_201 : i32
      }
      %scan3A_173 = arith.constant 256 : i32
      scf.yield %scan3A_172 : i32
    }
    %scan3A_52 = arith.constant 4 : i32
    %broadcast_in_dim3A_53 = arith.constant true
    %broadcast_in_dim3A_54 = vector.broadcast %broadcast_in_dim3A_53 : i1 to vector<16xi1>
    %broadcast_in_dim3A_55 = arith.constant 0 : i32
    %broadcast_in_dim3A_56 = vector.broadcast %broadcast_in_dim3A_55 : i32 to vector<16xi32>
    %swap3A_57 = arith.index_cast %scan3A_51 : i32 to index
    %swap3A_58 = tpu.vector_load %arg13[%swap3A_57] masked %broadcast_in_dim3A_54 {strides = array<i32>} : memref<784xi32, #tpu.memory_space<vmem>>, vector<16xi32>, vector<16xi1>
    tpu.vector_store %arg13[%swap3A_57], %broadcast_in_dim3A_56 masked %broadcast_in_dim3A_54 {strides = array<i32>} : memref<784xi32, #tpu.memory_space<vmem>>, vector<16xi32>, vector<16xi1>
    %broadcast_in_dim3A_59 = arith.constant 16384 : i32
    %broadcast_in_dim3A_60 = vector.broadcast %broadcast_in_dim3A_59 : i32 to vector<16xi32>
    %swap3A_61 = arith.index_cast %scan3A_51 : i32 to index
    %swap3A_62 = tpu.vector_load %arg14[%swap3A_61] masked %broadcast_in_dim3A_54 {strides = array<i32>} : memref<784xi32, #tpu.memory_space<vmem>>, vector<16xi32>, vector<16xi1>
    tpu.vector_store %arg14[%swap3A_61], %broadcast_in_dim3A_60 masked %broadcast_in_dim3A_54 {strides = array<i32>} : memref<784xi32, #tpu.memory_space<vmem>>, vector<16xi32>, vector<16xi1>
    %add3A_63 = arith.constant 16 : i32
    %add3A_64 = arith.addi %scan3A_51, %add3A_63 : i32
    %sub3A_65 = arith.constant 1 : i32
    %sub3A_66 = arith.subi %add3A_64, %sub3A_65 : i32
    %jit3A_67 = arith.constant 16 : i32
    %div3A_68 = arith.divsi %sub3A_66, %jit3A_67 : i32
    %sign3A_69 = arith.constant 0 : i32
    %sign3A_70 = arith.cmpi sgt, %sub3A_66, %sign3A_69 : i32
    %sign3A_71 = arith.extui %sign3A_70 : i1 to i32
    %sign3A_72 = arith.constant 0 : i32
    %sign3A_73 = arith.cmpi slt, %sub3A_66, %sign3A_72 : i32
    %sign3A_74 = arith.extui %sign3A_73 : i1 to i32
    %sign3A_75 = arith.subi %sign3A_71, %sign3A_74 : i32
    %sign3A_76 = arith.constant 0 : i32
    %sign3A_77 = arith.cmpi sgt, %jit3A_67, %sign3A_76 : i32
    %sign3A_78 = arith.extui %sign3A_77 : i1 to i32
    %sign3A_79 = arith.constant 0 : i32
    %sign3A_80 = arith.cmpi slt, %jit3A_67, %sign3A_79 : i32
    %sign3A_81 = arith.extui %sign3A_80 : i1 to i32
    %sign3A_82 = arith.subi %sign3A_78, %sign3A_81 : i32
    %ne3A_83 = arith.cmpi ne, %sign3A_75, %sign3A_82 : i32
    %rem3A_84 = arith.remsi %sub3A_66, %jit3A_67 : i32
    %ne3A_85 = arith.constant 0 : i32
    %ne3A_86 = arith.cmpi ne, %rem3A_84, %ne3A_85 : i32
    %and3A_87 = arith.andi %ne3A_83, %ne3A_86 : i1
    %sub3A_88 = arith.constant 1 : i32
    %sub3A_89 = arith.subi %div3A_68, %sub3A_88 : i32
    %select_n3A_90 = arith.select %and3A_87, %sub3A_89, %div3A_68 : i32
    %scan3A_91 = arith.constant 0 : i32
    %scan3A_92 = arith.constant 0 : i32
    %scan3A_93 = arith.constant 32 : i32
    %scan3A_94 = arith.addi %scan3A_92, %scan3A_93 : i32
    %scan3A_95 = arith.constant 1 : i32
    %scan3A_96 = scf.for %scan3A_164 = %scan3A_92 to %scan3A_94 step %scan3A_95 iter_args(%scan3A_165 = %scan3A_91) -> (i32)  : i32 {
      %mul3A_166 = arith.constant 2 : i32
      %mul3A_167 = arith.muli %scan3A_164, %mul3A_166 : i32
      %not3A_168 = arith.constant true
      %not3A_169 = arith.xori %eq3A_6, %not3A_168 : i1
      %convert_element_type3A_170 = arith.extui %not3A_169 : i1 to i32
      %cond3A_171 = arith.constant 0 : i32
      %cond3A_172 = arith.cmpi ne, %convert_element_type3A_170, %cond3A_171 : i32
      scf.if %cond3A_172 {
        %multiple_of3A = tpu.assume_multiple %min3A_3, 128 : i32
        %dma_wait3A = tpu.memref_slice %arg4[%mul3A_167, %multiple_of3A] : memref<64x1000001xf32, #tpu.memory_space<hbm>> -> memref<1x31360xf32, #tpu.memory_space<hbm>>
        %dma_wait3A_229 = tpu.memref_squeeze %dma_wait3A : memref<1x31360xf32, #tpu.memory_space<hbm>> -> memref<31360xf32, #tpu.memory_space<hbm>>
        %dma_wait3A_230 = tpu.memref_slice %arg4[%mul3A_167, %multiple_of3A] : memref<64x1000001xf32, #tpu.memory_space<hbm>> -> memref<1x31360xf32, #tpu.memory_space<hbm>>
        %dma_wait3A_231 = tpu.memref_squeeze %dma_wait3A_230 : memref<1x31360xf32, #tpu.memory_space<hbm>> -> memref<31360xf32, #tpu.memory_space<hbm>>
        tpu.wait_dma2 semaphore(%arg18 : memref<!tpu.dma_semaphore, #tpu.memory_space<semaphore_mem>>) src(%dma_wait3A_231 : memref<31360xf32, #tpu.memory_space<hbm>>) dst(%arg15 : memref<31360xf32, #tpu.memory_space<vmem>>)
      } else {
      }
      %convert_element_type3A_173 = arith.extui %eq3A_6 : i1 to i32
      %cond3A_174 = arith.constant 0 : i32
      %cond3A_175 = arith.cmpi ne, %convert_element_type3A_173, %cond3A_174 : i32
      scf.if %cond3A_175 {
        %multiple_of3A = tpu.assume_multiple %min3A_3, 128 : i32
        %dma_wait3A = arith.constant 0 : i32
        %dma_wait3A_229 = tpu.memref_slice %arg15[%dma_wait3A] : memref<31360xf32, #tpu.memory_space<vmem>> -> memref<31104xf32, #tpu.memory_space<vmem>>
        %dma_wait3A_230 = tpu.memref_slice %arg4[%mul3A_167, %multiple_of3A] : memref<64x1000001xf32, #tpu.memory_space<hbm>> -> memref<1x31104xf32, #tpu.memory_space<hbm>>
        %dma_wait3A_231 = tpu.memref_squeeze %dma_wait3A_230 : memref<1x31104xf32, #tpu.memory_space<hbm>> -> memref<31104xf32, #tpu.memory_space<hbm>>
        %dma_wait3A_232 = arith.constant 0 : i32
        %dma_wait3A_233 = tpu.memref_slice %arg15[%dma_wait3A_232] : memref<31360xf32, #tpu.memory_space<vmem>> -> memref<31104xf32, #tpu.memory_space<vmem>>
        %dma_wait3A_234 = tpu.memref_slice %arg4[%mul3A_167, %multiple_of3A] : memref<64x1000001xf32, #tpu.memory_space<hbm>> -> memref<1x31104xf32, #tpu.memory_space<hbm>>
        %dma_wait3A_235 = tpu.memref_squeeze %dma_wait3A_234 : memref<1x31104xf32, #tpu.memory_space<hbm>> -> memref<31104xf32, #tpu.memory_space<hbm>>
        tpu.wait_dma2 semaphore(%arg18 : memref<!tpu.dma_semaphore, #tpu.memory_space<semaphore_mem>>) src(%dma_wait3A_235 : memref<31104xf32, #tpu.memory_space<hbm>>) dst(%dma_wait3A_233 : memref<31104xf32, #tpu.memory_space<vmem>>)
        %dma_wait3A_236 = arith.constant 31104 : i32
        %dma_wait3A_237 = tpu.memref_slice %arg15[%dma_wait3A_236] : memref<31360xf32, #tpu.memory_space<vmem>> -> memref<128xf32, #tpu.memory_space<vmem>>
        %dma_wait3A_238 = arith.constant 0 : i32
        %dma_wait3A_239 = tpu.memref_slice %arg6[%mul3A_167, %dma_wait3A_238] : memref<64x128xf32, #tpu.memory_space<hbm>> -> memref<1x128xf32, #tpu.memory_space<hbm>>
        %dma_wait3A_240 = tpu.memref_squeeze %dma_wait3A_239 : memref<1x128xf32, #tpu.memory_space<hbm>> -> memref<128xf32, #tpu.memory_space<hbm>>
        %dma_wait3A_241 = arith.constant 31104 : i32
        %dma_wait3A_242 = tpu.memref_slice %arg15[%dma_wait3A_241] : memref<31360xf32, #tpu.memory_space<vmem>> -> memref<128xf32, #tpu.memory_space<vmem>>
        %dma_wait3A_243 = arith.constant 0 : i32
        %dma_wait3A_244 = tpu.memref_slice %arg6[%mul3A_167, %dma_wait3A_243] : memref<64x128xf32, #tpu.memory_space<hbm>> -> memref<1x128xf32, #tpu.memory_space<hbm>>
        %dma_wait3A_245 = tpu.memref_squeeze %dma_wait3A_244 : memref<1x128xf32, #tpu.memory_space<hbm>> -> memref<128xf32, #tpu.memory_space<hbm>>
        tpu.wait_dma2 semaphore(%arg18 : memref<!tpu.dma_semaphore, #tpu.memory_space<semaphore_mem>>) src(%dma_wait3A_245 : memref<128xf32, #tpu.memory_space<hbm>>) dst(%dma_wait3A_242 : memref<128xf32, #tpu.memory_space<vmem>>)
      } else {
      }
      %add3A_176 = arith.constant 1 : i32
      %add3A_177 = arith.addi %mul3A_167, %add3A_176 : i32
      %not3A_178 = arith.constant true
      %not3A_179 = arith.xori %eq3A_6, %not3A_178 : i1
      %convert_element_type3A_180 = arith.extui %not3A_179 : i1 to i32
      %cond3A_181 = arith.constant 0 : i32
      %cond3A_182 = arith.cmpi ne, %convert_element_type3A_180, %cond3A_181 : i32
      scf.if %cond3A_182 {
        %multiple_of3A = tpu.assume_multiple %min3A_3, 128 : i32
        %dma_start3A = tpu.memref_slice %arg4[%add3A_177, %multiple_of3A] : memref<64x1000001xf32, #tpu.memory_space<hbm>> -> memref<1x31360xf32, #tpu.memory_space<hbm>>
        %dma_start3A_229 = tpu.memref_squeeze %dma_start3A : memref<1x31360xf32, #tpu.memory_space<hbm>> -> memref<31360xf32, #tpu.memory_space<hbm>>
        %dma_start3A_230 = tpu.memref_slice %arg4[%add3A_177, %multiple_of3A] : memref<64x1000001xf32, #tpu.memory_space<hbm>> -> memref<1x31360xf32, #tpu.memory_space<hbm>>
        %dma_start3A_231 = tpu.memref_squeeze %dma_start3A_230 : memref<1x31360xf32, #tpu.memory_space<hbm>> -> memref<31360xf32, #tpu.memory_space<hbm>>
        tpu.enqueue_dma source(%dma_start3A_231 : memref<31360xf32, #tpu.memory_space<hbm>>) target(%arg16 : memref<31360xf32, #tpu.memory_space<vmem>>) target_semaphore(%arg19 : memref<!tpu.dma_semaphore, #tpu.memory_space<semaphore_mem>>)
      } else {
      }
      %convert_element_type3A_183 = arith.extui %eq3A_6 : i1 to i32
      %cond3A_184 = arith.constant 0 : i32
      %cond3A_185 = arith.cmpi ne, %convert_element_type3A_183, %cond3A_184 : i32
      scf.if %cond3A_185 {
        %multiple_of3A = tpu.assume_multiple %min3A_3, 128 : i32
        %dma_start3A = arith.constant 0 : i32
        %dma_start3A_229 = tpu.memref_slice %arg16[%dma_start3A] : memref<31360xf32, #tpu.memory_space<vmem>> -> memref<31104xf32, #tpu.memory_space<vmem>>
        %dma_start3A_230 = tpu.memref_slice %arg4[%add3A_177, %multiple_of3A] : memref<64x1000001xf32, #tpu.memory_space<hbm>> -> memref<1x31104xf32, #tpu.memory_space<hbm>>
        %dma_start3A_231 = tpu.memref_squeeze %dma_start3A_230 : memref<1x31104xf32, #tpu.memory_space<hbm>> -> memref<31104xf32, #tpu.memory_space<hbm>>
        %dma_start3A_232 = arith.constant 0 : i32
        %dma_start3A_233 = tpu.memref_slice %arg16[%dma_start3A_232] : memref<31360xf32, #tpu.memory_space<vmem>> -> memref<31104xf32, #tpu.memory_space<vmem>>
        %dma_start3A_234 = tpu.memref_slice %arg4[%add3A_177, %multiple_of3A] : memref<64x1000001xf32, #tpu.memory_space<hbm>> -> memref<1x31104xf32, #tpu.memory_space<hbm>>
        %dma_start3A_235 = tpu.memref_squeeze %dma_start3A_234 : memref<1x31104xf32, #tpu.memory_space<hbm>> -> memref<31104xf32, #tpu.memory_space<hbm>>
        tpu.enqueue_dma source(%dma_start3A_235 : memref<31104xf32, #tpu.memory_space<hbm>>) target(%dma_start3A_233 : memref<31104xf32, #tpu.memory_space<vmem>>) target_semaphore(%arg19 : memref<!tpu.dma_semaphore, #tpu.memory_space<semaphore_mem>>)
        %dma_start3A_236 = arith.constant 31104 : i32
        %dma_start3A_237 = tpu.memref_slice %arg16[%dma_start3A_236] : memref<31360xf32, #tpu.memory_space<vmem>> -> memref<128xf32, #tpu.memory_space<vmem>>
        %dma_start3A_238 = arith.constant 0 : i32
        %dma_start3A_239 = tpu.memref_slice %arg6[%add3A_177, %dma_start3A_238] : memref<64x128xf32, #tpu.memory_space<hbm>> -> memref<1x128xf32, #tpu.memory_space<hbm>>
        %dma_start3A_240 = tpu.memref_squeeze %dma_start3A_239 : memref<1x128xf32, #tpu.memory_space<hbm>> -> memref<128xf32, #tpu.memory_space<hbm>>
        %dma_start3A_241 = arith.constant 31104 : i32
        %dma_start3A_242 = tpu.memref_slice %arg16[%dma_start3A_241] : memref<31360xf32, #tpu.memory_space<vmem>> -> memref<128xf32, #tpu.memory_space<vmem>>
        %dma_start3A_243 = arith.constant 0 : i32
        %dma_start3A_244 = tpu.memref_slice %arg6[%add3A_177, %dma_start3A_243] : memref<64x128xf32, #tpu.memory_space<hbm>> -> memref<1x128xf32, #tpu.memory_space<hbm>>
        %dma_start3A_245 = tpu.memref_squeeze %dma_start3A_244 : memref<1x128xf32, #tpu.memory_space<hbm>> -> memref<128xf32, #tpu.memory_space<hbm>>
        tpu.enqueue_dma source(%dma_start3A_245 : memref<128xf32, #tpu.memory_space<hbm>>) target(%dma_start3A_242 : memref<128xf32, #tpu.memory_space<vmem>>) target_semaphore(%arg19 : memref<!tpu.dma_semaphore, #tpu.memory_space<semaphore_mem>>)
      } else {
      }
      %while3A_186 = arith.constant 0 : i32
      %while3A_187 = arith.constant 0 : i32
      %while3A_188 = arith.subi %select_n3A, %while3A_186 : i32
      %while3A_189 = arith.addi %while3A_186, %while3A_188 : i32
      %while3A_190 = arith.constant 1 : i32
      %while3A_191 = arith.divsi %while3A_188, %while3A_190 : i32
      %while3A_192 = arith.muli %while3A_191, %while3A_190 : i32
      %while3A_193 = arith.addi %while3A_186, %while3A_192 : i32
      %while3A_194 = arith.constant 1 : i32
      %while3A_195 = scf.for %while3A_229 = %while3A_186 to %while3A_193 step %while3A_194 iter_args(%while3A_230 = %while3A_187) -> (i32)  : i32 {
        %mul3A_231 = arith.constant 16 : i32
        %mul3A_232 = arith.muli %while3A_229, %mul3A_231 : i32
        %multiple_of3A = tpu.assume_multiple %mul3A_232, 16 : i32
        %get3A = arith.index_cast %multiple_of3A : i32 to index
        %get3A_233 = tpu.vector_load %arg11[%get3A] {strides = array<i32>} : memref<784xi32, #tpu.memory_space<vmem>>, vector<16xi32>,
        %gather3A = tpu.vector_load_idx %arg15[%get3A_233] : memref<31360xf32, #tpu.memory_space<vmem>>[vector<16xi32>], vector<16xf32>,
        %mul3A_234 = arith.constant 16 : i32
        %mul3A_235 = arith.muli %while3A_229, %mul3A_234 : i32
        %add3A_236 = vector.broadcast %mul3A_235 : i32 to vector<16xi32>
        %add3A_237 = arith.addi %add3A_236, %iota3A : vector<16xi32>
        %mul3A_238 = arith.constant 72 : i32
        %mul3A_239 = vector.broadcast %mul3A_238 : i32 to vector<16xi32>
        %mul3A_240 = arith.muli %add3A_237, %mul3A_239 : vector<16xi32>
        %add3A_241 = vector.broadcast %mul3A_167 : i32 to vector<16xi32>
        %add3A_242 = arith.addi %mul3A_240, %add3A_241 : vector<16xi32>
        tpu.vector_store_idx %arg17[%add3A_242], %gather3A : memref<55296xf32, #tpu.memory_space<vmem>>[vector<16xi32>], vector<16xf32>,
        %while3A_243 = arith.constant 0 : i32
        scf.yield %while3A_243 : i32
      }
      %while3A_196 = arith.constant 1 : i32
      %while3A_197 = scf.for %while3A_229 = %while3A_193 to %while3A_189 step %while3A_196 iter_args(%while3A_230 = %while3A_195) -> (i32)  : i32 {
        %mul3A_231 = arith.constant 16 : i32
        %mul3A_232 = arith.muli %while3A_229, %mul3A_231 : i32
        %multiple_of3A = tpu.assume_multiple %mul3A_232, 16 : i32
        %get3A = arith.index_cast %multiple_of3A : i32 to index
        %get3A_233 = tpu.vector_load %arg11[%get3A] {strides = array<i32>} : memref<784xi32, #tpu.memory_space<vmem>>, vector<16xi32>,
        %gather3A = tpu.vector_load_idx %arg15[%get3A_233] : memref<31360xf32, #tpu.memory_space<vmem>>[vector<16xi32>], vector<16xf32>,
        %mul3A_234 = arith.constant 16 : i32
        %mul3A_235 = arith.muli %while3A_229, %mul3A_234 : i32
        %add3A_236 = vector.broadcast %mul3A_235 : i32 to vector<16xi32>
        %add3A_237 = arith.addi %add3A_236, %iota3A : vector<16xi32>
        %mul3A_238 = arith.constant 72 : i32
        %mul3A_239 = vector.broadcast %mul3A_238 : i32 to vector<16xi32>
        %mul3A_240 = arith.muli %add3A_237, %mul3A_239 : vector<16xi32>
        %add3A_241 = vector.broadcast %mul3A_167 : i32 to vector<16xi32>
        %add3A_242 = arith.addi %mul3A_240, %add3A_241 : vector<16xi32>
        tpu.vector_store_idx %arg17[%add3A_242], %gather3A : memref<55296xf32, #tpu.memory_space<vmem>>[vector<16xi32>], vector<16xf32>,
        %while3A_243 = arith.constant 0 : i32
        scf.yield %while3A_243 : i32
      }
      %add3A_198 = arith.constant 1 : i32
      %add3A_199 = arith.addi %mul3A_167, %add3A_198 : i32
      %not3A_200 = arith.constant true
      %not3A_201 = arith.xori %eq3A_6, %not3A_200 : i1
      %convert_element_type3A_202 = arith.extui %not3A_201 : i1 to i32
      %cond3A_203 = arith.constant 0 : i32
      %cond3A_204 = arith.cmpi ne, %convert_element_type3A_202, %cond3A_203 : i32
      scf.if %cond3A_204 {
        %multiple_of3A = tpu.assume_multiple %min3A_3, 128 : i32
        %dma_wait3A = tpu.memref_slice %arg4[%add3A_199, %multiple_of3A] : memref<64x1000001xf32, #tpu.memory_space<hbm>> -> memref<1x31360xf32, #tpu.memory_space<hbm>>
        %dma_wait3A_229 = tpu.memref_squeeze %dma_wait3A : memref<1x31360xf32, #tpu.memory_space<hbm>> -> memref<31360xf32, #tpu.memory_space<hbm>>
        %dma_wait3A_230 = tpu.memref_slice %arg4[%add3A_199, %multiple_of3A] : memref<64x1000001xf32, #tpu.memory_space<hbm>> -> memref<1x31360xf32, #tpu.memory_space<hbm>>
        %dma_wait3A_231 = tpu.memref_squeeze %dma_wait3A_230 : memref<1x31360xf32, #tpu.memory_space<hbm>> -> memref<31360xf32, #tpu.memory_space<hbm>>
        tpu.wait_dma2 semaphore(%arg19 : memref<!tpu.dma_semaphore, #tpu.memory_space<semaphore_mem>>) src(%dma_wait3A_231 : memref<31360xf32, #tpu.memory_space<hbm>>) dst(%arg16 : memref<31360xf32, #tpu.memory_space<vmem>>)
      } else {
      }
      %convert_element_type3A_205 = arith.extui %eq3A_6 : i1 to i32
      %cond3A_206 = arith.constant 0 : i32
      %cond3A_207 = arith.cmpi ne, %convert_element_type3A_205, %cond3A_206 : i32
      scf.if %cond3A_207 {
        %multiple_of3A = tpu.assume_multiple %min3A_3, 128 : i32
        %dma_wait3A = arith.constant 0 : i32
        %dma_wait3A_229 = tpu.memref_slice %arg16[%dma_wait3A] : memref<31360xf32, #tpu.memory_space<vmem>> -> memref<31104xf32, #tpu.memory_space<vmem>>
        %dma_wait3A_230 = tpu.memref_slice %arg4[%add3A_199, %multiple_of3A] : memref<64x1000001xf32, #tpu.memory_space<hbm>> -> memref<1x31104xf32, #tpu.memory_space<hbm>>
        %dma_wait3A_231 = tpu.memref_squeeze %dma_wait3A_230 : memref<1x31104xf32, #tpu.memory_space<hbm>> -> memref<31104xf32, #tpu.memory_space<hbm>>
        %dma_wait3A_232 = arith.constant 0 : i32
        %dma_wait3A_233 = tpu.memref_slice %arg16[%dma_wait3A_232] : memref<31360xf32, #tpu.memory_space<vmem>> -> memref<31104xf32, #tpu.memory_space<vmem>>
        %dma_wait3A_234 = tpu.memref_slice %arg4[%add3A_199, %multiple_of3A] : memref<64x1000001xf32, #tpu.memory_space<hbm>> -> memref<1x31104xf32, #tpu.memory_space<hbm>>
        %dma_wait3A_235 = tpu.memref_squeeze %dma_wait3A_234 : memref<1x31104xf32, #tpu.memory_space<hbm>> -> memref<31104xf32, #tpu.memory_space<hbm>>
        tpu.wait_dma2 semaphore(%arg19 : memref<!tpu.dma_semaphore, #tpu.memory_space<semaphore_mem>>) src(%dma_wait3A_235 : memref<31104xf32, #tpu.memory_space<hbm>>) dst(%dma_wait3A_233 : memref<31104xf32, #tpu.memory_space<vmem>>)
        %dma_wait3A_236 = arith.constant 31104 : i32
        %dma_wait3A_237 = tpu.memref_slice %arg16[%dma_wait3A_236] : memref<31360xf32, #tpu.memory_space<vmem>> -> memref<128xf32, #tpu.memory_space<vmem>>
        %dma_wait3A_238 = arith.constant 0 : i32
        %dma_wait3A_239 = tpu.memref_slice %arg6[%add3A_199, %dma_wait3A_238] : memref<64x128xf32, #tpu.memory_space<hbm>> -> memref<1x128xf32, #tpu.memory_space<hbm>>
        %dma_wait3A_240 = tpu.memref_squeeze %dma_wait3A_239 : memref<1x128xf32, #tpu.memory_space<hbm>> -> memref<128xf32, #tpu.memory_space<hbm>>
        %dma_wait3A_241 = arith.constant 31104 : i32
        %dma_wait3A_242 = tpu.memref_slice %arg16[%dma_wait3A_241] : memref<31360xf32, #tpu.memory_space<vmem>> -> memref<128xf32, #tpu.memory_space<vmem>>
        %dma_wait3A_243 = arith.constant 0 : i32
        %dma_wait3A_244 = tpu.memref_slice %arg6[%add3A_199, %dma_wait3A_243] : memref<64x128xf32, #tpu.memory_space<hbm>> -> memref<1x128xf32, #tpu.memory_space<hbm>>
        %dma_wait3A_245 = tpu.memref_squeeze %dma_wait3A_244 : memref<1x128xf32, #tpu.memory_space<hbm>> -> memref<128xf32, #tpu.memory_space<hbm>>
        tpu.wait_dma2 semaphore(%arg19 : memref<!tpu.dma_semaphore, #tpu.memory_space<semaphore_mem>>) src(%dma_wait3A_245 : memref<128xf32, #tpu.memory_space<hbm>>) dst(%dma_wait3A_242 : memref<128xf32, #tpu.memory_space<vmem>>)
      } else {
      }
      %add3A_208 = arith.constant 1 : i32
      %add3A_209 = arith.addi %scan3A_164, %add3A_208 : i32
      %lt3A = arith.constant 32 : i32
      %lt3A_210 = arith.cmpi slt, %add3A_209, %lt3A : i32
      %convert_element_type3A_211 = arith.extui %lt3A_210 : i1 to i32
      %cond3A_212 = arith.constant 0 : i32
      %cond3A_213 = arith.cmpi ne, %convert_element_type3A_211, %cond3A_212 : i32
      scf.if %cond3A_213 {
        %add3A_229 = arith.constant 2 : i32
        %add3A_230 = arith.addi %mul3A_167, %add3A_229 : i32
        %not3A_231 = arith.constant true
        %not3A_232 = arith.xori %eq3A_6, %not3A_231 : i1
        %convert_element_type3A_233 = arith.extui %not3A_232 : i1 to i32
        %cond3A_234 = arith.constant 0 : i32
        %cond3A_235 = arith.cmpi ne, %convert_element_type3A_233, %cond3A_234 : i32
        scf.if %cond3A_235 {
          %multiple_of3A = tpu.assume_multiple %min3A_3, 128 : i32
          %dma_start3A = tpu.memref_slice %arg4[%add3A_230, %multiple_of3A] : memref<64x1000001xf32, #tpu.memory_space<hbm>> -> memref<1x31360xf32, #tpu.memory_space<hbm>>
          %dma_start3A_239 = tpu.memref_squeeze %dma_start3A : memref<1x31360xf32, #tpu.memory_space<hbm>> -> memref<31360xf32, #tpu.memory_space<hbm>>
          %dma_start3A_240 = tpu.memref_slice %arg4[%add3A_230, %multiple_of3A] : memref<64x1000001xf32, #tpu.memory_space<hbm>> -> memref<1x31360xf32, #tpu.memory_space<hbm>>
          %dma_start3A_241 = tpu.memref_squeeze %dma_start3A_240 : memref<1x31360xf32, #tpu.memory_space<hbm>> -> memref<31360xf32, #tpu.memory_space<hbm>>
          tpu.enqueue_dma source(%dma_start3A_241 : memref<31360xf32, #tpu.memory_space<hbm>>) target(%arg15 : memref<31360xf32, #tpu.memory_space<vmem>>) target_semaphore(%arg18 : memref<!tpu.dma_semaphore, #tpu.memory_space<semaphore_mem>>)
        } else {
        }
        %convert_element_type3A_236 = arith.extui %eq3A_6 : i1 to i32
        %cond3A_237 = arith.constant 0 : i32
        %cond3A_238 = arith.cmpi ne, %convert_element_type3A_236, %cond3A_237 : i32
        scf.if %cond3A_238 {
          %multiple_of3A = tpu.assume_multiple %min3A_3, 128 : i32
          %dma_start3A = arith.constant 0 : i32
          %dma_start3A_239 = tpu.memref_slice %arg15[%dma_start3A] : memref<31360xf32, #tpu.memory_space<vmem>> -> memref<31104xf32, #tpu.memory_space<vmem>>
          %dma_start3A_240 = tpu.memref_slice %arg4[%add3A_230, %multiple_of3A] : memref<64x1000001xf32, #tpu.memory_space<hbm>> -> memref<1x31104xf32, #tpu.memory_space<hbm>>
          %dma_start3A_241 = tpu.memref_squeeze %dma_start3A_240 : memref<1x31104xf32, #tpu.memory_space<hbm>> -> memref<31104xf32, #tpu.memory_space<hbm>>
          %dma_start3A_242 = arith.constant 0 : i32
          %dma_start3A_243 = tpu.memref_slice %arg15[%dma_start3A_242] : memref<31360xf32, #tpu.memory_space<vmem>> -> memref<31104xf32, #tpu.memory_space<vmem>>
          %dma_start3A_244 = tpu.memref_slice %arg4[%add3A_230, %multiple_of3A] : memref<64x1000001xf32, #tpu.memory_space<hbm>> -> memref<1x31104xf32, #tpu.memory_space<hbm>>
          %dma_start3A_245 = tpu.memref_squeeze %dma_start3A_244 : memref<1x31104xf32, #tpu.memory_space<hbm>> -> memref<31104xf32, #tpu.memory_space<hbm>>
          tpu.enqueue_dma source(%dma_start3A_245 : memref<31104xf32, #tpu.memory_space<hbm>>) target(%dma_start3A_243 : memref<31104xf32, #tpu.memory_space<vmem>>) target_semaphore(%arg18 : memref<!tpu.dma_semaphore, #tpu.memory_space<semaphore_mem>>)
          %dma_start3A_246 = arith.constant 31104 : i32
          %dma_start3A_247 = tpu.memref_slice %arg15[%dma_start3A_246] : memref<31360xf32, #tpu.memory_space<vmem>> -> memref<128xf32, #tpu.memory_space<vmem>>
          %dma_start3A_248 = arith.constant 0 : i32
          %dma_start3A_249 = tpu.memref_slice %arg6[%add3A_230, %dma_start3A_248] : memref<64x128xf32, #tpu.memory_space<hbm>> -> memref<1x128xf32, #tpu.memory_space<hbm>>
          %dma_start3A_250 = tpu.memref_squeeze %dma_start3A_249 : memref<1x128xf32, #tpu.memory_space<hbm>> -> memref<128xf32, #tpu.memory_space<hbm>>
          %dma_start3A_251 = arith.constant 31104 : i32
          %dma_start3A_252 = tpu.memref_slice %arg15[%dma_start3A_251] : memref<31360xf32, #tpu.memory_space<vmem>> -> memref<128xf32, #tpu.memory_space<vmem>>
          %dma_start3A_253 = arith.constant 0 : i32
          %dma_start3A_254 = tpu.memref_slice %arg6[%add3A_230, %dma_start3A_253] : memref<64x128xf32, #tpu.memory_space<hbm>> -> memref<1x128xf32, #tpu.memory_space<hbm>>
          %dma_start3A_255 = tpu.memref_squeeze %dma_start3A_254 : memref<1x128xf32, #tpu.memory_space<hbm>> -> memref<128xf32, #tpu.memory_space<hbm>>
          tpu.enqueue_dma source(%dma_start3A_255 : memref<128xf32, #tpu.memory_space<hbm>>) target(%dma_start3A_252 : memref<128xf32, #tpu.memory_space<vmem>>) target_semaphore(%arg18 : memref<!tpu.dma_semaphore, #tpu.memory_space<semaphore_mem>>)
        } else {
        }
      } else {
      }
      %add3A_214 = arith.constant 1 : i32
      %add3A_215 = arith.addi %mul3A_167, %add3A_214 : i32
      %while3A_216 = arith.constant 0 : i32
      %while3A_217 = arith.constant 0 : i32
      %while3A_218 = arith.subi %select_n3A, %while3A_216 : i32
      %while3A_219 = arith.addi %while3A_216, %while3A_218 : i32
      %while3A_220 = arith.constant 1 : i32
      %while3A_221 = arith.divsi %while3A_218, %while3A_220 : i32
      %while3A_222 = arith.muli %while3A_221, %while3A_220 : i32
      %while3A_223 = arith.addi %while3A_216, %while3A_222 : i32
      %while3A_224 = arith.constant 1 : i32
      %while3A_225 = scf.for %while3A_229 = %while3A_216 to %while3A_223 step %while3A_224 iter_args(%while3A_230 = %while3A_217) -> (i32)  : i32 {
        %mul3A_231 = arith.constant 16 : i32
        %mul3A_232 = arith.muli %while3A_229, %mul3A_231 : i32
        %multiple_of3A = tpu.assume_multiple %mul3A_232, 16 : i32
        %get3A = arith.index_cast %multiple_of3A : i32 to index
        %get3A_233 = tpu.vector_load %arg11[%get3A] {strides = array<i32>} : memref<784xi32, #tpu.memory_space<vmem>>, vector<16xi32>,
        %gather3A = tpu.vector_load_idx %arg16[%get3A_233] : memref<31360xf32, #tpu.memory_space<vmem>>[vector<16xi32>], vector<16xf32>,
        %mul3A_234 = arith.constant 16 : i32
        %mul3A_235 = arith.muli %while3A_229, %mul3A_234 : i32
        %add3A_236 = vector.broadcast %mul3A_235 : i32 to vector<16xi32>
        %add3A_237 = arith.addi %add3A_236, %iota3A : vector<16xi32>
        %mul3A_238 = arith.constant 72 : i32
        %mul3A_239 = vector.broadcast %mul3A_238 : i32 to vector<16xi32>
        %mul3A_240 = arith.muli %add3A_237, %mul3A_239 : vector<16xi32>
        %add3A_241 = vector.broadcast %add3A_215 : i32 to vector<16xi32>
        %add3A_242 = arith.addi %mul3A_240, %add3A_241 : vector<16xi32>
        tpu.vector_store_idx %arg17[%add3A_242], %gather3A : memref<55296xf32, #tpu.memory_space<vmem>>[vector<16xi32>], vector<16xf32>,
        %while3A_243 = arith.constant 0 : i32
        scf.yield %while3A_243 : i32
      }
      %while3A_226 = arith.constant 1 : i32
      %while3A_227 = scf.for %while3A_229 = %while3A_223 to %while3A_219 step %while3A_226 iter_args(%while3A_230 = %while3A_225) -> (i32)  : i32 {
        %mul3A_231 = arith.constant 16 : i32
        %mul3A_232 = arith.muli %while3A_229, %mul3A_231 : i32
        %multiple_of3A = tpu.assume_multiple %mul3A_232, 16 : i32
        %get3A = arith.index_cast %multiple_of3A : i32 to index
        %get3A_233 = tpu.vector_load %arg11[%get3A] {strides = array<i32>} : memref<784xi32, #tpu.memory_space<vmem>>, vector<16xi32>,
        %gather3A = tpu.vector_load_idx %arg16[%get3A_233] : memref<31360xf32, #tpu.memory_space<vmem>>[vector<16xi32>], vector<16xf32>,
        %mul3A_234 = arith.constant 16 : i32
        %mul3A_235 = arith.muli %while3A_229, %mul3A_234 : i32
        %add3A_236 = vector.broadcast %mul3A_235 : i32 to vector<16xi32>
        %add3A_237 = arith.addi %add3A_236, %iota3A : vector<16xi32>
        %mul3A_238 = arith.constant 72 : i32
        %mul3A_239 = vector.broadcast %mul3A_238 : i32 to vector<16xi32>
        %mul3A_240 = arith.muli %add3A_237, %mul3A_239 : vector<16xi32>
        %add3A_241 = vector.broadcast %add3A_215 : i32 to vector<16xi32>
        %add3A_242 = arith.addi %mul3A_240, %add3A_241 : vector<16xi32>
        tpu.vector_store_idx %arg17[%add3A_242], %gather3A : memref<55296xf32, #tpu.memory_space<vmem>>[vector<16xi32>], vector<16xf32>,
        %while3A_243 = arith.constant 0 : i32
        scf.yield %while3A_243 : i32
      }
      %scan3A_228 = arith.constant 0 : i32
      scf.yield %scan3A_228 : i32
    }
    %scan3A_97 = arith.constant 32 : i32
    %not3A_98 = arith.constant true
    %not3A_99 = arith.xori %eq3A_6, %not3A_98 : i1
    %convert_element_type3A_100 = arith.extui %not3A_99 : i1 to i32
    %cond3A_101 = arith.constant 0 : i32
    %cond3A_102 = arith.cmpi ne, %convert_element_type3A_100, %cond3A_101 : i32
    scf.if %cond3A_102 {
      %multiple_of3A = tpu.assume_multiple %min3A_3, 128 : i32
      %dma_start3A = arith.constant 0 : i32
      %dma_start3A_164 = tpu.memref_slice %arg5[%dma_start3A, %multiple_of3A] : memref<64x1000001xf32, #tpu.memory_space<hbm>> -> memref<1x31360xf32, #tpu.memory_space<hbm>>
      %dma_start3A_165 = tpu.memref_squeeze %dma_start3A_164 : memref<1x31360xf32, #tpu.memory_space<hbm>> -> memref<31360xf32, #tpu.memory_space<hbm>>
      %dma_start3A_166 = tpu.memref_slice %arg5[%dma_start3A, %multiple_of3A] : memref<64x1000001xf32, #tpu.memory_space<hbm>> -> memref<1x31360xf32, #tpu.memory_space<hbm>>
      %dma_start3A_167 = tpu.memref_squeeze %dma_start3A_166 : memref<1x31360xf32, #tpu.memory_space<hbm>> -> memref<31360xf32, #tpu.memory_space<hbm>>
      tpu.enqueue_dma source(%dma_start3A_167 : memref<31360xf32, #tpu.memory_space<hbm>>) target(%arg15 : memref<31360xf32, #tpu.memory_space<vmem>>) target_semaphore(%arg18 : memref<!tpu.dma_semaphore, #tpu.memory_space<semaphore_mem>>)
    } else {
    }
    %convert_element_type3A_103 = arith.extui %eq3A_6 : i1 to i32
    %cond3A_104 = arith.constant 0 : i32
    %cond3A_105 = arith.cmpi ne, %convert_element_type3A_103, %cond3A_104 : i32
    scf.if %cond3A_105 {
      %multiple_of3A = tpu.assume_multiple %min3A_3, 128 : i32
      %dma_start3A = arith.constant 0 : i32
      %dma_start3A_164 = arith.constant 0 : i32
      %dma_start3A_165 = tpu.memref_slice %arg15[%dma_start3A_164] : memref<31360xf32, #tpu.memory_space<vmem>> -> memref<31104xf32, #tpu.memory_space<vmem>>
      %dma_start3A_166 = tpu.memref_slice %arg5[%dma_start3A, %multiple_of3A] : memref<64x1000001xf32, #tpu.memory_space<hbm>> -> memref<1x31104xf32, #tpu.memory_space<hbm>>
      %dma_start3A_167 = tpu.memref_squeeze %dma_start3A_166 : memref<1x31104xf32, #tpu.memory_space<hbm>> -> memref<31104xf32, #tpu.memory_space<hbm>>
      %dma_start3A_168 = arith.constant 0 : i32
      %dma_start3A_169 = tpu.memref_slice %arg15[%dma_start3A_168] : memref<31360xf32, #tpu.memory_space<vmem>> -> memref<31104xf32, #tpu.memory_space<vmem>>
      %dma_start3A_170 = tpu.memref_slice %arg5[%dma_start3A, %multiple_of3A] : memref<64x1000001xf32, #tpu.memory_space<hbm>> -> memref<1x31104xf32, #tpu.memory_space<hbm>>
      %dma_start3A_171 = tpu.memref_squeeze %dma_start3A_170 : memref<1x31104xf32, #tpu.memory_space<hbm>> -> memref<31104xf32, #tpu.memory_space<hbm>>
      tpu.enqueue_dma source(%dma_start3A_171 : memref<31104xf32, #tpu.memory_space<hbm>>) target(%dma_start3A_169 : memref<31104xf32, #tpu.memory_space<vmem>>) target_semaphore(%arg18 : memref<!tpu.dma_semaphore, #tpu.memory_space<semaphore_mem>>)
      %dma_start3A_172 = arith.constant 0 : i32
      %dma_start3A_173 = arith.constant 31104 : i32
      %dma_start3A_174 = tpu.memref_slice %arg15[%dma_start3A_173] : memref<31360xf32, #tpu.memory_space<vmem>> -> memref<128xf32, #tpu.memory_space<vmem>>
      %dma_start3A_175 = arith.constant 0 : i32
      %dma_start3A_176 = tpu.memref_slice %arg7[%dma_start3A_172, %dma_start3A_175] : memref<64x128xf32, #tpu.memory_space<hbm>> -> memref<1x128xf32, #tpu.memory_space<hbm>>
      %dma_start3A_177 = tpu.memref_squeeze %dma_start3A_176 : memref<1x128xf32, #tpu.memory_space<hbm>> -> memref<128xf32, #tpu.memory_space<hbm>>
      %dma_start3A_178 = arith.constant 31104 : i32
      %dma_start3A_179 = tpu.memref_slice %arg15[%dma_start3A_178] : memref<31360xf32, #tpu.memory_space<vmem>> -> memref<128xf32, #tpu.memory_space<vmem>>
      %dma_start3A_180 = arith.constant 0 : i32
      %dma_start3A_181 = tpu.memref_slice %arg7[%dma_start3A_172, %dma_start3A_180] : memref<64x128xf32, #tpu.memory_space<hbm>> -> memref<1x128xf32, #tpu.memory_space<hbm>>
      %dma_start3A_182 = tpu.memref_squeeze %dma_start3A_181 : memref<1x128xf32, #tpu.memory_space<hbm>> -> memref<128xf32, #tpu.memory_space<hbm>>
      tpu.enqueue_dma source(%dma_start3A_182 : memref<128xf32, #tpu.memory_space<hbm>>) target(%dma_start3A_179 : memref<128xf32, #tpu.memory_space<vmem>>) target_semaphore(%arg18 : memref<!tpu.dma_semaphore, #tpu.memory_space<semaphore_mem>>)
    } else {
    }
    %while3A = arith.constant 0 : i32
    %while3A_106 = arith.constant 0 : i32
    %while3A_107 = arith.subi %select_n3A, %while3A : i32
    %while3A_108 = arith.addi %while3A, %while3A_107 : i32
    %while3A_109 = arith.constant 1 : i32
    %while3A_110 = arith.divsi %while3A_107, %while3A_109 : i32
    %while3A_111 = arith.muli %while3A_110, %while3A_109 : i32
    %while3A_112 = arith.addi %while3A, %while3A_111 : i32
    %while3A_113 = arith.constant 1 : i32
    %while3A_114 = scf.for %while3A_164 = %while3A to %while3A_112 step %while3A_113 iter_args(%while3A_165 = %while3A_106) -> (i32)  : i32 {
      %mul3A_166 = arith.constant 16 : i32
      %mul3A_167 = arith.muli %while3A_164, %mul3A_166 : i32
      %multiple_of3A = tpu.assume_multiple %mul3A_167, 16 : i32
      %get3A = arith.index_cast %multiple_of3A : i32 to index
      %get3A_168 = tpu.vector_load %arg12[%get3A] {strides = array<i32>} : memref<784xi32, #tpu.memory_space<vmem>>, vector<16xi32>,
      %mul3A_169 = arith.constant 16 : i32
      %mul3A_170 = arith.muli %while3A_164, %mul3A_169 : i32
      %add3A_171 = arith.constant 0 : i32
      %add3A_172 = arith.addi %mul3A_170, %add3A_171 : i32
      %mul3A_173 = arith.constant 72 : i32
      %mul3A_174 = arith.muli %add3A_172, %mul3A_173 : i32
      %slice3A = vector.extract_strided_slice %get3A_168 {offsets = [0], sizes = [1], strides = [1]} : vector<16xi32> to vector<1xi32>
      %squeeze3A = vector.extract %slice3A[0] : i32 from vector<1xi32>
      %mul3A_175 = arith.constant 72 : i32
      %mul3A_176 = arith.muli %squeeze3A, %mul3A_175 : i32
      %multiple_of3A_177 = tpu.assume_multiple %mul3A_176, 8 : i32
      %dma_start3A = tpu.memref_slice %arg17[%mul3A_174] : memref<55296xf32, #tpu.memory_space<vmem>> -> memref<64xf32, #tpu.memory_space<vmem>>
      %dma_start3A_178 = tpu.memref_slice %arg8[%multiple_of3A_177] : memref<1179720xf32, #tpu.memory_space<hbm>> -> memref<64xf32, #tpu.memory_space<hbm>>
      %dma_start3A_179 = tpu.memref_slice %arg8[%multiple_of3A_177] : memref<1179720xf32, #tpu.memory_space<hbm>> -> memref<64xf32, #tpu.memory_space<hbm>>
      %dma_start3A_180 = tpu.memref_slice %arg17[%mul3A_174] : memref<55296xf32, #tpu.memory_space<vmem>> -> memref<64xf32, #tpu.memory_space<vmem>>
      tpu.enqueue_dma source(%dma_start3A_180 : memref<64xf32, #tpu.memory_space<vmem>>) target(%dma_start3A_179 : memref<64xf32, #tpu.memory_space<hbm>>) target_semaphore(%arg20 : memref<!tpu.dma_semaphore, #tpu.memory_space<semaphore_mem>>)
      %mul3A_181 = arith.constant 16 : i32
      %mul3A_182 = arith.muli %while3A_164, %mul3A_181 : i32
      %add3A_183 = arith.constant 1 : i32
      %add3A_184 = arith.addi %mul3A_182, %add3A_183 : i32
      %mul3A_185 = arith.constant 72 : i32
      %mul3A_186 = arith.muli %add3A_184, %mul3A_185 : i32
      %slice3A_187 = vector.extract_strided_slice %get3A_168 {offsets = [1], sizes = [1], strides = [1]} : vector<16xi32> to vector<1xi32>
      %squeeze3A_188 = vector.extract %slice3A_187[0] : i32 from vector<1xi32>
      %mul3A_189 = arith.constant 72 : i32
      %mul3A_190 = arith.muli %squeeze3A_188, %mul3A_189 : i32
      %multiple_of3A_191 = tpu.assume_multiple %mul3A_190, 8 : i32
      %dma_start3A_192 = tpu.memref_slice %arg17[%mul3A_186] : memref<55296xf32, #tpu.memory_space<vmem>> -> memref<64xf32, #tpu.memory_space<vmem>>
      %dma_start3A_193 = tpu.memref_slice %arg8[%multiple_of3A_191] : memref<1179720xf32, #tpu.memory_space<hbm>> -> memref<64xf32, #tpu.memory_space<hbm>>
      %dma_start3A_194 = tpu.memref_slice %arg8[%multiple_of3A_191] : memref<1179720xf32, #tpu.memory_space<hbm>> -> memref<64xf32, #tpu.memory_space<hbm>>
      %dma_start3A_195 = tpu.memref_slice %arg17[%mul3A_186] : memref<55296xf32, #tpu.memory_space<vmem>> -> memref<64xf32, #tpu.memory_space<vmem>>
      tpu.enqueue_dma source(%dma_start3A_195 : memref<64xf32, #tpu.memory_space<vmem>>) target(%dma_start3A_194 : memref<64xf32, #tpu.memory_space<hbm>>) target_semaphore(%arg20 : memref<!tpu.dma_semaphore, #tpu.memory_space<semaphore_mem>>)
      %mul3A_196 = arith.constant 16 : i32
      %mul3A_197 = arith.muli %while3A_164, %mul3A_196 : i32
      %add3A_198 = arith.constant 2 : i32
      %add3A_199 = arith.addi %mul3A_197, %add3A_198 : i32
      %mul3A_200 = arith.constant 72 : i32
      %mul3A_201 = arith.muli %add3A_199, %mul3A_200 : i32
      %slice3A_202 = vector.extract_strided_slice %get3A_168 {offsets = [2], sizes = [1], strides = [1]} : vector<16xi32> to vector<1xi32>
      %squeeze3A_203 = vector.extract %slice3A_202[0] : i32 from vector<1xi32>
      %mul3A_204 = arith.constant 72 : i32
      %mul3A_205 = arith.muli %squeeze3A_203, %mul3A_204 : i32
      %multiple_of3A_206 = tpu.assume_multiple %mul3A_205, 8 : i32
      %dma_start3A_207 = tpu.memref_slice %arg17[%mul3A_201] : memref<55296xf32, #tpu.memory_space<vmem>> -> memref<64xf32, #tpu.memory_space<vmem>>
      %dma_start3A_208 = tpu.memref_slice %arg8[%multiple_of3A_206] : memref<1179720xf32, #tpu.memory_space<hbm>> -> memref<64xf32, #tpu.memory_space<hbm>>
      %dma_start3A_209 = tpu.memref_slice %arg8[%multiple_of3A_206] : memref<1179720xf32, #tpu.memory_space<hbm>> -> memref<64xf32, #tpu.memory_space<hbm>>
      %dma_start3A_210 = tpu.memref_slice %arg17[%mul3A_201] : memref<55296xf32, #tpu.memory_space<vmem>> -> memref<64xf32, #tpu.memory_space<vmem>>
      tpu.enqueue_dma source(%dma_start3A_210 : memref<64xf32, #tpu.memory_space<vmem>>) target(%dma_start3A_209 : memref<64xf32, #tpu.memory_space<hbm>>) target_semaphore(%arg20 : memref<!tpu.dma_semaphore, #tpu.memory_space<semaphore_mem>>)
      %mul3A_211 = arith.constant 16 : i32
      %mul3A_212 = arith.muli %while3A_164, %mul3A_211 : i32
      %add3A_213 = arith.constant 3 : i32
      %add3A_214 = arith.addi %mul3A_212, %add3A_213 : i32
      %mul3A_215 = arith.constant 72 : i32
      %mul3A_216 = arith.muli %add3A_214, %mul3A_215 : i32
      %slice3A_217 = vector.extract_strided_slice %get3A_168 {offsets = [3], sizes = [1], strides = [1]} : vector<16xi32> to vector<1xi32>
      %squeeze3A_218 = vector.extract %slice3A_217[0] : i32 from vector<1xi32>
      %mul3A_219 = arith.constant 72 : i32
      %mul3A_220 = arith.muli %squeeze3A_218, %mul3A_219 : i32
      %multiple_of3A_221 = tpu.assume_multiple %mul3A_220, 8 : i32
      %dma_start3A_222 = tpu.memref_slice %arg17[%mul3A_216] : memref<55296xf32, #tpu.memory_space<vmem>> -> memref<64xf32, #tpu.memory_space<vmem>>
      %dma_start3A_223 = tpu.memref_slice %arg8[%multiple_of3A_221] : memref<1179720xf32, #tpu.memory_space<hbm>> -> memref<64xf32, #tpu.memory_space<hbm>>
      %dma_start3A_224 = tpu.memref_slice %arg8[%multiple_of3A_221] : memref<1179720xf32, #tpu.memory_space<hbm>> -> memref<64xf32, #tpu.memory_space<hbm>>
      %dma_start3A_225 = tpu.memref_slice %arg17[%mul3A_216] : memref<55296xf32, #tpu.memory_space<vmem>> -> memref<64xf32, #tpu.memory_space<vmem>>
      tpu.enqueue_dma source(%dma_start3A_225 : memref<64xf32, #tpu.memory_space<vmem>>) target(%dma_start3A_224 : memref<64xf32, #tpu.memory_space<hbm>>) target_semaphore(%arg20 : memref<!tpu.dma_semaphore, #tpu.memory_space<semaphore_mem>>)
      %mul3A_226 = arith.constant 16 : i32
      %mul3A_227 = arith.muli %while3A_164, %mul3A_226 : i32
      %add3A_228 = arith.constant 4 : i32
      %add3A_229 = arith.addi %mul3A_227, %add3A_228 : i32
      %mul3A_230 = arith.constant 72 : i32
      %mul3A_231 = arith.muli %add3A_229, %mul3A_230 : i32
      %slice3A_232 = vector.extract_strided_slice %get3A_168 {offsets = [4], sizes = [1], strides = [1]} : vector<16xi32> to vector<1xi32>
      %squeeze3A_233 = vector.extract %slice3A_232[0] : i32 from vector<1xi32>
      %mul3A_234 = arith.constant 72 : i32
      %mul3A_235 = arith.muli %squeeze3A_233, %mul3A_234 : i32
      %multiple_of3A_236 = tpu.assume_multiple %mul3A_235, 8 : i32
      %dma_start3A_237 = tpu.memref_slice %arg17[%mul3A_231] : memref<55296xf32, #tpu.memory_space<vmem>> -> memref<64xf32, #tpu.memory_space<vmem>>
      %dma_start3A_238 = tpu.memref_slice %arg8[%multiple_of3A_236] : memref<1179720xf32, #tpu.memory_space<hbm>> -> memref<64xf32, #tpu.memory_space<hbm>>
      %dma_start3A_239 = tpu.memref_slice %arg8[%multiple_of3A_236] : memref<1179720xf32, #tpu.memory_space<hbm>> -> memref<64xf32, #tpu.memory_space<hbm>>
      %dma_start3A_240 = tpu.memref_slice %arg17[%mul3A_231] : memref<55296xf32, #tpu.memory_space<vmem>> -> memref<64xf32, #tpu.memory_space<vmem>>
      tpu.enqueue_dma source(%dma_start3A_240 : memref<64xf32, #tpu.memory_space<vmem>>) target(%dma_start3A_239 : memref<64xf32, #tpu.memory_space<hbm>>) target_semaphore(%arg20 : memref<!tpu.dma_semaphore, #tpu.memory_space<semaphore_mem>>)
      %mul3A_241 = arith.constant 16 : i32
      %mul3A_242 = arith.muli %while3A_164, %mul3A_241 : i32
      %add3A_243 = arith.constant 5 : i32
      %add3A_244 = arith.addi %mul3A_242, %add3A_243 : i32
      %mul3A_245 = arith.constant 72 : i32
      %mul3A_246 = arith.muli %add3A_244, %mul3A_245 : i32
      %slice3A_247 = vector.extract_strided_slice %get3A_168 {offsets = [5], sizes = [1], strides = [1]} : vector<16xi32> to vector<1xi32>
      %squeeze3A_248 = vector.extract %slice3A_247[0] : i32 from vector<1xi32>
      %mul3A_249 = arith.constant 72 : i32
      %mul3A_250 = arith.muli %squeeze3A_248, %mul3A_249 : i32
      %multiple_of3A_251 = tpu.assume_multiple %mul3A_250, 8 : i32
      %dma_start3A_252 = tpu.memref_slice %arg17[%mul3A_246] : memref<55296xf32, #tpu.memory_space<vmem>> -> memref<64xf32, #tpu.memory_space<vmem>>
      %dma_start3A_253 = tpu.memref_slice %arg8[%multiple_of3A_251] : memref<1179720xf32, #tpu.memory_space<hbm>> -> memref<64xf32, #tpu.memory_space<hbm>>
      %dma_start3A_254 = tpu.memref_slice %arg8[%multiple_of3A_251] : memref<1179720xf32, #tpu.memory_space<hbm>> -> memref<64xf32, #tpu.memory_space<hbm>>
      %dma_start3A_255 = tpu.memref_slice %arg17[%mul3A_246] : memref<55296xf32, #tpu.memory_space<vmem>> -> memref<64xf32, #tpu.memory_space<vmem>>
      tpu.enqueue_dma source(%dma_start3A_255 : memref<64xf32, #tpu.memory_space<vmem>>) target(%dma_start3A_254 : memref<64xf32, #tpu.memory_space<hbm>>) target_semaphore(%arg20 : memref<!tpu.dma_semaphore, #tpu.memory_space<semaphore_mem>>)
      %mul3A_256 = arith.constant 16 : i32
      %mul3A_257 = arith.muli %while3A_164, %mul3A_256 : i32
      %add3A_258 = arith.constant 6 : i32
      %add3A_259 = arith.addi %mul3A_257, %add3A_258 : i32
      %mul3A_260 = arith.constant 72 : i32
      %mul3A_261 = arith.muli %add3A_259, %mul3A_260 : i32
      %slice3A_262 = vector.extract_strided_slice %get3A_168 {offsets = [6], sizes = [1], strides = [1]} : vector<16xi32> to vector<1xi32>
      %squeeze3A_263 = vector.extract %slice3A_262[0] : i32 from vector<1xi32>
      %mul3A_264 = arith.constant 72 : i32
      %mul3A_265 = arith.muli %squeeze3A_263, %mul3A_264 : i32
      %multiple_of3A_266 = tpu.assume_multiple %mul3A_265, 8 : i32
      %dma_start3A_267 = tpu.memref_slice %arg17[%mul3A_261] : memref<55296xf32, #tpu.memory_space<vmem>> -> memref<64xf32, #tpu.memory_space<vmem>>
      %dma_start3A_268 = tpu.memref_slice %arg8[%multiple_of3A_266] : memref<1179720xf32, #tpu.memory_space<hbm>> -> memref<64xf32, #tpu.memory_space<hbm>>
      %dma_start3A_269 = tpu.memref_slice %arg8[%multiple_of3A_266] : memref<1179720xf32, #tpu.memory_space<hbm>> -> memref<64xf32, #tpu.memory_space<hbm>>
      %dma_start3A_270 = tpu.memref_slice %arg17[%mul3A_261] : memref<55296xf32, #tpu.memory_space<vmem>> -> memref<64xf32, #tpu.memory_space<vmem>>
      tpu.enqueue_dma source(%dma_start3A_270 : memref<64xf32, #tpu.memory_space<vmem>>) target(%dma_start3A_269 : memref<64xf32, #tpu.memory_space<hbm>>) target_semaphore(%arg20 : memref<!tpu.dma_semaphore, #tpu.memory_space<semaphore_mem>>)
      %mul3A_271 = arith.constant 16 : i32
      %mul3A_272 = arith.muli %while3A_164, %mul3A_271 : i32
      %add3A_273 = arith.constant 7 : i32
      %add3A_274 = arith.addi %mul3A_272, %add3A_273 : i32
      %mul3A_275 = arith.constant 72 : i32
      %mul3A_276 = arith.muli %add3A_274, %mul3A_275 : i32
      %slice3A_277 = vector.extract_strided_slice %get3A_168 {offsets = [7], sizes = [1], strides = [1]} : vector<16xi32> to vector<1xi32>
      %squeeze3A_278 = vector.extract %slice3A_277[0] : i32 from vector<1xi32>
      %mul3A_279 = arith.constant 72 : i32
      %mul3A_280 = arith.muli %squeeze3A_278, %mul3A_279 : i32
      %multiple_of3A_281 = tpu.assume_multiple %mul3A_280, 8 : i32
      %dma_start3A_282 = tpu.memref_slice %arg17[%mul3A_276] : memref<55296xf32, #tpu.memory_space<vmem>> -> memref<64xf32, #tpu.memory_space<vmem>>
      %dma_start3A_283 = tpu.memref_slice %arg8[%multiple_of3A_281] : memref<1179720xf32, #tpu.memory_space<hbm>> -> memref<64xf32, #tpu.memory_space<hbm>>
      %dma_start3A_284 = tpu.memref_slice %arg8[%multiple_of3A_281] : memref<1179720xf32, #tpu.memory_space<hbm>> -> memref<64xf32, #tpu.memory_space<hbm>>
      %dma_start3A_285 = tpu.memref_slice %arg17[%mul3A_276] : memref<55296xf32, #tpu.memory_space<vmem>> -> memref<64xf32, #tpu.memory_space<vmem>>
      tpu.enqueue_dma source(%dma_start3A_285 : memref<64xf32, #tpu.memory_space<vmem>>) target(%dma_start3A_284 : memref<64xf32, #tpu.memory_space<hbm>>) target_semaphore(%arg20 : memref<!tpu.dma_semaphore, #tpu.memory_space<semaphore_mem>>)
      %mul3A_286 = arith.constant 16 : i32
      %mul3A_287 = arith.muli %while3A_164, %mul3A_286 : i32
      %add3A_288 = arith.constant 8 : i32
      %add3A_289 = arith.addi %mul3A_287, %add3A_288 : i32
      %mul3A_290 = arith.constant 72 : i32
      %mul3A_291 = arith.muli %add3A_289, %mul3A_290 : i32
      %slice3A_292 = vector.extract_strided_slice %get3A_168 {offsets = [8], sizes = [1], strides = [1]} : vector<16xi32> to vector<1xi32>
      %squeeze3A_293 = vector.extract %slice3A_292[0] : i32 from vector<1xi32>
      %mul3A_294 = arith.constant 72 : i32
      %mul3A_295 = arith.muli %squeeze3A_293, %mul3A_294 : i32
      %multiple_of3A_296 = tpu.assume_multiple %mul3A_295, 8 : i32
      %dma_start3A_297 = tpu.memref_slice %arg17[%mul3A_291] : memref<55296xf32, #tpu.memory_space<vmem>> -> memref<64xf32, #tpu.memory_space<vmem>>
      %dma_start3A_298 = tpu.memref_slice %arg8[%multiple_of3A_296] : memref<1179720xf32, #tpu.memory_space<hbm>> -> memref<64xf32, #tpu.memory_space<hbm>>
      %dma_start3A_299 = tpu.memref_slice %arg8[%multiple_of3A_296] : memref<1179720xf32, #tpu.memory_space<hbm>> -> memref<64xf32, #tpu.memory_space<hbm>>
      %dma_start3A_300 = tpu.memref_slice %arg17[%mul3A_291] : memref<55296xf32, #tpu.memory_space<vmem>> -> memref<64xf32, #tpu.memory_space<vmem>>
      tpu.enqueue_dma source(%dma_start3A_300 : memref<64xf32, #tpu.memory_space<vmem>>) target(%dma_start3A_299 : memref<64xf32, #tpu.memory_space<hbm>>) target_semaphore(%arg20 : memref<!tpu.dma_semaphore, #tpu.memory_space<semaphore_mem>>)
      %mul3A_301 = arith.constant 16 : i32
      %mul3A_302 = arith.muli %while3A_164, %mul3A_301 : i32
      %add3A_303 = arith.constant 9 : i32
      %add3A_304 = arith.addi %mul3A_302, %add3A_303 : i32
      %mul3A_305 = arith.constant 72 : i32
      %mul3A_306 = arith.muli %add3A_304, %mul3A_305 : i32
      %slice3A_307 = vector.extract_strided_slice %get3A_168 {offsets = [9], sizes = [1], strides = [1]} : vector<16xi32> to vector<1xi32>
      %squeeze3A_308 = vector.extract %slice3A_307[0] : i32 from vector<1xi32>
      %mul3A_309 = arith.constant 72 : i32
      %mul3A_310 = arith.muli %squeeze3A_308, %mul3A_309 : i32
      %multiple_of3A_311 = tpu.assume_multiple %mul3A_310, 8 : i32
      %dma_start3A_312 = tpu.memref_slice %arg17[%mul3A_306] : memref<55296xf32, #tpu.memory_space<vmem>> -> memref<64xf32, #tpu.memory_space<vmem>>
      %dma_start3A_313 = tpu.memref_slice %arg8[%multiple_of3A_311] : memref<1179720xf32, #tpu.memory_space<hbm>> -> memref<64xf32, #tpu.memory_space<hbm>>
      %dma_start3A_314 = tpu.memref_slice %arg8[%multiple_of3A_311] : memref<1179720xf32, #tpu.memory_space<hbm>> -> memref<64xf32, #tpu.memory_space<hbm>>
      %dma_start3A_315 = tpu.memref_slice %arg17[%mul3A_306] : memref<55296xf32, #tpu.memory_space<vmem>> -> memref<64xf32, #tpu.memory_space<vmem>>
      tpu.enqueue_dma source(%dma_start3A_315 : memref<64xf32, #tpu.memory_space<vmem>>) target(%dma_start3A_314 : memref<64xf32, #tpu.memory_space<hbm>>) target_semaphore(%arg20 : memref<!tpu.dma_semaphore, #tpu.memory_space<semaphore_mem>>)
      %mul3A_316 = arith.constant 16 : i32
      %mul3A_317 = arith.muli %while3A_164, %mul3A_316 : i32
      %add3A_318 = arith.constant 10 : i32
      %add3A_319 = arith.addi %mul3A_317, %add3A_318 : i32
      %mul3A_320 = arith.constant 72 : i32
      %mul3A_321 = arith.muli %add3A_319, %mul3A_320 : i32
      %slice3A_322 = vector.extract_strided_slice %get3A_168 {offsets = [10], sizes = [1], strides = [1]} : vector<16xi32> to vector<1xi32>
      %squeeze3A_323 = vector.extract %slice3A_322[0] : i32 from vector<1xi32>
      %mul3A_324 = arith.constant 72 : i32
      %mul3A_325 = arith.muli %squeeze3A_323, %mul3A_324 : i32
      %multiple_of3A_326 = tpu.assume_multiple %mul3A_325, 8 : i32
      %dma_start3A_327 = tpu.memref_slice %arg17[%mul3A_321] : memref<55296xf32, #tpu.memory_space<vmem>> -> memref<64xf32, #tpu.memory_space<vmem>>
      %dma_start3A_328 = tpu.memref_slice %arg8[%multiple_of3A_326] : memref<1179720xf32, #tpu.memory_space<hbm>> -> memref<64xf32, #tpu.memory_space<hbm>>
      %dma_start3A_329 = tpu.memref_slice %arg8[%multiple_of3A_326] : memref<1179720xf32, #tpu.memory_space<hbm>> -> memref<64xf32, #tpu.memory_space<hbm>>
      %dma_start3A_330 = tpu.memref_slice %arg17[%mul3A_321] : memref<55296xf32, #tpu.memory_space<vmem>> -> memref<64xf32, #tpu.memory_space<vmem>>
      tpu.enqueue_dma source(%dma_start3A_330 : memref<64xf32, #tpu.memory_space<vmem>>) target(%dma_start3A_329 : memref<64xf32, #tpu.memory_space<hbm>>) target_semaphore(%arg20 : memref<!tpu.dma_semaphore, #tpu.memory_space<semaphore_mem>>)
      %mul3A_331 = arith.constant 16 : i32
      %mul3A_332 = arith.muli %while3A_164, %mul3A_331 : i32
      %add3A_333 = arith.constant 11 : i32
      %add3A_334 = arith.addi %mul3A_332, %add3A_333 : i32
      %mul3A_335 = arith.constant 72 : i32
      %mul3A_336 = arith.muli %add3A_334, %mul3A_335 : i32
      %slice3A_337 = vector.extract_strided_slice %get3A_168 {offsets = [11], sizes = [1], strides = [1]} : vector<16xi32> to vector<1xi32>
      %squeeze3A_338 = vector.extract %slice3A_337[0] : i32 from vector<1xi32>
      %mul3A_339 = arith.constant 72 : i32
      %mul3A_340 = arith.muli %squeeze3A_338, %mul3A_339 : i32
      %multiple_of3A_341 = tpu.assume_multiple %mul3A_340, 8 : i32
      %dma_start3A_342 = tpu.memref_slice %arg17[%mul3A_336] : memref<55296xf32, #tpu.memory_space<vmem>> -> memref<64xf32, #tpu.memory_space<vmem>>
      %dma_start3A_343 = tpu.memref_slice %arg8[%multiple_of3A_341] : memref<1179720xf32, #tpu.memory_space<hbm>> -> memref<64xf32, #tpu.memory_space<hbm>>
      %dma_start3A_344 = tpu.memref_slice %arg8[%multiple_of3A_341] : memref<1179720xf32, #tpu.memory_space<hbm>> -> memref<64xf32, #tpu.memory_space<hbm>>
      %dma_start3A_345 = tpu.memref_slice %arg17[%mul3A_336] : memref<55296xf32, #tpu.memory_space<vmem>> -> memref<64xf32, #tpu.memory_space<vmem>>
      tpu.enqueue_dma source(%dma_start3A_345 : memref<64xf32, #tpu.memory_space<vmem>>) target(%dma_start3A_344 : memref<64xf32, #tpu.memory_space<hbm>>) target_semaphore(%arg20 : memref<!tpu.dma_semaphore, #tpu.memory_space<semaphore_mem>>)
      %mul3A_346 = arith.constant 16 : i32
      %mul3A_347 = arith.muli %while3A_164, %mul3A_346 : i32
      %add3A_348 = arith.constant 12 : i32
      %add3A_349 = arith.addi %mul3A_347, %add3A_348 : i32
      %mul3A_350 = arith.constant 72 : i32
      %mul3A_351 = arith.muli %add3A_349, %mul3A_350 : i32
      %slice3A_352 = vector.extract_strided_slice %get3A_168 {offsets = [12], sizes = [1], strides = [1]} : vector<16xi32> to vector<1xi32>
      %squeeze3A_353 = vector.extract %slice3A_352[0] : i32 from vector<1xi32>
      %mul3A_354 = arith.constant 72 : i32
      %mul3A_355 = arith.muli %squeeze3A_353, %mul3A_354 : i32
      %multiple_of3A_356 = tpu.assume_multiple %mul3A_355, 8 : i32
      %dma_start3A_357 = tpu.memref_slice %arg17[%mul3A_351] : memref<55296xf32, #tpu.memory_space<vmem>> -> memref<64xf32, #tpu.memory_space<vmem>>
      %dma_start3A_358 = tpu.memref_slice %arg8[%multiple_of3A_356] : memref<1179720xf32, #tpu.memory_space<hbm>> -> memref<64xf32, #tpu.memory_space<hbm>>
      %dma_start3A_359 = tpu.memref_slice %arg8[%multiple_of3A_356] : memref<1179720xf32, #tpu.memory_space<hbm>> -> memref<64xf32, #tpu.memory_space<hbm>>
      %dma_start3A_360 = tpu.memref_slice %arg17[%mul3A_351] : memref<55296xf32, #tpu.memory_space<vmem>> -> memref<64xf32, #tpu.memory_space<vmem>>
      tpu.enqueue_dma source(%dma_start3A_360 : memref<64xf32, #tpu.memory_space<vmem>>) target(%dma_start3A_359 : memref<64xf32, #tpu.memory_space<hbm>>) target_semaphore(%arg20 : memref<!tpu.dma_semaphore, #tpu.memory_space<semaphore_mem>>)
      %mul3A_361 = arith.constant 16 : i32
      %mul3A_362 = arith.muli %while3A_164, %mul3A_361 : i32
      %add3A_363 = arith.constant 13 : i32
      %add3A_364 = arith.addi %mul3A_362, %add3A_363 : i32
      %mul3A_365 = arith.constant 72 : i32
      %mul3A_366 = arith.muli %add3A_364, %mul3A_365 : i32
      %slice3A_367 = vector.extract_strided_slice %get3A_168 {offsets = [13], sizes = [1], strides = [1]} : vector<16xi32> to vector<1xi32>
      %squeeze3A_368 = vector.extract %slice3A_367[0] : i32 from vector<1xi32>
      %mul3A_369 = arith.constant 72 : i32
      %mul3A_370 = arith.muli %squeeze3A_368, %mul3A_369 : i32
      %multiple_of3A_371 = tpu.assume_multiple %mul3A_370, 8 : i32
      %dma_start3A_372 = tpu.memref_slice %arg17[%mul3A_366] : memref<55296xf32, #tpu.memory_space<vmem>> -> memref<64xf32, #tpu.memory_space<vmem>>
      %dma_start3A_373 = tpu.memref_slice %arg8[%multiple_of3A_371] : memref<1179720xf32, #tpu.memory_space<hbm>> -> memref<64xf32, #tpu.memory_space<hbm>>
      %dma_start3A_374 = tpu.memref_slice %arg8[%multiple_of3A_371] : memref<1179720xf32, #tpu.memory_space<hbm>> -> memref<64xf32, #tpu.memory_space<hbm>>
      %dma_start3A_375 = tpu.memref_slice %arg17[%mul3A_366] : memref<55296xf32, #tpu.memory_space<vmem>> -> memref<64xf32, #tpu.memory_space<vmem>>
      tpu.enqueue_dma source(%dma_start3A_375 : memref<64xf32, #tpu.memory_space<vmem>>) target(%dma_start3A_374 : memref<64xf32, #tpu.memory_space<hbm>>) target_semaphore(%arg20 : memref<!tpu.dma_semaphore, #tpu.memory_space<semaphore_mem>>)
      %mul3A_376 = arith.constant 16 : i32
      %mul3A_377 = arith.muli %while3A_164, %mul3A_376 : i32
      %add3A_378 = arith.constant 14 : i32
      %add3A_379 = arith.addi %mul3A_377, %add3A_378 : i32
      %mul3A_380 = arith.constant 72 : i32
      %mul3A_381 = arith.muli %add3A_379, %mul3A_380 : i32
      %slice3A_382 = vector.extract_strided_slice %get3A_168 {offsets = [14], sizes = [1], strides = [1]} : vector<16xi32> to vector<1xi32>
      %squeeze3A_383 = vector.extract %slice3A_382[0] : i32 from vector<1xi32>
      %mul3A_384 = arith.constant 72 : i32
      %mul3A_385 = arith.muli %squeeze3A_383, %mul3A_384 : i32
      %multiple_of3A_386 = tpu.assume_multiple %mul3A_385, 8 : i32
      %dma_start3A_387 = tpu.memref_slice %arg17[%mul3A_381] : memref<55296xf32, #tpu.memory_space<vmem>> -> memref<64xf32, #tpu.memory_space<vmem>>
      %dma_start3A_388 = tpu.memref_slice %arg8[%multiple_of3A_386] : memref<1179720xf32, #tpu.memory_space<hbm>> -> memref<64xf32, #tpu.memory_space<hbm>>
      %dma_start3A_389 = tpu.memref_slice %arg8[%multiple_of3A_386] : memref<1179720xf32, #tpu.memory_space<hbm>> -> memref<64xf32, #tpu.memory_space<hbm>>
      %dma_start3A_390 = tpu.memref_slice %arg17[%mul3A_381] : memref<55296xf32, #tpu.memory_space<vmem>> -> memref<64xf32, #tpu.memory_space<vmem>>
      tpu.enqueue_dma source(%dma_start3A_390 : memref<64xf32, #tpu.memory_space<vmem>>) target(%dma_start3A_389 : memref<64xf32, #tpu.memory_space<hbm>>) target_semaphore(%arg20 : memref<!tpu.dma_semaphore, #tpu.memory_space<semaphore_mem>>)
      %mul3A_391 = arith.constant 16 : i32
      %mul3A_392 = arith.muli %while3A_164, %mul3A_391 : i32
      %add3A_393 = arith.constant 15 : i32
      %add3A_394 = arith.addi %mul3A_392, %add3A_393 : i32
      %mul3A_395 = arith.constant 72 : i32
      %mul3A_396 = arith.muli %add3A_394, %mul3A_395 : i32
      %slice3A_397 = vector.extract_strided_slice %get3A_168 {offsets = [15], sizes = [1], strides = [1]} : vector<16xi32> to vector<1xi32>
      %squeeze3A_398 = vector.extract %slice3A_397[0] : i32 from vector<1xi32>
      %mul3A_399 = arith.constant 72 : i32
      %mul3A_400 = arith.muli %squeeze3A_398, %mul3A_399 : i32
      %multiple_of3A_401 = tpu.assume_multiple %mul3A_400, 8 : i32
      %dma_start3A_402 = tpu.memref_slice %arg17[%mul3A_396] : memref<55296xf32, #tpu.memory_space<vmem>> -> memref<64xf32, #tpu.memory_space<vmem>>
      %dma_start3A_403 = tpu.memref_slice %arg8[%multiple_of3A_401] : memref<1179720xf32, #tpu.memory_space<hbm>> -> memref<64xf32, #tpu.memory_space<hbm>>
      %dma_start3A_404 = tpu.memref_slice %arg8[%multiple_of3A_401] : memref<1179720xf32, #tpu.memory_space<hbm>> -> memref<64xf32, #tpu.memory_space<hbm>>
      %dma_start3A_405 = tpu.memref_slice %arg17[%mul3A_396] : memref<55296xf32, #tpu.memory_space<vmem>> -> memref<64xf32, #tpu.memory_space<vmem>>
      tpu.enqueue_dma source(%dma_start3A_405 : memref<64xf32, #tpu.memory_space<vmem>>) target(%dma_start3A_404 : memref<64xf32, #tpu.memory_space<hbm>>) target_semaphore(%arg20 : memref<!tpu.dma_semaphore, #tpu.memory_space<semaphore_mem>>)
      %while3A_406 = arith.constant 0 : i32
      scf.yield %while3A_406 : i32
    }
    %while3A_115 = arith.constant 1 : i32
    %while3A_116 = scf.for %while3A_164 = %while3A_112 to %while3A_108 step %while3A_115 iter_args(%while3A_165 = %while3A_114) -> (i32)  : i32 {
      %mul3A_166 = arith.constant 16 : i32
      %mul3A_167 = arith.muli %while3A_164, %mul3A_166 : i32
      %multiple_of3A = tpu.assume_multiple %mul3A_167, 16 : i32
      %get3A = arith.index_cast %multiple_of3A : i32 to index
      %get3A_168 = tpu.vector_load %arg12[%get3A] {strides = array<i32>} : memref<784xi32, #tpu.memory_space<vmem>>, vector<16xi32>,
      %mul3A_169 = arith.constant 16 : i32
      %mul3A_170 = arith.muli %while3A_164, %mul3A_169 : i32
      %add3A_171 = arith.constant 0 : i32
      %add3A_172 = arith.addi %mul3A_170, %add3A_171 : i32
      %mul3A_173 = arith.constant 72 : i32
      %mul3A_174 = arith.muli %add3A_172, %mul3A_173 : i32
      %slice3A = vector.extract_strided_slice %get3A_168 {offsets = [0], sizes = [1], strides = [1]} : vector<16xi32> to vector<1xi32>
      %squeeze3A = vector.extract %slice3A[0] : i32 from vector<1xi32>
      %mul3A_175 = arith.constant 72 : i32
      %mul3A_176 = arith.muli %squeeze3A, %mul3A_175 : i32
      %multiple_of3A_177 = tpu.assume_multiple %mul3A_176, 8 : i32
      %dma_start3A = tpu.memref_slice %arg17[%mul3A_174] : memref<55296xf32, #tpu.memory_space<vmem>> -> memref<64xf32, #tpu.memory_space<vmem>>
      %dma_start3A_178 = tpu.memref_slice %arg8[%multiple_of3A_177] : memref<1179720xf32, #tpu.memory_space<hbm>> -> memref<64xf32, #tpu.memory_space<hbm>>
      %dma_start3A_179 = tpu.memref_slice %arg8[%multiple_of3A_177] : memref<1179720xf32, #tpu.memory_space<hbm>> -> memref<64xf32, #tpu.memory_space<hbm>>
      %dma_start3A_180 = tpu.memref_slice %arg17[%mul3A_174] : memref<55296xf32, #tpu.memory_space<vmem>> -> memref<64xf32, #tpu.memory_space<vmem>>
      tpu.enqueue_dma source(%dma_start3A_180 : memref<64xf32, #tpu.memory_space<vmem>>) target(%dma_start3A_179 : memref<64xf32, #tpu.memory_space<hbm>>) target_semaphore(%arg20 : memref<!tpu.dma_semaphore, #tpu.memory_space<semaphore_mem>>)
      %mul3A_181 = arith.constant 16 : i32
      %mul3A_182 = arith.muli %while3A_164, %mul3A_181 : i32
      %add3A_183 = arith.constant 1 : i32
      %add3A_184 = arith.addi %mul3A_182, %add3A_183 : i32
      %mul3A_185 = arith.constant 72 : i32
      %mul3A_186 = arith.muli %add3A_184, %mul3A_185 : i32
      %slice3A_187 = vector.extract_strided_slice %get3A_168 {offsets = [1], sizes = [1], strides = [1]} : vector<16xi32> to vector<1xi32>
      %squeeze3A_188 = vector.extract %slice3A_187[0] : i32 from vector<1xi32>
      %mul3A_189 = arith.constant 72 : i32
      %mul3A_190 = arith.muli %squeeze3A_188, %mul3A_189 : i32
      %multiple_of3A_191 = tpu.assume_multiple %mul3A_190, 8 : i32
      %dma_start3A_192 = tpu.memref_slice %arg17[%mul3A_186] : memref<55296xf32, #tpu.memory_space<vmem>> -> memref<64xf32, #tpu.memory_space<vmem>>
      %dma_start3A_193 = tpu.memref_slice %arg8[%multiple_of3A_191] : memref<1179720xf32, #tpu.memory_space<hbm>> -> memref<64xf32, #tpu.memory_space<hbm>>
      %dma_start3A_194 = tpu.memref_slice %arg8[%multiple_of3A_191] : memref<1179720xf32, #tpu.memory_space<hbm>> -> memref<64xf32, #tpu.memory_space<hbm>>
      %dma_start3A_195 = tpu.memref_slice %arg17[%mul3A_186] : memref<55296xf32, #tpu.memory_space<vmem>> -> memref<64xf32, #tpu.memory_space<vmem>>
      tpu.enqueue_dma source(%dma_start3A_195 : memref<64xf32, #tpu.memory_space<vmem>>) target(%dma_start3A_194 : memref<64xf32, #tpu.memory_space<hbm>>) target_semaphore(%arg20 : memref<!tpu.dma_semaphore, #tpu.memory_space<semaphore_mem>>)
      %mul3A_196 = arith.constant 16 : i32
      %mul3A_197 = arith.muli %while3A_164, %mul3A_196 : i32
      %add3A_198 = arith.constant 2 : i32
      %add3A_199 = arith.addi %mul3A_197, %add3A_198 : i32
      %mul3A_200 = arith.constant 72 : i32
      %mul3A_201 = arith.muli %add3A_199, %mul3A_200 : i32
      %slice3A_202 = vector.extract_strided_slice %get3A_168 {offsets = [2], sizes = [1], strides = [1]} : vector<16xi32> to vector<1xi32>
      %squeeze3A_203 = vector.extract %slice3A_202[0] : i32 from vector<1xi32>
      %mul3A_204 = arith.constant 72 : i32
      %mul3A_205 = arith.muli %squeeze3A_203, %mul3A_204 : i32
      %multiple_of3A_206 = tpu.assume_multiple %mul3A_205, 8 : i32
      %dma_start3A_207 = tpu.memref_slice %arg17[%mul3A_201] : memref<55296xf32, #tpu.memory_space<vmem>> -> memref<64xf32, #tpu.memory_space<vmem>>
      %dma_start3A_208 = tpu.memref_slice %arg8[%multiple_of3A_206] : memref<1179720xf32, #tpu.memory_space<hbm>> -> memref<64xf32, #tpu.memory_space<hbm>>
      %dma_start3A_209 = tpu.memref_slice %arg8[%multiple_of3A_206] : memref<1179720xf32, #tpu.memory_space<hbm>> -> memref<64xf32, #tpu.memory_space<hbm>>
      %dma_start3A_210 = tpu.memref_slice %arg17[%mul3A_201] : memref<55296xf32, #tpu.memory_space<vmem>> -> memref<64xf32, #tpu.memory_space<vmem>>
      tpu.enqueue_dma source(%dma_start3A_210 : memref<64xf32, #tpu.memory_space<vmem>>) target(%dma_start3A_209 : memref<64xf32, #tpu.memory_space<hbm>>) target_semaphore(%arg20 : memref<!tpu.dma_semaphore, #tpu.memory_space<semaphore_mem>>)
      %mul3A_211 = arith.constant 16 : i32
      %mul3A_212 = arith.muli %while3A_164, %mul3A_211 : i32
      %add3A_213 = arith.constant 3 : i32
      %add3A_214 = arith.addi %mul3A_212, %add3A_213 : i32
      %mul3A_215 = arith.constant 72 : i32
      %mul3A_216 = arith.muli %add3A_214, %mul3A_215 : i32
      %slice3A_217 = vector.extract_strided_slice %get3A_168 {offsets = [3], sizes = [1], strides = [1]} : vector<16xi32> to vector<1xi32>
      %squeeze3A_218 = vector.extract %slice3A_217[0] : i32 from vector<1xi32>
      %mul3A_219 = arith.constant 72 : i32
      %mul3A_220 = arith.muli %squeeze3A_218, %mul3A_219 : i32
      %multiple_of3A_221 = tpu.assume_multiple %mul3A_220, 8 : i32
      %dma_start3A_222 = tpu.memref_slice %arg17[%mul3A_216] : memref<55296xf32, #tpu.memory_space<vmem>> -> memref<64xf32, #tpu.memory_space<vmem>>
      %dma_start3A_223 = tpu.memref_slice %arg8[%multiple_of3A_221] : memref<1179720xf32, #tpu.memory_space<hbm>> -> memref<64xf32, #tpu.memory_space<hbm>>
      %dma_start3A_224 = tpu.memref_slice %arg8[%multiple_of3A_221] : memref<1179720xf32, #tpu.memory_space<hbm>> -> memref<64xf32, #tpu.memory_space<hbm>>
      %dma_start3A_225 = tpu.memref_slice %arg17[%mul3A_216] : memref<55296xf32, #tpu.memory_space<vmem>> -> memref<64xf32, #tpu.memory_space<vmem>>
      tpu.enqueue_dma source(%dma_start3A_225 : memref<64xf32, #tpu.memory_space<vmem>>) target(%dma_start3A_224 : memref<64xf32, #tpu.memory_space<hbm>>) target_semaphore(%arg20 : memref<!tpu.dma_semaphore, #tpu.memory_space<semaphore_mem>>)
      %mul3A_226 = arith.constant 16 : i32
      %mul3A_227 = arith.muli %while3A_164, %mul3A_226 : i32
      %add3A_228 = arith.constant 4 : i32
      %add3A_229 = arith.addi %mul3A_227, %add3A_228 : i32
      %mul3A_230 = arith.constant 72 : i32
      %mul3A_231 = arith.muli %add3A_229, %mul3A_230 : i32
      %slice3A_232 = vector.extract_strided_slice %get3A_168 {offsets = [4], sizes = [1], strides = [1]} : vector<16xi32> to vector<1xi32>
      %squeeze3A_233 = vector.extract %slice3A_232[0] : i32 from vector<1xi32>
      %mul3A_234 = arith.constant 72 : i32
      %mul3A_235 = arith.muli %squeeze3A_233, %mul3A_234 : i32
      %multiple_of3A_236 = tpu.assume_multiple %mul3A_235, 8 : i32
      %dma_start3A_237 = tpu.memref_slice %arg17[%mul3A_231] : memref<55296xf32, #tpu.memory_space<vmem>> -> memref<64xf32, #tpu.memory_space<vmem>>
      %dma_start3A_238 = tpu.memref_slice %arg8[%multiple_of3A_236] : memref<1179720xf32, #tpu.memory_space<hbm>> -> memref<64xf32, #tpu.memory_space<hbm>>
      %dma_start3A_239 = tpu.memref_slice %arg8[%multiple_of3A_236] : memref<1179720xf32, #tpu.memory_space<hbm>> -> memref<64xf32, #tpu.memory_space<hbm>>
      %dma_start3A_240 = tpu.memref_slice %arg17[%mul3A_231] : memref<55296xf32, #tpu.memory_space<vmem>> -> memref<64xf32, #tpu.memory_space<vmem>>
      tpu.enqueue_dma source(%dma_start3A_240 : memref<64xf32, #tpu.memory_space<vmem>>) target(%dma_start3A_239 : memref<64xf32, #tpu.memory_space<hbm>>) target_semaphore(%arg20 : memref<!tpu.dma_semaphore, #tpu.memory_space<semaphore_mem>>)
      %mul3A_241 = arith.constant 16 : i32
      %mul3A_242 = arith.muli %while3A_164, %mul3A_241 : i32
      %add3A_243 = arith.constant 5 : i32
      %add3A_244 = arith.addi %mul3A_242, %add3A_243 : i32
      %mul3A_245 = arith.constant 72 : i32
      %mul3A_246 = arith.muli %add3A_244, %mul3A_245 : i32
      %slice3A_247 = vector.extract_strided_slice %get3A_168 {offsets = [5], sizes = [1], strides = [1]} : vector<16xi32> to vector<1xi32>
      %squeeze3A_248 = vector.extract %slice3A_247[0] : i32 from vector<1xi32>
      %mul3A_249 = arith.constant 72 : i32
      %mul3A_250 = arith.muli %squeeze3A_248, %mul3A_249 : i32
      %multiple_of3A_251 = tpu.assume_multiple %mul3A_250, 8 : i32
      %dma_start3A_252 = tpu.memref_slice %arg17[%mul3A_246] : memref<55296xf32, #tpu.memory_space<vmem>> -> memref<64xf32, #tpu.memory_space<vmem>>
      %dma_start3A_253 = tpu.memref_slice %arg8[%multiple_of3A_251] : memref<1179720xf32, #tpu.memory_space<hbm>> -> memref<64xf32, #tpu.memory_space<hbm>>
      %dma_start3A_254 = tpu.memref_slice %arg8[%multiple_of3A_251] : memref<1179720xf32, #tpu.memory_space<hbm>> -> memref<64xf32, #tpu.memory_space<hbm>>
      %dma_start3A_255 = tpu.memref_slice %arg17[%mul3A_246] : memref<55296xf32, #tpu.memory_space<vmem>> -> memref<64xf32, #tpu.memory_space<vmem>>
      tpu.enqueue_dma source(%dma_start3A_255 : memref<64xf32, #tpu.memory_space<vmem>>) target(%dma_start3A_254 : memref<64xf32, #tpu.memory_space<hbm>>) target_semaphore(%arg20 : memref<!tpu.dma_semaphore, #tpu.memory_space<semaphore_mem>>)
      %mul3A_256 = arith.constant 16 : i32
      %mul3A_257 = arith.muli %while3A_164, %mul3A_256 : i32
      %add3A_258 = arith.constant 6 : i32
      %add3A_259 = arith.addi %mul3A_257, %add3A_258 : i32
      %mul3A_260 = arith.constant 72 : i32
      %mul3A_261 = arith.muli %add3A_259, %mul3A_260 : i32
      %slice3A_262 = vector.extract_strided_slice %get3A_168 {offsets = [6], sizes = [1], strides = [1]} : vector<16xi32> to vector<1xi32>
      %squeeze3A_263 = vector.extract %slice3A_262[0] : i32 from vector<1xi32>
      %mul3A_264 = arith.constant 72 : i32
      %mul3A_265 = arith.muli %squeeze3A_263, %mul3A_264 : i32
      %multiple_of3A_266 = tpu.assume_multiple %mul3A_265, 8 : i32
      %dma_start3A_267 = tpu.memref_slice %arg17[%mul3A_261] : memref<55296xf32, #tpu.memory_space<vmem>> -> memref<64xf32, #tpu.memory_space<vmem>>
      %dma_start3A_268 = tpu.memref_slice %arg8[%multiple_of3A_266] : memref<1179720xf32, #tpu.memory_space<hbm>> -> memref<64xf32, #tpu.memory_space<hbm>>
      %dma_start3A_269 = tpu.memref_slice %arg8[%multiple_of3A_266] : memref<1179720xf32, #tpu.memory_space<hbm>> -> memref<64xf32, #tpu.memory_space<hbm>>
      %dma_start3A_270 = tpu.memref_slice %arg17[%mul3A_261] : memref<55296xf32, #tpu.memory_space<vmem>> -> memref<64xf32, #tpu.memory_space<vmem>>
      tpu.enqueue_dma source(%dma_start3A_270 : memref<64xf32, #tpu.memory_space<vmem>>) target(%dma_start3A_269 : memref<64xf32, #tpu.memory_space<hbm>>) target_semaphore(%arg20 : memref<!tpu.dma_semaphore, #tpu.memory_space<semaphore_mem>>)
      %mul3A_271 = arith.constant 16 : i32
      %mul3A_272 = arith.muli %while3A_164, %mul3A_271 : i32
      %add3A_273 = arith.constant 7 : i32
      %add3A_274 = arith.addi %mul3A_272, %add3A_273 : i32
      %mul3A_275 = arith.constant 72 : i32
      %mul3A_276 = arith.muli %add3A_274, %mul3A_275 : i32
      %slice3A_277 = vector.extract_strided_slice %get3A_168 {offsets = [7], sizes = [1], strides = [1]} : vector<16xi32> to vector<1xi32>
      %squeeze3A_278 = vector.extract %slice3A_277[0] : i32 from vector<1xi32>
      %mul3A_279 = arith.constant 72 : i32
      %mul3A_280 = arith.muli %squeeze3A_278, %mul3A_279 : i32
      %multiple_of3A_281 = tpu.assume_multiple %mul3A_280, 8 : i32
      %dma_start3A_282 = tpu.memref_slice %arg17[%mul3A_276] : memref<55296xf32, #tpu.memory_space<vmem>> -> memref<64xf32, #tpu.memory_space<vmem>>
      %dma_start3A_283 = tpu.memref_slice %arg8[%multiple_of3A_281] : memref<1179720xf32, #tpu.memory_space<hbm>> -> memref<64xf32, #tpu.memory_space<hbm>>
      %dma_start3A_284 = tpu.memref_slice %arg8[%multiple_of3A_281] : memref<1179720xf32, #tpu.memory_space<hbm>> -> memref<64xf32, #tpu.memory_space<hbm>>
      %dma_start3A_285 = tpu.memref_slice %arg17[%mul3A_276] : memref<55296xf32, #tpu.memory_space<vmem>> -> memref<64xf32, #tpu.memory_space<vmem>>
      tpu.enqueue_dma source(%dma_start3A_285 : memref<64xf32, #tpu.memory_space<vmem>>) target(%dma_start3A_284 : memref<64xf32, #tpu.memory_space<hbm>>) target_semaphore(%arg20 : memref<!tpu.dma_semaphore, #tpu.memory_space<semaphore_mem>>)
      %mul3A_286 = arith.constant 16 : i32
      %mul3A_287 = arith.muli %while3A_164, %mul3A_286 : i32
      %add3A_288 = arith.constant 8 : i32
      %add3A_289 = arith.addi %mul3A_287, %add3A_288 : i32
      %mul3A_290 = arith.constant 72 : i32
      %mul3A_291 = arith.muli %add3A_289, %mul3A_290 : i32
      %slice3A_292 = vector.extract_strided_slice %get3A_168 {offsets = [8], sizes = [1], strides = [1]} : vector<16xi32> to vector<1xi32>
      %squeeze3A_293 = vector.extract %slice3A_292[0] : i32 from vector<1xi32>
      %mul3A_294 = arith.constant 72 : i32
      %mul3A_295 = arith.muli %squeeze3A_293, %mul3A_294 : i32
      %multiple_of3A_296 = tpu.assume_multiple %mul3A_295, 8 : i32
      %dma_start3A_297 = tpu.memref_slice %arg17[%mul3A_291] : memref<55296xf32, #tpu.memory_space<vmem>> -> memref<64xf32, #tpu.memory_space<vmem>>
      %dma_start3A_298 = tpu.memref_slice %arg8[%multiple_of3A_296] : memref<1179720xf32, #tpu.memory_space<hbm>> -> memref<64xf32, #tpu.memory_space<hbm>>
      %dma_start3A_299 = tpu.memref_slice %arg8[%multiple_of3A_296] : memref<1179720xf32, #tpu.memory_space<hbm>> -> memref<64xf32, #tpu.memory_space<hbm>>
      %dma_start3A_300 = tpu.memref_slice %arg17[%mul3A_291] : memref<55296xf32, #tpu.memory_space<vmem>> -> memref<64xf32, #tpu.memory_space<vmem>>
      tpu.enqueue_dma source(%dma_start3A_300 : memref<64xf32, #tpu.memory_space<vmem>>) target(%dma_start3A_299 : memref<64xf32, #tpu.memory_space<hbm>>) target_semaphore(%arg20 : memref<!tpu.dma_semaphore, #tpu.memory_space<semaphore_mem>>)
      %mul3A_301 = arith.constant 16 : i32
      %mul3A_302 = arith.muli %while3A_164, %mul3A_301 : i32
      %add3A_303 = arith.constant 9 : i32
      %add3A_304 = arith.addi %mul3A_302, %add3A_303 : i32
      %mul3A_305 = arith.constant 72 : i32
      %mul3A_306 = arith.muli %add3A_304, %mul3A_305 : i32
      %slice3A_307 = vector.extract_strided_slice %get3A_168 {offsets = [9], sizes = [1], strides = [1]} : vector<16xi32> to vector<1xi32>
      %squeeze3A_308 = vector.extract %slice3A_307[0] : i32 from vector<1xi32>
      %mul3A_309 = arith.constant 72 : i32
      %mul3A_310 = arith.muli %squeeze3A_308, %mul3A_309 : i32
      %multiple_of3A_311 = tpu.assume_multiple %mul3A_310, 8 : i32
      %dma_start3A_312 = tpu.memref_slice %arg17[%mul3A_306] : memref<55296xf32, #tpu.memory_space<vmem>> -> memref<64xf32, #tpu.memory_space<vmem>>
      %dma_start3A_313 = tpu.memref_slice %arg8[%multiple_of3A_311] : memref<1179720xf32, #tpu.memory_space<hbm>> -> memref<64xf32, #tpu.memory_space<hbm>>
      %dma_start3A_314 = tpu.memref_slice %arg8[%multiple_of3A_311] : memref<1179720xf32, #tpu.memory_space<hbm>> -> memref<64xf32, #tpu.memory_space<hbm>>
      %dma_start3A_315 = tpu.memref_slice %arg17[%mul3A_306] : memref<55296xf32, #tpu.memory_space<vmem>> -> memref<64xf32, #tpu.memory_space<vmem>>
      tpu.enqueue_dma source(%dma_start3A_315 : memref<64xf32, #tpu.memory_space<vmem>>) target(%dma_start3A_314 : memref<64xf32, #tpu.memory_space<hbm>>) target_semaphore(%arg20 : memref<!tpu.dma_semaphore, #tpu.memory_space<semaphore_mem>>)
      %mul3A_316 = arith.constant 16 : i32
      %mul3A_317 = arith.muli %while3A_164, %mul3A_316 : i32
      %add3A_318 = arith.constant 10 : i32
      %add3A_319 = arith.addi %mul3A_317, %add3A_318 : i32
      %mul3A_320 = arith.constant 72 : i32
      %mul3A_321 = arith.muli %add3A_319, %mul3A_320 : i32
      %slice3A_322 = vector.extract_strided_slice %get3A_168 {offsets = [10], sizes = [1], strides = [1]} : vector<16xi32> to vector<1xi32>
      %squeeze3A_323 = vector.extract %slice3A_322[0] : i32 from vector<1xi32>
      %mul3A_324 = arith.constant 72 : i32
      %mul3A_325 = arith.muli %squeeze3A_323, %mul3A_324 : i32
      %multiple_of3A_326 = tpu.assume_multiple %mul3A_325, 8 : i32
      %dma_start3A_327 = tpu.memref_slice %arg17[%mul3A_321] : memref<55296xf32, #tpu.memory_space<vmem>> -> memref<64xf32, #tpu.memory_space<vmem>>
      %dma_start3A_328 = tpu.memref_slice %arg8[%multiple_of3A_326] : memref<1179720xf32, #tpu.memory_space<hbm>> -> memref<64xf32, #tpu.memory_space<hbm>>
      %dma_start3A_329 = tpu.memref_slice %arg8[%multiple_of3A_326] : memref<1179720xf32, #tpu.memory_space<hbm>> -> memref<64xf32, #tpu.memory_space<hbm>>
      %dma_start3A_330 = tpu.memref_slice %arg17[%mul3A_321] : memref<55296xf32, #tpu.memory_space<vmem>> -> memref<64xf32, #tpu.memory_space<vmem>>
      tpu.enqueue_dma source(%dma_start3A_330 : memref<64xf32, #tpu.memory_space<vmem>>) target(%dma_start3A_329 : memref<64xf32, #tpu.memory_space<hbm>>) target_semaphore(%arg20 : memref<!tpu.dma_semaphore, #tpu.memory_space<semaphore_mem>>)
      %mul3A_331 = arith.constant 16 : i32
      %mul3A_332 = arith.muli %while3A_164, %mul3A_331 : i32
      %add3A_333 = arith.constant 11 : i32
      %add3A_334 = arith.addi %mul3A_332, %add3A_333 : i32
      %mul3A_335 = arith.constant 72 : i32
      %mul3A_336 = arith.muli %add3A_334, %mul3A_335 : i32
      %slice3A_337 = vector.extract_strided_slice %get3A_168 {offsets = [11], sizes = [1], strides = [1]} : vector<16xi32> to vector<1xi32>
      %squeeze3A_338 = vector.extract %slice3A_337[0] : i32 from vector<1xi32>
      %mul3A_339 = arith.constant 72 : i32
      %mul3A_340 = arith.muli %squeeze3A_338, %mul3A_339 : i32
      %multiple_of3A_341 = tpu.assume_multiple %mul3A_340, 8 : i32
      %dma_start3A_342 = tpu.memref_slice %arg17[%mul3A_336] : memref<55296xf32, #tpu.memory_space<vmem>> -> memref<64xf32, #tpu.memory_space<vmem>>
      %dma_start3A_343 = tpu.memref_slice %arg8[%multiple_of3A_341] : memref<1179720xf32, #tpu.memory_space<hbm>> -> memref<64xf32, #tpu.memory_space<hbm>>
      %dma_start3A_344 = tpu.memref_slice %arg8[%multiple_of3A_341] : memref<1179720xf32, #tpu.memory_space<hbm>> -> memref<64xf32, #tpu.memory_space<hbm>>
      %dma_start3A_345 = tpu.memref_slice %arg17[%mul3A_336] : memref<55296xf32, #tpu.memory_space<vmem>> -> memref<64xf32, #tpu.memory_space<vmem>>
      tpu.enqueue_dma source(%dma_start3A_345 : memref<64xf32, #tpu.memory_space<vmem>>) target(%dma_start3A_344 : memref<64xf32, #tpu.memory_space<hbm>>) target_semaphore(%arg20 : memref<!tpu.dma_semaphore, #tpu.memory_space<semaphore_mem>>)
      %mul3A_346 = arith.constant 16 : i32
      %mul3A_347 = arith.muli %while3A_164, %mul3A_346 : i32
      %add3A_348 = arith.constant 12 : i32
      %add3A_349 = arith.addi %mul3A_347, %add3A_348 : i32
      %mul3A_350 = arith.constant 72 : i32
      %mul3A_351 = arith.muli %add3A_349, %mul3A_350 : i32
      %slice3A_352 = vector.extract_strided_slice %get3A_168 {offsets = [12], sizes = [1], strides = [1]} : vector<16xi32> to vector<1xi32>
      %squeeze3A_353 = vector.extract %slice3A_352[0] : i32 from vector<1xi32>
      %mul3A_354 = arith.constant 72 : i32
      %mul3A_355 = arith.muli %squeeze3A_353, %mul3A_354 : i32
      %multiple_of3A_356 = tpu.assume_multiple %mul3A_355, 8 : i32
      %dma_start3A_357 = tpu.memref_slice %arg17[%mul3A_351] : memref<55296xf32, #tpu.memory_space<vmem>> -> memref<64xf32, #tpu.memory_space<vmem>>
      %dma_start3A_358 = tpu.memref_slice %arg8[%multiple_of3A_356] : memref<1179720xf32, #tpu.memory_space<hbm>> -> memref<64xf32, #tpu.memory_space<hbm>>
      %dma_start3A_359 = tpu.memref_slice %arg8[%multiple_of3A_356] : memref<1179720xf32, #tpu.memory_space<hbm>> -> memref<64xf32, #tpu.memory_space<hbm>>
      %dma_start3A_360 = tpu.memref_slice %arg17[%mul3A_351] : memref<55296xf32, #tpu.memory_space<vmem>> -> memref<64xf32, #tpu.memory_space<vmem>>
      tpu.enqueue_dma source(%dma_start3A_360 : memref<64xf32, #tpu.memory_space<vmem>>) target(%dma_start3A_359 : memref<64xf32, #tpu.memory_space<hbm>>) target_semaphore(%arg20 : memref<!tpu.dma_semaphore, #tpu.memory_space<semaphore_mem>>)
      %mul3A_361 = arith.constant 16 : i32
      %mul3A_362 = arith.muli %while3A_164, %mul3A_361 : i32
      %add3A_363 = arith.constant 13 : i32
      %add3A_364 = arith.addi %mul3A_362, %add3A_363 : i32
      %mul3A_365 = arith.constant 72 : i32
      %mul3A_366 = arith.muli %add3A_364, %mul3A_365 : i32
      %slice3A_367 = vector.extract_strided_slice %get3A_168 {offsets = [13], sizes = [1], strides = [1]} : vector<16xi32> to vector<1xi32>
      %squeeze3A_368 = vector.extract %slice3A_367[0] : i32 from vector<1xi32>
      %mul3A_369 = arith.constant 72 : i32
      %mul3A_370 = arith.muli %squeeze3A_368, %mul3A_369 : i32
      %multiple_of3A_371 = tpu.assume_multiple %mul3A_370, 8 : i32
      %dma_start3A_372 = tpu.memref_slice %arg17[%mul3A_366] : memref<55296xf32, #tpu.memory_space<vmem>> -> memref<64xf32, #tpu.memory_space<vmem>>
      %dma_start3A_373 = tpu.memref_slice %arg8[%multiple_of3A_371] : memref<1179720xf32, #tpu.memory_space<hbm>> -> memref<64xf32, #tpu.memory_space<hbm>>
      %dma_start3A_374 = tpu.memref_slice %arg8[%multiple_of3A_371] : memref<1179720xf32, #tpu.memory_space<hbm>> -> memref<64xf32, #tpu.memory_space<hbm>>
      %dma_start3A_375 = tpu.memref_slice %arg17[%mul3A_366] : memref<55296xf32, #tpu.memory_space<vmem>> -> memref<64xf32, #tpu.memory_space<vmem>>
      tpu.enqueue_dma source(%dma_start3A_375 : memref<64xf32, #tpu.memory_space<vmem>>) target(%dma_start3A_374 : memref<64xf32, #tpu.memory_space<hbm>>) target_semaphore(%arg20 : memref<!tpu.dma_semaphore, #tpu.memory_space<semaphore_mem>>)
      %mul3A_376 = arith.constant 16 : i32
      %mul3A_377 = arith.muli %while3A_164, %mul3A_376 : i32
      %add3A_378 = arith.constant 14 : i32
      %add3A_379 = arith.addi %mul3A_377, %add3A_378 : i32
      %mul3A_380 = arith.constant 72 : i32
      %mul3A_381 = arith.muli %add3A_379, %mul3A_380 : i32
      %slice3A_382 = vector.extract_strided_slice %get3A_168 {offsets = [14], sizes = [1], strides = [1]} : vector<16xi32> to vector<1xi32>
      %squeeze3A_383 = vector.extract %slice3A_382[0] : i32 from vector<1xi32>
      %mul3A_384 = arith.constant 72 : i32
      %mul3A_385 = arith.muli %squeeze3A_383, %mul3A_384 : i32
      %multiple_of3A_386 = tpu.assume_multiple %mul3A_385, 8 : i32
      %dma_start3A_387 = tpu.memref_slice %arg17[%mul3A_381] : memref<55296xf32, #tpu.memory_space<vmem>> -> memref<64xf32, #tpu.memory_space<vmem>>
      %dma_start3A_388 = tpu.memref_slice %arg8[%multiple_of3A_386] : memref<1179720xf32, #tpu.memory_space<hbm>> -> memref<64xf32, #tpu.memory_space<hbm>>
      %dma_start3A_389 = tpu.memref_slice %arg8[%multiple_of3A_386] : memref<1179720xf32, #tpu.memory_space<hbm>> -> memref<64xf32, #tpu.memory_space<hbm>>
      %dma_start3A_390 = tpu.memref_slice %arg17[%mul3A_381] : memref<55296xf32, #tpu.memory_space<vmem>> -> memref<64xf32, #tpu.memory_space<vmem>>
      tpu.enqueue_dma source(%dma_start3A_390 : memref<64xf32, #tpu.memory_space<vmem>>) target(%dma_start3A_389 : memref<64xf32, #tpu.memory_space<hbm>>) target_semaphore(%arg20 : memref<!tpu.dma_semaphore, #tpu.memory_space<semaphore_mem>>)
      %mul3A_391 = arith.constant 16 : i32
      %mul3A_392 = arith.muli %while3A_164, %mul3A_391 : i32
      %add3A_393 = arith.constant 15 : i32
      %add3A_394 = arith.addi %mul3A_392, %add3A_393 : i32
      %mul3A_395 = arith.constant 72 : i32
      %mul3A_396 = arith.muli %add3A_394, %mul3A_395 : i32
      %slice3A_397 = vector.extract_strided_slice %get3A_168 {offsets = [15], sizes = [1], strides = [1]} : vector<16xi32> to vector<1xi32>
      %squeeze3A_398 = vector.extract %slice3A_397[0] : i32 from vector<1xi32>
      %mul3A_399 = arith.constant 72 : i32
      %mul3A_400 = arith.muli %squeeze3A_398, %mul3A_399 : i32
      %multiple_of3A_401 = tpu.assume_multiple %mul3A_400, 8 : i32
      %dma_start3A_402 = tpu.memref_slice %arg17[%mul3A_396] : memref<55296xf32, #tpu.memory_space<vmem>> -> memref<64xf32, #tpu.memory_space<vmem>>
      %dma_start3A_403 = tpu.memref_slice %arg8[%multiple_of3A_401] : memref<1179720xf32, #tpu.memory_space<hbm>> -> memref<64xf32, #tpu.memory_space<hbm>>
      %dma_start3A_404 = tpu.memref_slice %arg8[%multiple_of3A_401] : memref<1179720xf32, #tpu.memory_space<hbm>> -> memref<64xf32, #tpu.memory_space<hbm>>
      %dma_start3A_405 = tpu.memref_slice %arg17[%mul3A_396] : memref<55296xf32, #tpu.memory_space<vmem>> -> memref<64xf32, #tpu.memory_space<vmem>>
      tpu.enqueue_dma source(%dma_start3A_405 : memref<64xf32, #tpu.memory_space<vmem>>) target(%dma_start3A_404 : memref<64xf32, #tpu.memory_space<hbm>>) target_semaphore(%arg20 : memref<!tpu.dma_semaphore, #tpu.memory_space<semaphore_mem>>)
      %while3A_406 = arith.constant 0 : i32
      scf.yield %while3A_406 : i32
    }
    %mul3A_117 = arith.constant 16 : i32
    %mul3A_118 = arith.muli %select_n3A, %mul3A_117 : i32
    %while3A_119 = arith.constant 0 : i32
    %while3A_120 = arith.constant 0 : i32
    %while3A_121 = arith.subi %mul3A_118, %while3A_119 : i32
    %while3A_122 = arith.addi %while3A_119, %while3A_121 : i32
    %while3A_123 = arith.constant 1 : i32
    %while3A_124 = arith.divsi %while3A_121, %while3A_123 : i32
    %while3A_125 = arith.muli %while3A_124, %while3A_123 : i32
    %while3A_126 = arith.addi %while3A_119, %while3A_125 : i32
    %while3A_127 = arith.constant 1 : i32
    %while3A_128 = scf.for %while3A_164 = %while3A_119 to %while3A_126 step %while3A_127 iter_args(%while3A_165 = %while3A_120) -> (i32)  : i32 {
      %dma_wait3A = arith.constant 0 : i32
      %dma_wait3A_166 = tpu.memref_slice %arg17[%dma_wait3A] : memref<55296xf32, #tpu.memory_space<vmem>> -> memref<64xf32, #tpu.memory_space<vmem>>
      %dma_wait3A_167 = arith.constant 1179648 : i32
      %dma_wait3A_168 = tpu.memref_slice %arg8[%dma_wait3A_167] : memref<1179720xf32, #tpu.memory_space<hbm>> -> memref<64xf32, #tpu.memory_space<hbm>>
      %dma_wait3A_169 = arith.constant 1179648 : i32
      %dma_wait3A_170 = tpu.memref_slice %arg8[%dma_wait3A_169] : memref<1179720xf32, #tpu.memory_space<hbm>> -> memref<64xf32, #tpu.memory_space<hbm>>
      %dma_wait3A_171 = arith.constant 0 : i32
      %dma_wait3A_172 = tpu.memref_slice %arg17[%dma_wait3A_171] : memref<55296xf32, #tpu.memory_space<vmem>> -> memref<64xf32, #tpu.memory_space<vmem>>
      tpu.wait_dma2 semaphore(%arg20 : memref<!tpu.dma_semaphore, #tpu.memory_space<semaphore_mem>>) src(%dma_wait3A_172 : memref<64xf32, #tpu.memory_space<vmem>>) dst(%dma_wait3A_170 : memref<64xf32, #tpu.memory_space<hbm>>)
      %while3A_173 = arith.constant 0 : i32
      scf.yield %while3A_173 : i32
    }
    %while3A_129 = arith.constant 1 : i32
    %while3A_130 = scf.for %while3A_164 = %while3A_126 to %while3A_122 step %while3A_129 iter_args(%while3A_165 = %while3A_128) -> (i32)  : i32 {
      %dma_wait3A = arith.constant 0 : i32
      %dma_wait3A_166 = tpu.memref_slice %arg17[%dma_wait3A] : memref<55296xf32, #tpu.memory_space<vmem>> -> memref<64xf32, #tpu.memory_space<vmem>>
      %dma_wait3A_167 = arith.constant 1179648 : i32
      %dma_wait3A_168 = tpu.memref_slice %arg8[%dma_wait3A_167] : memref<1179720xf32, #tpu.memory_space<hbm>> -> memref<64xf32, #tpu.memory_space<hbm>>
      %dma_wait3A_169 = arith.constant 1179648 : i32
      %dma_wait3A_170 = tpu.memref_slice %arg8[%dma_wait3A_169] : memref<1179720xf32, #tpu.memory_space<hbm>> -> memref<64xf32, #tpu.memory_space<hbm>>
      %dma_wait3A_171 = arith.constant 0 : i32
      %dma_wait3A_172 = tpu.memref_slice %arg17[%dma_wait3A_171] : memref<55296xf32, #tpu.memory_space<vmem>> -> memref<64xf32, #tpu.memory_space<vmem>>
      tpu.wait_dma2 semaphore(%arg20 : memref<!tpu.dma_semaphore, #tpu.memory_space<semaphore_mem>>) src(%dma_wait3A_172 : memref<64xf32, #tpu.memory_space<vmem>>) dst(%dma_wait3A_170 : memref<64xf32, #tpu.memory_space<hbm>>)
      %while3A_173 = arith.constant 0 : i32
      scf.yield %while3A_173 : i32
    }
    %scan3A_131 = arith.constant 0 : i32
    %scan3A_132 = arith.constant 0 : i32
    %scan3A_133 = arith.constant 32 : i32
    %scan3A_134 = arith.addi %scan3A_132, %scan3A_133 : i32
    %scan3A_135 = arith.constant 1 : i32
    %scan3A_136 = scf.for %scan3A_164 = %scan3A_132 to %scan3A_134 step %scan3A_135 iter_args(%scan3A_165 = %scan3A_131) -> (i32)  : i32 {
      %mul3A_166 = arith.constant 2 : i32
      %mul3A_167 = arith.muli %scan3A_164, %mul3A_166 : i32
      %not3A_168 = arith.constant true
      %not3A_169 = arith.xori %eq3A_6, %not3A_168 : i1
      %convert_element_type3A_170 = arith.extui %not3A_169 : i1 to i32
      %cond3A_171 = arith.constant 0 : i32
      %cond3A_172 = arith.cmpi ne, %convert_element_type3A_170, %cond3A_171 : i32
      scf.if %cond3A_172 {
        %multiple_of3A = tpu.assume_multiple %min3A_3, 128 : i32
        %dma_wait3A = tpu.memref_slice %arg5[%mul3A_167, %multiple_of3A] : memref<64x1000001xf32, #tpu.memory_space<hbm>> -> memref<1x31360xf32, #tpu.memory_space<hbm>>
        %dma_wait3A_229 = tpu.memref_squeeze %dma_wait3A : memref<1x31360xf32, #tpu.memory_space<hbm>> -> memref<31360xf32, #tpu.memory_space<hbm>>
        %dma_wait3A_230 = tpu.memref_slice %arg5[%mul3A_167, %multiple_of3A] : memref<64x1000001xf32, #tpu.memory_space<hbm>> -> memref<1x31360xf32, #tpu.memory_space<hbm>>
        %dma_wait3A_231 = tpu.memref_squeeze %dma_wait3A_230 : memref<1x31360xf32, #tpu.memory_space<hbm>> -> memref<31360xf32, #tpu.memory_space<hbm>>
        tpu.wait_dma2 semaphore(%arg18 : memref<!tpu.dma_semaphore, #tpu.memory_space<semaphore_mem>>) src(%dma_wait3A_231 : memref<31360xf32, #tpu.memory_space<hbm>>) dst(%arg15 : memref<31360xf32, #tpu.memory_space<vmem>>)
      } else {
      }
      %convert_element_type3A_173 = arith.extui %eq3A_6 : i1 to i32
      %cond3A_174 = arith.constant 0 : i32
      %cond3A_175 = arith.cmpi ne, %convert_element_type3A_173, %cond3A_174 : i32
      scf.if %cond3A_175 {
        %multiple_of3A = tpu.assume_multiple %min3A_3, 128 : i32
        %dma_wait3A = arith.constant 0 : i32
        %dma_wait3A_229 = tpu.memref_slice %arg15[%dma_wait3A] : memref<31360xf32, #tpu.memory_space<vmem>> -> memref<31104xf32, #tpu.memory_space<vmem>>
        %dma_wait3A_230 = tpu.memref_slice %arg5[%mul3A_167, %multiple_of3A] : memref<64x1000001xf32, #tpu.memory_space<hbm>> -> memref<1x31104xf32, #tpu.memory_space<hbm>>
        %dma_wait3A_231 = tpu.memref_squeeze %dma_wait3A_230 : memref<1x31104xf32, #tpu.memory_space<hbm>> -> memref<31104xf32, #tpu.memory_space<hbm>>
        %dma_wait3A_232 = arith.constant 0 : i32
        %dma_wait3A_233 = tpu.memref_slice %arg15[%dma_wait3A_232] : memref<31360xf32, #tpu.memory_space<vmem>> -> memref<31104xf32, #tpu.memory_space<vmem>>
        %dma_wait3A_234 = tpu.memref_slice %arg5[%mul3A_167, %multiple_of3A] : memref<64x1000001xf32, #tpu.memory_space<hbm>> -> memref<1x31104xf32, #tpu.memory_space<hbm>>
        %dma_wait3A_235 = tpu.memref_squeeze %dma_wait3A_234 : memref<1x31104xf32, #tpu.memory_space<hbm>> -> memref<31104xf32, #tpu.memory_space<hbm>>
        tpu.wait_dma2 semaphore(%arg18 : memref<!tpu.dma_semaphore, #tpu.memory_space<semaphore_mem>>) src(%dma_wait3A_235 : memref<31104xf32, #tpu.memory_space<hbm>>) dst(%dma_wait3A_233 : memref<31104xf32, #tpu.memory_space<vmem>>)
        %dma_wait3A_236 = arith.constant 31104 : i32
        %dma_wait3A_237 = tpu.memref_slice %arg15[%dma_wait3A_236] : memref<31360xf32, #tpu.memory_space<vmem>> -> memref<128xf32, #tpu.memory_space<vmem>>
        %dma_wait3A_238 = arith.constant 0 : i32
        %dma_wait3A_239 = tpu.memref_slice %arg7[%mul3A_167, %dma_wait3A_238] : memref<64x128xf32, #tpu.memory_space<hbm>> -> memref<1x128xf32, #tpu.memory_space<hbm>>
        %dma_wait3A_240 = tpu.memref_squeeze %dma_wait3A_239 : memref<1x128xf32, #tpu.memory_space<hbm>> -> memref<128xf32, #tpu.memory_space<hbm>>
        %dma_wait3A_241 = arith.constant 31104 : i32
        %dma_wait3A_242 = tpu.memref_slice %arg15[%dma_wait3A_241] : memref<31360xf32, #tpu.memory_space<vmem>> -> memref<128xf32, #tpu.memory_space<vmem>>
        %dma_wait3A_243 = arith.constant 0 : i32
        %dma_wait3A_244 = tpu.memref_slice %arg7[%mul3A_167, %dma_wait3A_243] : memref<64x128xf32, #tpu.memory_space<hbm>> -> memref<1x128xf32, #tpu.memory_space<hbm>>
        %dma_wait3A_245 = tpu.memref_squeeze %dma_wait3A_244 : memref<1x128xf32, #tpu.memory_space<hbm>> -> memref<128xf32, #tpu.memory_space<hbm>>
        tpu.wait_dma2 semaphore(%arg18 : memref<!tpu.dma_semaphore, #tpu.memory_space<semaphore_mem>>) src(%dma_wait3A_245 : memref<128xf32, #tpu.memory_space<hbm>>) dst(%dma_wait3A_242 : memref<128xf32, #tpu.memory_space<vmem>>)
      } else {
      }
      %add3A_176 = arith.constant 1 : i32
      %add3A_177 = arith.addi %mul3A_167, %add3A_176 : i32
      %not3A_178 = arith.constant true
      %not3A_179 = arith.xori %eq3A_6, %not3A_178 : i1
      %convert_element_type3A_180 = arith.extui %not3A_179 : i1 to i32
      %cond3A_181 = arith.constant 0 : i32
      %cond3A_182 = arith.cmpi ne, %convert_element_type3A_180, %cond3A_181 : i32
      scf.if %cond3A_182 {
        %multiple_of3A = tpu.assume_multiple %min3A_3, 128 : i32
        %dma_start3A = tpu.memref_slice %arg5[%add3A_177, %multiple_of3A] : memref<64x1000001xf32, #tpu.memory_space<hbm>> -> memref<1x31360xf32, #tpu.memory_space<hbm>>
        %dma_start3A_229 = tpu.memref_squeeze %dma_start3A : memref<1x31360xf32, #tpu.memory_space<hbm>> -> memref<31360xf32, #tpu.memory_space<hbm>>
        %dma_start3A_230 = tpu.memref_slice %arg5[%add3A_177, %multiple_of3A] : memref<64x1000001xf32, #tpu.memory_space<hbm>> -> memref<1x31360xf32, #tpu.memory_space<hbm>>
        %dma_start3A_231 = tpu.memref_squeeze %dma_start3A_230 : memref<1x31360xf32, #tpu.memory_space<hbm>> -> memref<31360xf32, #tpu.memory_space<hbm>>
        tpu.enqueue_dma source(%dma_start3A_231 : memref<31360xf32, #tpu.memory_space<hbm>>) target(%arg16 : memref<31360xf32, #tpu.memory_space<vmem>>) target_semaphore(%arg19 : memref<!tpu.dma_semaphore, #tpu.memory_space<semaphore_mem>>)
      } else {
      }
      %convert_element_type3A_183 = arith.extui %eq3A_6 : i1 to i32
      %cond3A_184 = arith.constant 0 : i32
      %cond3A_185 = arith.cmpi ne, %convert_element_type3A_183, %cond3A_184 : i32
      scf.if %cond3A_185 {
        %multiple_of3A = tpu.assume_multiple %min3A_3, 128 : i32
        %dma_start3A = arith.constant 0 : i32
        %dma_start3A_229 = tpu.memref_slice %arg16[%dma_start3A] : memref<31360xf32, #tpu.memory_space<vmem>> -> memref<31104xf32, #tpu.memory_space<vmem>>
        %dma_start3A_230 = tpu.memref_slice %arg5[%add3A_177, %multiple_of3A] : memref<64x1000001xf32, #tpu.memory_space<hbm>> -> memref<1x31104xf32, #tpu.memory_space<hbm>>
        %dma_start3A_231 = tpu.memref_squeeze %dma_start3A_230 : memref<1x31104xf32, #tpu.memory_space<hbm>> -> memref<31104xf32, #tpu.memory_space<hbm>>
        %dma_start3A_232 = arith.constant 0 : i32
        %dma_start3A_233 = tpu.memref_slice %arg16[%dma_start3A_232] : memref<31360xf32, #tpu.memory_space<vmem>> -> memref<31104xf32, #tpu.memory_space<vmem>>
        %dma_start3A_234 = tpu.memref_slice %arg5[%add3A_177, %multiple_of3A] : memref<64x1000001xf32, #tpu.memory_space<hbm>> -> memref<1x31104xf32, #tpu.memory_space<hbm>>
        %dma_start3A_235 = tpu.memref_squeeze %dma_start3A_234 : memref<1x31104xf32, #tpu.memory_space<hbm>> -> memref<31104xf32, #tpu.memory_space<hbm>>
        tpu.enqueue_dma source(%dma_start3A_235 : memref<31104xf32, #tpu.memory_space<hbm>>) target(%dma_start3A_233 : memref<31104xf32, #tpu.memory_space<vmem>>) target_semaphore(%arg19 : memref<!tpu.dma_semaphore, #tpu.memory_space<semaphore_mem>>)
        %dma_start3A_236 = arith.constant 31104 : i32
        %dma_start3A_237 = tpu.memref_slice %arg16[%dma_start3A_236] : memref<31360xf32, #tpu.memory_space<vmem>> -> memref<128xf32, #tpu.memory_space<vmem>>
        %dma_start3A_238 = arith.constant 0 : i32
        %dma_start3A_239 = tpu.memref_slice %arg7[%add3A_177, %dma_start3A_238] : memref<64x128xf32, #tpu.memory_space<hbm>> -> memref<1x128xf32, #tpu.memory_space<hbm>>
        %dma_start3A_240 = tpu.memref_squeeze %dma_start3A_239 : memref<1x128xf32, #tpu.memory_space<hbm>> -> memref<128xf32, #tpu.memory_space<hbm>>
        %dma_start3A_241 = arith.constant 31104 : i32
        %dma_start3A_242 = tpu.memref_slice %arg16[%dma_start3A_241] : memref<31360xf32, #tpu.memory_space<vmem>> -> memref<128xf32, #tpu.memory_space<vmem>>
        %dma_start3A_243 = arith.constant 0 : i32
        %dma_start3A_244 = tpu.memref_slice %arg7[%add3A_177, %dma_start3A_243] : memref<64x128xf32, #tpu.memory_space<hbm>> -> memref<1x128xf32, #tpu.memory_space<hbm>>
        %dma_start3A_245 = tpu.memref_squeeze %dma_start3A_244 : memref<1x128xf32, #tpu.memory_space<hbm>> -> memref<128xf32, #tpu.memory_space<hbm>>
        tpu.enqueue_dma source(%dma_start3A_245 : memref<128xf32, #tpu.memory_space<hbm>>) target(%dma_start3A_242 : memref<128xf32, #tpu.memory_space<vmem>>) target_semaphore(%arg19 : memref<!tpu.dma_semaphore, #tpu.memory_space<semaphore_mem>>)
      } else {
      }
      %while3A_186 = arith.constant 0 : i32
      %while3A_187 = arith.constant 0 : i32
      %while3A_188 = arith.subi %select_n3A_90, %while3A_186 : i32
      %while3A_189 = arith.addi %while3A_186, %while3A_188 : i32
      %while3A_190 = arith.constant 1 : i32
      %while3A_191 = arith.divsi %while3A_188, %while3A_190 : i32
      %while3A_192 = arith.muli %while3A_191, %while3A_190 : i32
      %while3A_193 = arith.addi %while3A_186, %while3A_192 : i32
      %while3A_194 = arith.constant 1 : i32
      %while3A_195 = scf.for %while3A_229 = %while3A_186 to %while3A_193 step %while3A_194 iter_args(%while3A_230 = %while3A_187) -> (i32)  : i32 {
        %mul3A_231 = arith.constant 16 : i32
        %mul3A_232 = arith.muli %while3A_229, %mul3A_231 : i32
        %multiple_of3A = tpu.assume_multiple %mul3A_232, 16 : i32
        %get3A = arith.index_cast %multiple_of3A : i32 to index
        %get3A_233 = tpu.vector_load %arg13[%get3A] {strides = array<i32>} : memref<784xi32, #tpu.memory_space<vmem>>, vector<16xi32>,
        %gather3A = tpu.vector_load_idx %arg15[%get3A_233] : memref<31360xf32, #tpu.memory_space<vmem>>[vector<16xi32>], vector<16xf32>,
        %mul3A_234 = arith.constant 16 : i32
        %mul3A_235 = arith.muli %while3A_229, %mul3A_234 : i32
        %add3A_236 = vector.broadcast %mul3A_235 : i32 to vector<16xi32>
        %add3A_237 = arith.addi %add3A_236, %iota3A : vector<16xi32>
        %mul3A_238 = arith.constant 72 : i32
        %mul3A_239 = vector.broadcast %mul3A_238 : i32 to vector<16xi32>
        %mul3A_240 = arith.muli %add3A_237, %mul3A_239 : vector<16xi32>
        %add3A_241 = vector.broadcast %mul3A_167 : i32 to vector<16xi32>
        %add3A_242 = arith.addi %mul3A_240, %add3A_241 : vector<16xi32>
        tpu.vector_store_idx %arg17[%add3A_242], %gather3A : memref<55296xf32, #tpu.memory_space<vmem>>[vector<16xi32>], vector<16xf32>,
        %while3A_243 = arith.constant 0 : i32
        scf.yield %while3A_243 : i32
      }
      %while3A_196 = arith.constant 1 : i32
      %while3A_197 = scf.for %while3A_229 = %while3A_193 to %while3A_189 step %while3A_196 iter_args(%while3A_230 = %while3A_195) -> (i32)  : i32 {
        %mul3A_231 = arith.constant 16 : i32
        %mul3A_232 = arith.muli %while3A_229, %mul3A_231 : i32
        %multiple_of3A = tpu.assume_multiple %mul3A_232, 16 : i32
        %get3A = arith.index_cast %multiple_of3A : i32 to index
        %get3A_233 = tpu.vector_load %arg13[%get3A] {strides = array<i32>} : memref<784xi32, #tpu.memory_space<vmem>>, vector<16xi32>,
        %gather3A = tpu.vector_load_idx %arg15[%get3A_233] : memref<31360xf32, #tpu.memory_space<vmem>>[vector<16xi32>], vector<16xf32>,
        %mul3A_234 = arith.constant 16 : i32
        %mul3A_235 = arith.muli %while3A_229, %mul3A_234 : i32
        %add3A_236 = vector.broadcast %mul3A_235 : i32 to vector<16xi32>
        %add3A_237 = arith.addi %add3A_236, %iota3A : vector<16xi32>
        %mul3A_238 = arith.constant 72 : i32
        %mul3A_239 = vector.broadcast %mul3A_238 : i32 to vector<16xi32>
        %mul3A_240 = arith.muli %add3A_237, %mul3A_239 : vector<16xi32>
        %add3A_241 = vector.broadcast %mul3A_167 : i32 to vector<16xi32>
        %add3A_242 = arith.addi %mul3A_240, %add3A_241 : vector<16xi32>
        tpu.vector_store_idx %arg17[%add3A_242], %gather3A : memref<55296xf32, #tpu.memory_space<vmem>>[vector<16xi32>], vector<16xf32>,
        %while3A_243 = arith.constant 0 : i32
        scf.yield %while3A_243 : i32
      }
      %add3A_198 = arith.constant 1 : i32
      %add3A_199 = arith.addi %mul3A_167, %add3A_198 : i32
      %not3A_200 = arith.constant true
      %not3A_201 = arith.xori %eq3A_6, %not3A_200 : i1
      %convert_element_type3A_202 = arith.extui %not3A_201 : i1 to i32
      %cond3A_203 = arith.constant 0 : i32
      %cond3A_204 = arith.cmpi ne, %convert_element_type3A_202, %cond3A_203 : i32
      scf.if %cond3A_204 {
        %multiple_of3A = tpu.assume_multiple %min3A_3, 128 : i32
        %dma_wait3A = tpu.memref_slice %arg5[%add3A_199, %multiple_of3A] : memref<64x1000001xf32, #tpu.memory_space<hbm>> -> memref<1x31360xf32, #tpu.memory_space<hbm>>
        %dma_wait3A_229 = tpu.memref_squeeze %dma_wait3A : memref<1x31360xf32, #tpu.memory_space<hbm>> -> memref<31360xf32, #tpu.memory_space<hbm>>
        %dma_wait3A_230 = tpu.memref_slice %arg5[%add3A_199, %multiple_of3A] : memref<64x1000001xf32, #tpu.memory_space<hbm>> -> memref<1x31360xf32, #tpu.memory_space<hbm>>
        %dma_wait3A_231 = tpu.memref_squeeze %dma_wait3A_230 : memref<1x31360xf32, #tpu.memory_space<hbm>> -> memref<31360xf32, #tpu.memory_space<hbm>>
        tpu.wait_dma2 semaphore(%arg19 : memref<!tpu.dma_semaphore, #tpu.memory_space<semaphore_mem>>) src(%dma_wait3A_231 : memref<31360xf32, #tpu.memory_space<hbm>>) dst(%arg16 : memref<31360xf32, #tpu.memory_space<vmem>>)
      } else {
      }
      %convert_element_type3A_205 = arith.extui %eq3A_6 : i1 to i32
      %cond3A_206 = arith.constant 0 : i32
      %cond3A_207 = arith.cmpi ne, %convert_element_type3A_205, %cond3A_206 : i32
      scf.if %cond3A_207 {
        %multiple_of3A = tpu.assume_multiple %min3A_3, 128 : i32
        %dma_wait3A = arith.constant 0 : i32
        %dma_wait3A_229 = tpu.memref_slice %arg16[%dma_wait3A] : memref<31360xf32, #tpu.memory_space<vmem>> -> memref<31104xf32, #tpu.memory_space<vmem>>
        %dma_wait3A_230 = tpu.memref_slice %arg5[%add3A_199, %multiple_of3A] : memref<64x1000001xf32, #tpu.memory_space<hbm>> -> memref<1x31104xf32, #tpu.memory_space<hbm>>
        %dma_wait3A_231 = tpu.memref_squeeze %dma_wait3A_230 : memref<1x31104xf32, #tpu.memory_space<hbm>> -> memref<31104xf32, #tpu.memory_space<hbm>>
        %dma_wait3A_232 = arith.constant 0 : i32
        %dma_wait3A_233 = tpu.memref_slice %arg16[%dma_wait3A_232] : memref<31360xf32, #tpu.memory_space<vmem>> -> memref<31104xf32, #tpu.memory_space<vmem>>
        %dma_wait3A_234 = tpu.memref_slice %arg5[%add3A_199, %multiple_of3A] : memref<64x1000001xf32, #tpu.memory_space<hbm>> -> memref<1x31104xf32, #tpu.memory_space<hbm>>
        %dma_wait3A_235 = tpu.memref_squeeze %dma_wait3A_234 : memref<1x31104xf32, #tpu.memory_space<hbm>> -> memref<31104xf32, #tpu.memory_space<hbm>>
        tpu.wait_dma2 semaphore(%arg19 : memref<!tpu.dma_semaphore, #tpu.memory_space<semaphore_mem>>) src(%dma_wait3A_235 : memref<31104xf32, #tpu.memory_space<hbm>>) dst(%dma_wait3A_233 : memref<31104xf32, #tpu.memory_space<vmem>>)
        %dma_wait3A_236 = arith.constant 31104 : i32
        %dma_wait3A_237 = tpu.memref_slice %arg16[%dma_wait3A_236] : memref<31360xf32, #tpu.memory_space<vmem>> -> memref<128xf32, #tpu.memory_space<vmem>>
        %dma_wait3A_238 = arith.constant 0 : i32
        %dma_wait3A_239 = tpu.memref_slice %arg7[%add3A_199, %dma_wait3A_238] : memref<64x128xf32, #tpu.memory_space<hbm>> -> memref<1x128xf32, #tpu.memory_space<hbm>>
        %dma_wait3A_240 = tpu.memref_squeeze %dma_wait3A_239 : memref<1x128xf32, #tpu.memory_space<hbm>> -> memref<128xf32, #tpu.memory_space<hbm>>
        %dma_wait3A_241 = arith.constant 31104 : i32
        %dma_wait3A_242 = tpu.memref_slice %arg16[%dma_wait3A_241] : memref<31360xf32, #tpu.memory_space<vmem>> -> memref<128xf32, #tpu.memory_space<vmem>>
        %dma_wait3A_243 = arith.constant 0 : i32
        %dma_wait3A_244 = tpu.memref_slice %arg7[%add3A_199, %dma_wait3A_243] : memref<64x128xf32, #tpu.memory_space<hbm>> -> memref<1x128xf32, #tpu.memory_space<hbm>>
        %dma_wait3A_245 = tpu.memref_squeeze %dma_wait3A_244 : memref<1x128xf32, #tpu.memory_space<hbm>> -> memref<128xf32, #tpu.memory_space<hbm>>
        tpu.wait_dma2 semaphore(%arg19 : memref<!tpu.dma_semaphore, #tpu.memory_space<semaphore_mem>>) src(%dma_wait3A_245 : memref<128xf32, #tpu.memory_space<hbm>>) dst(%dma_wait3A_242 : memref<128xf32, #tpu.memory_space<vmem>>)
      } else {
      }
      %add3A_208 = arith.constant 1 : i32
      %add3A_209 = arith.addi %scan3A_164, %add3A_208 : i32
      %lt3A = arith.constant 32 : i32
      %lt3A_210 = arith.cmpi slt, %add3A_209, %lt3A : i32
      %convert_element_type3A_211 = arith.extui %lt3A_210 : i1 to i32
      %cond3A_212 = arith.constant 0 : i32
      %cond3A_213 = arith.cmpi ne, %convert_element_type3A_211, %cond3A_212 : i32
      scf.if %cond3A_213 {
        %add3A_229 = arith.constant 2 : i32
        %add3A_230 = arith.addi %mul3A_167, %add3A_229 : i32
        %not3A_231 = arith.constant true
        %not3A_232 = arith.xori %eq3A_6, %not3A_231 : i1
        %convert_element_type3A_233 = arith.extui %not3A_232 : i1 to i32
        %cond3A_234 = arith.constant 0 : i32
        %cond3A_235 = arith.cmpi ne, %convert_element_type3A_233, %cond3A_234 : i32
        scf.if %cond3A_235 {
          %multiple_of3A = tpu.assume_multiple %min3A_3, 128 : i32
          %dma_start3A = tpu.memref_slice %arg5[%add3A_230, %multiple_of3A] : memref<64x1000001xf32, #tpu.memory_space<hbm>> -> memref<1x31360xf32, #tpu.memory_space<hbm>>
          %dma_start3A_239 = tpu.memref_squeeze %dma_start3A : memref<1x31360xf32, #tpu.memory_space<hbm>> -> memref<31360xf32, #tpu.memory_space<hbm>>
          %dma_start3A_240 = tpu.memref_slice %arg5[%add3A_230, %multiple_of3A] : memref<64x1000001xf32, #tpu.memory_space<hbm>> -> memref<1x31360xf32, #tpu.memory_space<hbm>>
          %dma_start3A_241 = tpu.memref_squeeze %dma_start3A_240 : memref<1x31360xf32, #tpu.memory_space<hbm>> -> memref<31360xf32, #tpu.memory_space<hbm>>
          tpu.enqueue_dma source(%dma_start3A_241 : memref<31360xf32, #tpu.memory_space<hbm>>) target(%arg15 : memref<31360xf32, #tpu.memory_space<vmem>>) target_semaphore(%arg18 : memref<!tpu.dma_semaphore, #tpu.memory_space<semaphore_mem>>)
        } else {
        }
        %convert_element_type3A_236 = arith.extui %eq3A_6 : i1 to i32
        %cond3A_237 = arith.constant 0 : i32
        %cond3A_238 = arith.cmpi ne, %convert_element_type3A_236, %cond3A_237 : i32
        scf.if %cond3A_238 {
          %multiple_of3A = tpu.assume_multiple %min3A_3, 128 : i32
          %dma_start3A = arith.constant 0 : i32
          %dma_start3A_239 = tpu.memref_slice %arg15[%dma_start3A] : memref<31360xf32, #tpu.memory_space<vmem>> -> memref<31104xf32, #tpu.memory_space<vmem>>
          %dma_start3A_240 = tpu.memref_slice %arg5[%add3A_230, %multiple_of3A] : memref<64x1000001xf32, #tpu.memory_space<hbm>> -> memref<1x31104xf32, #tpu.memory_space<hbm>>
          %dma_start3A_241 = tpu.memref_squeeze %dma_start3A_240 : memref<1x31104xf32, #tpu.memory_space<hbm>> -> memref<31104xf32, #tpu.memory_space<hbm>>
          %dma_start3A_242 = arith.constant 0 : i32
          %dma_start3A_243 = tpu.memref_slice %arg15[%dma_start3A_242] : memref<31360xf32, #tpu.memory_space<vmem>> -> memref<31104xf32, #tpu.memory_space<vmem>>
          %dma_start3A_244 = tpu.memref_slice %arg5[%add3A_230, %multiple_of3A] : memref<64x1000001xf32, #tpu.memory_space<hbm>> -> memref<1x31104xf32, #tpu.memory_space<hbm>>
          %dma_start3A_245 = tpu.memref_squeeze %dma_start3A_244 : memref<1x31104xf32, #tpu.memory_space<hbm>> -> memref<31104xf32, #tpu.memory_space<hbm>>
          tpu.enqueue_dma source(%dma_start3A_245 : memref<31104xf32, #tpu.memory_space<hbm>>) target(%dma_start3A_243 : memref<31104xf32, #tpu.memory_space<vmem>>) target_semaphore(%arg18 : memref<!tpu.dma_semaphore, #tpu.memory_space<semaphore_mem>>)
          %dma_start3A_246 = arith.constant 31104 : i32
          %dma_start3A_247 = tpu.memref_slice %arg15[%dma_start3A_246] : memref<31360xf32, #tpu.memory_space<vmem>> -> memref<128xf32, #tpu.memory_space<vmem>>
          %dma_start3A_248 = arith.constant 0 : i32
          %dma_start3A_249 = tpu.memref_slice %arg7[%add3A_230, %dma_start3A_248] : memref<64x128xf32, #tpu.memory_space<hbm>> -> memref<1x128xf32, #tpu.memory_space<hbm>>
          %dma_start3A_250 = tpu.memref_squeeze %dma_start3A_249 : memref<1x128xf32, #tpu.memory_space<hbm>> -> memref<128xf32, #tpu.memory_space<hbm>>
          %dma_start3A_251 = arith.constant 31104 : i32
          %dma_start3A_252 = tpu.memref_slice %arg15[%dma_start3A_251] : memref<31360xf32, #tpu.memory_space<vmem>> -> memref<128xf32, #tpu.memory_space<vmem>>
          %dma_start3A_253 = arith.constant 0 : i32
          %dma_start3A_254 = tpu.memref_slice %arg7[%add3A_230, %dma_start3A_253] : memref<64x128xf32, #tpu.memory_space<hbm>> -> memref<1x128xf32, #tpu.memory_space<hbm>>
          %dma_start3A_255 = tpu.memref_squeeze %dma_start3A_254 : memref<1x128xf32, #tpu.memory_space<hbm>> -> memref<128xf32, #tpu.memory_space<hbm>>
          tpu.enqueue_dma source(%dma_start3A_255 : memref<128xf32, #tpu.memory_space<hbm>>) target(%dma_start3A_252 : memref<128xf32, #tpu.memory_space<vmem>>) target_semaphore(%arg18 : memref<!tpu.dma_semaphore, #tpu.memory_space<semaphore_mem>>)
        } else {
        }
      } else {
      }
      %add3A_214 = arith.constant 1 : i32
      %add3A_215 = arith.addi %mul3A_167, %add3A_214 : i32
      %while3A_216 = arith.constant 0 : i32
      %while3A_217 = arith.constant 0 : i32
      %while3A_218 = arith.subi %select_n3A_90, %while3A_216 : i32
      %while3A_219 = arith.addi %while3A_216, %while3A_218 : i32
      %while3A_220 = arith.constant 1 : i32
      %while3A_221 = arith.divsi %while3A_218, %while3A_220 : i32
      %while3A_222 = arith.muli %while3A_221, %while3A_220 : i32
      %while3A_223 = arith.addi %while3A_216, %while3A_222 : i32
      %while3A_224 = arith.constant 1 : i32
      %while3A_225 = scf.for %while3A_229 = %while3A_216 to %while3A_223 step %while3A_224 iter_args(%while3A_230 = %while3A_217) -> (i32)  : i32 {
        %mul3A_231 = arith.constant 16 : i32
        %mul3A_232 = arith.muli %while3A_229, %mul3A_231 : i32
        %multiple_of3A = tpu.assume_multiple %mul3A_232, 16 : i32
        %get3A = arith.index_cast %multiple_of3A : i32 to index
        %get3A_233 = tpu.vector_load %arg13[%get3A] {strides = array<i32>} : memref<784xi32, #tpu.memory_space<vmem>>, vector<16xi32>,
        %gather3A = tpu.vector_load_idx %arg16[%get3A_233] : memref<31360xf32, #tpu.memory_space<vmem>>[vector<16xi32>], vector<16xf32>,
        %mul3A_234 = arith.constant 16 : i32
        %mul3A_235 = arith.muli %while3A_229, %mul3A_234 : i32
        %add3A_236 = vector.broadcast %mul3A_235 : i32 to vector<16xi32>
        %add3A_237 = arith.addi %add3A_236, %iota3A : vector<16xi32>
        %mul3A_238 = arith.constant 72 : i32
        %mul3A_239 = vector.broadcast %mul3A_238 : i32 to vector<16xi32>
        %mul3A_240 = arith.muli %add3A_237, %mul3A_239 : vector<16xi32>
        %add3A_241 = vector.broadcast %add3A_215 : i32 to vector<16xi32>
        %add3A_242 = arith.addi %mul3A_240, %add3A_241 : vector<16xi32>
        tpu.vector_store_idx %arg17[%add3A_242], %gather3A : memref<55296xf32, #tpu.memory_space<vmem>>[vector<16xi32>], vector<16xf32>,
        %while3A_243 = arith.constant 0 : i32
        scf.yield %while3A_243 : i32
      }
      %while3A_226 = arith.constant 1 : i32
      %while3A_227 = scf.for %while3A_229 = %while3A_223 to %while3A_219 step %while3A_226 iter_args(%while3A_230 = %while3A_225) -> (i32)  : i32 {
        %mul3A_231 = arith.constant 16 : i32
        %mul3A_232 = arith.muli %while3A_229, %mul3A_231 : i32
        %multiple_of3A = tpu.assume_multiple %mul3A_232, 16 : i32
        %get3A = arith.index_cast %multiple_of3A : i32 to index
        %get3A_233 = tpu.vector_load %arg13[%get3A] {strides = array<i32>} : memref<784xi32, #tpu.memory_space<vmem>>, vector<16xi32>,
        %gather3A = tpu.vector_load_idx %arg16[%get3A_233] : memref<31360xf32, #tpu.memory_space<vmem>>[vector<16xi32>], vector<16xf32>,
        %mul3A_234 = arith.constant 16 : i32
        %mul3A_235 = arith.muli %while3A_229, %mul3A_234 : i32
        %add3A_236 = vector.broadcast %mul3A_235 : i32 to vector<16xi32>
        %add3A_237 = arith.addi %add3A_236, %iota3A : vector<16xi32>
        %mul3A_238 = arith.constant 72 : i32
        %mul3A_239 = vector.broadcast %mul3A_238 : i32 to vector<16xi32>
        %mul3A_240 = arith.muli %add3A_237, %mul3A_239 : vector<16xi32>
        %add3A_241 = vector.broadcast %add3A_215 : i32 to vector<16xi32>
        %add3A_242 = arith.addi %mul3A_240, %add3A_241 : vector<16xi32>
        tpu.vector_store_idx %arg17[%add3A_242], %gather3A : memref<55296xf32, #tpu.memory_space<vmem>>[vector<16xi32>], vector<16xf32>,
        %while3A_243 = arith.constant 0 : i32
        scf.yield %while3A_243 : i32
      }
      %scan3A_228 = arith.constant 0 : i32
      scf.yield %scan3A_228 : i32
    }
    %scan3A_137 = arith.constant 32 : i32
    %while3A_138 = arith.constant 0 : i32
    %while3A_139 = arith.constant 0 : i32
    %while3A_140 = arith.subi %select_n3A_90, %while3A_138 : i32
    %while3A_141 = arith.addi %while3A_138, %while3A_140 : i32
    %while3A_142 = arith.constant 1 : i32
    %while3A_143 = arith.divsi %while3A_140, %while3A_142 : i32
    %while3A_144 = arith.muli %while3A_143, %while3A_142 : i32
    %while3A_145 = arith.addi %while3A_138, %while3A_144 : i32
    %while3A_146 = arith.constant 1 : i32
    %while3A_147 = scf.for %while3A_164 = %while3A_138 to %while3A_145 step %while3A_146 iter_args(%while3A_165 = %while3A_139) -> (i32)  : i32 {
      %mul3A_166 = arith.constant 16 : i32
      %mul3A_167 = arith.muli %while3A_164, %mul3A_166 : i32
      %multiple_of3A = tpu.assume_multiple %mul3A_167, 16 : i32
      %get3A = arith.index_cast %multiple_of3A : i32 to index
      %get3A_168 = tpu.vector_load %arg14[%get3A] {strides = array<i32>} : memref<784xi32, #tpu.memory_space<vmem>>, vector<16xi32>,
      %mul3A_169 = arith.constant 16 : i32
      %mul3A_170 = arith.muli %while3A_164, %mul3A_169 : i32
      %add3A_171 = arith.constant 0 : i32
      %add3A_172 = arith.addi %mul3A_170, %add3A_171 : i32
      %mul3A_173 = arith.constant 72 : i32
      %mul3A_174 = arith.muli %add3A_172, %mul3A_173 : i32
      %slice3A = vector.extract_strided_slice %get3A_168 {offsets = [0], sizes = [1], strides = [1]} : vector<16xi32> to vector<1xi32>
      %squeeze3A = vector.extract %slice3A[0] : i32 from vector<1xi32>
      %mul3A_175 = arith.constant 72 : i32
      %mul3A_176 = arith.muli %squeeze3A, %mul3A_175 : i32
      %multiple_of3A_177 = tpu.assume_multiple %mul3A_176, 8 : i32
      %dma_start3A = tpu.memref_slice %arg17[%mul3A_174] : memref<55296xf32, #tpu.memory_space<vmem>> -> memref<64xf32, #tpu.memory_space<vmem>>
      %dma_start3A_178 = tpu.memref_slice %arg9[%multiple_of3A_177] : memref<1179720xf32, #tpu.memory_space<hbm>> -> memref<64xf32, #tpu.memory_space<hbm>>
      %dma_start3A_179 = tpu.memref_slice %arg9[%multiple_of3A_177] : memref<1179720xf32, #tpu.memory_space<hbm>> -> memref<64xf32, #tpu.memory_space<hbm>>
      %dma_start3A_180 = tpu.memref_slice %arg17[%mul3A_174] : memref<55296xf32, #tpu.memory_space<vmem>> -> memref<64xf32, #tpu.memory_space<vmem>>
      tpu.enqueue_dma source(%dma_start3A_180 : memref<64xf32, #tpu.memory_space<vmem>>) target(%dma_start3A_179 : memref<64xf32, #tpu.memory_space<hbm>>) target_semaphore(%arg20 : memref<!tpu.dma_semaphore, #tpu.memory_space<semaphore_mem>>)
      %mul3A_181 = arith.constant 16 : i32
      %mul3A_182 = arith.muli %while3A_164, %mul3A_181 : i32
      %add3A_183 = arith.constant 1 : i32
      %add3A_184 = arith.addi %mul3A_182, %add3A_183 : i32
      %mul3A_185 = arith.constant 72 : i32
      %mul3A_186 = arith.muli %add3A_184, %mul3A_185 : i32
      %slice3A_187 = vector.extract_strided_slice %get3A_168 {offsets = [1], sizes = [1], strides = [1]} : vector<16xi32> to vector<1xi32>
      %squeeze3A_188 = vector.extract %slice3A_187[0] : i32 from vector<1xi32>
      %mul3A_189 = arith.constant 72 : i32
      %mul3A_190 = arith.muli %squeeze3A_188, %mul3A_189 : i32
      %multiple_of3A_191 = tpu.assume_multiple %mul3A_190, 8 : i32
      %dma_start3A_192 = tpu.memref_slice %arg17[%mul3A_186] : memref<55296xf32, #tpu.memory_space<vmem>> -> memref<64xf32, #tpu.memory_space<vmem>>
      %dma_start3A_193 = tpu.memref_slice %arg9[%multiple_of3A_191] : memref<1179720xf32, #tpu.memory_space<hbm>> -> memref<64xf32, #tpu.memory_space<hbm>>
      %dma_start3A_194 = tpu.memref_slice %arg9[%multiple_of3A_191] : memref<1179720xf32, #tpu.memory_space<hbm>> -> memref<64xf32, #tpu.memory_space<hbm>>
      %dma_start3A_195 = tpu.memref_slice %arg17[%mul3A_186] : memref<55296xf32, #tpu.memory_space<vmem>> -> memref<64xf32, #tpu.memory_space<vmem>>
      tpu.enqueue_dma source(%dma_start3A_195 : memref<64xf32, #tpu.memory_space<vmem>>) target(%dma_start3A_194 : memref<64xf32, #tpu.memory_space<hbm>>) target_semaphore(%arg20 : memref<!tpu.dma_semaphore, #tpu.memory_space<semaphore_mem>>)
      %mul3A_196 = arith.constant 16 : i32
      %mul3A_197 = arith.muli %while3A_164, %mul3A_196 : i32
      %add3A_198 = arith.constant 2 : i32
      %add3A_199 = arith.addi %mul3A_197, %add3A_198 : i32
      %mul3A_200 = arith.constant 72 : i32
      %mul3A_201 = arith.muli %add3A_199, %mul3A_200 : i32
      %slice3A_202 = vector.extract_strided_slice %get3A_168 {offsets = [2], sizes = [1], strides = [1]} : vector<16xi32> to vector<1xi32>
      %squeeze3A_203 = vector.extract %slice3A_202[0] : i32 from vector<1xi32>
      %mul3A_204 = arith.constant 72 : i32
      %mul3A_205 = arith.muli %squeeze3A_203, %mul3A_204 : i32
      %multiple_of3A_206 = tpu.assume_multiple %mul3A_205, 8 : i32
      %dma_start3A_207 = tpu.memref_slice %arg17[%mul3A_201] : memref<55296xf32, #tpu.memory_space<vmem>> -> memref<64xf32, #tpu.memory_space<vmem>>
      %dma_start3A_208 = tpu.memref_slice %arg9[%multiple_of3A_206] : memref<1179720xf32, #tpu.memory_space<hbm>> -> memref<64xf32, #tpu.memory_space<hbm>>
      %dma_start3A_209 = tpu.memref_slice %arg9[%multiple_of3A_206] : memref<1179720xf32, #tpu.memory_space<hbm>> -> memref<64xf32, #tpu.memory_space<hbm>>
      %dma_start3A_210 = tpu.memref_slice %arg17[%mul3A_201] : memref<55296xf32, #tpu.memory_space<vmem>> -> memref<64xf32, #tpu.memory_space<vmem>>
      tpu.enqueue_dma source(%dma_start3A_210 : memref<64xf32, #tpu.memory_space<vmem>>) target(%dma_start3A_209 : memref<64xf32, #tpu.memory_space<hbm>>) target_semaphore(%arg20 : memref<!tpu.dma_semaphore, #tpu.memory_space<semaphore_mem>>)
      %mul3A_211 = arith.constant 16 : i32
      %mul3A_212 = arith.muli %while3A_164, %mul3A_211 : i32
      %add3A_213 = arith.constant 3 : i32
      %add3A_214 = arith.addi %mul3A_212, %add3A_213 : i32
      %mul3A_215 = arith.constant 72 : i32
      %mul3A_216 = arith.muli %add3A_214, %mul3A_215 : i32
      %slice3A_217 = vector.extract_strided_slice %get3A_168 {offsets = [3], sizes = [1], strides = [1]} : vector<16xi32> to vector<1xi32>
      %squeeze3A_218 = vector.extract %slice3A_217[0] : i32 from vector<1xi32>
      %mul3A_219 = arith.constant 72 : i32
      %mul3A_220 = arith.muli %squeeze3A_218, %mul3A_219 : i32
      %multiple_of3A_221 = tpu.assume_multiple %mul3A_220, 8 : i32
      %dma_start3A_222 = tpu.memref_slice %arg17[%mul3A_216] : memref<55296xf32, #tpu.memory_space<vmem>> -> memref<64xf32, #tpu.memory_space<vmem>>
      %dma_start3A_223 = tpu.memref_slice %arg9[%multiple_of3A_221] : memref<1179720xf32, #tpu.memory_space<hbm>> -> memref<64xf32, #tpu.memory_space<hbm>>
      %dma_start3A_224 = tpu.memref_slice %arg9[%multiple_of3A_221] : memref<1179720xf32, #tpu.memory_space<hbm>> -> memref<64xf32, #tpu.memory_space<hbm>>
      %dma_start3A_225 = tpu.memref_slice %arg17[%mul3A_216] : memref<55296xf32, #tpu.memory_space<vmem>> -> memref<64xf32, #tpu.memory_space<vmem>>
      tpu.enqueue_dma source(%dma_start3A_225 : memref<64xf32, #tpu.memory_space<vmem>>) target(%dma_start3A_224 : memref<64xf32, #tpu.memory_space<hbm>>) target_semaphore(%arg20 : memref<!tpu.dma_semaphore, #tpu.memory_space<semaphore_mem>>)
      %mul3A_226 = arith.constant 16 : i32
      %mul3A_227 = arith.muli %while3A_164, %mul3A_226 : i32
      %add3A_228 = arith.constant 4 : i32
      %add3A_229 = arith.addi %mul3A_227, %add3A_228 : i32
      %mul3A_230 = arith.constant 72 : i32
      %mul3A_231 = arith.muli %add3A_229, %mul3A_230 : i32
      %slice3A_232 = vector.extract_strided_slice %get3A_168 {offsets = [4], sizes = [1], strides = [1]} : vector<16xi32> to vector<1xi32>
      %squeeze3A_233 = vector.extract %slice3A_232[0] : i32 from vector<1xi32>
      %mul3A_234 = arith.constant 72 : i32
      %mul3A_235 = arith.muli %squeeze3A_233, %mul3A_234 : i32
      %multiple_of3A_236 = tpu.assume_multiple %mul3A_235, 8 : i32
      %dma_start3A_237 = tpu.memref_slice %arg17[%mul3A_231] : memref<55296xf32, #tpu.memory_space<vmem>> -> memref<64xf32, #tpu.memory_space<vmem>>
      %dma_start3A_238 = tpu.memref_slice %arg9[%multiple_of3A_236] : memref<1179720xf32, #tpu.memory_space<hbm>> -> memref<64xf32, #tpu.memory_space<hbm>>
      %dma_start3A_239 = tpu.memref_slice %arg9[%multiple_of3A_236] : memref<1179720xf32, #tpu.memory_space<hbm>> -> memref<64xf32, #tpu.memory_space<hbm>>
      %dma_start3A_240 = tpu.memref_slice %arg17[%mul3A_231] : memref<55296xf32, #tpu.memory_space<vmem>> -> memref<64xf32, #tpu.memory_space<vmem>>
      tpu.enqueue_dma source(%dma_start3A_240 : memref<64xf32, #tpu.memory_space<vmem>>) target(%dma_start3A_239 : memref<64xf32, #tpu.memory_space<hbm>>) target_semaphore(%arg20 : memref<!tpu.dma_semaphore, #tpu.memory_space<semaphore_mem>>)
      %mul3A_241 = arith.constant 16 : i32
      %mul3A_242 = arith.muli %while3A_164, %mul3A_241 : i32
      %add3A_243 = arith.constant 5 : i32
      %add3A_244 = arith.addi %mul3A_242, %add3A_243 : i32
      %mul3A_245 = arith.constant 72 : i32
      %mul3A_246 = arith.muli %add3A_244, %mul3A_245 : i32
      %slice3A_247 = vector.extract_strided_slice %get3A_168 {offsets = [5], sizes = [1], strides = [1]} : vector<16xi32> to vector<1xi32>
      %squeeze3A_248 = vector.extract %slice3A_247[0] : i32 from vector<1xi32>
      %mul3A_249 = arith.constant 72 : i32
      %mul3A_250 = arith.muli %squeeze3A_248, %mul3A_249 : i32
      %multiple_of3A_251 = tpu.assume_multiple %mul3A_250, 8 : i32
      %dma_start3A_252 = tpu.memref_slice %arg17[%mul3A_246] : memref<55296xf32, #tpu.memory_space<vmem>> -> memref<64xf32, #tpu.memory_space<vmem>>
      %dma_start3A_253 = tpu.memref_slice %arg9[%multiple_of3A_251] : memref<1179720xf32, #tpu.memory_space<hbm>> -> memref<64xf32, #tpu.memory_space<hbm>>
      %dma_start3A_254 = tpu.memref_slice %arg9[%multiple_of3A_251] : memref<1179720xf32, #tpu.memory_space<hbm>> -> memref<64xf32, #tpu.memory_space<hbm>>
      %dma_start3A_255 = tpu.memref_slice %arg17[%mul3A_246] : memref<55296xf32, #tpu.memory_space<vmem>> -> memref<64xf32, #tpu.memory_space<vmem>>
      tpu.enqueue_dma source(%dma_start3A_255 : memref<64xf32, #tpu.memory_space<vmem>>) target(%dma_start3A_254 : memref<64xf32, #tpu.memory_space<hbm>>) target_semaphore(%arg20 : memref<!tpu.dma_semaphore, #tpu.memory_space<semaphore_mem>>)
      %mul3A_256 = arith.constant 16 : i32
      %mul3A_257 = arith.muli %while3A_164, %mul3A_256 : i32
      %add3A_258 = arith.constant 6 : i32
      %add3A_259 = arith.addi %mul3A_257, %add3A_258 : i32
      %mul3A_260 = arith.constant 72 : i32
      %mul3A_261 = arith.muli %add3A_259, %mul3A_260 : i32
      %slice3A_262 = vector.extract_strided_slice %get3A_168 {offsets = [6], sizes = [1], strides = [1]} : vector<16xi32> to vector<1xi32>
      %squeeze3A_263 = vector.extract %slice3A_262[0] : i32 from vector<1xi32>
      %mul3A_264 = arith.constant 72 : i32
      %mul3A_265 = arith.muli %squeeze3A_263, %mul3A_264 : i32
      %multiple_of3A_266 = tpu.assume_multiple %mul3A_265, 8 : i32
      %dma_start3A_267 = tpu.memref_slice %arg17[%mul3A_261] : memref<55296xf32, #tpu.memory_space<vmem>> -> memref<64xf32, #tpu.memory_space<vmem>>
      %dma_start3A_268 = tpu.memref_slice %arg9[%multiple_of3A_266] : memref<1179720xf32, #tpu.memory_space<hbm>> -> memref<64xf32, #tpu.memory_space<hbm>>
      %dma_start3A_269 = tpu.memref_slice %arg9[%multiple_of3A_266] : memref<1179720xf32, #tpu.memory_space<hbm>> -> memref<64xf32, #tpu.memory_space<hbm>>
      %dma_start3A_270 = tpu.memref_slice %arg17[%mul3A_261] : memref<55296xf32, #tpu.memory_space<vmem>> -> memref<64xf32, #tpu.memory_space<vmem>>
      tpu.enqueue_dma source(%dma_start3A_270 : memref<64xf32, #tpu.memory_space<vmem>>) target(%dma_start3A_269 : memref<64xf32, #tpu.memory_space<hbm>>) target_semaphore(%arg20 : memref<!tpu.dma_semaphore, #tpu.memory_space<semaphore_mem>>)
      %mul3A_271 = arith.constant 16 : i32
      %mul3A_272 = arith.muli %while3A_164, %mul3A_271 : i32
      %add3A_273 = arith.constant 7 : i32
      %add3A_274 = arith.addi %mul3A_272, %add3A_273 : i32
      %mul3A_275 = arith.constant 72 : i32
      %mul3A_276 = arith.muli %add3A_274, %mul3A_275 : i32
      %slice3A_277 = vector.extract_strided_slice %get3A_168 {offsets = [7], sizes = [1], strides = [1]} : vector<16xi32> to vector<1xi32>
      %squeeze3A_278 = vector.extract %slice3A_277[0] : i32 from vector<1xi32>
      %mul3A_279 = arith.constant 72 : i32
      %mul3A_280 = arith.muli %squeeze3A_278, %mul3A_279 : i32
      %multiple_of3A_281 = tpu.assume_multiple %mul3A_280, 8 : i32
      %dma_start3A_282 = tpu.memref_slice %arg17[%mul3A_276] : memref<55296xf32, #tpu.memory_space<vmem>> -> memref<64xf32, #tpu.memory_space<vmem>>
      %dma_start3A_283 = tpu.memref_slice %arg9[%multiple_of3A_281] : memref<1179720xf32, #tpu.memory_space<hbm>> -> memref<64xf32, #tpu.memory_space<hbm>>
      %dma_start3A_284 = tpu.memref_slice %arg9[%multiple_of3A_281] : memref<1179720xf32, #tpu.memory_space<hbm>> -> memref<64xf32, #tpu.memory_space<hbm>>
      %dma_start3A_285 = tpu.memref_slice %arg17[%mul3A_276] : memref<55296xf32, #tpu.memory_space<vmem>> -> memref<64xf32, #tpu.memory_space<vmem>>
      tpu.enqueue_dma source(%dma_start3A_285 : memref<64xf32, #tpu.memory_space<vmem>>) target(%dma_start3A_284 : memref<64xf32, #tpu.memory_space<hbm>>) target_semaphore(%arg20 : memref<!tpu.dma_semaphore, #tpu.memory_space<semaphore_mem>>)
      %mul3A_286 = arith.constant 16 : i32
      %mul3A_287 = arith.muli %while3A_164, %mul3A_286 : i32
      %add3A_288 = arith.constant 8 : i32
      %add3A_289 = arith.addi %mul3A_287, %add3A_288 : i32
      %mul3A_290 = arith.constant 72 : i32
      %mul3A_291 = arith.muli %add3A_289, %mul3A_290 : i32
      %slice3A_292 = vector.extract_strided_slice %get3A_168 {offsets = [8], sizes = [1], strides = [1]} : vector<16xi32> to vector<1xi32>
      %squeeze3A_293 = vector.extract %slice3A_292[0] : i32 from vector<1xi32>
      %mul3A_294 = arith.constant 72 : i32
      %mul3A_295 = arith.muli %squeeze3A_293, %mul3A_294 : i32
      %multiple_of3A_296 = tpu.assume_multiple %mul3A_295, 8 : i32
      %dma_start3A_297 = tpu.memref_slice %arg17[%mul3A_291] : memref<55296xf32, #tpu.memory_space<vmem>> -> memref<64xf32, #tpu.memory_space<vmem>>
      %dma_start3A_298 = tpu.memref_slice %arg9[%multiple_of3A_296] : memref<1179720xf32, #tpu.memory_space<hbm>> -> memref<64xf32, #tpu.memory_space<hbm>>
      %dma_start3A_299 = tpu.memref_slice %arg9[%multiple_of3A_296] : memref<1179720xf32, #tpu.memory_space<hbm>> -> memref<64xf32, #tpu.memory_space<hbm>>
      %dma_start3A_300 = tpu.memref_slice %arg17[%mul3A_291] : memref<55296xf32, #tpu.memory_space<vmem>> -> memref<64xf32, #tpu.memory_space<vmem>>
      tpu.enqueue_dma source(%dma_start3A_300 : memref<64xf32, #tpu.memory_space<vmem>>) target(%dma_start3A_299 : memref<64xf32, #tpu.memory_space<hbm>>) target_semaphore(%arg20 : memref<!tpu.dma_semaphore, #tpu.memory_space<semaphore_mem>>)
      %mul3A_301 = arith.constant 16 : i32
      %mul3A_302 = arith.muli %while3A_164, %mul3A_301 : i32
      %add3A_303 = arith.constant 9 : i32
      %add3A_304 = arith.addi %mul3A_302, %add3A_303 : i32
      %mul3A_305 = arith.constant 72 : i32
      %mul3A_306 = arith.muli %add3A_304, %mul3A_305 : i32
      %slice3A_307 = vector.extract_strided_slice %get3A_168 {offsets = [9], sizes = [1], strides = [1]} : vector<16xi32> to vector<1xi32>
      %squeeze3A_308 = vector.extract %slice3A_307[0] : i32 from vector<1xi32>
      %mul3A_309 = arith.constant 72 : i32
      %mul3A_310 = arith.muli %squeeze3A_308, %mul3A_309 : i32
      %multiple_of3A_311 = tpu.assume_multiple %mul3A_310, 8 : i32
      %dma_start3A_312 = tpu.memref_slice %arg17[%mul3A_306] : memref<55296xf32, #tpu.memory_space<vmem>> -> memref<64xf32, #tpu.memory_space<vmem>>
      %dma_start3A_313 = tpu.memref_slice %arg9[%multiple_of3A_311] : memref<1179720xf32, #tpu.memory_space<hbm>> -> memref<64xf32, #tpu.memory_space<hbm>>
      %dma_start3A_314 = tpu.memref_slice %arg9[%multiple_of3A_311] : memref<1179720xf32, #tpu.memory_space<hbm>> -> memref<64xf32, #tpu.memory_space<hbm>>
      %dma_start3A_315 = tpu.memref_slice %arg17[%mul3A_306] : memref<55296xf32, #tpu.memory_space<vmem>> -> memref<64xf32, #tpu.memory_space<vmem>>
      tpu.enqueue_dma source(%dma_start3A_315 : memref<64xf32, #tpu.memory_space<vmem>>) target(%dma_start3A_314 : memref<64xf32, #tpu.memory_space<hbm>>) target_semaphore(%arg20 : memref<!tpu.dma_semaphore, #tpu.memory_space<semaphore_mem>>)
      %mul3A_316 = arith.constant 16 : i32
      %mul3A_317 = arith.muli %while3A_164, %mul3A_316 : i32
      %add3A_318 = arith.constant 10 : i32
      %add3A_319 = arith.addi %mul3A_317, %add3A_318 : i32
      %mul3A_320 = arith.constant 72 : i32
      %mul3A_321 = arith.muli %add3A_319, %mul3A_320 : i32
      %slice3A_322 = vector.extract_strided_slice %get3A_168 {offsets = [10], sizes = [1], strides = [1]} : vector<16xi32> to vector<1xi32>
      %squeeze3A_323 = vector.extract %slice3A_322[0] : i32 from vector<1xi32>
      %mul3A_324 = arith.constant 72 : i32
      %mul3A_325 = arith.muli %squeeze3A_323, %mul3A_324 : i32
      %multiple_of3A_326 = tpu.assume_multiple %mul3A_325, 8 : i32
      %dma_start3A_327 = tpu.memref_slice %arg17[%mul3A_321] : memref<55296xf32, #tpu.memory_space<vmem>> -> memref<64xf32, #tpu.memory_space<vmem>>
      %dma_start3A_328 = tpu.memref_slice %arg9[%multiple_of3A_326] : memref<1179720xf32, #tpu.memory_space<hbm>> -> memref<64xf32, #tpu.memory_space<hbm>>
      %dma_start3A_329 = tpu.memref_slice %arg9[%multiple_of3A_326] : memref<1179720xf32, #tpu.memory_space<hbm>> -> memref<64xf32, #tpu.memory_space<hbm>>
      %dma_start3A_330 = tpu.memref_slice %arg17[%mul3A_321] : memref<55296xf32, #tpu.memory_space<vmem>> -> memref<64xf32, #tpu.memory_space<vmem>>
      tpu.enqueue_dma source(%dma_start3A_330 : memref<64xf32, #tpu.memory_space<vmem>>) target(%dma_start3A_329 : memref<64xf32, #tpu.memory_space<hbm>>) target_semaphore(%arg20 : memref<!tpu.dma_semaphore, #tpu.memory_space<semaphore_mem>>)
      %mul3A_331 = arith.constant 16 : i32
      %mul3A_332 = arith.muli %while3A_164, %mul3A_331 : i32
      %add3A_333 = arith.constant 11 : i32
      %add3A_334 = arith.addi %mul3A_332, %add3A_333 : i32
      %mul3A_335 = arith.constant 72 : i32
      %mul3A_336 = arith.muli %add3A_334, %mul3A_335 : i32
      %slice3A_337 = vector.extract_strided_slice %get3A_168 {offsets = [11], sizes = [1], strides = [1]} : vector<16xi32> to vector<1xi32>
      %squeeze3A_338 = vector.extract %slice3A_337[0] : i32 from vector<1xi32>
      %mul3A_339 = arith.constant 72 : i32
      %mul3A_340 = arith.muli %squeeze3A_338, %mul3A_339 : i32
      %multiple_of3A_341 = tpu.assume_multiple %mul3A_340, 8 : i32
      %dma_start3A_342 = tpu.memref_slice %arg17[%mul3A_336] : memref<55296xf32, #tpu.memory_space<vmem>> -> memref<64xf32, #tpu.memory_space<vmem>>
      %dma_start3A_343 = tpu.memref_slice %arg9[%multiple_of3A_341] : memref<1179720xf32, #tpu.memory_space<hbm>> -> memref<64xf32, #tpu.memory_space<hbm>>
      %dma_start3A_344 = tpu.memref_slice %arg9[%multiple_of3A_341] : memref<1179720xf32, #tpu.memory_space<hbm>> -> memref<64xf32, #tpu.memory_space<hbm>>
      %dma_start3A_345 = tpu.memref_slice %arg17[%mul3A_336] : memref<55296xf32, #tpu.memory_space<vmem>> -> memref<64xf32, #tpu.memory_space<vmem>>
      tpu.enqueue_dma source(%dma_start3A_345 : memref<64xf32, #tpu.memory_space<vmem>>) target(%dma_start3A_344 : memref<64xf32, #tpu.memory_space<hbm>>) target_semaphore(%arg20 : memref<!tpu.dma_semaphore, #tpu.memory_space<semaphore_mem>>)
      %mul3A_346 = arith.constant 16 : i32
      %mul3A_347 = arith.muli %while3A_164, %mul3A_346 : i32
      %add3A_348 = arith.constant 12 : i32
      %add3A_349 = arith.addi %mul3A_347, %add3A_348 : i32
      %mul3A_350 = arith.constant 72 : i32
      %mul3A_351 = arith.muli %add3A_349, %mul3A_350 : i32
      %slice3A_352 = vector.extract_strided_slice %get3A_168 {offsets = [12], sizes = [1], strides = [1]} : vector<16xi32> to vector<1xi32>
      %squeeze3A_353 = vector.extract %slice3A_352[0] : i32 from vector<1xi32>
      %mul3A_354 = arith.constant 72 : i32
      %mul3A_355 = arith.muli %squeeze3A_353, %mul3A_354 : i32
      %multiple_of3A_356 = tpu.assume_multiple %mul3A_355, 8 : i32
      %dma_start3A_357 = tpu.memref_slice %arg17[%mul3A_351] : memref<55296xf32, #tpu.memory_space<vmem>> -> memref<64xf32, #tpu.memory_space<vmem>>
      %dma_start3A_358 = tpu.memref_slice %arg9[%multiple_of3A_356] : memref<1179720xf32, #tpu.memory_space<hbm>> -> memref<64xf32, #tpu.memory_space<hbm>>
      %dma_start3A_359 = tpu.memref_slice %arg9[%multiple_of3A_356] : memref<1179720xf32, #tpu.memory_space<hbm>> -> memref<64xf32, #tpu.memory_space<hbm>>
      %dma_start3A_360 = tpu.memref_slice %arg17[%mul3A_351] : memref<55296xf32, #tpu.memory_space<vmem>> -> memref<64xf32, #tpu.memory_space<vmem>>
      tpu.enqueue_dma source(%dma_start3A_360 : memref<64xf32, #tpu.memory_space<vmem>>) target(%dma_start3A_359 : memref<64xf32, #tpu.memory_space<hbm>>) target_semaphore(%arg20 : memref<!tpu.dma_semaphore, #tpu.memory_space<semaphore_mem>>)
      %mul3A_361 = arith.constant 16 : i32
      %mul3A_362 = arith.muli %while3A_164, %mul3A_361 : i32
      %add3A_363 = arith.constant 13 : i32
      %add3A_364 = arith.addi %mul3A_362, %add3A_363 : i32
      %mul3A_365 = arith.constant 72 : i32
      %mul3A_366 = arith.muli %add3A_364, %mul3A_365 : i32
      %slice3A_367 = vector.extract_strided_slice %get3A_168 {offsets = [13], sizes = [1], strides = [1]} : vector<16xi32> to vector<1xi32>
      %squeeze3A_368 = vector.extract %slice3A_367[0] : i32 from vector<1xi32>
      %mul3A_369 = arith.constant 72 : i32
      %mul3A_370 = arith.muli %squeeze3A_368, %mul3A_369 : i32
      %multiple_of3A_371 = tpu.assume_multiple %mul3A_370, 8 : i32
      %dma_start3A_372 = tpu.memref_slice %arg17[%mul3A_366] : memref<55296xf32, #tpu.memory_space<vmem>> -> memref<64xf32, #tpu.memory_space<vmem>>
      %dma_start3A_373 = tpu.memref_slice %arg9[%multiple_of3A_371] : memref<1179720xf32, #tpu.memory_space<hbm>> -> memref<64xf32, #tpu.memory_space<hbm>>
      %dma_start3A_374 = tpu.memref_slice %arg9[%multiple_of3A_371] : memref<1179720xf32, #tpu.memory_space<hbm>> -> memref<64xf32, #tpu.memory_space<hbm>>
      %dma_start3A_375 = tpu.memref_slice %arg17[%mul3A_366] : memref<55296xf32, #tpu.memory_space<vmem>> -> memref<64xf32, #tpu.memory_space<vmem>>
      tpu.enqueue_dma source(%dma_start3A_375 : memref<64xf32, #tpu.memory_space<vmem>>) target(%dma_start3A_374 : memref<64xf32, #tpu.memory_space<hbm>>) target_semaphore(%arg20 : memref<!tpu.dma_semaphore, #tpu.memory_space<semaphore_mem>>)
      %mul3A_376 = arith.constant 16 : i32
      %mul3A_377 = arith.muli %while3A_164, %mul3A_376 : i32
      %add3A_378 = arith.constant 14 : i32
      %add3A_379 = arith.addi %mul3A_377, %add3A_378 : i32
      %mul3A_380 = arith.constant 72 : i32
      %mul3A_381 = arith.muli %add3A_379, %mul3A_380 : i32
      %slice3A_382 = vector.extract_strided_slice %get3A_168 {offsets = [14], sizes = [1], strides = [1]} : vector<16xi32> to vector<1xi32>
      %squeeze3A_383 = vector.extract %slice3A_382[0] : i32 from vector<1xi32>
      %mul3A_384 = arith.constant 72 : i32
      %mul3A_385 = arith.muli %squeeze3A_383, %mul3A_384 : i32
      %multiple_of3A_386 = tpu.assume_multiple %mul3A_385, 8 : i32
      %dma_start3A_387 = tpu.memref_slice %arg17[%mul3A_381] : memref<55296xf32, #tpu.memory_space<vmem>> -> memref<64xf32, #tpu.memory_space<vmem>>
      %dma_start3A_388 = tpu.memref_slice %arg9[%multiple_of3A_386] : memref<1179720xf32, #tpu.memory_space<hbm>> -> memref<64xf32, #tpu.memory_space<hbm>>
      %dma_start3A_389 = tpu.memref_slice %arg9[%multiple_of3A_386] : memref<1179720xf32, #tpu.memory_space<hbm>> -> memref<64xf32, #tpu.memory_space<hbm>>
      %dma_start3A_390 = tpu.memref_slice %arg17[%mul3A_381] : memref<55296xf32, #tpu.memory_space<vmem>> -> memref<64xf32, #tpu.memory_space<vmem>>
      tpu.enqueue_dma source(%dma_start3A_390 : memref<64xf32, #tpu.memory_space<vmem>>) target(%dma_start3A_389 : memref<64xf32, #tpu.memory_space<hbm>>) target_semaphore(%arg20 : memref<!tpu.dma_semaphore, #tpu.memory_space<semaphore_mem>>)
      %mul3A_391 = arith.constant 16 : i32
      %mul3A_392 = arith.muli %while3A_164, %mul3A_391 : i32
      %add3A_393 = arith.constant 15 : i32
      %add3A_394 = arith.addi %mul3A_392, %add3A_393 : i32
      %mul3A_395 = arith.constant 72 : i32
      %mul3A_396 = arith.muli %add3A_394, %mul3A_395 : i32
      %slice3A_397 = vector.extract_strided_slice %get3A_168 {offsets = [15], sizes = [1], strides = [1]} : vector<16xi32> to vector<1xi32>
      %squeeze3A_398 = vector.extract %slice3A_397[0] : i32 from vector<1xi32>
      %mul3A_399 = arith.constant 72 : i32
      %mul3A_400 = arith.muli %squeeze3A_398, %mul3A_399 : i32
      %multiple_of3A_401 = tpu.assume_multiple %mul3A_400, 8 : i32
      %dma_start3A_402 = tpu.memref_slice %arg17[%mul3A_396] : memref<55296xf32, #tpu.memory_space<vmem>> -> memref<64xf32, #tpu.memory_space<vmem>>
      %dma_start3A_403 = tpu.memref_slice %arg9[%multiple_of3A_401] : memref<1179720xf32, #tpu.memory_space<hbm>> -> memref<64xf32, #tpu.memory_space<hbm>>
      %dma_start3A_404 = tpu.memref_slice %arg9[%multiple_of3A_401] : memref<1179720xf32, #tpu.memory_space<hbm>> -> memref<64xf32, #tpu.memory_space<hbm>>
      %dma_start3A_405 = tpu.memref_slice %arg17[%mul3A_396] : memref<55296xf32, #tpu.memory_space<vmem>> -> memref<64xf32, #tpu.memory_space<vmem>>
      tpu.enqueue_dma source(%dma_start3A_405 : memref<64xf32, #tpu.memory_space<vmem>>) target(%dma_start3A_404 : memref<64xf32, #tpu.memory_space<hbm>>) target_semaphore(%arg20 : memref<!tpu.dma_semaphore, #tpu.memory_space<semaphore_mem>>)
      %while3A_406 = arith.constant 0 : i32
      scf.yield %while3A_406 : i32
    }
    %while3A_148 = arith.constant 1 : i32
    %while3A_149 = scf.for %while3A_164 = %while3A_145 to %while3A_141 step %while3A_148 iter_args(%while3A_165 = %while3A_147) -> (i32)  : i32 {
      %mul3A_166 = arith.constant 16 : i32
      %mul3A_167 = arith.muli %while3A_164, %mul3A_166 : i32
      %multiple_of3A = tpu.assume_multiple %mul3A_167, 16 : i32
      %get3A = arith.index_cast %multiple_of3A : i32 to index
      %get3A_168 = tpu.vector_load %arg14[%get3A] {strides = array<i32>} : memref<784xi32, #tpu.memory_space<vmem>>, vector<16xi32>,
      %mul3A_169 = arith.constant 16 : i32
      %mul3A_170 = arith.muli %while3A_164, %mul3A_169 : i32
      %add3A_171 = arith.constant 0 : i32
      %add3A_172 = arith.addi %mul3A_170, %add3A_171 : i32
      %mul3A_173 = arith.constant 72 : i32
      %mul3A_174 = arith.muli %add3A_172, %mul3A_173 : i32
      %slice3A = vector.extract_strided_slice %get3A_168 {offsets = [0], sizes = [1], strides = [1]} : vector<16xi32> to vector<1xi32>
      %squeeze3A = vector.extract %slice3A[0] : i32 from vector<1xi32>
      %mul3A_175 = arith.constant 72 : i32
      %mul3A_176 = arith.muli %squeeze3A, %mul3A_175 : i32
      %multiple_of3A_177 = tpu.assume_multiple %mul3A_176, 8 : i32
      %dma_start3A = tpu.memref_slice %arg17[%mul3A_174] : memref<55296xf32, #tpu.memory_space<vmem>> -> memref<64xf32, #tpu.memory_space<vmem>>
      %dma_start3A_178 = tpu.memref_slice %arg9[%multiple_of3A_177] : memref<1179720xf32, #tpu.memory_space<hbm>> -> memref<64xf32, #tpu.memory_space<hbm>>
      %dma_start3A_179 = tpu.memref_slice %arg9[%multiple_of3A_177] : memref<1179720xf32, #tpu.memory_space<hbm>> -> memref<64xf32, #tpu.memory_space<hbm>>
      %dma_start3A_180 = tpu.memref_slice %arg17[%mul3A_174] : memref<55296xf32, #tpu.memory_space<vmem>> -> memref<64xf32, #tpu.memory_space<vmem>>
      tpu.enqueue_dma source(%dma_start3A_180 : memref<64xf32, #tpu.memory_space<vmem>>) target(%dma_start3A_179 : memref<64xf32, #tpu.memory_space<hbm>>) target_semaphore(%arg20 : memref<!tpu.dma_semaphore, #tpu.memory_space<semaphore_mem>>)
      %mul3A_181 = arith.constant 16 : i32
      %mul3A_182 = arith.muli %while3A_164, %mul3A_181 : i32
      %add3A_183 = arith.constant 1 : i32
      %add3A_184 = arith.addi %mul3A_182, %add3A_183 : i32
      %mul3A_185 = arith.constant 72 : i32
      %mul3A_186 = arith.muli %add3A_184, %mul3A_185 : i32
      %slice3A_187 = vector.extract_strided_slice %get3A_168 {offsets = [1], sizes = [1], strides = [1]} : vector<16xi32> to vector<1xi32>
      %squeeze3A_188 = vector.extract %slice3A_187[0] : i32 from vector<1xi32>
      %mul3A_189 = arith.constant 72 : i32
      %mul3A_190 = arith.muli %squeeze3A_188, %mul3A_189 : i32
      %multiple_of3A_191 = tpu.assume_multiple %mul3A_190, 8 : i32
      %dma_start3A_192 = tpu.memref_slice %arg17[%mul3A_186] : memref<55296xf32, #tpu.memory_space<vmem>> -> memref<64xf32, #tpu.memory_space<vmem>>
      %dma_start3A_193 = tpu.memref_slice %arg9[%multiple_of3A_191] : memref<1179720xf32, #tpu.memory_space<hbm>> -> memref<64xf32, #tpu.memory_space<hbm>>
      %dma_start3A_194 = tpu.memref_slice %arg9[%multiple_of3A_191] : memref<1179720xf32, #tpu.memory_space<hbm>> -> memref<64xf32, #tpu.memory_space<hbm>>
      %dma_start3A_195 = tpu.memref_slice %arg17[%mul3A_186] : memref<55296xf32, #tpu.memory_space<vmem>> -> memref<64xf32, #tpu.memory_space<vmem>>
      tpu.enqueue_dma source(%dma_start3A_195 : memref<64xf32, #tpu.memory_space<vmem>>) target(%dma_start3A_194 : memref<64xf32, #tpu.memory_space<hbm>>) target_semaphore(%arg20 : memref<!tpu.dma_semaphore, #tpu.memory_space<semaphore_mem>>)
      %mul3A_196 = arith.constant 16 : i32
      %mul3A_197 = arith.muli %while3A_164, %mul3A_196 : i32
      %add3A_198 = arith.constant 2 : i32
      %add3A_199 = arith.addi %mul3A_197, %add3A_198 : i32
      %mul3A_200 = arith.constant 72 : i32
      %mul3A_201 = arith.muli %add3A_199, %mul3A_200 : i32
      %slice3A_202 = vector.extract_strided_slice %get3A_168 {offsets = [2], sizes = [1], strides = [1]} : vector<16xi32> to vector<1xi32>
      %squeeze3A_203 = vector.extract %slice3A_202[0] : i32 from vector<1xi32>
      %mul3A_204 = arith.constant 72 : i32
      %mul3A_205 = arith.muli %squeeze3A_203, %mul3A_204 : i32
      %multiple_of3A_206 = tpu.assume_multiple %mul3A_205, 8 : i32
      %dma_start3A_207 = tpu.memref_slice %arg17[%mul3A_201] : memref<55296xf32, #tpu.memory_space<vmem>> -> memref<64xf32, #tpu.memory_space<vmem>>
      %dma_start3A_208 = tpu.memref_slice %arg9[%multiple_of3A_206] : memref<1179720xf32, #tpu.memory_space<hbm>> -> memref<64xf32, #tpu.memory_space<hbm>>
      %dma_start3A_209 = tpu.memref_slice %arg9[%multiple_of3A_206] : memref<1179720xf32, #tpu.memory_space<hbm>> -> memref<64xf32, #tpu.memory_space<hbm>>
      %dma_start3A_210 = tpu.memref_slice %arg17[%mul3A_201] : memref<55296xf32, #tpu.memory_space<vmem>> -> memref<64xf32, #tpu.memory_space<vmem>>
      tpu.enqueue_dma source(%dma_start3A_210 : memref<64xf32, #tpu.memory_space<vmem>>) target(%dma_start3A_209 : memref<64xf32, #tpu.memory_space<hbm>>) target_semaphore(%arg20 : memref<!tpu.dma_semaphore, #tpu.memory_space<semaphore_mem>>)
      %mul3A_211 = arith.constant 16 : i32
      %mul3A_212 = arith.muli %while3A_164, %mul3A_211 : i32
      %add3A_213 = arith.constant 3 : i32
      %add3A_214 = arith.addi %mul3A_212, %add3A_213 : i32
      %mul3A_215 = arith.constant 72 : i32
      %mul3A_216 = arith.muli %add3A_214, %mul3A_215 : i32
      %slice3A_217 = vector.extract_strided_slice %get3A_168 {offsets = [3], sizes = [1], strides = [1]} : vector<16xi32> to vector<1xi32>
      %squeeze3A_218 = vector.extract %slice3A_217[0] : i32 from vector<1xi32>
      %mul3A_219 = arith.constant 72 : i32
      %mul3A_220 = arith.muli %squeeze3A_218, %mul3A_219 : i32
      %multiple_of3A_221 = tpu.assume_multiple %mul3A_220, 8 : i32
      %dma_start3A_222 = tpu.memref_slice %arg17[%mul3A_216] : memref<55296xf32, #tpu.memory_space<vmem>> -> memref<64xf32, #tpu.memory_space<vmem>>
      %dma_start3A_223 = tpu.memref_slice %arg9[%multiple_of3A_221] : memref<1179720xf32, #tpu.memory_space<hbm>> -> memref<64xf32, #tpu.memory_space<hbm>>
      %dma_start3A_224 = tpu.memref_slice %arg9[%multiple_of3A_221] : memref<1179720xf32, #tpu.memory_space<hbm>> -> memref<64xf32, #tpu.memory_space<hbm>>
      %dma_start3A_225 = tpu.memref_slice %arg17[%mul3A_216] : memref<55296xf32, #tpu.memory_space<vmem>> -> memref<64xf32, #tpu.memory_space<vmem>>
      tpu.enqueue_dma source(%dma_start3A_225 : memref<64xf32, #tpu.memory_space<vmem>>) target(%dma_start3A_224 : memref<64xf32, #tpu.memory_space<hbm>>) target_semaphore(%arg20 : memref<!tpu.dma_semaphore, #tpu.memory_space<semaphore_mem>>)
      %mul3A_226 = arith.constant 16 : i32
      %mul3A_227 = arith.muli %while3A_164, %mul3A_226 : i32
      %add3A_228 = arith.constant 4 : i32
      %add3A_229 = arith.addi %mul3A_227, %add3A_228 : i32
      %mul3A_230 = arith.constant 72 : i32
      %mul3A_231 = arith.muli %add3A_229, %mul3A_230 : i32
      %slice3A_232 = vector.extract_strided_slice %get3A_168 {offsets = [4], sizes = [1], strides = [1]} : vector<16xi32> to vector<1xi32>
      %squeeze3A_233 = vector.extract %slice3A_232[0] : i32 from vector<1xi32>
      %mul3A_234 = arith.constant 72 : i32
      %mul3A_235 = arith.muli %squeeze3A_233, %mul3A_234 : i32
      %multiple_of3A_236 = tpu.assume_multiple %mul3A_235, 8 : i32
      %dma_start3A_237 = tpu.memref_slice %arg17[%mul3A_231] : memref<55296xf32, #tpu.memory_space<vmem>> -> memref<64xf32, #tpu.memory_space<vmem>>
      %dma_start3A_238 = tpu.memref_slice %arg9[%multiple_of3A_236] : memref<1179720xf32, #tpu.memory_space<hbm>> -> memref<64xf32, #tpu.memory_space<hbm>>
      %dma_start3A_239 = tpu.memref_slice %arg9[%multiple_of3A_236] : memref<1179720xf32, #tpu.memory_space<hbm>> -> memref<64xf32, #tpu.memory_space<hbm>>
      %dma_start3A_240 = tpu.memref_slice %arg17[%mul3A_231] : memref<55296xf32, #tpu.memory_space<vmem>> -> memref<64xf32, #tpu.memory_space<vmem>>
      tpu.enqueue_dma source(%dma_start3A_240 : memref<64xf32, #tpu.memory_space<vmem>>) target(%dma_start3A_239 : memref<64xf32, #tpu.memory_space<hbm>>) target_semaphore(%arg20 : memref<!tpu.dma_semaphore, #tpu.memory_space<semaphore_mem>>)
      %mul3A_241 = arith.constant 16 : i32
      %mul3A_242 = arith.muli %while3A_164, %mul3A_241 : i32
      %add3A_243 = arith.constant 5 : i32
      %add3A_244 = arith.addi %mul3A_242, %add3A_243 : i32
      %mul3A_245 = arith.constant 72 : i32
      %mul3A_246 = arith.muli %add3A_244, %mul3A_245 : i32
      %slice3A_247 = vector.extract_strided_slice %get3A_168 {offsets = [5], sizes = [1], strides = [1]} : vector<16xi32> to vector<1xi32>
      %squeeze3A_248 = vector.extract %slice3A_247[0] : i32 from vector<1xi32>
      %mul3A_249 = arith.constant 72 : i32
      %mul3A_250 = arith.muli %squeeze3A_248, %mul3A_249 : i32
      %multiple_of3A_251 = tpu.assume_multiple %mul3A_250, 8 : i32
      %dma_start3A_252 = tpu.memref_slice %arg17[%mul3A_246] : memref<55296xf32, #tpu.memory_space<vmem>> -> memref<64xf32, #tpu.memory_space<vmem>>
      %dma_start3A_253 = tpu.memref_slice %arg9[%multiple_of3A_251] : memref<1179720xf32, #tpu.memory_space<hbm>> -> memref<64xf32, #tpu.memory_space<hbm>>
      %dma_start3A_254 = tpu.memref_slice %arg9[%multiple_of3A_251] : memref<1179720xf32, #tpu.memory_space<hbm>> -> memref<64xf32, #tpu.memory_space<hbm>>
      %dma_start3A_255 = tpu.memref_slice %arg17[%mul3A_246] : memref<55296xf32, #tpu.memory_space<vmem>> -> memref<64xf32, #tpu.memory_space<vmem>>
      tpu.enqueue_dma source(%dma_start3A_255 : memref<64xf32, #tpu.memory_space<vmem>>) target(%dma_start3A_254 : memref<64xf32, #tpu.memory_space<hbm>>) target_semaphore(%arg20 : memref<!tpu.dma_semaphore, #tpu.memory_space<semaphore_mem>>)
      %mul3A_256 = arith.constant 16 : i32
      %mul3A_257 = arith.muli %while3A_164, %mul3A_256 : i32
      %add3A_258 = arith.constant 6 : i32
      %add3A_259 = arith.addi %mul3A_257, %add3A_258 : i32
      %mul3A_260 = arith.constant 72 : i32
      %mul3A_261 = arith.muli %add3A_259, %mul3A_260 : i32
      %slice3A_262 = vector.extract_strided_slice %get3A_168 {offsets = [6], sizes = [1], strides = [1]} : vector<16xi32> to vector<1xi32>
      %squeeze3A_263 = vector.extract %slice3A_262[0] : i32 from vector<1xi32>
      %mul3A_264 = arith.constant 72 : i32
      %mul3A_265 = arith.muli %squeeze3A_263, %mul3A_264 : i32
      %multiple_of3A_266 = tpu.assume_multiple %mul3A_265, 8 : i32
      %dma_start3A_267 = tpu.memref_slice %arg17[%mul3A_261] : memref<55296xf32, #tpu.memory_space<vmem>> -> memref<64xf32, #tpu.memory_space<vmem>>
      %dma_start3A_268 = tpu.memref_slice %arg9[%multiple_of3A_266] : memref<1179720xf32, #tpu.memory_space<hbm>> -> memref<64xf32, #tpu.memory_space<hbm>>
      %dma_start3A_269 = tpu.memref_slice %arg9[%multiple_of3A_266] : memref<1179720xf32, #tpu.memory_space<hbm>> -> memref<64xf32, #tpu.memory_space<hbm>>
      %dma_start3A_270 = tpu.memref_slice %arg17[%mul3A_261] : memref<55296xf32, #tpu.memory_space<vmem>> -> memref<64xf32, #tpu.memory_space<vmem>>
      tpu.enqueue_dma source(%dma_start3A_270 : memref<64xf32, #tpu.memory_space<vmem>>) target(%dma_start3A_269 : memref<64xf32, #tpu.memory_space<hbm>>) target_semaphore(%arg20 : memref<!tpu.dma_semaphore, #tpu.memory_space<semaphore_mem>>)
      %mul3A_271 = arith.constant 16 : i32
      %mul3A_272 = arith.muli %while3A_164, %mul3A_271 : i32
      %add3A_273 = arith.constant 7 : i32
      %add3A_274 = arith.addi %mul3A_272, %add3A_273 : i32
      %mul3A_275 = arith.constant 72 : i32
      %mul3A_276 = arith.muli %add3A_274, %mul3A_275 : i32
      %slice3A_277 = vector.extract_strided_slice %get3A_168 {offsets = [7], sizes = [1], strides = [1]} : vector<16xi32> to vector<1xi32>
      %squeeze3A_278 = vector.extract %slice3A_277[0] : i32 from vector<1xi32>
      %mul3A_279 = arith.constant 72 : i32
      %mul3A_280 = arith.muli %squeeze3A_278, %mul3A_279 : i32
      %multiple_of3A_281 = tpu.assume_multiple %mul3A_280, 8 : i32
      %dma_start3A_282 = tpu.memref_slice %arg17[%mul3A_276] : memref<55296xf32, #tpu.memory_space<vmem>> -> memref<64xf32, #tpu.memory_space<vmem>>
      %dma_start3A_283 = tpu.memref_slice %arg9[%multiple_of3A_281] : memref<1179720xf32, #tpu.memory_space<hbm>> -> memref<64xf32, #tpu.memory_space<hbm>>
      %dma_start3A_284 = tpu.memref_slice %arg9[%multiple_of3A_281] : memref<1179720xf32, #tpu.memory_space<hbm>> -> memref<64xf32, #tpu.memory_space<hbm>>
      %dma_start3A_285 = tpu.memref_slice %arg17[%mul3A_276] : memref<55296xf32, #tpu.memory_space<vmem>> -> memref<64xf32, #tpu.memory_space<vmem>>
      tpu.enqueue_dma source(%dma_start3A_285 : memref<64xf32, #tpu.memory_space<vmem>>) target(%dma_start3A_284 : memref<64xf32, #tpu.memory_space<hbm>>) target_semaphore(%arg20 : memref<!tpu.dma_semaphore, #tpu.memory_space<semaphore_mem>>)
      %mul3A_286 = arith.constant 16 : i32
      %mul3A_287 = arith.muli %while3A_164, %mul3A_286 : i32
      %add3A_288 = arith.constant 8 : i32
      %add3A_289 = arith.addi %mul3A_287, %add3A_288 : i32
      %mul3A_290 = arith.constant 72 : i32
      %mul3A_291 = arith.muli %add3A_289, %mul3A_290 : i32
      %slice3A_292 = vector.extract_strided_slice %get3A_168 {offsets = [8], sizes = [1], strides = [1]} : vector<16xi32> to vector<1xi32>
      %squeeze3A_293 = vector.extract %slice3A_292[0] : i32 from vector<1xi32>
      %mul3A_294 = arith.constant 72 : i32
      %mul3A_295 = arith.muli %squeeze3A_293, %mul3A_294 : i32
      %multiple_of3A_296 = tpu.assume_multiple %mul3A_295, 8 : i32
      %dma_start3A_297 = tpu.memref_slice %arg17[%mul3A_291] : memref<55296xf32, #tpu.memory_space<vmem>> -> memref<64xf32, #tpu.memory_space<vmem>>
      %dma_start3A_298 = tpu.memref_slice %arg9[%multiple_of3A_296] : memref<1179720xf32, #tpu.memory_space<hbm>> -> memref<64xf32, #tpu.memory_space<hbm>>
      %dma_start3A_299 = tpu.memref_slice %arg9[%multiple_of3A_296] : memref<1179720xf32, #tpu.memory_space<hbm>> -> memref<64xf32, #tpu.memory_space<hbm>>
      %dma_start3A_300 = tpu.memref_slice %arg17[%mul3A_291] : memref<55296xf32, #tpu.memory_space<vmem>> -> memref<64xf32, #tpu.memory_space<vmem>>
      tpu.enqueue_dma source(%dma_start3A_300 : memref<64xf32, #tpu.memory_space<vmem>>) target(%dma_start3A_299 : memref<64xf32, #tpu.memory_space<hbm>>) target_semaphore(%arg20 : memref<!tpu.dma_semaphore, #tpu.memory_space<semaphore_mem>>)
      %mul3A_301 = arith.constant 16 : i32
      %mul3A_302 = arith.muli %while3A_164, %mul3A_301 : i32
      %add3A_303 = arith.constant 9 : i32
      %add3A_304 = arith.addi %mul3A_302, %add3A_303 : i32
      %mul3A_305 = arith.constant 72 : i32
      %mul3A_306 = arith.muli %add3A_304, %mul3A_305 : i32
      %slice3A_307 = vector.extract_strided_slice %get3A_168 {offsets = [9], sizes = [1], strides = [1]} : vector<16xi32> to vector<1xi32>
      %squeeze3A_308 = vector.extract %slice3A_307[0] : i32 from vector<1xi32>
      %mul3A_309 = arith.constant 72 : i32
      %mul3A_310 = arith.muli %squeeze3A_308, %mul3A_309 : i32
      %multiple_of3A_311 = tpu.assume_multiple %mul3A_310, 8 : i32
      %dma_start3A_312 = tpu.memref_slice %arg17[%mul3A_306] : memref<55296xf32, #tpu.memory_space<vmem>> -> memref<64xf32, #tpu.memory_space<vmem>>
      %dma_start3A_313 = tpu.memref_slice %arg9[%multiple_of3A_311] : memref<1179720xf32, #tpu.memory_space<hbm>> -> memref<64xf32, #tpu.memory_space<hbm>>
      %dma_start3A_314 = tpu.memref_slice %arg9[%multiple_of3A_311] : memref<1179720xf32, #tpu.memory_space<hbm>> -> memref<64xf32, #tpu.memory_space<hbm>>
      %dma_start3A_315 = tpu.memref_slice %arg17[%mul3A_306] : memref<55296xf32, #tpu.memory_space<vmem>> -> memref<64xf32, #tpu.memory_space<vmem>>
      tpu.enqueue_dma source(%dma_start3A_315 : memref<64xf32, #tpu.memory_space<vmem>>) target(%dma_start3A_314 : memref<64xf32, #tpu.memory_space<hbm>>) target_semaphore(%arg20 : memref<!tpu.dma_semaphore, #tpu.memory_space<semaphore_mem>>)
      %mul3A_316 = arith.constant 16 : i32
      %mul3A_317 = arith.muli %while3A_164, %mul3A_316 : i32
      %add3A_318 = arith.constant 10 : i32
      %add3A_319 = arith.addi %mul3A_317, %add3A_318 : i32
      %mul3A_320 = arith.constant 72 : i32
      %mul3A_321 = arith.muli %add3A_319, %mul3A_320 : i32
      %slice3A_322 = vector.extract_strided_slice %get3A_168 {offsets = [10], sizes = [1], strides = [1]} : vector<16xi32> to vector<1xi32>
      %squeeze3A_323 = vector.extract %slice3A_322[0] : i32 from vector<1xi32>
      %mul3A_324 = arith.constant 72 : i32
      %mul3A_325 = arith.muli %squeeze3A_323, %mul3A_324 : i32
      %multiple_of3A_326 = tpu.assume_multiple %mul3A_325, 8 : i32
      %dma_start3A_327 = tpu.memref_slice %arg17[%mul3A_321] : memref<55296xf32, #tpu.memory_space<vmem>> -> memref<64xf32, #tpu.memory_space<vmem>>
      %dma_start3A_328 = tpu.memref_slice %arg9[%multiple_of3A_326] : memref<1179720xf32, #tpu.memory_space<hbm>> -> memref<64xf32, #tpu.memory_space<hbm>>
      %dma_start3A_329 = tpu.memref_slice %arg9[%multiple_of3A_326] : memref<1179720xf32, #tpu.memory_space<hbm>> -> memref<64xf32, #tpu.memory_space<hbm>>
      %dma_start3A_330 = tpu.memref_slice %arg17[%mul3A_321] : memref<55296xf32, #tpu.memory_space<vmem>> -> memref<64xf32, #tpu.memory_space<vmem>>
      tpu.enqueue_dma source(%dma_start3A_330 : memref<64xf32, #tpu.memory_space<vmem>>) target(%dma_start3A_329 : memref<64xf32, #tpu.memory_space<hbm>>) target_semaphore(%arg20 : memref<!tpu.dma_semaphore, #tpu.memory_space<semaphore_mem>>)
      %mul3A_331 = arith.constant 16 : i32
      %mul3A_332 = arith.muli %while3A_164, %mul3A_331 : i32
      %add3A_333 = arith.constant 11 : i32
      %add3A_334 = arith.addi %mul3A_332, %add3A_333 : i32
      %mul3A_335 = arith.constant 72 : i32
      %mul3A_336 = arith.muli %add3A_334, %mul3A_335 : i32
      %slice3A_337 = vector.extract_strided_slice %get3A_168 {offsets = [11], sizes = [1], strides = [1]} : vector<16xi32> to vector<1xi32>
      %squeeze3A_338 = vector.extract %slice3A_337[0] : i32 from vector<1xi32>
      %mul3A_339 = arith.constant 72 : i32
      %mul3A_340 = arith.muli %squeeze3A_338, %mul3A_339 : i32
      %multiple_of3A_341 = tpu.assume_multiple %mul3A_340, 8 : i32
      %dma_start3A_342 = tpu.memref_slice %arg17[%mul3A_336] : memref<55296xf32, #tpu.memory_space<vmem>> -> memref<64xf32, #tpu.memory_space<vmem>>
      %dma_start3A_343 = tpu.memref_slice %arg9[%multiple_of3A_341] : memref<1179720xf32, #tpu.memory_space<hbm>> -> memref<64xf32, #tpu.memory_space<hbm>>
      %dma_start3A_344 = tpu.memref_slice %arg9[%multiple_of3A_341] : memref<1179720xf32, #tpu.memory_space<hbm>> -> memref<64xf32, #tpu.memory_space<hbm>>
      %dma_start3A_345 = tpu.memref_slice %arg17[%mul3A_336] : memref<55296xf32, #tpu.memory_space<vmem>> -> memref<64xf32, #tpu.memory_space<vmem>>
      tpu.enqueue_dma source(%dma_start3A_345 : memref<64xf32, #tpu.memory_space<vmem>>) target(%dma_start3A_344 : memref<64xf32, #tpu.memory_space<hbm>>) target_semaphore(%arg20 : memref<!tpu.dma_semaphore, #tpu.memory_space<semaphore_mem>>)
      %mul3A_346 = arith.constant 16 : i32
      %mul3A_347 = arith.muli %while3A_164, %mul3A_346 : i32
      %add3A_348 = arith.constant 12 : i32
      %add3A_349 = arith.addi %mul3A_347, %add3A_348 : i32
      %mul3A_350 = arith.constant 72 : i32
      %mul3A_351 = arith.muli %add3A_349, %mul3A_350 : i32
      %slice3A_352 = vector.extract_strided_slice %get3A_168 {offsets = [12], sizes = [1], strides = [1]} : vector<16xi32> to vector<1xi32>
      %squeeze3A_353 = vector.extract %slice3A_352[0] : i32 from vector<1xi32>
      %mul3A_354 = arith.constant 72 : i32
      %mul3A_355 = arith.muli %squeeze3A_353, %mul3A_354 : i32
      %multiple_of3A_356 = tpu.assume_multiple %mul3A_355, 8 : i32
      %dma_start3A_357 = tpu.memref_slice %arg17[%mul3A_351] : memref<55296xf32, #tpu.memory_space<vmem>> -> memref<64xf32, #tpu.memory_space<vmem>>
      %dma_start3A_358 = tpu.memref_slice %arg9[%multiple_of3A_356] : memref<1179720xf32, #tpu.memory_space<hbm>> -> memref<64xf32, #tpu.memory_space<hbm>>
      %dma_start3A_359 = tpu.memref_slice %arg9[%multiple_of3A_356] : memref<1179720xf32, #tpu.memory_space<hbm>> -> memref<64xf32, #tpu.memory_space<hbm>>
      %dma_start3A_360 = tpu.memref_slice %arg17[%mul3A_351] : memref<55296xf32, #tpu.memory_space<vmem>> -> memref<64xf32, #tpu.memory_space<vmem>>
      tpu.enqueue_dma source(%dma_start3A_360 : memref<64xf32, #tpu.memory_space<vmem>>) target(%dma_start3A_359 : memref<64xf32, #tpu.memory_space<hbm>>) target_semaphore(%arg20 : memref<!tpu.dma_semaphore, #tpu.memory_space<semaphore_mem>>)
      %mul3A_361 = arith.constant 16 : i32
      %mul3A_362 = arith.muli %while3A_164, %mul3A_361 : i32
      %add3A_363 = arith.constant 13 : i32
      %add3A_364 = arith.addi %mul3A_362, %add3A_363 : i32
      %mul3A_365 = arith.constant 72 : i32
      %mul3A_366 = arith.muli %add3A_364, %mul3A_365 : i32
      %slice3A_367 = vector.extract_strided_slice %get3A_168 {offsets = [13], sizes = [1], strides = [1]} : vector<16xi32> to vector<1xi32>
      %squeeze3A_368 = vector.extract %slice3A_367[0] : i32 from vector<1xi32>
      %mul3A_369 = arith.constant 72 : i32
      %mul3A_370 = arith.muli %squeeze3A_368, %mul3A_369 : i32
      %multiple_of3A_371 = tpu.assume_multiple %mul3A_370, 8 : i32
      %dma_start3A_372 = tpu.memref_slice %arg17[%mul3A_366] : memref<55296xf32, #tpu.memory_space<vmem>> -> memref<64xf32, #tpu.memory_space<vmem>>
      %dma_start3A_373 = tpu.memref_slice %arg9[%multiple_of3A_371] : memref<1179720xf32, #tpu.memory_space<hbm>> -> memref<64xf32, #tpu.memory_space<hbm>>
      %dma_start3A_374 = tpu.memref_slice %arg9[%multiple_of3A_371] : memref<1179720xf32, #tpu.memory_space<hbm>> -> memref<64xf32, #tpu.memory_space<hbm>>
      %dma_start3A_375 = tpu.memref_slice %arg17[%mul3A_366] : memref<55296xf32, #tpu.memory_space<vmem>> -> memref<64xf32, #tpu.memory_space<vmem>>
      tpu.enqueue_dma source(%dma_start3A_375 : memref<64xf32, #tpu.memory_space<vmem>>) target(%dma_start3A_374 : memref<64xf32, #tpu.memory_space<hbm>>) target_semaphore(%arg20 : memref<!tpu.dma_semaphore, #tpu.memory_space<semaphore_mem>>)
      %mul3A_376 = arith.constant 16 : i32
      %mul3A_377 = arith.muli %while3A_164, %mul3A_376 : i32
      %add3A_378 = arith.constant 14 : i32
      %add3A_379 = arith.addi %mul3A_377, %add3A_378 : i32
      %mul3A_380 = arith.constant 72 : i32
      %mul3A_381 = arith.muli %add3A_379, %mul3A_380 : i32
      %slice3A_382 = vector.extract_strided_slice %get3A_168 {offsets = [14], sizes = [1], strides = [1]} : vector<16xi32> to vector<1xi32>
      %squeeze3A_383 = vector.extract %slice3A_382[0] : i32 from vector<1xi32>
      %mul3A_384 = arith.constant 72 : i32
      %mul3A_385 = arith.muli %squeeze3A_383, %mul3A_384 : i32
      %multiple_of3A_386 = tpu.assume_multiple %mul3A_385, 8 : i32
      %dma_start3A_387 = tpu.memref_slice %arg17[%mul3A_381] : memref<55296xf32, #tpu.memory_space<vmem>> -> memref<64xf32, #tpu.memory_space<vmem>>
      %dma_start3A_388 = tpu.memref_slice %arg9[%multiple_of3A_386] : memref<1179720xf32, #tpu.memory_space<hbm>> -> memref<64xf32, #tpu.memory_space<hbm>>
      %dma_start3A_389 = tpu.memref_slice %arg9[%multiple_of3A_386] : memref<1179720xf32, #tpu.memory_space<hbm>> -> memref<64xf32, #tpu.memory_space<hbm>>
      %dma_start3A_390 = tpu.memref_slice %arg17[%mul3A_381] : memref<55296xf32, #tpu.memory_space<vmem>> -> memref<64xf32, #tpu.memory_space<vmem>>
      tpu.enqueue_dma source(%dma_start3A_390 : memref<64xf32, #tpu.memory_space<vmem>>) target(%dma_start3A_389 : memref<64xf32, #tpu.memory_space<hbm>>) target_semaphore(%arg20 : memref<!tpu.dma_semaphore, #tpu.memory_space<semaphore_mem>>)
      %mul3A_391 = arith.constant 16 : i32
      %mul3A_392 = arith.muli %while3A_164, %mul3A_391 : i32
      %add3A_393 = arith.constant 15 : i32
      %add3A_394 = arith.addi %mul3A_392, %add3A_393 : i32
      %mul3A_395 = arith.constant 72 : i32
      %mul3A_396 = arith.muli %add3A_394, %mul3A_395 : i32
      %slice3A_397 = vector.extract_strided_slice %get3A_168 {offsets = [15], sizes = [1], strides = [1]} : vector<16xi32> to vector<1xi32>
      %squeeze3A_398 = vector.extract %slice3A_397[0] : i32 from vector<1xi32>
      %mul3A_399 = arith.constant 72 : i32
      %mul3A_400 = arith.muli %squeeze3A_398, %mul3A_399 : i32
      %multiple_of3A_401 = tpu.assume_multiple %mul3A_400, 8 : i32
      %dma_start3A_402 = tpu.memref_slice %arg17[%mul3A_396] : memref<55296xf32, #tpu.memory_space<vmem>> -> memref<64xf32, #tpu.memory_space<vmem>>
      %dma_start3A_403 = tpu.memref_slice %arg9[%multiple_of3A_401] : memref<1179720xf32, #tpu.memory_space<hbm>> -> memref<64xf32, #tpu.memory_space<hbm>>
      %dma_start3A_404 = tpu.memref_slice %arg9[%multiple_of3A_401] : memref<1179720xf32, #tpu.memory_space<hbm>> -> memref<64xf32, #tpu.memory_space<hbm>>
      %dma_start3A_405 = tpu.memref_slice %arg17[%mul3A_396] : memref<55296xf32, #tpu.memory_space<vmem>> -> memref<64xf32, #tpu.memory_space<vmem>>
      tpu.enqueue_dma source(%dma_start3A_405 : memref<64xf32, #tpu.memory_space<vmem>>) target(%dma_start3A_404 : memref<64xf32, #tpu.memory_space<hbm>>) target_semaphore(%arg20 : memref<!tpu.dma_semaphore, #tpu.memory_space<semaphore_mem>>)
      %while3A_406 = arith.constant 0 : i32
      scf.yield %while3A_406 : i32
    }
    %mul3A_150 = arith.constant 16 : i32
    %mul3A_151 = arith.muli %select_n3A_90, %mul3A_150 : i32
    %while3A_152 = arith.constant 0 : i32
    %while3A_153 = arith.constant 0 : i32
    %while3A_154 = arith.subi %mul3A_151, %while3A_152 : i32
    %while3A_155 = arith.addi %while3A_152, %while3A_154 : i32
    %while3A_156 = arith.constant 1 : i32
    %while3A_157 = arith.divsi %while3A_154, %while3A_156 : i32
    %while3A_158 = arith.muli %while3A_157, %while3A_156 : i32
    %while3A_159 = arith.addi %while3A_152, %while3A_158 : i32
    %while3A_160 = arith.constant 1 : i32
    %while3A_161 = scf.for %while3A_164 = %while3A_152 to %while3A_159 step %while3A_160 iter_args(%while3A_165 = %while3A_153) -> (i32)  : i32 {
      %dma_wait3A = arith.constant 0 : i32
      %dma_wait3A_166 = tpu.memref_slice %arg17[%dma_wait3A] : memref<55296xf32, #tpu.memory_space<vmem>> -> memref<64xf32, #tpu.memory_space<vmem>>
      %dma_wait3A_167 = arith.constant 1179648 : i32
      %dma_wait3A_168 = tpu.memref_slice %arg9[%dma_wait3A_167] : memref<1179720xf32, #tpu.memory_space<hbm>> -> memref<64xf32, #tpu.memory_space<hbm>>
      %dma_wait3A_169 = arith.constant 1179648 : i32
      %dma_wait3A_170 = tpu.memref_slice %arg9[%dma_wait3A_169] : memref<1179720xf32, #tpu.memory_space<hbm>> -> memref<64xf32, #tpu.memory_space<hbm>>
      %dma_wait3A_171 = arith.constant 0 : i32
      %dma_wait3A_172 = tpu.memref_slice %arg17[%dma_wait3A_171] : memref<55296xf32, #tpu.memory_space<vmem>> -> memref<64xf32, #tpu.memory_space<vmem>>
      tpu.wait_dma2 semaphore(%arg20 : memref<!tpu.dma_semaphore, #tpu.memory_space<semaphore_mem>>) src(%dma_wait3A_172 : memref<64xf32, #tpu.memory_space<vmem>>) dst(%dma_wait3A_170 : memref<64xf32, #tpu.memory_space<hbm>>)
      %while3A_173 = arith.constant 0 : i32
      scf.yield %while3A_173 : i32
    }
    %while3A_162 = arith.constant 1 : i32
    %while3A_163 = scf.for %while3A_164 = %while3A_159 to %while3A_155 step %while3A_162 iter_args(%while3A_165 = %while3A_161) -> (i32)  : i32 {
      %dma_wait3A = arith.constant 0 : i32
      %dma_wait3A_166 = tpu.memref_slice %arg17[%dma_wait3A] : memref<55296xf32, #tpu.memory_space<vmem>> -> memref<64xf32, #tpu.memory_space<vmem>>
      %dma_wait3A_167 = arith.constant 1179648 : i32
      %dma_wait3A_168 = tpu.memref_slice %arg9[%dma_wait3A_167] : memref<1179720xf32, #tpu.memory_space<hbm>> -> memref<64xf32, #tpu.memory_space<hbm>>
      %dma_wait3A_169 = arith.constant 1179648 : i32
      %dma_wait3A_170 = tpu.memref_slice %arg9[%dma_wait3A_169] : memref<1179720xf32, #tpu.memory_space<hbm>> -> memref<64xf32, #tpu.memory_space<hbm>>
      %dma_wait3A_171 = arith.constant 0 : i32
      %dma_wait3A_172 = tpu.memref_slice %arg17[%dma_wait3A_171] : memref<55296xf32, #tpu.memory_space<vmem>> -> memref<64xf32, #tpu.memory_space<vmem>>
      tpu.wait_dma2 semaphore(%arg20 : memref<!tpu.dma_semaphore, #tpu.memory_space<semaphore_mem>>) src(%dma_wait3A_172 : memref<64xf32, #tpu.memory_space<vmem>>) dst(%dma_wait3A_170 : memref<64xf32, #tpu.memory_space<hbm>>)
      %while3A_173 = arith.constant 0 : i32
      scf.yield %while3A_173 : i32
    }
    return
  }
}

#map = affine_map<(d0, d1) -> (0)>
module attributes {stable_mosaic.version = 14 : i64} {
  func.func @_dot_body(%arg0: i32, %arg1: i32, %arg2: memref<1179720xf32, #tpu.memory_space<hbm>>, %arg3: memref<1179720xf32, #tpu.memory_space<hbm>>, %arg4: memref<16384xf32, #tpu.memory_space<hbm>>, %arg5: memref<36864xf32, #tpu.memory_space<vmem>>, %arg6: memref<36864xf32, #tpu.memory_space<vmem>>, %arg7: memref<512xf32, #tpu.memory_space<vmem>>, %arg8: memref<!tpu.dma_semaphore, #tpu.memory_space<semaphore_mem>>) attributes {dimension_semantics = [#tpu.dimension_semantics<core_parallel>, #tpu.dimension_semantics<subcore_parallel>], iteration_bounds = array<i64: 2, 16>, scalar_prefetch = 0 : i64, scratch_operands = 4 : i64, tpu.core_type = #tpu.core_type<sc_vector_subcore>, window_params = [{transform_indices = #map}, {transform_indices = #map}, {transform_indices = #map}]} {
    %mul3A = arith.constant 2 : i32
    %mul3A_0 = arith.muli %arg1, %mul3A : i32
    %add3A = arith.addi %mul3A_0, %arg0 : i32
    %mul3A_1 = arith.constant 512 : i32
    %mul3A_2 = arith.muli %add3A, %mul3A_1 : i32
    %iota3A = tpu.iota {dimensions = array<i32: 0>} : vector<16xi32>
    %mul3A_3 = arith.constant 72 : i32
    %mul3A_4 = arith.muli %mul3A_2, %mul3A_3 : i32
    %multiple_of3A = tpu.assume_multiple %mul3A_4, 8 : i32
    "tpu.region"() ({
      %run_scoped3A = tpu.sem_alloc : memref<!tpu.dma_semaphore, #tpu.memory_space<semaphore_mem>>
      %dma_start3A = tpu.memref_slice %arg2[%multiple_of3A] : memref<1179720xf32, #tpu.memory_space<hbm>> -> memref<36864xf32, #tpu.memory_space<hbm>>
      %dma_start3A_12 = tpu.memref_slice %arg2[%multiple_of3A] : memref<1179720xf32, #tpu.memory_space<hbm>> -> memref<36864xf32, #tpu.memory_space<hbm>>
      tpu.enqueue_dma source(%dma_start3A_12 : memref<36864xf32, #tpu.memory_space<hbm>>) target(%arg5 : memref<36864xf32, #tpu.memory_space<vmem>>) target_semaphore(%run_scoped3A : memref<!tpu.dma_semaphore, #tpu.memory_space<semaphore_mem>>)
      %dma_wait3A = tpu.memref_slice %arg2[%multiple_of3A] : memref<1179720xf32, #tpu.memory_space<hbm>> -> memref<36864xf32, #tpu.memory_space<hbm>>
      %dma_wait3A_13 = tpu.memref_slice %arg2[%multiple_of3A] : memref<1179720xf32, #tpu.memory_space<hbm>> -> memref<36864xf32, #tpu.memory_space<hbm>>
      tpu.wait_dma2 semaphore(%run_scoped3A : memref<!tpu.dma_semaphore, #tpu.memory_space<semaphore_mem>>) src(%dma_wait3A_13 : memref<36864xf32, #tpu.memory_space<hbm>>) dst(%arg5 : memref<36864xf32, #tpu.memory_space<vmem>>)
      tpu.yield
    }) : () -> ()
    "tpu.region"() ({
      %run_scoped3A = tpu.sem_alloc : memref<!tpu.dma_semaphore, #tpu.memory_space<semaphore_mem>>
      %dma_start3A = tpu.memref_slice %arg3[%multiple_of3A] : memref<1179720xf32, #tpu.memory_space<hbm>> -> memref<36864xf32, #tpu.memory_space<hbm>>
      %dma_start3A_12 = tpu.memref_slice %arg3[%multiple_of3A] : memref<1179720xf32, #tpu.memory_space<hbm>> -> memref<36864xf32, #tpu.memory_space<hbm>>
      tpu.enqueue_dma source(%dma_start3A_12 : memref<36864xf32, #tpu.memory_space<hbm>>) target(%arg6 : memref<36864xf32, #tpu.memory_space<vmem>>) target_semaphore(%run_scoped3A : memref<!tpu.dma_semaphore, #tpu.memory_space<semaphore_mem>>)
      %dma_wait3A = tpu.memref_slice %arg3[%multiple_of3A] : memref<1179720xf32, #tpu.memory_space<hbm>> -> memref<36864xf32, #tpu.memory_space<hbm>>
      %dma_wait3A_13 = tpu.memref_slice %arg3[%multiple_of3A] : memref<1179720xf32, #tpu.memory_space<hbm>> -> memref<36864xf32, #tpu.memory_space<hbm>>
      tpu.wait_dma2 semaphore(%run_scoped3A : memref<!tpu.dma_semaphore, #tpu.memory_space<semaphore_mem>>) src(%dma_wait3A_13 : memref<36864xf32, #tpu.memory_space<hbm>>) dst(%arg6 : memref<36864xf32, #tpu.memory_space<vmem>>)
      tpu.yield
    }) : () -> ()
    %scan3A = arith.constant 0 : i32
    %scan3A_5 = arith.constant 0 : i32
    %scan3A_6 = arith.constant 32 : i32
    %scan3A_7 = arith.addi %scan3A_5, %scan3A_6 : i32
    %scan3A_8 = arith.constant 1 : i32
    %scan3A_9 = scf.for %scan3A_12 = %scan3A_5 to %scan3A_7 step %scan3A_8 iter_args(%scan3A_13 = %scan3A) -> (i32)  : i32 {
      %mul3A_14 = arith.constant 16 : i32
      %mul3A_15 = arith.muli %scan3A_12, %mul3A_14 : i32
      %add3A_16 = vector.broadcast %mul3A_15 : i32 to vector<16xi32>
      %add3A_17 = arith.addi %add3A_16, %iota3A : vector<16xi32>
      %mul3A_18 = arith.constant 72 : i32
      %mul3A_19 = vector.broadcast %mul3A_18 : i32 to vector<16xi32>
      %mul3A_20 = arith.muli %add3A_17, %mul3A_19 : vector<16xi32>
      %broadcast_in_dim3A = arith.constant 0.000000e+00 : f32
      %broadcast_in_dim3A_21 = vector.broadcast %broadcast_in_dim3A : f32 to vector<16xf32>
      %add3A_22 = arith.constant 0 : i32
      %add3A_23 = vector.broadcast %add3A_22 : i32 to vector<16xi32>
      %add3A_24 = arith.addi %mul3A_20, %add3A_23 : vector<16xi32>
      %gather3A = tpu.vector_load_idx %arg5[%add3A_24] : memref<36864xf32, #tpu.memory_space<vmem>>[vector<16xi32>], vector<16xf32>,
      %add3A_25 = arith.constant 0 : i32
      %add3A_26 = vector.broadcast %add3A_25 : i32 to vector<16xi32>
      %add3A_27 = arith.addi %mul3A_20, %add3A_26 : vector<16xi32>
      %gather3A_28 = tpu.vector_load_idx %arg6[%add3A_27] : memref<36864xf32, #tpu.memory_space<vmem>>[vector<16xi32>], vector<16xf32>,
      %mul3A_29 = arith.mulf %gather3A, %gather3A_28 : vector<16xf32>
      %add3A_30 = arith.addf %broadcast_in_dim3A_21, %mul3A_29 : vector<16xf32>
      %add3A_31 = arith.constant 1 : i32
      %add3A_32 = vector.broadcast %add3A_31 : i32 to vector<16xi32>
      %add3A_33 = arith.addi %mul3A_20, %add3A_32 : vector<16xi32>
      %gather3A_34 = tpu.vector_load_idx %arg5[%add3A_33] : memref<36864xf32, #tpu.memory_space<vmem>>[vector<16xi32>], vector<16xf32>,
      %add3A_35 = arith.constant 1 : i32
      %add3A_36 = vector.broadcast %add3A_35 : i32 to vector<16xi32>
      %add3A_37 = arith.addi %mul3A_20, %add3A_36 : vector<16xi32>
      %gather3A_38 = tpu.vector_load_idx %arg6[%add3A_37] : memref<36864xf32, #tpu.memory_space<vmem>>[vector<16xi32>], vector<16xf32>,
      %mul3A_39 = arith.mulf %gather3A_34, %gather3A_38 : vector<16xf32>
      %add3A_40 = arith.addf %add3A_30, %mul3A_39 : vector<16xf32>
      %add3A_41 = arith.constant 2 : i32
      %add3A_42 = vector.broadcast %add3A_41 : i32 to vector<16xi32>
      %add3A_43 = arith.addi %mul3A_20, %add3A_42 : vector<16xi32>
      %gather3A_44 = tpu.vector_load_idx %arg5[%add3A_43] : memref<36864xf32, #tpu.memory_space<vmem>>[vector<16xi32>], vector<16xf32>,
      %add3A_45 = arith.constant 2 : i32
      %add3A_46 = vector.broadcast %add3A_45 : i32 to vector<16xi32>
      %add3A_47 = arith.addi %mul3A_20, %add3A_46 : vector<16xi32>
      %gather3A_48 = tpu.vector_load_idx %arg6[%add3A_47] : memref<36864xf32, #tpu.memory_space<vmem>>[vector<16xi32>], vector<16xf32>,
      %mul3A_49 = arith.mulf %gather3A_44, %gather3A_48 : vector<16xf32>
      %add3A_50 = arith.addf %add3A_40, %mul3A_49 : vector<16xf32>
      %add3A_51 = arith.constant 3 : i32
      %add3A_52 = vector.broadcast %add3A_51 : i32 to vector<16xi32>
      %add3A_53 = arith.addi %mul3A_20, %add3A_52 : vector<16xi32>
      %gather3A_54 = tpu.vector_load_idx %arg5[%add3A_53] : memref<36864xf32, #tpu.memory_space<vmem>>[vector<16xi32>], vector<16xf32>,
      %add3A_55 = arith.constant 3 : i32
      %add3A_56 = vector.broadcast %add3A_55 : i32 to vector<16xi32>
      %add3A_57 = arith.addi %mul3A_20, %add3A_56 : vector<16xi32>
      %gather3A_58 = tpu.vector_load_idx %arg6[%add3A_57] : memref<36864xf32, #tpu.memory_space<vmem>>[vector<16xi32>], vector<16xf32>,
      %mul3A_59 = arith.mulf %gather3A_54, %gather3A_58 : vector<16xf32>
      %add3A_60 = arith.addf %add3A_50, %mul3A_59 : vector<16xf32>
      %add3A_61 = arith.constant 4 : i32
      %add3A_62 = vector.broadcast %add3A_61 : i32 to vector<16xi32>
      %add3A_63 = arith.addi %mul3A_20, %add3A_62 : vector<16xi32>
      %gather3A_64 = tpu.vector_load_idx %arg5[%add3A_63] : memref<36864xf32, #tpu.memory_space<vmem>>[vector<16xi32>], vector<16xf32>,
      %add3A_65 = arith.constant 4 : i32
      %add3A_66 = vector.broadcast %add3A_65 : i32 to vector<16xi32>
      %add3A_67 = arith.addi %mul3A_20, %add3A_66 : vector<16xi32>
      %gather3A_68 = tpu.vector_load_idx %arg6[%add3A_67] : memref<36864xf32, #tpu.memory_space<vmem>>[vector<16xi32>], vector<16xf32>,
      %mul3A_69 = arith.mulf %gather3A_64, %gather3A_68 : vector<16xf32>
      %add3A_70 = arith.addf %add3A_60, %mul3A_69 : vector<16xf32>
      %add3A_71 = arith.constant 5 : i32
      %add3A_72 = vector.broadcast %add3A_71 : i32 to vector<16xi32>
      %add3A_73 = arith.addi %mul3A_20, %add3A_72 : vector<16xi32>
      %gather3A_74 = tpu.vector_load_idx %arg5[%add3A_73] : memref<36864xf32, #tpu.memory_space<vmem>>[vector<16xi32>], vector<16xf32>,
      %add3A_75 = arith.constant 5 : i32
      %add3A_76 = vector.broadcast %add3A_75 : i32 to vector<16xi32>
      %add3A_77 = arith.addi %mul3A_20, %add3A_76 : vector<16xi32>
      %gather3A_78 = tpu.vector_load_idx %arg6[%add3A_77] : memref<36864xf32, #tpu.memory_space<vmem>>[vector<16xi32>], vector<16xf32>,
      %mul3A_79 = arith.mulf %gather3A_74, %gather3A_78 : vector<16xf32>
      %add3A_80 = arith.addf %add3A_70, %mul3A_79 : vector<16xf32>
      %add3A_81 = arith.constant 6 : i32
      %add3A_82 = vector.broadcast %add3A_81 : i32 to vector<16xi32>
      %add3A_83 = arith.addi %mul3A_20, %add3A_82 : vector<16xi32>
      %gather3A_84 = tpu.vector_load_idx %arg5[%add3A_83] : memref<36864xf32, #tpu.memory_space<vmem>>[vector<16xi32>], vector<16xf32>,
      %add3A_85 = arith.constant 6 : i32
      %add3A_86 = vector.broadcast %add3A_85 : i32 to vector<16xi32>
      %add3A_87 = arith.addi %mul3A_20, %add3A_86 : vector<16xi32>
      %gather3A_88 = tpu.vector_load_idx %arg6[%add3A_87] : memref<36864xf32, #tpu.memory_space<vmem>>[vector<16xi32>], vector<16xf32>,
      %mul3A_89 = arith.mulf %gather3A_84, %gather3A_88 : vector<16xf32>
      %add3A_90 = arith.addf %add3A_80, %mul3A_89 : vector<16xf32>
      %add3A_91 = arith.constant 7 : i32
      %add3A_92 = vector.broadcast %add3A_91 : i32 to vector<16xi32>
      %add3A_93 = arith.addi %mul3A_20, %add3A_92 : vector<16xi32>
      %gather3A_94 = tpu.vector_load_idx %arg5[%add3A_93] : memref<36864xf32, #tpu.memory_space<vmem>>[vector<16xi32>], vector<16xf32>,
      %add3A_95 = arith.constant 7 : i32
      %add3A_96 = vector.broadcast %add3A_95 : i32 to vector<16xi32>
      %add3A_97 = arith.addi %mul3A_20, %add3A_96 : vector<16xi32>
      %gather3A_98 = tpu.vector_load_idx %arg6[%add3A_97] : memref<36864xf32, #tpu.memory_space<vmem>>[vector<16xi32>], vector<16xf32>,
      %mul3A_99 = arith.mulf %gather3A_94, %gather3A_98 : vector<16xf32>
      %add3A_100 = arith.addf %add3A_90, %mul3A_99 : vector<16xf32>
      %add3A_101 = arith.constant 8 : i32
      %add3A_102 = vector.broadcast %add3A_101 : i32 to vector<16xi32>
      %add3A_103 = arith.addi %mul3A_20, %add3A_102 : vector<16xi32>
      %gather3A_104 = tpu.vector_load_idx %arg5[%add3A_103] : memref<36864xf32, #tpu.memory_space<vmem>>[vector<16xi32>], vector<16xf32>,
      %add3A_105 = arith.constant 8 : i32
      %add3A_106 = vector.broadcast %add3A_105 : i32 to vector<16xi32>
      %add3A_107 = arith.addi %mul3A_20, %add3A_106 : vector<16xi32>
      %gather3A_108 = tpu.vector_load_idx %arg6[%add3A_107] : memref<36864xf32, #tpu.memory_space<vmem>>[vector<16xi32>], vector<16xf32>,
      %mul3A_109 = arith.mulf %gather3A_104, %gather3A_108 : vector<16xf32>
      %add3A_110 = arith.addf %add3A_100, %mul3A_109 : vector<16xf32>
      %add3A_111 = arith.constant 9 : i32
      %add3A_112 = vector.broadcast %add3A_111 : i32 to vector<16xi32>
      %add3A_113 = arith.addi %mul3A_20, %add3A_112 : vector<16xi32>
      %gather3A_114 = tpu.vector_load_idx %arg5[%add3A_113] : memref<36864xf32, #tpu.memory_space<vmem>>[vector<16xi32>], vector<16xf32>,
      %add3A_115 = arith.constant 9 : i32
      %add3A_116 = vector.broadcast %add3A_115 : i32 to vector<16xi32>
      %add3A_117 = arith.addi %mul3A_20, %add3A_116 : vector<16xi32>
      %gather3A_118 = tpu.vector_load_idx %arg6[%add3A_117] : memref<36864xf32, #tpu.memory_space<vmem>>[vector<16xi32>], vector<16xf32>,
      %mul3A_119 = arith.mulf %gather3A_114, %gather3A_118 : vector<16xf32>
      %add3A_120 = arith.addf %add3A_110, %mul3A_119 : vector<16xf32>
      %add3A_121 = arith.constant 10 : i32
      %add3A_122 = vector.broadcast %add3A_121 : i32 to vector<16xi32>
      %add3A_123 = arith.addi %mul3A_20, %add3A_122 : vector<16xi32>
      %gather3A_124 = tpu.vector_load_idx %arg5[%add3A_123] : memref<36864xf32, #tpu.memory_space<vmem>>[vector<16xi32>], vector<16xf32>,
      %add3A_125 = arith.constant 10 : i32
      %add3A_126 = vector.broadcast %add3A_125 : i32 to vector<16xi32>
      %add3A_127 = arith.addi %mul3A_20, %add3A_126 : vector<16xi32>
      %gather3A_128 = tpu.vector_load_idx %arg6[%add3A_127] : memref<36864xf32, #tpu.memory_space<vmem>>[vector<16xi32>], vector<16xf32>,
      %mul3A_129 = arith.mulf %gather3A_124, %gather3A_128 : vector<16xf32>
      %add3A_130 = arith.addf %add3A_120, %mul3A_129 : vector<16xf32>
      %add3A_131 = arith.constant 11 : i32
      %add3A_132 = vector.broadcast %add3A_131 : i32 to vector<16xi32>
      %add3A_133 = arith.addi %mul3A_20, %add3A_132 : vector<16xi32>
      %gather3A_134 = tpu.vector_load_idx %arg5[%add3A_133] : memref<36864xf32, #tpu.memory_space<vmem>>[vector<16xi32>], vector<16xf32>,
      %add3A_135 = arith.constant 11 : i32
      %add3A_136 = vector.broadcast %add3A_135 : i32 to vector<16xi32>
      %add3A_137 = arith.addi %mul3A_20, %add3A_136 : vector<16xi32>
      %gather3A_138 = tpu.vector_load_idx %arg6[%add3A_137] : memref<36864xf32, #tpu.memory_space<vmem>>[vector<16xi32>], vector<16xf32>,
      %mul3A_139 = arith.mulf %gather3A_134, %gather3A_138 : vector<16xf32>
      %add3A_140 = arith.addf %add3A_130, %mul3A_139 : vector<16xf32>
      %add3A_141 = arith.constant 12 : i32
      %add3A_142 = vector.broadcast %add3A_141 : i32 to vector<16xi32>
      %add3A_143 = arith.addi %mul3A_20, %add3A_142 : vector<16xi32>
      %gather3A_144 = tpu.vector_load_idx %arg5[%add3A_143] : memref<36864xf32, #tpu.memory_space<vmem>>[vector<16xi32>], vector<16xf32>,
      %add3A_145 = arith.constant 12 : i32
      %add3A_146 = vector.broadcast %add3A_145 : i32 to vector<16xi32>
      %add3A_147 = arith.addi %mul3A_20, %add3A_146 : vector<16xi32>
      %gather3A_148 = tpu.vector_load_idx %arg6[%add3A_147] : memref<36864xf32, #tpu.memory_space<vmem>>[vector<16xi32>], vector<16xf32>,
      %mul3A_149 = arith.mulf %gather3A_144, %gather3A_148 : vector<16xf32>
      %add3A_150 = arith.addf %add3A_140, %mul3A_149 : vector<16xf32>
      %add3A_151 = arith.constant 13 : i32
      %add3A_152 = vector.broadcast %add3A_151 : i32 to vector<16xi32>
      %add3A_153 = arith.addi %mul3A_20, %add3A_152 : vector<16xi32>
      %gather3A_154 = tpu.vector_load_idx %arg5[%add3A_153] : memref<36864xf32, #tpu.memory_space<vmem>>[vector<16xi32>], vector<16xf32>,
      %add3A_155 = arith.constant 13 : i32
      %add3A_156 = vector.broadcast %add3A_155 : i32 to vector<16xi32>
      %add3A_157 = arith.addi %mul3A_20, %add3A_156 : vector<16xi32>
      %gather3A_158 = tpu.vector_load_idx %arg6[%add3A_157] : memref<36864xf32, #tpu.memory_space<vmem>>[vector<16xi32>], vector<16xf32>,
      %mul3A_159 = arith.mulf %gather3A_154, %gather3A_158 : vector<16xf32>
      %add3A_160 = arith.addf %add3A_150, %mul3A_159 : vector<16xf32>
      %add3A_161 = arith.constant 14 : i32
      %add3A_162 = vector.broadcast %add3A_161 : i32 to vector<16xi32>
      %add3A_163 = arith.addi %mul3A_20, %add3A_162 : vector<16xi32>
      %gather3A_164 = tpu.vector_load_idx %arg5[%add3A_163] : memref<36864xf32, #tpu.memory_space<vmem>>[vector<16xi32>], vector<16xf32>,
      %add3A_165 = arith.constant 14 : i32
      %add3A_166 = vector.broadcast %add3A_165 : i32 to vector<16xi32>
      %add3A_167 = arith.addi %mul3A_20, %add3A_166 : vector<16xi32>
      %gather3A_168 = tpu.vector_load_idx %arg6[%add3A_167] : memref<36864xf32, #tpu.memory_space<vmem>>[vector<16xi32>], vector<16xf32>,
      %mul3A_169 = arith.mulf %gather3A_164, %gather3A_168 : vector<16xf32>
      %add3A_170 = arith.addf %add3A_160, %mul3A_169 : vector<16xf32>
      %add3A_171 = arith.constant 15 : i32
      %add3A_172 = vector.broadcast %add3A_171 : i32 to vector<16xi32>
      %add3A_173 = arith.addi %mul3A_20, %add3A_172 : vector<16xi32>
      %gather3A_174 = tpu.vector_load_idx %arg5[%add3A_173] : memref<36864xf32, #tpu.memory_space<vmem>>[vector<16xi32>], vector<16xf32>,
      %add3A_175 = arith.constant 15 : i32
      %add3A_176 = vector.broadcast %add3A_175 : i32 to vector<16xi32>
      %add3A_177 = arith.addi %mul3A_20, %add3A_176 : vector<16xi32>
      %gather3A_178 = tpu.vector_load_idx %arg6[%add3A_177] : memref<36864xf32, #tpu.memory_space<vmem>>[vector<16xi32>], vector<16xf32>,
      %mul3A_179 = arith.mulf %gather3A_174, %gather3A_178 : vector<16xf32>
      %add3A_180 = arith.addf %add3A_170, %mul3A_179 : vector<16xf32>
      %add3A_181 = arith.constant 16 : i32
      %add3A_182 = vector.broadcast %add3A_181 : i32 to vector<16xi32>
      %add3A_183 = arith.addi %mul3A_20, %add3A_182 : vector<16xi32>
      %gather3A_184 = tpu.vector_load_idx %arg5[%add3A_183] : memref<36864xf32, #tpu.memory_space<vmem>>[vector<16xi32>], vector<16xf32>,
      %add3A_185 = arith.constant 16 : i32
      %add3A_186 = vector.broadcast %add3A_185 : i32 to vector<16xi32>
      %add3A_187 = arith.addi %mul3A_20, %add3A_186 : vector<16xi32>
      %gather3A_188 = tpu.vector_load_idx %arg6[%add3A_187] : memref<36864xf32, #tpu.memory_space<vmem>>[vector<16xi32>], vector<16xf32>,
      %mul3A_189 = arith.mulf %gather3A_184, %gather3A_188 : vector<16xf32>
      %add3A_190 = arith.addf %add3A_180, %mul3A_189 : vector<16xf32>
      %add3A_191 = arith.constant 17 : i32
      %add3A_192 = vector.broadcast %add3A_191 : i32 to vector<16xi32>
      %add3A_193 = arith.addi %mul3A_20, %add3A_192 : vector<16xi32>
      %gather3A_194 = tpu.vector_load_idx %arg5[%add3A_193] : memref<36864xf32, #tpu.memory_space<vmem>>[vector<16xi32>], vector<16xf32>,
      %add3A_195 = arith.constant 17 : i32
      %add3A_196 = vector.broadcast %add3A_195 : i32 to vector<16xi32>
      %add3A_197 = arith.addi %mul3A_20, %add3A_196 : vector<16xi32>
      %gather3A_198 = tpu.vector_load_idx %arg6[%add3A_197] : memref<36864xf32, #tpu.memory_space<vmem>>[vector<16xi32>], vector<16xf32>,
      %mul3A_199 = arith.mulf %gather3A_194, %gather3A_198 : vector<16xf32>
      %add3A_200 = arith.addf %add3A_190, %mul3A_199 : vector<16xf32>
      %add3A_201 = arith.constant 18 : i32
      %add3A_202 = vector.broadcast %add3A_201 : i32 to vector<16xi32>
      %add3A_203 = arith.addi %mul3A_20, %add3A_202 : vector<16xi32>
      %gather3A_204 = tpu.vector_load_idx %arg5[%add3A_203] : memref<36864xf32, #tpu.memory_space<vmem>>[vector<16xi32>], vector<16xf32>,
      %add3A_205 = arith.constant 18 : i32
      %add3A_206 = vector.broadcast %add3A_205 : i32 to vector<16xi32>
      %add3A_207 = arith.addi %mul3A_20, %add3A_206 : vector<16xi32>
      %gather3A_208 = tpu.vector_load_idx %arg6[%add3A_207] : memref<36864xf32, #tpu.memory_space<vmem>>[vector<16xi32>], vector<16xf32>,
      %mul3A_209 = arith.mulf %gather3A_204, %gather3A_208 : vector<16xf32>
      %add3A_210 = arith.addf %add3A_200, %mul3A_209 : vector<16xf32>
      %add3A_211 = arith.constant 19 : i32
      %add3A_212 = vector.broadcast %add3A_211 : i32 to vector<16xi32>
      %add3A_213 = arith.addi %mul3A_20, %add3A_212 : vector<16xi32>
      %gather3A_214 = tpu.vector_load_idx %arg5[%add3A_213] : memref<36864xf32, #tpu.memory_space<vmem>>[vector<16xi32>], vector<16xf32>,
      %add3A_215 = arith.constant 19 : i32
      %add3A_216 = vector.broadcast %add3A_215 : i32 to vector<16xi32>
      %add3A_217 = arith.addi %mul3A_20, %add3A_216 : vector<16xi32>
      %gather3A_218 = tpu.vector_load_idx %arg6[%add3A_217] : memref<36864xf32, #tpu.memory_space<vmem>>[vector<16xi32>], vector<16xf32>,
      %mul3A_219 = arith.mulf %gather3A_214, %gather3A_218 : vector<16xf32>
      %add3A_220 = arith.addf %add3A_210, %mul3A_219 : vector<16xf32>
      %add3A_221 = arith.constant 20 : i32
      %add3A_222 = vector.broadcast %add3A_221 : i32 to vector<16xi32>
      %add3A_223 = arith.addi %mul3A_20, %add3A_222 : vector<16xi32>
      %gather3A_224 = tpu.vector_load_idx %arg5[%add3A_223] : memref<36864xf32, #tpu.memory_space<vmem>>[vector<16xi32>], vector<16xf32>,
      %add3A_225 = arith.constant 20 : i32
      %add3A_226 = vector.broadcast %add3A_225 : i32 to vector<16xi32>
      %add3A_227 = arith.addi %mul3A_20, %add3A_226 : vector<16xi32>
      %gather3A_228 = tpu.vector_load_idx %arg6[%add3A_227] : memref<36864xf32, #tpu.memory_space<vmem>>[vector<16xi32>], vector<16xf32>,
      %mul3A_229 = arith.mulf %gather3A_224, %gather3A_228 : vector<16xf32>
      %add3A_230 = arith.addf %add3A_220, %mul3A_229 : vector<16xf32>
      %add3A_231 = arith.constant 21 : i32
      %add3A_232 = vector.broadcast %add3A_231 : i32 to vector<16xi32>
      %add3A_233 = arith.addi %mul3A_20, %add3A_232 : vector<16xi32>
      %gather3A_234 = tpu.vector_load_idx %arg5[%add3A_233] : memref<36864xf32, #tpu.memory_space<vmem>>[vector<16xi32>], vector<16xf32>,
      %add3A_235 = arith.constant 21 : i32
      %add3A_236 = vector.broadcast %add3A_235 : i32 to vector<16xi32>
      %add3A_237 = arith.addi %mul3A_20, %add3A_236 : vector<16xi32>
      %gather3A_238 = tpu.vector_load_idx %arg6[%add3A_237] : memref<36864xf32, #tpu.memory_space<vmem>>[vector<16xi32>], vector<16xf32>,
      %mul3A_239 = arith.mulf %gather3A_234, %gather3A_238 : vector<16xf32>
      %add3A_240 = arith.addf %add3A_230, %mul3A_239 : vector<16xf32>
      %add3A_241 = arith.constant 22 : i32
      %add3A_242 = vector.broadcast %add3A_241 : i32 to vector<16xi32>
      %add3A_243 = arith.addi %mul3A_20, %add3A_242 : vector<16xi32>
      %gather3A_244 = tpu.vector_load_idx %arg5[%add3A_243] : memref<36864xf32, #tpu.memory_space<vmem>>[vector<16xi32>], vector<16xf32>,
      %add3A_245 = arith.constant 22 : i32
      %add3A_246 = vector.broadcast %add3A_245 : i32 to vector<16xi32>
      %add3A_247 = arith.addi %mul3A_20, %add3A_246 : vector<16xi32>
      %gather3A_248 = tpu.vector_load_idx %arg6[%add3A_247] : memref<36864xf32, #tpu.memory_space<vmem>>[vector<16xi32>], vector<16xf32>,
      %mul3A_249 = arith.mulf %gather3A_244, %gather3A_248 : vector<16xf32>
      %add3A_250 = arith.addf %add3A_240, %mul3A_249 : vector<16xf32>
      %add3A_251 = arith.constant 23 : i32
      %add3A_252 = vector.broadcast %add3A_251 : i32 to vector<16xi32>
      %add3A_253 = arith.addi %mul3A_20, %add3A_252 : vector<16xi32>
      %gather3A_254 = tpu.vector_load_idx %arg5[%add3A_253] : memref<36864xf32, #tpu.memory_space<vmem>>[vector<16xi32>], vector<16xf32>,
      %add3A_255 = arith.constant 23 : i32
      %add3A_256 = vector.broadcast %add3A_255 : i32 to vector<16xi32>
      %add3A_257 = arith.addi %mul3A_20, %add3A_256 : vector<16xi32>
      %gather3A_258 = tpu.vector_load_idx %arg6[%add3A_257] : memref<36864xf32, #tpu.memory_space<vmem>>[vector<16xi32>], vector<16xf32>,
      %mul3A_259 = arith.mulf %gather3A_254, %gather3A_258 : vector<16xf32>
      %add3A_260 = arith.addf %add3A_250, %mul3A_259 : vector<16xf32>
      %add3A_261 = arith.constant 24 : i32
      %add3A_262 = vector.broadcast %add3A_261 : i32 to vector<16xi32>
      %add3A_263 = arith.addi %mul3A_20, %add3A_262 : vector<16xi32>
      %gather3A_264 = tpu.vector_load_idx %arg5[%add3A_263] : memref<36864xf32, #tpu.memory_space<vmem>>[vector<16xi32>], vector<16xf32>,
      %add3A_265 = arith.constant 24 : i32
      %add3A_266 = vector.broadcast %add3A_265 : i32 to vector<16xi32>
      %add3A_267 = arith.addi %mul3A_20, %add3A_266 : vector<16xi32>
      %gather3A_268 = tpu.vector_load_idx %arg6[%add3A_267] : memref<36864xf32, #tpu.memory_space<vmem>>[vector<16xi32>], vector<16xf32>,
      %mul3A_269 = arith.mulf %gather3A_264, %gather3A_268 : vector<16xf32>
      %add3A_270 = arith.addf %add3A_260, %mul3A_269 : vector<16xf32>
      %add3A_271 = arith.constant 25 : i32
      %add3A_272 = vector.broadcast %add3A_271 : i32 to vector<16xi32>
      %add3A_273 = arith.addi %mul3A_20, %add3A_272 : vector<16xi32>
      %gather3A_274 = tpu.vector_load_idx %arg5[%add3A_273] : memref<36864xf32, #tpu.memory_space<vmem>>[vector<16xi32>], vector<16xf32>,
      %add3A_275 = arith.constant 25 : i32
      %add3A_276 = vector.broadcast %add3A_275 : i32 to vector<16xi32>
      %add3A_277 = arith.addi %mul3A_20, %add3A_276 : vector<16xi32>
      %gather3A_278 = tpu.vector_load_idx %arg6[%add3A_277] : memref<36864xf32, #tpu.memory_space<vmem>>[vector<16xi32>], vector<16xf32>,
      %mul3A_279 = arith.mulf %gather3A_274, %gather3A_278 : vector<16xf32>
      %add3A_280 = arith.addf %add3A_270, %mul3A_279 : vector<16xf32>
      %add3A_281 = arith.constant 26 : i32
      %add3A_282 = vector.broadcast %add3A_281 : i32 to vector<16xi32>
      %add3A_283 = arith.addi %mul3A_20, %add3A_282 : vector<16xi32>
      %gather3A_284 = tpu.vector_load_idx %arg5[%add3A_283] : memref<36864xf32, #tpu.memory_space<vmem>>[vector<16xi32>], vector<16xf32>,
      %add3A_285 = arith.constant 26 : i32
      %add3A_286 = vector.broadcast %add3A_285 : i32 to vector<16xi32>
      %add3A_287 = arith.addi %mul3A_20, %add3A_286 : vector<16xi32>
      %gather3A_288 = tpu.vector_load_idx %arg6[%add3A_287] : memref<36864xf32, #tpu.memory_space<vmem>>[vector<16xi32>], vector<16xf32>,
      %mul3A_289 = arith.mulf %gather3A_284, %gather3A_288 : vector<16xf32>
      %add3A_290 = arith.addf %add3A_280, %mul3A_289 : vector<16xf32>
      %add3A_291 = arith.constant 27 : i32
      %add3A_292 = vector.broadcast %add3A_291 : i32 to vector<16xi32>
      %add3A_293 = arith.addi %mul3A_20, %add3A_292 : vector<16xi32>
      %gather3A_294 = tpu.vector_load_idx %arg5[%add3A_293] : memref<36864xf32, #tpu.memory_space<vmem>>[vector<16xi32>], vector<16xf32>,
      %add3A_295 = arith.constant 27 : i32
      %add3A_296 = vector.broadcast %add3A_295 : i32 to vector<16xi32>
      %add3A_297 = arith.addi %mul3A_20, %add3A_296 : vector<16xi32>
      %gather3A_298 = tpu.vector_load_idx %arg6[%add3A_297] : memref<36864xf32, #tpu.memory_space<vmem>>[vector<16xi32>], vector<16xf32>,
      %mul3A_299 = arith.mulf %gather3A_294, %gather3A_298 : vector<16xf32>
      %add3A_300 = arith.addf %add3A_290, %mul3A_299 : vector<16xf32>
      %add3A_301 = arith.constant 28 : i32
      %add3A_302 = vector.broadcast %add3A_301 : i32 to vector<16xi32>
      %add3A_303 = arith.addi %mul3A_20, %add3A_302 : vector<16xi32>
      %gather3A_304 = tpu.vector_load_idx %arg5[%add3A_303] : memref<36864xf32, #tpu.memory_space<vmem>>[vector<16xi32>], vector<16xf32>,
      %add3A_305 = arith.constant 28 : i32
      %add3A_306 = vector.broadcast %add3A_305 : i32 to vector<16xi32>
      %add3A_307 = arith.addi %mul3A_20, %add3A_306 : vector<16xi32>
      %gather3A_308 = tpu.vector_load_idx %arg6[%add3A_307] : memref<36864xf32, #tpu.memory_space<vmem>>[vector<16xi32>], vector<16xf32>,
      %mul3A_309 = arith.mulf %gather3A_304, %gather3A_308 : vector<16xf32>
      %add3A_310 = arith.addf %add3A_300, %mul3A_309 : vector<16xf32>
      %add3A_311 = arith.constant 29 : i32
      %add3A_312 = vector.broadcast %add3A_311 : i32 to vector<16xi32>
      %add3A_313 = arith.addi %mul3A_20, %add3A_312 : vector<16xi32>
      %gather3A_314 = tpu.vector_load_idx %arg5[%add3A_313] : memref<36864xf32, #tpu.memory_space<vmem>>[vector<16xi32>], vector<16xf32>,
      %add3A_315 = arith.constant 29 : i32
      %add3A_316 = vector.broadcast %add3A_315 : i32 to vector<16xi32>
      %add3A_317 = arith.addi %mul3A_20, %add3A_316 : vector<16xi32>
      %gather3A_318 = tpu.vector_load_idx %arg6[%add3A_317] : memref<36864xf32, #tpu.memory_space<vmem>>[vector<16xi32>], vector<16xf32>,
      %mul3A_319 = arith.mulf %gather3A_314, %gather3A_318 : vector<16xf32>
      %add3A_320 = arith.addf %add3A_310, %mul3A_319 : vector<16xf32>
      %add3A_321 = arith.constant 30 : i32
      %add3A_322 = vector.broadcast %add3A_321 : i32 to vector<16xi32>
      %add3A_323 = arith.addi %mul3A_20, %add3A_322 : vector<16xi32>
      %gather3A_324 = tpu.vector_load_idx %arg5[%add3A_323] : memref<36864xf32, #tpu.memory_space<vmem>>[vector<16xi32>], vector<16xf32>,
      %add3A_325 = arith.constant 30 : i32
      %add3A_326 = vector.broadcast %add3A_325 : i32 to vector<16xi32>
      %add3A_327 = arith.addi %mul3A_20, %add3A_326 : vector<16xi32>
      %gather3A_328 = tpu.vector_load_idx %arg6[%add3A_327] : memref<36864xf32, #tpu.memory_space<vmem>>[vector<16xi32>], vector<16xf32>,
      %mul3A_329 = arith.mulf %gather3A_324, %gather3A_328 : vector<16xf32>
      %add3A_330 = arith.addf %add3A_320, %mul3A_329 : vector<16xf32>
      %add3A_331 = arith.constant 31 : i32
      %add3A_332 = vector.broadcast %add3A_331 : i32 to vector<16xi32>
      %add3A_333 = arith.addi %mul3A_20, %add3A_332 : vector<16xi32>
      %gather3A_334 = tpu.vector_load_idx %arg5[%add3A_333] : memref<36864xf32, #tpu.memory_space<vmem>>[vector<16xi32>], vector<16xf32>,
      %add3A_335 = arith.constant 31 : i32
      %add3A_336 = vector.broadcast %add3A_335 : i32 to vector<16xi32>
      %add3A_337 = arith.addi %mul3A_20, %add3A_336 : vector<16xi32>
      %gather3A_338 = tpu.vector_load_idx %arg6[%add3A_337] : memref<36864xf32, #tpu.memory_space<vmem>>[vector<16xi32>], vector<16xf32>,
      %mul3A_339 = arith.mulf %gather3A_334, %gather3A_338 : vector<16xf32>
      %add3A_340 = arith.addf %add3A_330, %mul3A_339 : vector<16xf32>
      %add3A_341 = arith.constant 32 : i32
      %add3A_342 = vector.broadcast %add3A_341 : i32 to vector<16xi32>
      %add3A_343 = arith.addi %mul3A_20, %add3A_342 : vector<16xi32>
      %gather3A_344 = tpu.vector_load_idx %arg5[%add3A_343] : memref<36864xf32, #tpu.memory_space<vmem>>[vector<16xi32>], vector<16xf32>,
      %add3A_345 = arith.constant 32 : i32
      %add3A_346 = vector.broadcast %add3A_345 : i32 to vector<16xi32>
      %add3A_347 = arith.addi %mul3A_20, %add3A_346 : vector<16xi32>
      %gather3A_348 = tpu.vector_load_idx %arg6[%add3A_347] : memref<36864xf32, #tpu.memory_space<vmem>>[vector<16xi32>], vector<16xf32>,
      %mul3A_349 = arith.mulf %gather3A_344, %gather3A_348 : vector<16xf32>
      %add3A_350 = arith.addf %add3A_340, %mul3A_349 : vector<16xf32>
      %add3A_351 = arith.constant 33 : i32
      %add3A_352 = vector.broadcast %add3A_351 : i32 to vector<16xi32>
      %add3A_353 = arith.addi %mul3A_20, %add3A_352 : vector<16xi32>
      %gather3A_354 = tpu.vector_load_idx %arg5[%add3A_353] : memref<36864xf32, #tpu.memory_space<vmem>>[vector<16xi32>], vector<16xf32>,
      %add3A_355 = arith.constant 33 : i32
      %add3A_356 = vector.broadcast %add3A_355 : i32 to vector<16xi32>
      %add3A_357 = arith.addi %mul3A_20, %add3A_356 : vector<16xi32>
      %gather3A_358 = tpu.vector_load_idx %arg6[%add3A_357] : memref<36864xf32, #tpu.memory_space<vmem>>[vector<16xi32>], vector<16xf32>,
      %mul3A_359 = arith.mulf %gather3A_354, %gather3A_358 : vector<16xf32>
      %add3A_360 = arith.addf %add3A_350, %mul3A_359 : vector<16xf32>
      %add3A_361 = arith.constant 34 : i32
      %add3A_362 = vector.broadcast %add3A_361 : i32 to vector<16xi32>
      %add3A_363 = arith.addi %mul3A_20, %add3A_362 : vector<16xi32>
      %gather3A_364 = tpu.vector_load_idx %arg5[%add3A_363] : memref<36864xf32, #tpu.memory_space<vmem>>[vector<16xi32>], vector<16xf32>,
      %add3A_365 = arith.constant 34 : i32
      %add3A_366 = vector.broadcast %add3A_365 : i32 to vector<16xi32>
      %add3A_367 = arith.addi %mul3A_20, %add3A_366 : vector<16xi32>
      %gather3A_368 = tpu.vector_load_idx %arg6[%add3A_367] : memref<36864xf32, #tpu.memory_space<vmem>>[vector<16xi32>], vector<16xf32>,
      %mul3A_369 = arith.mulf %gather3A_364, %gather3A_368 : vector<16xf32>
      %add3A_370 = arith.addf %add3A_360, %mul3A_369 : vector<16xf32>
      %add3A_371 = arith.constant 35 : i32
      %add3A_372 = vector.broadcast %add3A_371 : i32 to vector<16xi32>
      %add3A_373 = arith.addi %mul3A_20, %add3A_372 : vector<16xi32>
      %gather3A_374 = tpu.vector_load_idx %arg5[%add3A_373] : memref<36864xf32, #tpu.memory_space<vmem>>[vector<16xi32>], vector<16xf32>,
      %add3A_375 = arith.constant 35 : i32
      %add3A_376 = vector.broadcast %add3A_375 : i32 to vector<16xi32>
      %add3A_377 = arith.addi %mul3A_20, %add3A_376 : vector<16xi32>
      %gather3A_378 = tpu.vector_load_idx %arg6[%add3A_377] : memref<36864xf32, #tpu.memory_space<vmem>>[vector<16xi32>], vector<16xf32>,
      %mul3A_379 = arith.mulf %gather3A_374, %gather3A_378 : vector<16xf32>
      %add3A_380 = arith.addf %add3A_370, %mul3A_379 : vector<16xf32>
      %add3A_381 = arith.constant 36 : i32
      %add3A_382 = vector.broadcast %add3A_381 : i32 to vector<16xi32>
      %add3A_383 = arith.addi %mul3A_20, %add3A_382 : vector<16xi32>
      %gather3A_384 = tpu.vector_load_idx %arg5[%add3A_383] : memref<36864xf32, #tpu.memory_space<vmem>>[vector<16xi32>], vector<16xf32>,
      %add3A_385 = arith.constant 36 : i32
      %add3A_386 = vector.broadcast %add3A_385 : i32 to vector<16xi32>
      %add3A_387 = arith.addi %mul3A_20, %add3A_386 : vector<16xi32>
      %gather3A_388 = tpu.vector_load_idx %arg6[%add3A_387] : memref<36864xf32, #tpu.memory_space<vmem>>[vector<16xi32>], vector<16xf32>,
      %mul3A_389 = arith.mulf %gather3A_384, %gather3A_388 : vector<16xf32>
      %add3A_390 = arith.addf %add3A_380, %mul3A_389 : vector<16xf32>
      %add3A_391 = arith.constant 37 : i32
      %add3A_392 = vector.broadcast %add3A_391 : i32 to vector<16xi32>
      %add3A_393 = arith.addi %mul3A_20, %add3A_392 : vector<16xi32>
      %gather3A_394 = tpu.vector_load_idx %arg5[%add3A_393] : memref<36864xf32, #tpu.memory_space<vmem>>[vector<16xi32>], vector<16xf32>,
      %add3A_395 = arith.constant 37 : i32
      %add3A_396 = vector.broadcast %add3A_395 : i32 to vector<16xi32>
      %add3A_397 = arith.addi %mul3A_20, %add3A_396 : vector<16xi32>
      %gather3A_398 = tpu.vector_load_idx %arg6[%add3A_397] : memref<36864xf32, #tpu.memory_space<vmem>>[vector<16xi32>], vector<16xf32>,
      %mul3A_399 = arith.mulf %gather3A_394, %gather3A_398 : vector<16xf32>
      %add3A_400 = arith.addf %add3A_390, %mul3A_399 : vector<16xf32>
      %add3A_401 = arith.constant 38 : i32
      %add3A_402 = vector.broadcast %add3A_401 : i32 to vector<16xi32>
      %add3A_403 = arith.addi %mul3A_20, %add3A_402 : vector<16xi32>
      %gather3A_404 = tpu.vector_load_idx %arg5[%add3A_403] : memref<36864xf32, #tpu.memory_space<vmem>>[vector<16xi32>], vector<16xf32>,
      %add3A_405 = arith.constant 38 : i32
      %add3A_406 = vector.broadcast %add3A_405 : i32 to vector<16xi32>
      %add3A_407 = arith.addi %mul3A_20, %add3A_406 : vector<16xi32>
      %gather3A_408 = tpu.vector_load_idx %arg6[%add3A_407] : memref<36864xf32, #tpu.memory_space<vmem>>[vector<16xi32>], vector<16xf32>,
      %mul3A_409 = arith.mulf %gather3A_404, %gather3A_408 : vector<16xf32>
      %add3A_410 = arith.addf %add3A_400, %mul3A_409 : vector<16xf32>
      %add3A_411 = arith.constant 39 : i32
      %add3A_412 = vector.broadcast %add3A_411 : i32 to vector<16xi32>
      %add3A_413 = arith.addi %mul3A_20, %add3A_412 : vector<16xi32>
      %gather3A_414 = tpu.vector_load_idx %arg5[%add3A_413] : memref<36864xf32, #tpu.memory_space<vmem>>[vector<16xi32>], vector<16xf32>,
      %add3A_415 = arith.constant 39 : i32
      %add3A_416 = vector.broadcast %add3A_415 : i32 to vector<16xi32>
      %add3A_417 = arith.addi %mul3A_20, %add3A_416 : vector<16xi32>
      %gather3A_418 = tpu.vector_load_idx %arg6[%add3A_417] : memref<36864xf32, #tpu.memory_space<vmem>>[vector<16xi32>], vector<16xf32>,
      %mul3A_419 = arith.mulf %gather3A_414, %gather3A_418 : vector<16xf32>
      %add3A_420 = arith.addf %add3A_410, %mul3A_419 : vector<16xf32>
      %add3A_421 = arith.constant 40 : i32
      %add3A_422 = vector.broadcast %add3A_421 : i32 to vector<16xi32>
      %add3A_423 = arith.addi %mul3A_20, %add3A_422 : vector<16xi32>
      %gather3A_424 = tpu.vector_load_idx %arg5[%add3A_423] : memref<36864xf32, #tpu.memory_space<vmem>>[vector<16xi32>], vector<16xf32>,
      %add3A_425 = arith.constant 40 : i32
      %add3A_426 = vector.broadcast %add3A_425 : i32 to vector<16xi32>
      %add3A_427 = arith.addi %mul3A_20, %add3A_426 : vector<16xi32>
      %gather3A_428 = tpu.vector_load_idx %arg6[%add3A_427] : memref<36864xf32, #tpu.memory_space<vmem>>[vector<16xi32>], vector<16xf32>,
      %mul3A_429 = arith.mulf %gather3A_424, %gather3A_428 : vector<16xf32>
      %add3A_430 = arith.addf %add3A_420, %mul3A_429 : vector<16xf32>
      %add3A_431 = arith.constant 41 : i32
      %add3A_432 = vector.broadcast %add3A_431 : i32 to vector<16xi32>
      %add3A_433 = arith.addi %mul3A_20, %add3A_432 : vector<16xi32>
      %gather3A_434 = tpu.vector_load_idx %arg5[%add3A_433] : memref<36864xf32, #tpu.memory_space<vmem>>[vector<16xi32>], vector<16xf32>,
      %add3A_435 = arith.constant 41 : i32
      %add3A_436 = vector.broadcast %add3A_435 : i32 to vector<16xi32>
      %add3A_437 = arith.addi %mul3A_20, %add3A_436 : vector<16xi32>
      %gather3A_438 = tpu.vector_load_idx %arg6[%add3A_437] : memref<36864xf32, #tpu.memory_space<vmem>>[vector<16xi32>], vector<16xf32>,
      %mul3A_439 = arith.mulf %gather3A_434, %gather3A_438 : vector<16xf32>
      %add3A_440 = arith.addf %add3A_430, %mul3A_439 : vector<16xf32>
      %add3A_441 = arith.constant 42 : i32
      %add3A_442 = vector.broadcast %add3A_441 : i32 to vector<16xi32>
      %add3A_443 = arith.addi %mul3A_20, %add3A_442 : vector<16xi32>
      %gather3A_444 = tpu.vector_load_idx %arg5[%add3A_443] : memref<36864xf32, #tpu.memory_space<vmem>>[vector<16xi32>], vector<16xf32>,
      %add3A_445 = arith.constant 42 : i32
      %add3A_446 = vector.broadcast %add3A_445 : i32 to vector<16xi32>
      %add3A_447 = arith.addi %mul3A_20, %add3A_446 : vector<16xi32>
      %gather3A_448 = tpu.vector_load_idx %arg6[%add3A_447] : memref<36864xf32, #tpu.memory_space<vmem>>[vector<16xi32>], vector<16xf32>,
      %mul3A_449 = arith.mulf %gather3A_444, %gather3A_448 : vector<16xf32>
      %add3A_450 = arith.addf %add3A_440, %mul3A_449 : vector<16xf32>
      %add3A_451 = arith.constant 43 : i32
      %add3A_452 = vector.broadcast %add3A_451 : i32 to vector<16xi32>
      %add3A_453 = arith.addi %mul3A_20, %add3A_452 : vector<16xi32>
      %gather3A_454 = tpu.vector_load_idx %arg5[%add3A_453] : memref<36864xf32, #tpu.memory_space<vmem>>[vector<16xi32>], vector<16xf32>,
      %add3A_455 = arith.constant 43 : i32
      %add3A_456 = vector.broadcast %add3A_455 : i32 to vector<16xi32>
      %add3A_457 = arith.addi %mul3A_20, %add3A_456 : vector<16xi32>
      %gather3A_458 = tpu.vector_load_idx %arg6[%add3A_457] : memref<36864xf32, #tpu.memory_space<vmem>>[vector<16xi32>], vector<16xf32>,
      %mul3A_459 = arith.mulf %gather3A_454, %gather3A_458 : vector<16xf32>
      %add3A_460 = arith.addf %add3A_450, %mul3A_459 : vector<16xf32>
      %add3A_461 = arith.constant 44 : i32
      %add3A_462 = vector.broadcast %add3A_461 : i32 to vector<16xi32>
      %add3A_463 = arith.addi %mul3A_20, %add3A_462 : vector<16xi32>
      %gather3A_464 = tpu.vector_load_idx %arg5[%add3A_463] : memref<36864xf32, #tpu.memory_space<vmem>>[vector<16xi32>], vector<16xf32>,
      %add3A_465 = arith.constant 44 : i32
      %add3A_466 = vector.broadcast %add3A_465 : i32 to vector<16xi32>
      %add3A_467 = arith.addi %mul3A_20, %add3A_466 : vector<16xi32>
      %gather3A_468 = tpu.vector_load_idx %arg6[%add3A_467] : memref<36864xf32, #tpu.memory_space<vmem>>[vector<16xi32>], vector<16xf32>,
      %mul3A_469 = arith.mulf %gather3A_464, %gather3A_468 : vector<16xf32>
      %add3A_470 = arith.addf %add3A_460, %mul3A_469 : vector<16xf32>
      %add3A_471 = arith.constant 45 : i32
      %add3A_472 = vector.broadcast %add3A_471 : i32 to vector<16xi32>
      %add3A_473 = arith.addi %mul3A_20, %add3A_472 : vector<16xi32>
      %gather3A_474 = tpu.vector_load_idx %arg5[%add3A_473] : memref<36864xf32, #tpu.memory_space<vmem>>[vector<16xi32>], vector<16xf32>,
      %add3A_475 = arith.constant 45 : i32
      %add3A_476 = vector.broadcast %add3A_475 : i32 to vector<16xi32>
      %add3A_477 = arith.addi %mul3A_20, %add3A_476 : vector<16xi32>
      %gather3A_478 = tpu.vector_load_idx %arg6[%add3A_477] : memref<36864xf32, #tpu.memory_space<vmem>>[vector<16xi32>], vector<16xf32>,
      %mul3A_479 = arith.mulf %gather3A_474, %gather3A_478 : vector<16xf32>
      %add3A_480 = arith.addf %add3A_470, %mul3A_479 : vector<16xf32>
      %add3A_481 = arith.constant 46 : i32
      %add3A_482 = vector.broadcast %add3A_481 : i32 to vector<16xi32>
      %add3A_483 = arith.addi %mul3A_20, %add3A_482 : vector<16xi32>
      %gather3A_484 = tpu.vector_load_idx %arg5[%add3A_483] : memref<36864xf32, #tpu.memory_space<vmem>>[vector<16xi32>], vector<16xf32>,
      %add3A_485 = arith.constant 46 : i32
      %add3A_486 = vector.broadcast %add3A_485 : i32 to vector<16xi32>
      %add3A_487 = arith.addi %mul3A_20, %add3A_486 : vector<16xi32>
      %gather3A_488 = tpu.vector_load_idx %arg6[%add3A_487] : memref<36864xf32, #tpu.memory_space<vmem>>[vector<16xi32>], vector<16xf32>,
      %mul3A_489 = arith.mulf %gather3A_484, %gather3A_488 : vector<16xf32>
      %add3A_490 = arith.addf %add3A_480, %mul3A_489 : vector<16xf32>
      %add3A_491 = arith.constant 47 : i32
      %add3A_492 = vector.broadcast %add3A_491 : i32 to vector<16xi32>
      %add3A_493 = arith.addi %mul3A_20, %add3A_492 : vector<16xi32>
      %gather3A_494 = tpu.vector_load_idx %arg5[%add3A_493] : memref<36864xf32, #tpu.memory_space<vmem>>[vector<16xi32>], vector<16xf32>,
      %add3A_495 = arith.constant 47 : i32
      %add3A_496 = vector.broadcast %add3A_495 : i32 to vector<16xi32>
      %add3A_497 = arith.addi %mul3A_20, %add3A_496 : vector<16xi32>
      %gather3A_498 = tpu.vector_load_idx %arg6[%add3A_497] : memref<36864xf32, #tpu.memory_space<vmem>>[vector<16xi32>], vector<16xf32>,
      %mul3A_499 = arith.mulf %gather3A_494, %gather3A_498 : vector<16xf32>
      %add3A_500 = arith.addf %add3A_490, %mul3A_499 : vector<16xf32>
      %add3A_501 = arith.constant 48 : i32
      %add3A_502 = vector.broadcast %add3A_501 : i32 to vector<16xi32>
      %add3A_503 = arith.addi %mul3A_20, %add3A_502 : vector<16xi32>
      %gather3A_504 = tpu.vector_load_idx %arg5[%add3A_503] : memref<36864xf32, #tpu.memory_space<vmem>>[vector<16xi32>], vector<16xf32>,
      %add3A_505 = arith.constant 48 : i32
      %add3A_506 = vector.broadcast %add3A_505 : i32 to vector<16xi32>
      %add3A_507 = arith.addi %mul3A_20, %add3A_506 : vector<16xi32>
      %gather3A_508 = tpu.vector_load_idx %arg6[%add3A_507] : memref<36864xf32, #tpu.memory_space<vmem>>[vector<16xi32>], vector<16xf32>,
      %mul3A_509 = arith.mulf %gather3A_504, %gather3A_508 : vector<16xf32>
      %add3A_510 = arith.addf %add3A_500, %mul3A_509 : vector<16xf32>
      %add3A_511 = arith.constant 49 : i32
      %add3A_512 = vector.broadcast %add3A_511 : i32 to vector<16xi32>
      %add3A_513 = arith.addi %mul3A_20, %add3A_512 : vector<16xi32>
      %gather3A_514 = tpu.vector_load_idx %arg5[%add3A_513] : memref<36864xf32, #tpu.memory_space<vmem>>[vector<16xi32>], vector<16xf32>,
      %add3A_515 = arith.constant 49 : i32
      %add3A_516 = vector.broadcast %add3A_515 : i32 to vector<16xi32>
      %add3A_517 = arith.addi %mul3A_20, %add3A_516 : vector<16xi32>
      %gather3A_518 = tpu.vector_load_idx %arg6[%add3A_517] : memref<36864xf32, #tpu.memory_space<vmem>>[vector<16xi32>], vector<16xf32>,
      %mul3A_519 = arith.mulf %gather3A_514, %gather3A_518 : vector<16xf32>
      %add3A_520 = arith.addf %add3A_510, %mul3A_519 : vector<16xf32>
      %add3A_521 = arith.constant 50 : i32
      %add3A_522 = vector.broadcast %add3A_521 : i32 to vector<16xi32>
      %add3A_523 = arith.addi %mul3A_20, %add3A_522 : vector<16xi32>
      %gather3A_524 = tpu.vector_load_idx %arg5[%add3A_523] : memref<36864xf32, #tpu.memory_space<vmem>>[vector<16xi32>], vector<16xf32>,
      %add3A_525 = arith.constant 50 : i32
      %add3A_526 = vector.broadcast %add3A_525 : i32 to vector<16xi32>
      %add3A_527 = arith.addi %mul3A_20, %add3A_526 : vector<16xi32>
      %gather3A_528 = tpu.vector_load_idx %arg6[%add3A_527] : memref<36864xf32, #tpu.memory_space<vmem>>[vector<16xi32>], vector<16xf32>,
      %mul3A_529 = arith.mulf %gather3A_524, %gather3A_528 : vector<16xf32>
      %add3A_530 = arith.addf %add3A_520, %mul3A_529 : vector<16xf32>
      %add3A_531 = arith.constant 51 : i32
      %add3A_532 = vector.broadcast %add3A_531 : i32 to vector<16xi32>
      %add3A_533 = arith.addi %mul3A_20, %add3A_532 : vector<16xi32>
      %gather3A_534 = tpu.vector_load_idx %arg5[%add3A_533] : memref<36864xf32, #tpu.memory_space<vmem>>[vector<16xi32>], vector<16xf32>,
      %add3A_535 = arith.constant 51 : i32
      %add3A_536 = vector.broadcast %add3A_535 : i32 to vector<16xi32>
      %add3A_537 = arith.addi %mul3A_20, %add3A_536 : vector<16xi32>
      %gather3A_538 = tpu.vector_load_idx %arg6[%add3A_537] : memref<36864xf32, #tpu.memory_space<vmem>>[vector<16xi32>], vector<16xf32>,
      %mul3A_539 = arith.mulf %gather3A_534, %gather3A_538 : vector<16xf32>
      %add3A_540 = arith.addf %add3A_530, %mul3A_539 : vector<16xf32>
      %add3A_541 = arith.constant 52 : i32
      %add3A_542 = vector.broadcast %add3A_541 : i32 to vector<16xi32>
      %add3A_543 = arith.addi %mul3A_20, %add3A_542 : vector<16xi32>
      %gather3A_544 = tpu.vector_load_idx %arg5[%add3A_543] : memref<36864xf32, #tpu.memory_space<vmem>>[vector<16xi32>], vector<16xf32>,
      %add3A_545 = arith.constant 52 : i32
      %add3A_546 = vector.broadcast %add3A_545 : i32 to vector<16xi32>
      %add3A_547 = arith.addi %mul3A_20, %add3A_546 : vector<16xi32>
      %gather3A_548 = tpu.vector_load_idx %arg6[%add3A_547] : memref<36864xf32, #tpu.memory_space<vmem>>[vector<16xi32>], vector<16xf32>,
      %mul3A_549 = arith.mulf %gather3A_544, %gather3A_548 : vector<16xf32>
      %add3A_550 = arith.addf %add3A_540, %mul3A_549 : vector<16xf32>
      %add3A_551 = arith.constant 53 : i32
      %add3A_552 = vector.broadcast %add3A_551 : i32 to vector<16xi32>
      %add3A_553 = arith.addi %mul3A_20, %add3A_552 : vector<16xi32>
      %gather3A_554 = tpu.vector_load_idx %arg5[%add3A_553] : memref<36864xf32, #tpu.memory_space<vmem>>[vector<16xi32>], vector<16xf32>,
      %add3A_555 = arith.constant 53 : i32
      %add3A_556 = vector.broadcast %add3A_555 : i32 to vector<16xi32>
      %add3A_557 = arith.addi %mul3A_20, %add3A_556 : vector<16xi32>
      %gather3A_558 = tpu.vector_load_idx %arg6[%add3A_557] : memref<36864xf32, #tpu.memory_space<vmem>>[vector<16xi32>], vector<16xf32>,
      %mul3A_559 = arith.mulf %gather3A_554, %gather3A_558 : vector<16xf32>
      %add3A_560 = arith.addf %add3A_550, %mul3A_559 : vector<16xf32>
      %add3A_561 = arith.constant 54 : i32
      %add3A_562 = vector.broadcast %add3A_561 : i32 to vector<16xi32>
      %add3A_563 = arith.addi %mul3A_20, %add3A_562 : vector<16xi32>
      %gather3A_564 = tpu.vector_load_idx %arg5[%add3A_563] : memref<36864xf32, #tpu.memory_space<vmem>>[vector<16xi32>], vector<16xf32>,
      %add3A_565 = arith.constant 54 : i32
      %add3A_566 = vector.broadcast %add3A_565 : i32 to vector<16xi32>
      %add3A_567 = arith.addi %mul3A_20, %add3A_566 : vector<16xi32>
      %gather3A_568 = tpu.vector_load_idx %arg6[%add3A_567] : memref<36864xf32, #tpu.memory_space<vmem>>[vector<16xi32>], vector<16xf32>,
      %mul3A_569 = arith.mulf %gather3A_564, %gather3A_568 : vector<16xf32>
      %add3A_570 = arith.addf %add3A_560, %mul3A_569 : vector<16xf32>
      %add3A_571 = arith.constant 55 : i32
      %add3A_572 = vector.broadcast %add3A_571 : i32 to vector<16xi32>
      %add3A_573 = arith.addi %mul3A_20, %add3A_572 : vector<16xi32>
      %gather3A_574 = tpu.vector_load_idx %arg5[%add3A_573] : memref<36864xf32, #tpu.memory_space<vmem>>[vector<16xi32>], vector<16xf32>,
      %add3A_575 = arith.constant 55 : i32
      %add3A_576 = vector.broadcast %add3A_575 : i32 to vector<16xi32>
      %add3A_577 = arith.addi %mul3A_20, %add3A_576 : vector<16xi32>
      %gather3A_578 = tpu.vector_load_idx %arg6[%add3A_577] : memref<36864xf32, #tpu.memory_space<vmem>>[vector<16xi32>], vector<16xf32>,
      %mul3A_579 = arith.mulf %gather3A_574, %gather3A_578 : vector<16xf32>
      %add3A_580 = arith.addf %add3A_570, %mul3A_579 : vector<16xf32>
      %add3A_581 = arith.constant 56 : i32
      %add3A_582 = vector.broadcast %add3A_581 : i32 to vector<16xi32>
      %add3A_583 = arith.addi %mul3A_20, %add3A_582 : vector<16xi32>
      %gather3A_584 = tpu.vector_load_idx %arg5[%add3A_583] : memref<36864xf32, #tpu.memory_space<vmem>>[vector<16xi32>], vector<16xf32>,
      %add3A_585 = arith.constant 56 : i32
      %add3A_586 = vector.broadcast %add3A_585 : i32 to vector<16xi32>
      %add3A_587 = arith.addi %mul3A_20, %add3A_586 : vector<16xi32>
      %gather3A_588 = tpu.vector_load_idx %arg6[%add3A_587] : memref<36864xf32, #tpu.memory_space<vmem>>[vector<16xi32>], vector<16xf32>,
      %mul3A_589 = arith.mulf %gather3A_584, %gather3A_588 : vector<16xf32>
      %add3A_590 = arith.addf %add3A_580, %mul3A_589 : vector<16xf32>
      %add3A_591 = arith.constant 57 : i32
      %add3A_592 = vector.broadcast %add3A_591 : i32 to vector<16xi32>
      %add3A_593 = arith.addi %mul3A_20, %add3A_592 : vector<16xi32>
      %gather3A_594 = tpu.vector_load_idx %arg5[%add3A_593] : memref<36864xf32, #tpu.memory_space<vmem>>[vector<16xi32>], vector<16xf32>,
      %add3A_595 = arith.constant 57 : i32
      %add3A_596 = vector.broadcast %add3A_595 : i32 to vector<16xi32>
      %add3A_597 = arith.addi %mul3A_20, %add3A_596 : vector<16xi32>
      %gather3A_598 = tpu.vector_load_idx %arg6[%add3A_597] : memref<36864xf32, #tpu.memory_space<vmem>>[vector<16xi32>], vector<16xf32>,
      %mul3A_599 = arith.mulf %gather3A_594, %gather3A_598 : vector<16xf32>
      %add3A_600 = arith.addf %add3A_590, %mul3A_599 : vector<16xf32>
      %add3A_601 = arith.constant 58 : i32
      %add3A_602 = vector.broadcast %add3A_601 : i32 to vector<16xi32>
      %add3A_603 = arith.addi %mul3A_20, %add3A_602 : vector<16xi32>
      %gather3A_604 = tpu.vector_load_idx %arg5[%add3A_603] : memref<36864xf32, #tpu.memory_space<vmem>>[vector<16xi32>], vector<16xf32>,
      %add3A_605 = arith.constant 58 : i32
      %add3A_606 = vector.broadcast %add3A_605 : i32 to vector<16xi32>
      %add3A_607 = arith.addi %mul3A_20, %add3A_606 : vector<16xi32>
      %gather3A_608 = tpu.vector_load_idx %arg6[%add3A_607] : memref<36864xf32, #tpu.memory_space<vmem>>[vector<16xi32>], vector<16xf32>,
      %mul3A_609 = arith.mulf %gather3A_604, %gather3A_608 : vector<16xf32>
      %add3A_610 = arith.addf %add3A_600, %mul3A_609 : vector<16xf32>
      %add3A_611 = arith.constant 59 : i32
      %add3A_612 = vector.broadcast %add3A_611 : i32 to vector<16xi32>
      %add3A_613 = arith.addi %mul3A_20, %add3A_612 : vector<16xi32>
      %gather3A_614 = tpu.vector_load_idx %arg5[%add3A_613] : memref<36864xf32, #tpu.memory_space<vmem>>[vector<16xi32>], vector<16xf32>,
      %add3A_615 = arith.constant 59 : i32
      %add3A_616 = vector.broadcast %add3A_615 : i32 to vector<16xi32>
      %add3A_617 = arith.addi %mul3A_20, %add3A_616 : vector<16xi32>
      %gather3A_618 = tpu.vector_load_idx %arg6[%add3A_617] : memref<36864xf32, #tpu.memory_space<vmem>>[vector<16xi32>], vector<16xf32>,
      %mul3A_619 = arith.mulf %gather3A_614, %gather3A_618 : vector<16xf32>
      %add3A_620 = arith.addf %add3A_610, %mul3A_619 : vector<16xf32>
      %add3A_621 = arith.constant 60 : i32
      %add3A_622 = vector.broadcast %add3A_621 : i32 to vector<16xi32>
      %add3A_623 = arith.addi %mul3A_20, %add3A_622 : vector<16xi32>
      %gather3A_624 = tpu.vector_load_idx %arg5[%add3A_623] : memref<36864xf32, #tpu.memory_space<vmem>>[vector<16xi32>], vector<16xf32>,
      %add3A_625 = arith.constant 60 : i32
      %add3A_626 = vector.broadcast %add3A_625 : i32 to vector<16xi32>
      %add3A_627 = arith.addi %mul3A_20, %add3A_626 : vector<16xi32>
      %gather3A_628 = tpu.vector_load_idx %arg6[%add3A_627] : memref<36864xf32, #tpu.memory_space<vmem>>[vector<16xi32>], vector<16xf32>,
      %mul3A_629 = arith.mulf %gather3A_624, %gather3A_628 : vector<16xf32>
      %add3A_630 = arith.addf %add3A_620, %mul3A_629 : vector<16xf32>
      %add3A_631 = arith.constant 61 : i32
      %add3A_632 = vector.broadcast %add3A_631 : i32 to vector<16xi32>
      %add3A_633 = arith.addi %mul3A_20, %add3A_632 : vector<16xi32>
      %gather3A_634 = tpu.vector_load_idx %arg5[%add3A_633] : memref<36864xf32, #tpu.memory_space<vmem>>[vector<16xi32>], vector<16xf32>,
      %add3A_635 = arith.constant 61 : i32
      %add3A_636 = vector.broadcast %add3A_635 : i32 to vector<16xi32>
      %add3A_637 = arith.addi %mul3A_20, %add3A_636 : vector<16xi32>
      %gather3A_638 = tpu.vector_load_idx %arg6[%add3A_637] : memref<36864xf32, #tpu.memory_space<vmem>>[vector<16xi32>], vector<16xf32>,
      %mul3A_639 = arith.mulf %gather3A_634, %gather3A_638 : vector<16xf32>
      %add3A_640 = arith.addf %add3A_630, %mul3A_639 : vector<16xf32>
      %add3A_641 = arith.constant 62 : i32
      %add3A_642 = vector.broadcast %add3A_641 : i32 to vector<16xi32>
      %add3A_643 = arith.addi %mul3A_20, %add3A_642 : vector<16xi32>
      %gather3A_644 = tpu.vector_load_idx %arg5[%add3A_643] : memref<36864xf32, #tpu.memory_space<vmem>>[vector<16xi32>], vector<16xf32>,
      %add3A_645 = arith.constant 62 : i32
      %add3A_646 = vector.broadcast %add3A_645 : i32 to vector<16xi32>
      %add3A_647 = arith.addi %mul3A_20, %add3A_646 : vector<16xi32>
      %gather3A_648 = tpu.vector_load_idx %arg6[%add3A_647] : memref<36864xf32, #tpu.memory_space<vmem>>[vector<16xi32>], vector<16xf32>,
      %mul3A_649 = arith.mulf %gather3A_644, %gather3A_648 : vector<16xf32>
      %add3A_650 = arith.addf %add3A_640, %mul3A_649 : vector<16xf32>
      %add3A_651 = arith.constant 63 : i32
      %add3A_652 = vector.broadcast %add3A_651 : i32 to vector<16xi32>
      %add3A_653 = arith.addi %mul3A_20, %add3A_652 : vector<16xi32>
      %gather3A_654 = tpu.vector_load_idx %arg5[%add3A_653] : memref<36864xf32, #tpu.memory_space<vmem>>[vector<16xi32>], vector<16xf32>,
      %add3A_655 = arith.constant 63 : i32
      %add3A_656 = vector.broadcast %add3A_655 : i32 to vector<16xi32>
      %add3A_657 = arith.addi %mul3A_20, %add3A_656 : vector<16xi32>
      %gather3A_658 = tpu.vector_load_idx %arg6[%add3A_657] : memref<36864xf32, #tpu.memory_space<vmem>>[vector<16xi32>], vector<16xf32>,
      %mul3A_659 = arith.mulf %gather3A_654, %gather3A_658 : vector<16xf32>
      %add3A_660 = arith.addf %add3A_650, %mul3A_659 : vector<16xf32>
      %mul3A_661 = arith.constant 16 : i32
      %mul3A_662 = arith.muli %scan3A_12, %mul3A_661 : i32
      %multiple_of3A_663 = tpu.assume_multiple %mul3A_662, 16 : i32
      %swap3A = arith.index_cast %multiple_of3A_663 : i32 to index
      %swap3A_664 = tpu.vector_load %arg7[%swap3A] {strides = array<i32>} : memref<512xf32, #tpu.memory_space<vmem>>, vector<16xf32>,
      tpu.vector_store %arg7[%swap3A], %add3A_660 {strides = array<i32>} : memref<512xf32, #tpu.memory_space<vmem>>, vector<16xf32>,
      %scan3A_665 = arith.constant 0 : i32
      scf.yield %scan3A_665 : i32
    }
    %scan3A_10 = arith.constant 32 : i32
    %multiple_of3A_11 = tpu.assume_multiple %mul3A_2, 8 : i32
    "tpu.region"() ({
      %run_scoped3A = tpu.sem_alloc : memref<!tpu.dma_semaphore, #tpu.memory_space<semaphore_mem>>
      %dma_start3A = tpu.memref_slice %arg4[%multiple_of3A_11] : memref<16384xf32, #tpu.memory_space<hbm>> -> memref<512xf32, #tpu.memory_space<hbm>>
      %dma_start3A_12 = tpu.memref_slice %arg4[%multiple_of3A_11] : memref<16384xf32, #tpu.memory_space<hbm>> -> memref<512xf32, #tpu.memory_space<hbm>>
      tpu.enqueue_dma source(%arg7 : memref<512xf32, #tpu.memory_space<vmem>>) target(%dma_start3A_12 : memref<512xf32, #tpu.memory_space<hbm>>) target_semaphore(%run_scoped3A : memref<!tpu.dma_semaphore, #tpu.memory_space<semaphore_mem>>)
      %dma_wait3A = tpu.memref_slice %arg4[%multiple_of3A_11] : memref<16384xf32, #tpu.memory_space<hbm>> -> memref<512xf32, #tpu.memory_space<hbm>>
      %dma_wait3A_13 = tpu.memref_slice %arg4[%multiple_of3A_11] : memref<16384xf32, #tpu.memory_space<hbm>> -> memref<512xf32, #tpu.memory_space<hbm>>
      tpu.wait_dma2 semaphore(%run_scoped3A : memref<!tpu.dma_semaphore, #tpu.memory_space<semaphore_mem>>) src(%arg7 : memref<512xf32, #tpu.memory_space<vmem>>) dst(%dma_wait3A_13 : memref<512xf32, #tpu.memory_space<hbm>>)
      tpu.yield
    }) : () -> ()
    return
  }
}

</mosaic_0001>

<sc_bundles>
// kernel: kernel.4.cloned.1.call-start
scs
__scs_entry_jumppad:
0x0: {  	(pc) =	sbr.rel $0x88, $3  }
0x1: {  	(tag) =	ssettag $0x0;
	lr =	simm.s32 $0x1  }
0x2: {  	[smem:$0x3F9D] =	sst lr;
	_ =	strace $0xD0000000  }
0x3: {  	_ = 	snop  }
0x4: {  	_ = 	snop  }
0x5: {  	_ = 	snop  }
0x6: {  	_ = 	snop  }
0x7: {  	_ = 	snop  }
__scs_overlays_trampoline_lowered:
0x8: {  	[smem:$0x3FAC] =	sst s0  }
0x9: {  	[smem:$0x3FAD] =	sst s1  }
0xa: {  	[smem:$0x3FAE] =	sst s2  }
0xb: {  	[smem:$0x3FAF] =	sst s3  }
0xc: {  	[smem:$0x3FB0] =	sst s4  }
0xd: {  	[smem:$0x3FB1] =	sst s5  }
0xe: {  	[smem:$0x3FB2] =	sst s6  }
0xf: {  	[smem:$0x3FB3] =	sst s7  }
0x10: {  	[smem:$0x3FB4] =	sst s8  }
0x11: {  	[smem:$0x3FB5] =	sst s9;
	s0 =	simm.s32 @!p0 $0x0  }
0x12: {  	s1 =	sld [smem:$0x3F9B];
	s0 =	simm.s32 @p0 $0x1  }
0x13: {  	[smem:$0x3FB6] =	sst s0;
	s0 =	simm.s32 @!p1 $0x0  }
0x14: {  	s2 =	sld [smem:$0x3F9A];
	s0 =	simm.s32 @p1 $0x1  }
0x15: {  	[smem:$0x3FB7] =	sst s0;
	s0 =	simm.s32 @!p2 $0x0  }
0x16: {  	s3 =	sld [smem:$0x3FDB];
	s0 =	simm.s32 @p2 $0x1  }
0x17: {  	s4 =	simm.s32 $0x1BF5;
	[smem:$0x3FB9] =	sst s0  }
0x18: {  	s0 =	sld [smem:$0x3F9C];
	_ =	swait.ge [sflag:s4], $0x0  }
0x19: {  	s7 =	sld [smem:$0x3F9D]  }
0x1a: {  	s8 =	sadd.s32 $0xFFFFE003, lr  }
0x1b: {  	s9 =	sadd.s32 $0xFFFFFEF7, lr;
	s5 =	simm.s32 $0xFFFFFFFF;
	p2 =	slt.u32 s8, $0xFFFFF086  }
0x1c: {  	p1 =	slt.u32 s9, $0xF7A;
	s5 =	simm.s32 @!p2 $0x0  }
0x1d: {  	s5 =	simm.s32 @p1 $0x1;
	p0 =	seq.s32 s7, s2  }
0x1e: {  	s7 =	smul.u32 @!p0 $0xF7A, s2;
	p2 =	seq.s32 @!p0 s5, $0x0  }
0x1f: {  	s9 =	smul.u32 $0xF7A, s1;
	s8 =	simm.s32 @!p0 $0x1BF5;
	p2 =	por !p2, p0  }
0x20: {  	[sflag:s8] =	ssyncset.s32 @!p0 $0xFFFFF086;
	s6 =	sadd.s32 @!p0 s3, s7;
	s7 =	simm.s32 @!p0 $0x108  }
0x21: {  	s3 =	sadd.s32 s3, s9;
	s6 =	sadd.s32 @!p0 $0x88, s6;
	s7 =	simm.s32 @p2 $0x1082  }
0x22: {  	[simem:s7], [sflag:s8] =	dma.local @!p0 [hbm:s6], $0xF7A  }
0x23: {  	s9 =	sor.u32 $0xD0000000, s2;
	s6 =	simm.s32 $0x108;
	_ =	swait.ge @!p0 [sflag:s8], $0x0  }
0x24: {  	s3 =	sadd.s32 $0x88, s3;
	s6 =	simm.s32 @!p1 $0x1082;
	[sflag:s4] =	ssyncset.s32 $0xFFFFF086  }
0x25: {  	[simem:s6], [sflag:s4] =	dma.local [hbm:s3], $0xF7A  }
0x26: {  	[smem:$0x3F9D] =	sst s1;
	(tag) =	ssettag s2;
	_ =	strace s9  }
0x27: {  	s1 =	sld [smem:$0x3FAD]  }
0x28: {  	s2 =	sld [smem:$0x3FAE]  }
0x29: {  	s4 =	sld [smem:$0x3FB0]  }
0x2a: {  	p0 =	seq.s32 s5, $0x0;
	s5 =	sld [smem:$0x3FB1]  }
0x2b: {  	s6 =	sld [smem:$0x3FB2]  }
0x2c: {  	s7 =	sld [smem:$0x3FB3]  }
0x2d: {  	s3 =	simm.s32 $0x108;
	s8 =	sld [smem:$0x3FB4]  }
0x2e: {  	s3 =	simm.s32 @!p0 $0x1082;
	s9 =	sld [smem:$0x3FB5]  }
0x2f: {  	lr =	sadd.s32 s0, s3;
	s0 =	sld [smem:$0x3FAC]  }
0x30: {  	s3 =	sld [smem:$0x3FAF]  }
0x31: {  	[smem:$0x3FB8] =	sst s10  }
0x32: {  	s10 =	sld [smem:$0x3FB6];
	_ =	sdelay $0x3  }
0x33: {  	p0 =	seq.s32 s10, $0x1;
	s10 =	sld [smem:$0x3FB8];
	_ =	sdelay $0x3  }
0x34: {  	[smem:$0x3FB8] =	sst s10  }
0x35: {  	s10 =	sld [smem:$0x3FB7];
	_ =	sdelay $0x3  }
0x36: {  	p1 =	seq.s32 s10, $0x1;
	s10 =	sld [smem:$0x3FB8];
	_ =	sdelay $0x3  }
0x37: {  	[smem:$0x3FB8] =	sst s10  }
0x38: {  	s10 =	sld [smem:$0x3FB9]  }
0x39: {  	_ = 	snop;
	(pc) =	sbr.ind lr, $3  }
0x3a: {  	_ = 	snop  }
0x3b: {  	_ = 	snop  }
0x3c: {  	p2 =	seq.s32 s10, $0x1;
	s10 =	sld [smem:$0x3FB8]  }
0x3d: {  	_ =	shalt  }
0x3e: {  	_ =	shalt  }
0x3f: {  	_ =	shalt  }
0x40: {  	_ =	shalt  }
0x41: {  	_ =	shalt  }
0x42: {  	_ =	shalt  }
0x43: {  	_ =	shalt  }
0x44: {  	_ =	shalt  }
0x45: {  	_ =	shalt  }
0x46: {  	_ =	shalt  }
0x47: {  	_ =	shalt  }
0x48: {  	_ =	shalt  }
0x49: {  	_ =	shalt  }
0x4a: {  	_ =	shalt  }
0x4b: {  	_ =	shalt  }
0x4c: {  	_ =	shalt  }
0x4d: {  	_ =	shalt  }
0x4e: {  	_ =	shalt  }
0x4f: {  	_ =	shalt  }
0x50: {  	_ =	shalt  }
0x51: {  	_ =	shalt  }
0x52: {  	_ =	shalt  }
0x53: {  	_ =	shalt  }
0x54: {  	_ =	shalt  }
0x55: {  	_ =	shalt  }
0x56: {  	_ =	shalt  }
0x57: {  	_ =	shalt  }
0x58: {  	_ =	shalt  }
0x59: {  	_ =	shalt  }
0x5a: {  	_ =	shalt  }
0x5b: {  	_ =	shalt  }
0x5c: {  	_ =	shalt  }
0x5d: {  	_ =	shalt  }
0x5e: {  	_ =	shalt  }
0x5f: {  	_ =	shalt  }
0x60: {  	_ =	shalt  }
0x61: {  	_ =	shalt  }
0x62: {  	_ =	shalt  }
0x63: {  	_ =	shalt  }
0x64: {  	_ =	shalt  }
0x65: {  	_ =	shalt  }
0x66: {  	_ =	shalt  }
0x67: {  	_ =	shalt  }
0x68: {  	_ =	shalt  }
0x69: {  	_ =	shalt  }
0x6a: {  	_ =	shalt  }
0x6b: {  	_ =	shalt  }
0x6c: {  	_ =	shalt  }
0x6d: {  	_ =	shalt  }
0x6e: {  	_ =	shalt  }
0x6f: {  	_ =	shalt  }
0x70: {  	_ =	shalt  }
0x71: {  	_ =	shalt  }
0x72: {  	_ =	shalt  }
0x73: {  	_ =	shalt  }
0x74: {  	_ =	shalt  }
0x75: {  	_ =	shalt  }
0x76: {  	_ =	shalt  }
0x77: {  	_ =	shalt  }
0x78: {  	_ =	shalt  }
0x79: {  	_ =	shalt  }
0x7a: {  	_ =	shalt  }
0x7b: {  	_ =	shalt  }
0x7c: {  	_ =	shalt  }
0x7d: {  	_ =	shalt  }
0x7e: {  	_ =	shalt  }
0x7f: {  	_ =	shalt  }
0x80: {  	_ =	shalt  }
0x81: {  	_ =	shalt  }
0x82: {  	_ =	shalt  }
0x83: {  	_ =	shalt  }
0x84: {  	_ =	shalt  }
0x85: {  	_ =	shalt  }
0x86: {  	_ =	shalt  }
0x87: {  	_ =	shalt  }
.Lfunc_end0:
.L_simem_size_0:
called_computation_lowered:
.L_overlay_start_0:
0x88: {  	s2 =	sld [smem:$0x3FD9]  }
0x89: {  	s3 =	sld [smem:$0x3FFE];
	_ =	sdelay $0x1  }
0x8a: {  	s1 =	srdreg.scid  }
0x8b: {  	s0 =	sand.u32 $0x1, s1  }
0x8c: {  	s17 =	sshll.u32 s0, $0xA;
	s2 =	sadd.s32 s3, s2  }
0x8d: {  	s2 =	sadd.s32 s2, s17  }
0x8e: {  	[smem:$0x3FC4] =	sst s2  }
0x8f: {  	_ = 	snop  }
0x90: {  	s2 =	sld [smem:$0x3FC9]  }
0x91: {  	s18 =	sld [smem:$0x3FC8]  }
0x92: {  	s4 =	sld [smem:$0x3FC7]  }
0x93: {  	s5 =	sld [smem:$0x3FC6]  }
0x94: {  	s6 =	sld [smem:$0x3FD0];
	(tm) =	ssettm $0x1  }
0x95: {  	s7 =	sld [smem:$0x3FFB];
	_ =	sdelay $0x3  }
0x96: {  	_ =	strace s7  }
0x97: {  	s7 =	sld [smem:$0x3FFC];
	_ =	sdelay $0x3  }
0x98: {  	_ =	strace s7  }
0x99: {  	s7 =	sld [smem:$0x3FFD];
	_ =	sdelay $0x3  }
0x9a: {  	_ =	strace s7  }
0x9b: {  	_ =	strace $0x8FFFFFFF  }
0x9c: {  	s19 =	sld [smem:$0x3FDB];
	_ =	sdelay $0x1  }
0x9d: {  	s8 =	simm.s32 $_scs_section_size  }
0x9e: {  	s9 =	simm.s32 $_size__tile_overlayer_lowered;
	s10 =	simm.s32 $_tile_overlayer_lowered  }
0x9f: {  	s22 =	simm.s32 $0x1BFF;
	s21 =	sshll.u32 s10, $0x1;
	s7 =	sadd.s32 s8, s19  }
0xa0: {  	s11 =	simm.s32 $0x0;
	s20 =	sshll.u32 s9, $0x1;
	s9 =	sadd.s32 s21, s7  }
0xa1: {  	[timem:s11], [sflag:s22] =	dma.local [hbm:s9], s20  }
0xa2: {  	_ =	swait.ge [sflag:s22], s20  }
0xa3: {  	s8 =	ssub.s32 $0x0, s20;
	[sflag:s22] =	ssyncset.done $0x0  }
0xa4: {  	[sflag:s22] =	ssyncadd.s32 s8;
	_ =	sdelay $0x1  }
0xa5: {  	s23 =	simm.s32 $0x1B8B  }
0xa6: {  	_ =	swait.ge [sflag:s23], $0x1  }
0xa7: {  	[sflag:s23] =	ssyncset.done $0x0  }
0xa8: {  	s25 =	simm.s32 $0x1B8E;
	s24 =	sld [smem:$0x3FFE];
	[sflag:s23] =	ssyncadd.s32 $0xFFFFFFFF  }
0xa9: {  	s26 =	simm.s32 $execute0_lowered;
	[smem:$0x3FD2] =	sst s25  }
0xaa: {  	s9 =	sshll.u32 s26, $0x1;
	_ =	strace $0x80000046;
	[dreg:$0x1] =	wrdreg $0xFFFFFFFF  }
0xab: {  	s28 =	simm.s32 $_size_execute0_lowered;
	s7 =	sadd.s32 s7, s9;
	[dreg:$0x0] =	wrdreg $0x0  }
0xac: {  	s9 =	sshll.u32 s28, $0x1;
	[dreg:$0x2] =	wrdreg s7  }
0xad: {  	[dreg:$0x3] =	wrdreg s9  }
0xae: {  	[dreg:$0x4] =	wrdreg $0xC0  }
0xaf: {  	_ =	task [dreg:s11], $0x5FFFF  }
0xb0: {  	[dreg:$0x1] =	wrdreg $0xFFFFFFFF  }
0xb1: {  	[dreg:$0x0] =	wrdreg $0x60  }
0xb2: {  	[dreg:$0x2] =	wrdreg s2  }
0xb3: {  	[dreg:$0x3] =	wrdreg s18  }
0xb4: {  	[dreg:$0x4] =	wrdreg s4  }
0xb5: {  	[dreg:$0x5] =	wrdreg s5  }
0xb6: {  	[dreg:$0x6] =	wrdreg s24  }
0xb7: {  	[dreg:$0x7] =	wrdreg s6  }
0xb8: {  	[dreg:$0x8] =	wrdreg $0x9  }
0xb9: {  	_ =	task.clear_ibuf [dreg:s11], $0x9FFFF;
	_ =	strace $0x90000046  }
0xba: {  	s29 =	simm.s32 $0x9;
	_ =	strace $0x80000048  }
0xbb: {  	_ =	swait.ge [sflag:s29], $0x1  }
0xbc: {  	[sflag:s29] =	ssyncadd.s32 $0xFFFFFFFF  }
0xbd: {  	_ =	strace $0x90000048  }
0xbe: {  	_ =	sfence  }
0xbf: {  	s30 =	sld [smem:$0x0];
	_ =	sdelay $0x2  }
0xc0: {  	s31 =	sshll.u32 s1, $0xD;
	s1 =	sshrl.u32 s1, $0x2  }
0xc1: {  	s3 =	sand.u32 $0x4000, s31;
	s1 =	sadd.s32 s1, s30  }
0xc2: {  	s0 =	sor.u32 s3, s0;
	s1 =	sshll.u32 s1, $0x11  }
0xc3: {  	s0 =	sor.u32 s1, s0  }
0xc4: {  	s0 =	sadd.s32 $0x8F2B, s0  }
0xc5: {  	[sflag:s0] =	ssyncadd.remote.s32 $0x1  }
0xc6: {  	_ =	sfence.sel $0xFFFF  }
0xc7: {  	[dreg:$0x0] =	wrdreg $0xFFFFFFFF;
	(pc) =	sbr.abs _section_cstart, $3  }
0xc8: {  	[dreg:$0x1] =	wrdreg $0xFFFFFFFF  }
0xc9: {  	_ =	task.clear_ibuf [dreg:s11], $0x2FFFF;
	_ =	strace $0x9FFFFFFF  }
0xca: {  	(tm) =	ssettm $0x7FFFFFFF  }
0xcb: {  	_ =	shalt  }
tec
execute0_lowered:
.L_overlay_start_1:
0x0: {  	(tag) =	ssettag $0x1  }
0x1: {  	s1 =	rddreg [dreg:$0x0]  }
0x2: {  	s2 =	rddreg [dreg:$0x1]  }
0x3: {  	s3 =	rddreg [dreg:$0x2]  }
0x4: {  	s4 =	rddreg [dreg:$0x3]  }
0x5: {  	s0 =	rddreg [dreg:$0x4]  }
0x6: {  	s6 =	rddreg [dreg:$0x5];
	s7 =	simm.s32 $0x0  }
0x7: {  	s8 =	srdreg.scid;
	s5 =	stileid.u32;
	s15 =	simm.s32 $0x4  }
0x8: {  	s19 =	simm.s32 $0x3;
	s20 =	simm.s32 $0x0;
	[smem:$0x7FF] =	sst s7  }
0x9: {  	s9 =	sand.u32 $0x1, s8;
	s10 =	sshll.u32 s5, $0x1;
	s8 =	sadd.s32 $0xE00, s0  }
0xa: {  	s29 =	sadd.s32 $0x1200, s0;
	s0 =	sadd.s32 $0x25400, s0;
	s13 =	sadd.s32 $0xEC880, s4  }
0xb: {  	_ =	strace $0x80000047;
	s18 =	sor.u32 s9, s10;
	[dreg:$0x7] =	wrdreg s29  }
0xc: {  	s9 =	ssub.s32 $0x2, s9;
	[dreg:$0x8] =	wrdreg s0;
	s11 =	smul.u32 $0x7A80, s18  }
.Ltmp0:
0xd: {  	s10 =	sadd.s32 $0xEC880, s3;
	s30 =	sshrl.u32 s9, $0x1;
	(pc) =	sbr.rel .LBB2_1-.Ltmp0, $4  }
0xe: {  	p0 =	seq.s32 s18, $0x1F;
	p1 =	sne.s32 s18, $0x1F;
	s31 =	ssub.s32 s9, s30  }
0xf: {  	s18 =	simm.s32 $0x9880;
	s16 =	smin.u32 s11, $0xEC880;
	s14 =	smax.u32 s31, $0x1  }
0x10: {  	v2 =	vlaneseq.u32;
	v3 =	vimm.s32 $0x0;
	v4 =	vimm.s32 $0x4000;
	s17 =	sadd.s32 $0x7A80, s16;
	s9 =	sadd.s32 s3, s16;
	s11 =	sshll.u32 s16, $0x3  }
0x11: {  	v5 =	vmul.u32 $0x48, v2;
	s12 =	sadd.s32 s4, s16;
	v0 =	vmov s16;
	s16 =	simm.s32 $0x1E00;
	v1 =	vmov s17;
	s17 =	simm.s32 $0x11300  }
.LBB2_37:
0x12: {  	[sflag:s19] =	ssyncadd.s32 $0xFFFFFFC0  }
.LBB2_38:
0x13: {  	s20 =	sadd.s32 $0x1, s20  }
0x14: {  	p2 =	sne.s32 s20, s14  }
.Ltmp1:
0x15: {  	_ = 	snop;
	(pc) =	sbr.rel @!p2 .LBB2_39-.Ltmp1, $1  }
0x16: {  	_ =	sdelay $0x3  }
.LBB2_1:
0x17: {  	s0 =	simm.s32 @p0 $0x80;
	s21 =	simm.s32 @p0 $0x400;
	s22 =	simm.s32 @p0 $0x1E00  }
0x18: {  	[tilespmem:s22], [sflag:$0x1] =	stream.strided.gather @p0 [hbm4b:s10+s0], $0x7980, s21, s0, $0x38;
	[tilespmem:$0x1EB00] =	vst v63  }
0x19: {  	s0 =	simm.s32 @p0 $0x0;
	s21 =	simm.s32 @p0 $0x9780  }
0x1a: {  	[tilespmem:s21], [sflag:$0x1] =	stream.linear.gather @p0 [hbm4b:s8+s0], $0x80, $0x38;
	[tilespmem:$0x1EB00] =	vst v63  }
0x1b: {  	s22 =	simm.s32 @!p0 $0x1E00;
	s0 =	simm.s32 @!p0 $0x80;
	s21 =	simm.s32 @!p0 $0x400  }
0x1c: {  	[tilespmem:s22], [sflag:$0x1] =	stream.strided.gather @!p0 [hbm4b:s9+s0], $0x7A80, s21, s0, $0x38;
	[tilespmem:$0x1EB00] =	vst v63  }
0x1d: {  	s23 =	simm.s32 $0x0;
	s21 =	simm.s32 $0x0;
	s22 =	simm.s32 $0x0  }
.LBB2_2:
0x1e: {  	s0 =	sshll.u32 s22, $0x9  }
0x1f: {  	s24 =	simm.s32 $0x0;
	s0 =	sadd.s32 s1, s0  }
0x20: {  	[tilespmem:s24], [sflag:$0x4] =	stream.linear.gather [hbm4b:s0+s24], $0x1000, $0x38;
	[tilespmem:$0x1EB00] =	vst v63  }
0x21: {  	_ =	swait.ge [sflag:s15], $0x1000  }
0x22: {  	[sflag:s15] =	ssyncset.done $0x0  }
0x23: {  	s31 =	simm.s32 $0x0;
	[sflag:s15] =	ssyncadd.s32 $0xFFFFF000  }
0x24: {  	v6 =	vld [tilespmem:s31+$0x0];
	_ =	sdelay $0x4  }
0x25: {  	v6 =	vadd.s32 $0x1, v6  }
0x26: {  	vm0 =	vge.s32 v6, v0;
	vm1 =	vlt.s32 v6, v1  }
0x27: {  	vm0 =	vmand vm0, vm1  }
0x28: {  	v7 =	vmpcnt.ones.xlane vm0;
	_ =	sdelay $0x1  }
0x29: {  	(v2sf) =	vpush v7, $0x0;
	_ =	sdelay $0x2  }
0x2a: {  	v6 =	vsub.s32 v6, v0  }
0x2b: {  	[tilespmem:s23+$0x1000] =	vst.msk vm0, v6;
	v6 =	vor.u32 s21, v2  }
0x2c: {  	s25 =	simm.s32 $0x80;
	s0 =	simm.s32 $0x10;
	s24 =	smov.u32 s21;
	[tilespmem:s23+$0x1380] =	vst.msk vm0, v6  }
.LBB2_3:
0x2d: {  	p2 =	sne.s32 s25, $0x3FC0;
	v6 =	vld [tilespmem:s0+$0x0];
	_ =	sdelay $0x4  }
0x2e: {  	v6 =	vadd.s32 $0x1, v6  }
0x2f: {  	vm0 =	vge.s32 v6, v0;
	vm1 =	vlt.s32 v6, v1;
	v6 =	vsub.s32 v6, v0  }
0x30: {  	vm0 =	vmand vm0, vm1  }
0x31: {  	v7 =	vmpcnt.ones.xlane vm0  }
0x32: {  	s0 =	spop (v2sf)  }
0x33: {  	(v2sf) =	vpush v7, $0x0;
	s23 =	sadd.s32 s23, s0  }
.Ltmp2:
0x34: {  	p3 =	slt.s32 s23, $0x300;
	(pc) =	sbr.rel @p2 .LBB2_3-.Ltmp2, $4  }
0x35: {  	s24 =	sadd.s32 $0x10, s24;
	s23 =	simm.s32 @!p3 $0x300  }
0x36: {  	v7 =	vor.u32 s24, v2;
	[tilespmem:s23+$0x1000] =	vst.msk vm0, v6  }
0x37: {  	[tilespmem:s23+$0x1380] =	vst.msk vm0, v7  }
0x38: {  	s0 =	sshra.s32 s25, $0x2;
	s25 =	sadd.s32 $0x40, s25  }
0x39: {  	v6 =	vld [tilespmem:s0+$0x0];
	_ =	sdelay $0x4  }
0x3a: {  	v6 =	vadd.s32 $0x1, v6  }
0x3b: {  	vm0 =	vge.s32 v6, v0;
	vm1 =	vlt.s32 v6, v1  }
0x3c: {  	vm0 =	vmand vm0, vm1  }
0x3d: {  	v7 =	vmpcnt.ones.xlane vm0;
	_ =	sdelay $0x1  }
0x3e: {  	(v2sf) =	vpush v7, $0x0;
	_ =	sdelay $0xb  }
0x3f: {  	s22 =	sadd.s32 $0x1, s22;
	s30 =	spop (v2sf)  }
0x40: {  	p3 =	sne.s32 s22, $0x4;
	s0 =	sadd.s32 s23, s30  }
.Ltmp3:
0x41: {  	p2 =	slt.s32 s0, $0x300;
	(pc) =	sbr.rel @p3 .LBB2_2-.Ltmp3, $4  }
0x42: {  	s0 =	simm.s32 @!p2 $0x300;
	s31 =	spop (v2sf)  }
0x43: {  	s25 =	sadd.s32 $0x10, s24;
	v6 =	vsub.s32 v6, v0;
	s24 =	sadd.s32 s0, s31  }
0x44: {  	v7 =	vor.u32 s25, v2;
	[tilespmem:s0+$0x1000] =	vst.msk vm0, v6;
	p2 =	slt.s32 s24, $0x300;
	s23 =	smov.u32 s24  }
0x45: {  	s21 =	sadd.s32 $0x1000, s21;
	[tilespmem:s0+$0x1380] =	vst.msk vm0, v7;
	s23 =	simm.s32 @!p2 $0x300  }
0x46: {  	[tilespmem:s23+$0x1000] =	vst v3;
	s25 =	simm.s32 $0x0  }
0x47: {  	[tilespmem:s23+$0x1380] =	vst v4;
	s26 =	simm.s32 $0x0;
	s21 =	simm.s32 $0x0;
	s28 =	simm.s32 $0x0  }
.LBB2_6:
0x48: {  	s0 =	sshll.u32 s28, $0x9  }
0x49: {  	s0 =	sadd.s32 s2, s0  }
0x4a: {  	[tilespmem:s25], [sflag:$0x4] =	stream.linear.gather [hbm4b:s0+s25], $0x1000, $0x38;
	[tilespmem:$0x1EB00] =	vst v63  }
0x4b: {  	_ =	swait.ge [sflag:s15], $0x1000  }
0x4c: {  	[sflag:s15] =	ssyncset.done $0x0  }
0x4d: {  	s31 =	simm.s32 $0x0;
	[sflag:s15] =	ssyncadd.s32 $0xFFFFF000  }
0x4e: {  	v6 =	vld [tilespmem:s31+$0x0];
	_ =	sdelay $0x4  }
0x4f: {  	v6 =	vadd.s32 $0x1, v6  }
0x50: {  	vm0 =	vge.s32 v6, v0;
	vm1 =	vlt.s32 v6, v1  }
0x51: {  	vm0 =	vmand vm0, vm1  }
0x52: {  	v7 =	vmpcnt.ones.xlane vm0;
	_ =	sdelay $0x1  }
0x53: {  	(v2sf) =	vpush v7, $0x0;
	_ =	sdelay $0x2  }
0x54: {  	v6 =	vsub.s32 v6, v0  }
0x55: {  	[tilespmem:s21+$0x1700] =	vst.msk vm0, v6;
	v6 =	vor.u32 s26, v2  }
0x56: {  	s29 =	simm.s32 $0x80;
	s22 =	smov.u32 s26;
	s0 =	simm.s32 $0x10;
	[tilespmem:s21+$0x1A80] =	vst.msk vm0, v6  }
.LBB2_7:
0x57: {  	p2 =	sne.s32 s29, $0x3FC0;
	v6 =	vld [tilespmem:s0+$0x0];
	_ =	sdelay $0x4  }
0x58: {  	v6 =	vadd.s32 $0x1, v6  }
0x59: {  	vm0 =	vge.s32 v6, v0;
	vm1 =	vlt.s32 v6, v1;
	v6 =	vsub.s32 v6, v0  }
0x5a: {  	vm0 =	vmand vm0, vm1  }
0x5b: {  	v7 =	vmpcnt.ones.xlane vm0  }
0x5c: {  	s0 =	spop (v2sf)  }
0x5d: {  	(v2sf) =	vpush v7, $0x0;
	s21 =	sadd.s32 s21, s0  }
.Ltmp4:
0x5e: {  	p3 =	slt.s32 s21, $0x300;
	(pc) =	sbr.rel @p2 .LBB2_7-.Ltmp4, $4  }
0x5f: {  	s22 =	sadd.s32 $0x10, s22;
	s21 =	simm.s32 @!p3 $0x300  }
0x60: {  	v7 =	vor.u32 s22, v2;
	[tilespmem:s21+$0x1700] =	vst.msk vm0, v6  }
0x61: {  	[tilespmem:s21+$0x1A80] =	vst.msk vm0, v7  }
0x62: {  	s0 =	sshra.s32 s29, $0x2;
	s29 =	sadd.s32 $0x40, s29  }
0x63: {  	v6 =	vld [tilespmem:s0+$0x0];
	_ =	sdelay $0x4  }
0x64: {  	v6 =	vadd.s32 $0x1, v6  }
0x65: {  	vm0 =	vge.s32 v6, v0;
	vm1 =	vlt.s32 v6, v1  }
0x66: {  	vm0 =	vmand vm0, vm1  }
0x67: {  	v7 =	vmpcnt.ones.xlane vm0;
	_ =	sdelay $0x1  }
0x68: {  	(v2sf) =	vpush v7, $0x0;
	_ =	sdelay $0xb  }
0x69: {  	s28 =	sadd.s32 $0x1, s28;
	s30 =	spop (v2sf)  }
0x6a: {  	p3 =	sne.s32 s28, $0x4;
	s0 =	sadd.s32 s21, s30  }
.Ltmp5:
0x6b: {  	p2 =	slt.s32 s0, $0x300;
	(pc) =	sbr.rel @p3 .LBB2_6-.Ltmp5, $4  }
0x6c: {  	s0 =	simm.s32 @!p2 $0x300;
	s31 =	spop (v2sf)  }
0x6d: {  	s29 =	sadd.s32 $0x10, s22;
	v6 =	vsub.s32 v6, v0;
	s22 =	sadd.s32 s0, s31  }
0x6e: {  	v7 =	vor.u32 s29, v2;
	[tilespmem:s0+$0x1700] =	vst.msk vm0, v6;
	p2 =	slt.s32 s22, $0x300;
	s21 =	smov.u32 s22  }
0x6f: {  	s26 =	sadd.s32 $0x1000, s26;
	[tilespmem:s0+$0x1A80] =	vst.msk vm0, v7;
	s21 =	simm.s32 @!p2 $0x300  }
0x70: {  	s0 =	sadd.s32 $0xF, s23  }
0x71: {  	s23 =	sand.u32 $0xF, s0  }
0x72: {  	p2 =	slt.s32 s24, $0xFFFFFFF2;
	s30 =	sshra.s32 s0, $0x1F;
	p3 =	sne.s32 s23, $0x0  }
0x73: {  	s31 =	sshrl.u32 s30, $0x1C;
	p2 =	por !p2, !p3  }
0x74: {  	s23 =	simm.s32 $0x1;
	s0 =	sadd.s32 s31, s0;
	p2 =	por !p2, !p2  }
0x75: {  	s0 =	sshra.s32 s0, $0x4;
	s23 =	simm.s32 @!p2 $0x0  }
.Ltmp6:
0x76: {  	s23 =	ssub.s32 s0, s23;
	(pc) =	sbr.rel .LBB2_11-.Ltmp6, $4  }
0x77: {  	p2 =	slt.s32 s23, $0x1  }
0x78: {  	s0 =	simm.s32 @!p2 $0x0  }
0x79: {  	[tilespmem:s21+$0x1700] =	vst v3;
	s0 =	simm.s32 @p2 $0x1  }
0x7a: {  	[tilespmem:s21+$0x1A80] =	vst v4;
	s24 =	simm.s32 $0x0;
	[smem:$0x7FD] =	sst s0  }
.LBB2_20:
0x7b: {  	s26 =	simm.s32 $0x0  }
.LBB2_24:
0x7c: {  	s0 =	sadd.s32 @p2 $0x10, s26  }
0x7d: {  	s25 =	smov.u32 @p2 s0  }
0x7e: {  	v8 =	vmov s25  }
0x7f: {  	v8 =	vmul.u32 $0x48, v8;
	_ =	sdelay $0x1  }
0x80: {  	v6 =	vadd.s32 v6, v8  }
0x81: {  	v6 =	vbroadcast v6, $0x0;
	_ =	sdelay $0x1  }
0x82: {  	v7 =	vld.idx.msk [tilespmem:v7+s18+$0x0], $0xffff;
	v6 =	vadd.s32 v5, v6;
	_ =	sdelay $0x1  }
0x83: {  	s31 =	sld [smem:$0x7FC];
	_ =	sdelay $0x2  }
0x84: {  	p3 =	seq.s32 s31, $0x1;
	[tilespmem:v6+s17+$0x0] =	vst.idx.msk $0xffff, v7  }
.LBB2_10:
0x85: {  	s0 =	sadd.s32 @!p4 $0x1, s24  }
0x86: {  	p2 =	por !p3, !p1;
	s24 =	sadd.s32 @!p6 $0x1, s24;
	p3 =	por !p5, p1  }
0x87: {  	s0 =	simm.s32 @!p2 $0x20;
	s24 =	simm.s32 @!p3 $0x20  }
0x88: {  	s24 =	smov.u32 @p1 s0  }
0x89: {  	p2 =	sgt.u32 s24, $0x1F  }
.Ltmp7:
0x8a: {  	_ = 	snop;
	(pc) =	sbr.rel @p2 .LBB2_25-.Ltmp7, $1  }
0x8b: {  	_ =	sdelay $0x3  }
.LBB2_11:
0x8c: {  	s28 =	sshll.u32 s24, $0x1  }
0x8d: {  	s0 =	simm.s32 @p0 $0x1;
	s26 =	sshrl.u32 @p0 s24, $0x2;
	s25 =	sor.u32 @p0 $0x1, s28  }
0x8e: {  	_ =	swait.ge @p0 [sflag:s0], $0x7980;
	s29 =	smul.u32 @p0 $0x7A1400, s26;
	s30 =	sshll.u32 @p0 s25, $0x7  }
0x8f: {  	[sflag:s0] =	ssyncset.done @p0 $0x0;
	s30 =	sand.u32 @p0 $0x380, s30  }
0x90: {  	[sflag:s0] =	ssyncadd.s32 @p0 $0xFFFF8680;
	s29 =	sor.u32 @p0 s30, s29  }
0x91: {  	s31 =	simm.s32 @p0 $0x400;
	_ =	swait.ge @p0 [sflag:s0], $0x80;
	s29 =	sadd.s32 @p0 $0x764400, s29  }
0x92: {  	s5 =	simm.s32 @p0 $0x9880;
	[sflag:s0] =	ssyncset.done @p0 $0x0;
	s29 =	sshrl.u32 @p0 s29, $0x3  }
0x93: {  	[sflag:s0] =	ssyncadd.s32 @p0 $0xFFFFFF80;
	s0 =	sadd.s32 @p0 s3, s29;
	s29 =	simm.s32 @p0 $0x80  }
0x94: {  	[tilespmem:s5], [sflag:$0x2] =	stream.strided.gather @p0 [hbm4b:s0+s29], $0x7980, s31, s29, $0x38;
	[tilespmem:$0x1EB00] =	vst v63  }
0x95: {  	s0 =	sshll.u32 @p0 s26, $0xA  }
0x96: {  	s0 =	sor.u32 @p0 s0, s30  }
0x97: {  	s5 =	simm.s32 @p0 $0x0;
	s0 =	sshrl.u32 @p0 s0, $0x3  }
0x98: {  	s26 =	simm.s32 @p0 $0x11200;
	s29 =	simm.s32 @!p0 $0x1;
	s0 =	sadd.s32 @p0 s8, s0  }
0x99: {  	[tilespmem:s26], [sflag:$0x2] =	stream.linear.gather @p0 [hbm4b:s0+s5], $0x80, $0x38;
	[tilespmem:$0x1EB00] =	vst v63  }
0x9a: {  	_ =	swait.ge @!p0 [sflag:s29], $0x7A80  }
0x9b: {  	s31 =	sld [smem:$0x7FD]  }
0x9c: {  	s0 =	sshrl.u32 @!p0 s24, $0x2  }
0x9d: {  	s26 =	sor.u32 @!p0 $0x1, s28;
	s0 =	smul.u32 @!p0 $0x7A1400, s0  }
0x9e: {  	s5 =	sshll.u32 @!p0 s26, $0x7;
	p2 =	seq.s32 s31, $0x1  }
.Ltmp8:
0x9f: {  	s5 =	sand.u32 @!p0 $0x380, s5;
	s0 =	sadd.s32 @!p0 s11, s0;
	(pc) =	sbr.rel @p2 .LBB2_18-.Ltmp8, $4  }
0xa0: {  	[sflag:s29] =	ssyncset.done @!p0 $0x0;
	s0 =	sor.u32 @!p0 s0, s5  }
0xa1: {  	s30 =	simm.s32 @!p0 $0x9880;
	[sflag:s29] =	ssyncadd.s32 @!p0 $0xFFFF8580;
	s0 =	sshrl.u32 @!p0 s0, $0x3  }
0xa2: {  	s29 =	simm.s32 @!p0 $0x400;
	s5 =	simm.s32 @!p0 $0x80;
	s0 =	sadd.s32 @!p0 s3, s0  }
0xa3: {  	[tilespmem:s30], [sflag:$0x2] =	stream.strided.gather @!p0 [hbm4b:s0+s5], $0x7A80, s29, s5, $0x38;
	[tilespmem:$0x1EB00] =	vst v63  }
0xa4: {  	p2 =	sne.s32 s23, $0x1  }
.Ltmp9:
0xa5: {  	_ = 	snop;
	(pc) =	sbr.rel @!p2 .LBB2_13-.Ltmp9, $3  }
0xa6: {  	_ =	sdelay $0x1  }
0xa7: {  	s0 =	simm.s32 $0x1000  }
0xa8: {  	v6 =	vmov s28;
	s29 =	simm.s32 $0x0;
	p3 =	por $0x0, $0x0;
	v7 =	vld [tilespmem:s0+$0x0];
	s0 =	sadd.s32 $0xFFFFFFFF, s23  }
0xa9: {  	_ =	sdelay $0x1  }
0xaa: {  	v8 =	vmov s29  }
0xab: {  	v8 =	vmul.u32 $0x48, v8;
	_ =	sdelay $0x1  }
0xac: {  	v8 =	vadd.s32 v6, v8  }
0xad: {  	v8 =	vbroadcast v8, $0x0;
	_ =	sdelay $0x1  }
0xae: {  	v7 =	vld.idx.msk [tilespmem:v7+s16+$0x0], $0xffff;
	v8 =	vadd.s32 v5, v8  }
0xaf: {  	p2 =	sne.s32 s0, $0x1  }
.Ltmp10:
0xb0: {  	_ = 	snop;
	(pc) =	sbr.rel @!p2 .LBB2_15-.Ltmp10, $3  }
0xb1: {  	_ =	sdelay $0x1  }
0xb2: {  	s31 =	simm.s32 $0x1010;
	[tilespmem:v8+s17+$0x0] =	vst.idx.msk $0xffff, v7  }
0xb3: {  	s0 =	sadd.s32 $0xFFFFFFFF, s0;
	p3 =	por $0x1, $0x1;
	s30 =	simm.s32 $0x0;
	v7 =	vld [tilespmem:s31+$0x0]  }
.LBB2_16:
0xb4: {  	p2 =	sne.s32 s0, $0x1  }
0xb5: {  	s30 =	sadd.s32 $0x10, s30  }
0xb6: {  	v8 =	vmov s30  }
0xb7: {  	v8 =	vmul.u32 $0x48, v8;
	_ =	sdelay $0x1  }
0xb8: {  	v8 =	vadd.s32 v6, v8  }
0xb9: {  	v8 =	vbroadcast v8, $0x0  }
0xba: {  	v7 =	vld.idx.msk [tilespmem:v7+s16+$0x0], $0xffff  }
0xbb: {  	v8 =	vadd.s32 v5, v8;
	_ =	sdelay $0x1  }
.Ltmp11:
0xbc: {  	(pc) =	sbr.rel @p2 .LBB2_16-.Ltmp11, $3  }
0xbd: {  	_ =	sdelay $0x1  }
0xbe: {  	s31 =	sadd.s32 $0x10, s31;
	[tilespmem:v8+s17+$0x0] =	vst.idx.msk $0xffff, v7  }
0xbf: {  	s0 =	sadd.s32 $0xFFFFFFFF, s0;
	v7 =	vld [tilespmem:s31+$0x0]  }
.LBB2_17:
0xc0: {  	s0 =	sadd.s32 @p3 $0x10, s30  }
0xc1: {  	s29 =	smov.u32 @p3 s0  }
0xc2: {  	v8 =	vmov s29  }
0xc3: {  	v8 =	vmul.u32 $0x48, v8;
	_ =	sdelay $0x1  }
0xc4: {  	v6 =	vadd.s32 v6, v8  }
0xc5: {  	v6 =	vbroadcast v6, $0x0;
	_ =	sdelay $0x1  }
0xc6: {  	v7 =	vld.idx.msk [tilespmem:v7+s16+$0x0], $0xffff;
	v6 =	vadd.s32 v5, v6;
	_ =	sdelay $0x4  }
0xc7: {  	[tilespmem:v6+s17+$0x0] =	vst.idx.msk $0xffff, v7  }
.LBB2_18:
0xc8: {  	p3 =	seq.s32 @p1 s24, $0x1F  }
0xc9: {  	p4 =	por p3, !p1  }
0xca: {  	s0 =	sadd.s32 @!p4 $0x2, s28  }
0xcb: {  	s5 =	sshrl.u32 @!p4 s0, $0x3  }
0xcc: {  	s5 =	smul.u32 @!p4 $0x7A1400, s5  }
0xcd: {  	s29 =	simm.s32 @p1 $0x2;
	p5 =	seq.s32 @!p1 s24, $0x1F;
	s0 =	sshll.u32 @!p4 s0, $0x7  }
0xce: {  	_ =	swait.ge @p1 [sflag:s29], $0x7A80;
	s0 =	sand.u32 @!p4 $0x300, s0;
	s5 =	sadd.s32 @!p4 s11, s5  }
0xcf: {  	p6 =	por p5, p1;
	[sflag:s29] =	ssyncset.done @p1 $0x0;
	s0 =	sor.u32 @!p4 s0, s5  }
0xd0: {  	s30 =	simm.s32 @!p4 $0x1E00;
	[sflag:s29] =	ssyncadd.s32 @p1 $0xFFFF8580;
	s0 =	sshrl.u32 @!p4 s0, $0x3  }
0xd1: {  	s29 =	simm.s32 @!p4 $0x400;
	s5 =	simm.s32 @!p4 $0x80;
	s0 =	sadd.s32 @!p4 s3, s0  }
0xd2: {  	[tilespmem:s30], [sflag:$0x1] =	stream.strided.gather @!p4 [hbm4b:s0+s5], $0x7A80, s29, s5, $0x38;
	[tilespmem:$0x1EB00] =	vst v63  }
0xd3: {  	s0 =	sadd.s32 @!p6 $0x2, s28  }
0xd4: {  	s5 =	simm.s32 @!p1 $0x2;
	s28 =	sshrl.u32 @!p6 s0, $0x3  }
0xd5: {  	_ =	swait.ge @!p1 [sflag:s5], $0x7980;
	s0 =	sshll.u32 @!p6 s0, $0x7;
	s29 =	smul.u32 @!p6 $0x7A1400, s28  }
0xd6: {  	[sflag:s5] =	ssyncset.done @!p1 $0x0;
	s0 =	sand.u32 @!p6 $0x300, s0  }
0xd7: {  	[sflag:s5] =	ssyncadd.s32 @!p1 $0xFFFF8680;
	s29 =	sor.u32 @!p6 s0, s29  }
0xd8: {  	s31 =	simm.s32 @!p6 $0x1E00;
	_ =	swait.ge @!p1 [sflag:s5], $0x80;
	s29 =	sadd.s32 @!p6 $0x764400, s29  }
0xd9: {  	s30 =	simm.s32 @!p6 $0x400;
	[sflag:s5] =	ssyncset.done @!p1 $0x0;
	s29 =	sshrl.u32 @!p6 s29, $0x3  }
0xda: {  	[sflag:s5] =	ssyncadd.s32 @!p1 $0xFFFFFF80;
	s5 =	sadd.s32 @!p6 s3, s29;
	s29 =	simm.s32 @!p6 $0x80  }
0xdb: {  	[tilespmem:s31], [sflag:$0x1] =	stream.strided.gather @!p6 [hbm4b:s5+s29], $0x7980, s30, s29, $0x38;
	[tilespmem:$0x1EB00] =	vst v63  }
0xdc: {  	s31 =	sld [smem:$0x7FD];
	_ =	sdelay $0x2  }
0xdd: {  	p2 =	seq.s32 s31, $0x1  }
.Ltmp12:
0xde: {  	s5 =	sshll.u32 @!p6 s28, $0xA;
	(pc) =	sbr.rel @p2 .LBB2_10-.Ltmp12, $4  }
0xdf: {  	s0 =	sor.u32 @!p6 s0, s5  }
0xe0: {  	s0 =	sshrl.u32 @!p6 s0, $0x3  }
0xe1: {  	s28 =	simm.s32 @!p6 $0x9780;
	s5 =	simm.s32 @!p6 $0x0;
	s0 =	sadd.s32 @!p6 s8, s0  }
0xe2: {  	[tilespmem:s28], [sflag:$0x1] =	stream.linear.gather @!p6 [hbm4b:s0+s5], $0x80, $0x38;
	[tilespmem:$0x1EB00] =	vst v63  }
0xe3: {  	s0 =	simm.s32 @!p3 $0x0  }
0xe4: {  	s0 =	simm.s32 @p3 $0x1;
	p3 =	seq.s32 s23, $0x1  }
.Ltmp13:
0xe5: {  	_ = 	snop;
	(pc) =	sbr.rel @p3 .LBB2_20-.Ltmp13, $3  }
0xe6: {  	_ =	sdelay $0x1  }
0xe7: {  	s26 =	smov.u32 @p0 s25;
	s31 =	simm.s32 $0x1000;
	s25 =	simm.s32 $0x0  }
0xe8: {  	p2 =	por $0x0, $0x0;
	v6 =	vmov s26;
	v7 =	vld [tilespmem:s31+$0x0];
	[smem:$0x7FC] =	sst s0;
	s0 =	sadd.s32 $0xFFFFFFFF, s23  }
0xe9: {  	_ =	sdelay $0x1  }
0xea: {  	v8 =	vmov s25  }
0xeb: {  	v8 =	vmul.u32 $0x48, v8;
	_ =	sdelay $0x1  }
0xec: {  	v8 =	vadd.s32 v6, v8  }
0xed: {  	v8 =	vbroadcast v8, $0x0;
	_ =	sdelay $0x1  }
0xee: {  	v7 =	vld.idx.msk [tilespmem:v7+s18+$0x0], $0xffff;
	v8 =	vadd.s32 v5, v8  }
0xef: {  	p3 =	seq.s32 s0, $0x1  }
.Ltmp14:
0xf0: {  	_ = 	snop;
	(pc) =	sbr.rel @p3 .LBB2_22-.Ltmp14, $3  }
0xf1: {  	_ =	sdelay $0x1  }
0xf2: {  	s28 =	simm.s32 $0x1010;
	[tilespmem:v8+s17+$0x0] =	vst.idx.msk $0xffff, v7  }
0xf3: {  	s0 =	sadd.s32 $0xFFFFFFFF, s0;
	p2 =	por $0x1, $0x1;
	s26 =	simm.s32 $0x0;
	v7 =	vld [tilespmem:s28+$0x0]  }
.LBB2_23:
0xf4: {  	p3 =	seq.s32 s0, $0x1  }
0xf5: {  	s26 =	sadd.s32 $0x10, s26  }
0xf6: {  	v8 =	vmov s26  }
0xf7: {  	v8 =	vmul.u32 $0x48, v8;
	_ =	sdelay $0x1  }
0xf8: {  	v8 =	vadd.s32 v6, v8  }
0xf9: {  	v8 =	vbroadcast v8, $0x0  }
0xfa: {  	v7 =	vld.idx.msk [tilespmem:v7+s18+$0x0], $0xffff  }
0xfb: {  	v8 =	vadd.s32 v5, v8;
	_ =	sdelay $0x1  }
.Ltmp15:
0xfc: {  	(pc) =	sbr.rel @!p3 .LBB2_23-.Ltmp15, $3  }
0xfd: {  	_ =	sdelay $0x1  }
0xfe: {  	s28 =	sadd.s32 $0x10, s28;
	[tilespmem:v8+s17+$0x0] =	vst.idx.msk $0xffff, v7  }
0xff: {  	s0 =	sadd.s32 $0xFFFFFFFF, s0;
	v7 =	vld [tilespmem:s28+$0x0]  }
.Ltmp16:
0x100: {  	_ = 	snop;
	(pc) =	sbr.rel .LBB2_24-.Ltmp16, $1  }
0x101: {  	_ =	sdelay $0x3  }
.LBB2_13:
.Ltmp17:
0x102: {  	(pc) =	sbr.rel .LBB2_17-.Ltmp17, $2  }
0x103: {  	_ =	sdelay $0x2  }
0x104: {  	s30 =	simm.s32 $0x0  }
.LBB2_15:
.Ltmp18:
0x105: {  	(pc) =	sbr.rel .LBB2_17-.Ltmp18, $2  }
0x106: {  	_ =	sdelay $0x2  }
0x107: {  	s30 =	simm.s32 $0x0  }
.LBB2_22:
.Ltmp19:
0x108: {  	(pc) =	sbr.rel .LBB2_24-.Ltmp19, $2  }
0x109: {  	_ =	sdelay $0x2  }
0x10a: {  	s26 =	simm.s32 $0x0  }
.LBB2_25:
0x10b: {  	s31 =	sld [smem:$0x7FD]  }
0x10c: {  	s0 =	simm.s32 @p0 $0x80;
	s5 =	simm.s32 @p0 $0x400;
	s24 =	simm.s32 @p0 $0x1E00  }
0x10d: {  	[tilespmem:s24], [sflag:$0x1] =	stream.strided.gather @p0 [hbm4b:s13+s0], $0x7980, s5, s0, $0x38;
	[tilespmem:$0x1EB00] =	vst v63  }
0x10e: {  	p2 =	seq.s32 s31, $0x1  }
.Ltmp20:
0x10f: {  	_ = 	snop;
	(pc) =	sbr.rel @p2 .LBB2_31-.Ltmp20, $4  }
0x110: {  	s0 =	simm.s32 @p0 $0x0;
	s5 =	simm.s32 @p0 $0x9780  }
0x111: {  	[tilespmem:s5], [sflag:$0x1] =	stream.linear.gather @p0 [hbm4b:s6+s0], $0x80, $0x38;
	[tilespmem:$0x1EB00] =	vst v63  }
0x112: {  	s24 =	simm.s32 @!p0 $0x1E00;
	s0 =	simm.s32 @!p0 $0x80;
	s5 =	simm.s32 @!p0 $0x400  }
0x113: {  	[tilespmem:s24], [sflag:$0x1] =	stream.strided.gather @!p0 [hbm4b:s12+s0], $0x7A80, s5, s0, $0x38;
	[tilespmem:$0x1EB00] =	vst v63  }
0x114: {  	s0 =	simm.s32 $0x1380  }
0x115: {  	v6 =	vld [tilespmem:s0+$0x0];
	_ =	sdelay $0x4  }
0x116: {  	v6 =	vmul.u32 $0x48, v6;
	_ =	sdelay $0x1  }
0x117: {  	s24 =	rddreg [dreg:$0x7];
	v6 =	vshrl.u32 v6, $0x3  }
0x118: {  	v6 =	vadd.s32 s24, v6  }
0x119: {  	(v2sf) =	vpush v6, $0x0;
	_ =	sdelay $0x1  }
0x11a: {  	(v2sf) =	vpush v6, $0x1  }
0x11b: {  	(v2sf) =	vpush v6, $0x2;
	_ =	sdelay $0x1  }
0x11c: {  	(v2sf) =	vpush v6, $0x3;
	_ =	sdelay $0x1  }
0x11d: {  	(v2sf) =	vpush v6, $0x4;
	_ =	sdelay $0x1  }
0x11e: {  	(v2sf) =	vpush v6, $0x5;
	_ =	sdelay $0x1  }
0x11f: {  	(v2sf) =	vpush v6, $0x6;
	_ =	sdelay $0x1  }
0x120: {  	(v2sf) =	vpush v6, $0x7;
	_ =	sdelay $0x1  }
0x121: {  	s25 =	simm.s32 $0x11300;
	s5 =	spop (v2sf)  }
0x122: {  	[hbm4b:s5+s7] =	stream.linear.scatter [tilespmem:s25], [sflag:$0x3], $0x40, $0x38;
	[tilespmem:$0x1EB00] =	vst v63  }
0x123: {  	(v2sf) =	vpush v6, $0x8;
	s29 =	spop (v2sf)  }
0x124: {  	s26 =	simm.s32 $0x11348;
	(v2sf) =	vpush v6, $0x9;
	s31 =	spop (v2sf)  }
0x125: {  	[hbm4b:s29+s7] =	stream.linear.scatter [tilespmem:s26], [sflag:$0x3], $0x40, $0x38;
	[tilespmem:$0x1EB00] =	vst v63  }
0x126: {  	s30 =	simm.s32 $0x11390;
	(v2sf) =	vpush v6, $0xA;
	s25 =	spop (v2sf)  }
0x127: {  	[hbm4b:s31+s7] =	stream.linear.scatter [tilespmem:s30], [sflag:$0x3], $0x40, $0x38;
	[tilespmem:$0x1EB00] =	vst v63  }
0x128: {  	s24 =	simm.s32 $0x113D8;
	(v2sf) =	vpush v6, $0xB;
	s29 =	spop (v2sf)  }
0x129: {  	[hbm4b:s25+s7] =	stream.linear.scatter [tilespmem:s24], [sflag:$0x3], $0x40, $0x38;
	[tilespmem:$0x1EB00] =	vst v63  }
0x12a: {  	s26 =	simm.s32 $0x11420;
	(v2sf) =	vpush v6, $0xC;
	s31 =	spop (v2sf)  }
0x12b: {  	[hbm4b:s29+s7] =	stream.linear.scatter [tilespmem:s26], [sflag:$0x3], $0x40, $0x38;
	[tilespmem:$0x1EB00] =	vst v63  }
0x12c: {  	s30 =	simm.s32 $0x11468;
	(v2sf) =	vpush v6, $0xD;
	s25 =	spop (v2sf)  }
0x12d: {  	[hbm4b:s31+s7] =	stream.linear.scatter [tilespmem:s30], [sflag:$0x3], $0x40, $0x38;
	[tilespmem:$0x1EB00] =	vst v63  }
0x12e: {  	s24 =	simm.s32 $0x114B0;
	(v2sf) =	vpush v6, $0xE;
	s29 =	spop (v2sf)  }
0x12f: {  	(v2sf) =	vpush v6, $0xF;
	[hbm4b:s25+s7] =	stream.linear.scatter [tilespmem:s24], [sflag:$0x3], $0x40, $0x38;
	[tilespmem:$0x1EB00] =	vst v63  }
0x130: {  	s26 =	simm.s32 $0x114F8  }
0x131: {  	[hbm4b:s29+s7] =	stream.linear.scatter [tilespmem:s26], [sflag:$0x3], $0x40, $0x38;
	[tilespmem:$0x1EB00] =	vst v63  }
0x132: {  	s31 =	spop (v2sf)  }
0x133: {  	s30 =	simm.s32 $0x11540;
	s25 =	spop (v2sf)  }
0x134: {  	[hbm4b:s31+s7] =	stream.linear.scatter [tilespmem:s30], [sflag:$0x3], $0x40, $0x38;
	[tilespmem:$0x1EB00] =	vst v63  }
0x135: {  	s24 =	simm.s32 $0x11588;
	s29 =	spop (v2sf)  }
0x136: {  	[hbm4b:s25+s7] =	stream.linear.scatter [tilespmem:s24], [sflag:$0x3], $0x40, $0x38;
	[tilespmem:$0x1EB00] =	vst v63  }
0x137: {  	s26 =	simm.s32 $0x115D0;
	s31 =	spop (v2sf)  }
0x138: {  	[hbm4b:s29+s7] =	stream.linear.scatter [tilespmem:s26], [sflag:$0x3], $0x40, $0x38;
	[tilespmem:$0x1EB00] =	vst v63  }
0x139: {  	s30 =	simm.s32 $0x11618;
	s25 =	spop (v2sf)  }
0x13a: {  	[hbm4b:s31+s7] =	stream.linear.scatter [tilespmem:s30], [sflag:$0x3], $0x40, $0x38;
	[tilespmem:$0x1EB00] =	vst v63  }
0x13b: {  	p2 =	sne.s32 s23, $0x1;
	s24 =	simm.s32 $0x11660;
	s29 =	spop (v2sf)  }
0x13c: {  	[hbm4b:s25+s7] =	stream.linear.scatter [tilespmem:s24], [sflag:$0x3], $0x40, $0x38;
	[tilespmem:$0x1EB00] =	vst v63  }
.Ltmp21:
0x13d: {  	s28 =	simm.s32 $0x1390;
	s31 =	spop (v2sf);
	(pc) =	sbr.rel @!p2 .LBB2_28-.Ltmp21, $4  }
0x13e: {  	s26 =	simm.s32 $0x116A8;
	s30 =	simm.s32 $0x116F0;
	s0 =	spop (v2sf)  }
0x13f: {  	[hbm4b:s29+s7] =	stream.linear.scatter [tilespmem:s26], [sflag:$0x3], $0x40, $0x38;
	[tilespmem:$0x1EB00] =	vst v63  }
0x140: {  	s24 =	sadd.s32 $0xFFFFFFFF, s23;
	s25 =	simm.s32 $0x11BB8;
	s26 =	simm.s32 $0x11738  }
0x141: {  	[hbm4b:s31+s7] =	stream.linear.scatter [tilespmem:s30], [sflag:$0x3], $0x40, $0x38;
	[tilespmem:$0x1EB00] =	vst v63  }
.LBB2_27:
0x142: {  	[hbm4b:s0+s7] =	stream.linear.scatter [tilespmem:s26], [sflag:$0x3], $0x40, $0x38;
	[tilespmem:$0x1EB00] =	vst v63  }
0x143: {  	v6 =	vld [tilespmem:s28+$0x0];
	_ =	sdelay $0x4  }
0x144: {  	v6 =	vmul.u32 $0x48, v6;
	_ =	sdelay $0x1  }
0x145: {  	s30 =	rddreg [dreg:$0x7];
	v6 =	vshrl.u32 v6, $0x3  }
0x146: {  	v6 =	vadd.s32 s30, v6  }
0x147: {  	(v2sf) =	vpush v6, $0x0;
	_ =	sdelay $0x1  }
0x148: {  	(v2sf) =	vpush v6, $0x1;
	_ =	sdelay $0x1  }
0x149: {  	(v2sf) =	vpush v6, $0x2;
	_ =	sdelay $0x1  }
0x14a: {  	(v2sf) =	vpush v6, $0x3;
	_ =	sdelay $0x1  }
0x14b: {  	(v2sf) =	vpush v6, $0x4;
	_ =	sdelay $0x1  }
0x14c: {  	(v2sf) =	vpush v6, $0x5;
	_ =	sdelay $0x1  }
0x14d: {  	(v2sf) =	vpush v6, $0x6;
	_ =	sdelay $0x1  }
0x14e: {  	(v2sf) =	vpush v6, $0x7  }
0x14f: {  	s31 =	sadd.s32 $0xFFFFFBC8, s25;
	s5 =	spop (v2sf)  }
0x150: {  	(v2sf) =	vpush v6, $0x8;
	[hbm4b:s5+s7] =	stream.linear.scatter [tilespmem:s31], [sflag:$0x3], $0x40, $0x38;
	[tilespmem:$0x1EB00] =	vst v63  }
0x151: {  	s5 =	sadd.s32 $0xFFFFFC10, s25;
	s29 =	spop (v2sf)  }
0x152: {  	(v2sf) =	vpush v6, $0x9;
	[hbm4b:s29+s7] =	stream.linear.scatter [tilespmem:s5], [sflag:$0x3], $0x40, $0x38;
	[tilespmem:$0x1EB00] =	vst v63  }
0x153: {  	s30 =	sadd.s32 $0xFFFFFC58, s25;
	s31 =	spop (v2sf)  }
0x154: {  	(v2sf) =	vpush v6, $0xA;
	[hbm4b:s31+s7] =	stream.linear.scatter [tilespmem:s30], [sflag:$0x3], $0x40, $0x38;
	[tilespmem:$0x1EB00] =	vst v63  }
0x155: {  	s5 =	sadd.s32 $0xFFFFFCA0, s25;
	s29 =	spop (v2sf)  }
0x156: {  	(v2sf) =	vpush v6, $0xB;
	[hbm4b:s29+s7] =	stream.linear.scatter [tilespmem:s5], [sflag:$0x3], $0x40, $0x38;
	[tilespmem:$0x1EB00] =	vst v63  }
0x157: {  	s30 =	sadd.s32 $0xFFFFFCE8, s25;
	s31 =	spop (v2sf)  }
0x158: {  	(v2sf) =	vpush v6, $0xC;
	[hbm4b:s31+s7] =	stream.linear.scatter [tilespmem:s30], [sflag:$0x3], $0x40, $0x38;
	[tilespmem:$0x1EB00] =	vst v63  }
0x159: {  	s5 =	sadd.s32 $0xFFFFFD30, s25;
	s29 =	spop (v2sf)  }
0x15a: {  	(v2sf) =	vpush v6, $0xD;
	[hbm4b:s29+s7] =	stream.linear.scatter [tilespmem:s5], [sflag:$0x3], $0x40, $0x38;
	[tilespmem:$0x1EB00] =	vst v63  }
0x15b: {  	s30 =	sadd.s32 $0xFFFFFD78, s25;
	s31 =	spop (v2sf);
	(v2sf) =	vpush v6, $0xE  }
0x15c: {  	[hbm4b:s31+s7] =	stream.linear.scatter [tilespmem:s30], [sflag:$0x3], $0x40, $0x38;
	[tilespmem:$0x1EB00] =	vst v63  }
0x15d: {  	s5 =	sadd.s32 $0xFFFFFDC0, s25;
	s29 =	spop (v2sf);
	(v2sf) =	vpush v6, $0xF  }
0x15e: {  	[hbm4b:s29+s7] =	stream.linear.scatter [tilespmem:s5], [sflag:$0x3], $0x40, $0x38;
	[tilespmem:$0x1EB00] =	vst v63  }
0x15f: {  	s30 =	sadd.s32 $0xFFFFFE08, s25;
	s31 =	spop (v2sf)  }
0x160: {  	[hbm4b:s31+s7] =	stream.linear.scatter [tilespmem:s30], [sflag:$0x3], $0x40, $0x38;
	[tilespmem:$0x1EB00] =	vst v63  }
0x161: {  	s5 =	sadd.s32 $0xFFFFFE50, s25;
	s29 =	spop (v2sf)  }
0x162: {  	[hbm4b:s29+s7] =	stream.linear.scatter [tilespmem:s5], [sflag:$0x3], $0x40, $0x38;
	[tilespmem:$0x1EB00] =	vst v63  }
0x163: {  	s30 =	sadd.s32 $0xFFFFFE98, s25;
	s31 =	spop (v2sf)  }
0x164: {  	[hbm4b:s31+s7] =	stream.linear.scatter [tilespmem:s30], [sflag:$0x3], $0x40, $0x38;
	[tilespmem:$0x1EB00] =	vst v63  }
0x165: {  	p2 =	sne.s32 s24, $0x1;
	s5 =	sadd.s32 $0xFFFFFEE0, s25;
	s29 =	spop (v2sf)  }
0x166: {  	[hbm4b:s29+s7] =	stream.linear.scatter [tilespmem:s5], [sflag:$0x3], $0x40, $0x38;
	[tilespmem:$0x1EB00] =	vst v63  }
0x167: {  	s24 =	sadd.s32 $0xFFFFFFFF, s24;
	s30 =	sadd.s32 $0xFFFFFF28, s25;
	s31 =	spop (v2sf)  }
0x168: {  	[hbm4b:s31+s7] =	stream.linear.scatter [tilespmem:s30], [sflag:$0x3], $0x40, $0x38;
	[tilespmem:$0x1EB00] =	vst v63  }
.Ltmp22:
0x169: {  	s26 =	smov.u32 s25;
	s29 =	spop (v2sf);
	(pc) =	sbr.rel @p2 .LBB2_27-.Ltmp22, $4  }
0x16a: {  	s28 =	sadd.s32 $0x10, s28;
	s5 =	sadd.s32 $0xFFFFFF70, s25;
	s31 =	spop (v2sf)  }
0x16b: {  	[hbm4b:s29+s7] =	stream.linear.scatter [tilespmem:s5], [sflag:$0x3], $0x40, $0x38;
	[tilespmem:$0x1EB00] =	vst v63  }
0x16c: {  	s30 =	sadd.s32 $0xFFFFFFB8, s25;
	s25 =	sadd.s32 $0x480, s25;
	s0 =	spop (v2sf)  }
0x16d: {  	[hbm4b:s31+s7] =	stream.linear.scatter [tilespmem:s30], [sflag:$0x3], $0x40, $0x38;
	[tilespmem:$0x1EB00] =	vst v63  }
.LBB2_28:
0x16e: {  	s31 =	sshll.u32 s23, $0x4  }
0x16f: {  	p2 =	seq.s32 s31, $0x1  }
.Ltmp23:
0x170: {  	_ = 	snop;
	(pc) =	sbr.rel @p2 .LBB2_30-.Ltmp23, $4  }
0x171: {  	_ = 	snop  }
0x172: {  	[hbm4b:s0+s7] =	stream.linear.scatter [tilespmem:s26], [sflag:$0x3], $0x40, $0x38;
	[tilespmem:$0x1EB00] =	vst v63  }
0x173: {  	_ =	swait.ge [sflag:s19], $0x40  }
0x174: {  	s0 =	sadd.s32 $0xFFFFFFFF, s31;
	[sflag:s19] =	ssyncset.done $0x0  }
.LBB2_29:
0x175: {  	p2 =	seq.s32 s0, $0x1;
	s0 =	sadd.s32 $0xFFFFFFFF, s0;
	[sflag:s19] =	ssyncadd.s32 $0xFFFFFFC0  }
.Ltmp24:
0x176: {  	(pc) =	sbr.rel @!p2 .LBB2_29-.Ltmp24, $3  }
0x177: {  	_ =	sdelay $0x1  }
0x178: {  	_ =	swait.ge [sflag:s19], $0x40  }
0x179: {  	[sflag:s19] =	ssyncset.done $0x0  }
.LBB2_30:
0x17a: {  	[sflag:s19] =	ssyncadd.s32 $0xFFFFFFC0  }
.LBB2_31:
0x17b: {  	s0 =	sadd.s32 $0xF, s21  }
0x17c: {  	s5 =	sand.u32 $0xF, s0  }
0x17d: {  	p2 =	slt.s32 s22, $0xFFFFFFF2;
	s21 =	sshra.s32 s0, $0x1F;
	p3 =	sne.s32 s5, $0x0  }
.Ltmp25:
0x17e: {  	s31 =	sshrl.u32 s21, $0x1C;
	p2 =	por !p2, !p3;
	(pc) =	sbr.rel .LBB2_41-.Ltmp25, $4  }
0x17f: {  	s5 =	simm.s32 $0x1;
	s0 =	sadd.s32 s31, s0;
	p2 =	por !p2, !p2  }
0x180: {  	s0 =	sshra.s32 s0, $0x4;
	s5 =	simm.s32 @!p2 $0x0  }
0x181: {  	s21 =	ssub.s32 s0, s5  }
0x182: {  	s23 =	simm.s32 $0x0;
	p2 =	slt.s32 s21, $0x1  }
.LBB2_40:
0x183: {  	p3 =	sgt.u32 s23, $0x1F  }
.Ltmp26:
0x184: {  	_ = 	snop;
	(pc) =	sbr.rel @p3 .LBB2_38-.Ltmp26, $1  }
0x185: {  	_ =	sdelay $0x3  }
.LBB2_41:
0x186: {  	s25 =	sshll.u32 s23, $0x1  }
0x187: {  	s0 =	simm.s32 @p0 $0x1;
	s5 =	sshrl.u32 @p0 s23, $0x2;
	s22 =	sor.u32 @p0 $0x1, s25  }
0x188: {  	_ =	swait.ge @p0 [sflag:s0], $0x7980;
	s24 =	smul.u32 @p0 $0x7A1400, s5;
	s26 =	sshll.u32 @p0 s22, $0x7  }
0x189: {  	[sflag:s0] =	ssyncset.done @p0 $0x0;
	s26 =	sand.u32 @p0 $0x380, s26  }
0x18a: {  	[sflag:s0] =	ssyncadd.s32 @p0 $0xFFFF8680;
	s24 =	sor.u32 @p0 s26, s24  }
0x18b: {  	s28 =	simm.s32 @p0 $0x400;
	_ =	swait.ge @p0 [sflag:s0], $0x80;
	s24 =	sadd.s32 @p0 $0x764400, s24  }
0x18c: {  	s29 =	simm.s32 @p0 $0x9880;
	[sflag:s0] =	ssyncset.done @p0 $0x0;
	s24 =	sshrl.u32 @p0 s24, $0x3  }
0x18d: {  	[sflag:s0] =	ssyncadd.s32 @p0 $0xFFFFFF80;
	s0 =	sadd.s32 @p0 s4, s24;
	s24 =	simm.s32 @p0 $0x80  }
0x18e: {  	[tilespmem:s29], [sflag:$0x2] =	stream.strided.gather @p0 [hbm4b:s0+s24], $0x7980, s28, s24, $0x38;
	[tilespmem:$0x1EB00] =	vst v63  }
0x18f: {  	s0 =	sshll.u32 @p0 s5, $0xA  }
0x190: {  	s0 =	sor.u32 @p0 s0, s26  }
0x191: {  	s0 =	sshrl.u32 @p0 s0, $0x3  }
0x192: {  	s5 =	simm.s32 @p0 $0x0;
	s24 =	simm.s32 @p0 $0x11200;
	s0 =	sadd.s32 @p0 s6, s0  }
0x193: {  	[tilespmem:s24], [sflag:$0x2] =	stream.linear.gather @p0 [hbm4b:s0+s5], $0x80, $0x38;
	[tilespmem:$0x1EB00] =	vst v63  }
0x194: {  	s0 =	sshrl.u32 @!p0 s23, $0x2  }
0x195: {  	s26 =	simm.s32 @!p0 $0x1;
	s24 =	sor.u32 @!p0 $0x1, s25;
	s0 =	smul.u32 @!p0 $0x7A1400, s0  }
0x196: {  	s5 =	sshll.u32 @!p0 s24, $0x7;
	_ =	swait.ge @!p0 [sflag:s26], $0x7A80  }
.Ltmp27:
0x197: {  	s5 =	sand.u32 @!p0 $0x380, s5;
	s0 =	sadd.s32 @!p0 s11, s0;
	(pc) =	sbr.rel @p2 .LBB2_48-.Ltmp27, $4  }
0x198: {  	[sflag:s26] =	ssyncset.done @!p0 $0x0;
	s0 =	sor.u32 @!p0 s0, s5  }
0x199: {  	s28 =	simm.s32 @!p0 $0x9880;
	[sflag:s26] =	ssyncadd.s32 @!p0 $0xFFFF8580;
	s0 =	sshrl.u32 @!p0 s0, $0x3  }
0x19a: {  	s26 =	simm.s32 @!p0 $0x400;
	s5 =	simm.s32 @!p0 $0x80;
	s0 =	sadd.s32 @!p0 s4, s0  }
0x19b: {  	[tilespmem:s28], [sflag:$0x2] =	stream.strided.gather @!p0 [hbm4b:s0+s5], $0x7A80, s26, s5, $0x38;
	[tilespmem:$0x1EB00] =	vst v63  }
0x19c: {  	p4 =	sne.s32 s21, $0x1  }
.Ltmp28:
0x19d: {  	_ = 	snop;
	(pc) =	sbr.rel @!p4 .LBB2_43-.Ltmp28, $3  }
0x19e: {  	_ =	sdelay $0x1  }
0x19f: {  	s0 =	simm.s32 $0x1700  }
0x1a0: {  	v6 =	vmov s25;
	s26 =	simm.s32 $0x0;
	p3 =	por $0x0, $0x0;
	v7 =	vld [tilespmem:s0+$0x0];
	s0 =	sadd.s32 $0xFFFFFFFF, s21  }
0x1a1: {  	_ =	sdelay $0x1  }
0x1a2: {  	v8 =	vmov s26  }
0x1a3: {  	v8 =	vmul.u32 $0x48, v8;
	_ =	sdelay $0x1  }
0x1a4: {  	v8 =	vadd.s32 v6, v8  }
0x1a5: {  	v8 =	vbroadcast v8, $0x0;
	_ =	sdelay $0x1  }
0x1a6: {  	v7 =	vld.idx.msk [tilespmem:v7+s16+$0x0], $0xffff;
	v8 =	vadd.s32 v5, v8  }
0x1a7: {  	p4 =	sne.s32 s0, $0x1  }
.Ltmp29:
0x1a8: {  	_ = 	snop;
	(pc) =	sbr.rel @!p4 .LBB2_45-.Ltmp29, $3  }
0x1a9: {  	_ =	sdelay $0x1  }
0x1aa: {  	s29 =	simm.s32 $0x1710;
	[tilespmem:v8+s17+$0x0] =	vst.idx.msk $0xffff, v7  }
0x1ab: {  	s0 =	sadd.s32 $0xFFFFFFFF, s0;
	p3 =	por $0x1, $0x1;
	s28 =	simm.s32 $0x0;
	v7 =	vld [tilespmem:s29+$0x0]  }
.LBB2_46:
0x1ac: {  	p4 =	sne.s32 s0, $0x1  }
0x1ad: {  	s28 =	sadd.s32 $0x10, s28  }
0x1ae: {  	v8 =	vmov s28  }
0x1af: {  	v8 =	vmul.u32 $0x48, v8;
	_ =	sdelay $0x1  }
0x1b0: {  	v8 =	vadd.s32 v6, v8  }
0x1b1: {  	v8 =	vbroadcast v8, $0x0  }
0x1b2: {  	v7 =	vld.idx.msk [tilespmem:v7+s16+$0x0], $0xffff  }
0x1b3: {  	v8 =	vadd.s32 v5, v8;
	_ =	sdelay $0x1  }
.Ltmp30:
0x1b4: {  	(pc) =	sbr.rel @p4 .LBB2_46-.Ltmp30, $3  }
0x1b5: {  	_ =	sdelay $0x1  }
0x1b6: {  	s29 =	sadd.s32 $0x10, s29;
	[tilespmem:v8+s17+$0x0] =	vst.idx.msk $0xffff, v7  }
0x1b7: {  	s0 =	sadd.s32 $0xFFFFFFFF, s0;
	v7 =	vld [tilespmem:s29+$0x0]  }
.LBB2_47:
0x1b8: {  	s0 =	sadd.s32 @p3 $0x10, s28  }
0x1b9: {  	s26 =	smov.u32 @p3 s0  }
0x1ba: {  	v8 =	vmov s26  }
0x1bb: {  	v8 =	vmul.u32 $0x48, v8;
	_ =	sdelay $0x1  }
0x1bc: {  	v6 =	vadd.s32 v6, v8  }
0x1bd: {  	v6 =	vbroadcast v6, $0x0;
	_ =	sdelay $0x1  }
0x1be: {  	v7 =	vld.idx.msk [tilespmem:v7+s16+$0x0], $0xffff;
	v6 =	vadd.s32 v5, v6;
	_ =	sdelay $0x4  }
0x1bf: {  	[tilespmem:v6+s17+$0x0] =	vst.idx.msk $0xffff, v7  }
.LBB2_48:
0x1c0: {  	p3 =	seq.s32 @p1 s23, $0x1F  }
0x1c1: {  	p4 =	por p3, !p1  }
0x1c2: {  	s0 =	sadd.s32 @!p4 $0x2, s25  }
0x1c3: {  	s5 =	sshrl.u32 @!p4 s0, $0x3  }
0x1c4: {  	s5 =	smul.u32 @!p4 $0x7A1400, s5  }
0x1c5: {  	s26 =	simm.s32 @p1 $0x2;
	p5 =	seq.s32 @!p1 s23, $0x1F;
	s0 =	sshll.u32 @!p4 s0, $0x7  }
0x1c6: {  	_ =	swait.ge @p1 [sflag:s26], $0x7A80;
	s0 =	sand.u32 @!p4 $0x300, s0;
	s5 =	sadd.s32 @!p4 s11, s5  }
0x1c7: {  	p6 =	por p5, p1;
	[sflag:s26] =	ssyncset.done @p1 $0x0;
	s0 =	sor.u32 @!p4 s0, s5  }
0x1c8: {  	s28 =	simm.s32 @!p4 $0x1E00;
	[sflag:s26] =	ssyncadd.s32 @p1 $0xFFFF8580;
	s0 =	sshrl.u32 @!p4 s0, $0x3  }
0x1c9: {  	s26 =	simm.s32 @!p4 $0x400;
	s5 =	simm.s32 @!p4 $0x80;
	s0 =	sadd.s32 @!p4 s4, s0  }
0x1ca: {  	[tilespmem:s28], [sflag:$0x1] =	stream.strided.gather @!p4 [hbm4b:s0+s5], $0x7A80, s26, s5, $0x38;
	[tilespmem:$0x1EB00] =	vst v63  }
0x1cb: {  	s0 =	sadd.s32 @!p6 $0x2, s25  }
0x1cc: {  	s5 =	simm.s32 @!p1 $0x2;
	s25 =	sshrl.u32 @!p6 s0, $0x3  }
0x1cd: {  	_ =	swait.ge @!p1 [sflag:s5], $0x7980;
	s0 =	sshll.u32 @!p6 s0, $0x7;
	s26 =	smul.u32 @!p6 $0x7A1400, s25  }
0x1ce: {  	[sflag:s5] =	ssyncset.done @!p1 $0x0;
	s0 =	sand.u32 @!p6 $0x300, s0  }
0x1cf: {  	[sflag:s5] =	ssyncadd.s32 @!p1 $0xFFFF8680;
	s26 =	sor.u32 @!p6 s0, s26  }
0x1d0: {  	s29 =	simm.s32 @!p6 $0x1E00;
	_ =	swait.ge @!p1 [sflag:s5], $0x80;
	s26 =	sadd.s32 @!p6 $0x764400, s26  }
0x1d1: {  	s28 =	simm.s32 @!p6 $0x400;
	[sflag:s5] =	ssyncset.done @!p1 $0x0;
	s26 =	sshrl.u32 @!p6 s26, $0x3  }
0x1d2: {  	[sflag:s5] =	ssyncadd.s32 @!p1 $0xFFFFFF80;
	s5 =	sadd.s32 @!p6 s4, s26;
	s26 =	simm.s32 @!p6 $0x80  }
0x1d3: {  	[tilespmem:s29], [sflag:$0x1] =	stream.strided.gather @!p6 [hbm4b:s5+s26], $0x7980, s28, s26, $0x38;
	[tilespmem:$0x1EB00] =	vst v63  }
0x1d4: {  	p3 =	por !p3, !p1;
	s5 =	sshll.u32 @!p6 s25, $0xA  }
.Ltmp31:
0x1d5: {  	s25 =	simm.s32 @!p6 $0x0;
	s0 =	sor.u32 @!p6 s0, s5;
	(pc) =	sbr.rel @p2 .LBB2_40-.Ltmp31, $4  }
0x1d6: {  	s5 =	sadd.s32 @!p4 $0x1, s23;
	s23 =	sadd.s32 @!p6 $0x1, s23;
	p4 =	por !p5, p1  }
0x1d7: {  	s0 =	sshrl.u32 @!p6 s0, $0x3;
	s5 =	simm.s32 @!p3 $0x20;
	s23 =	simm.s32 @!p4 $0x20  }
0x1d8: {  	s26 =	simm.s32 @!p6 $0x9780;
	s0 =	sadd.s32 @!p6 s6, s0;
	s23 =	smov.u32 @p1 s5  }
0x1d9: {  	[tilespmem:s26], [sflag:$0x1] =	stream.linear.gather @!p6 [hbm4b:s0+s25], $0x80, $0x38;
	[tilespmem:$0x1EB00] =	vst v63  }
0x1da: {  	p4 =	seq.s32 s21, $0x1  }
.Ltmp32:
0x1db: {  	_ = 	snop;
	(pc) =	sbr.rel @p4 .LBB2_50-.Ltmp32, $3  }
0x1dc: {  	_ =	sdelay $0x1  }
0x1dd: {  	s24 =	smov.u32 @p0 s22;
	s0 =	simm.s32 $0x1700  }
0x1de: {  	s22 =	sadd.s32 $0xFFFFFFFF, s21;
	p3 =	por $0x0, $0x0;
	v6 =	vmov s24;
	s24 =	simm.s32 $0x0;
	v7 =	vld [tilespmem:s0+$0x0]  }
0x1df: {  	_ =	sdelay $0x1  }
0x1e0: {  	v8 =	vmov s24  }
0x1e1: {  	v8 =	vmul.u32 $0x48, v8;
	_ =	sdelay $0x1  }
0x1e2: {  	v8 =	vadd.s32 v6, v8  }
0x1e3: {  	v8 =	vbroadcast v8, $0x0;
	_ =	sdelay $0x1  }
0x1e4: {  	v7 =	vld.idx.msk [tilespmem:v7+s18+$0x0], $0xffff;
	v8 =	vadd.s32 v5, v8  }
0x1e5: {  	p4 =	seq.s32 s22, $0x1  }
.Ltmp33:
0x1e6: {  	_ = 	snop;
	(pc) =	sbr.rel @p4 .LBB2_52-.Ltmp33, $3  }
0x1e7: {  	_ =	sdelay $0x1  }
0x1e8: {  	s26 =	simm.s32 $0x1710;
	[tilespmem:v8+s17+$0x0] =	vst.idx.msk $0xffff, v7  }
0x1e9: {  	s0 =	sadd.s32 $0xFFFFFFFF, s22;
	p3 =	por $0x1, $0x1;
	s25 =	simm.s32 $0x0;
	v7 =	vld [tilespmem:s26+$0x0]  }
.LBB2_53:
0x1ea: {  	p4 =	seq.s32 s0, $0x1  }
0x1eb: {  	s25 =	sadd.s32 $0x10, s25  }
0x1ec: {  	v8 =	vmov s25  }
0x1ed: {  	v8 =	vmul.u32 $0x48, v8;
	_ =	sdelay $0x1  }
0x1ee: {  	v8 =	vadd.s32 v6, v8  }
0x1ef: {  	v8 =	vbroadcast v8, $0x0  }
0x1f0: {  	v7 =	vld.idx.msk [tilespmem:v7+s18+$0x0], $0xffff  }
0x1f1: {  	v8 =	vadd.s32 v5, v8;
	_ =	sdelay $0x1  }
.Ltmp34:
0x1f2: {  	(pc) =	sbr.rel @!p4 .LBB2_53-.Ltmp34, $3  }
0x1f3: {  	_ =	sdelay $0x1  }
0x1f4: {  	s26 =	sadd.s32 $0x10, s26;
	[tilespmem:v8+s17+$0x0] =	vst.idx.msk $0xffff, v7  }
0x1f5: {  	s0 =	sadd.s32 $0xFFFFFFFF, s0;
	v7 =	vld [tilespmem:s26+$0x0]  }
.LBB2_54:
0x1f6: {  	s0 =	sadd.s32 @p3 $0x10, s25  }
0x1f7: {  	s24 =	smov.u32 @p3 s0  }
0x1f8: {  	v8 =	vmov s24  }
0x1f9: {  	v8 =	vmul.u32 $0x48, v8;
	_ =	sdelay $0x1  }
0x1fa: {  	v6 =	vadd.s32 v6, v8  }
0x1fb: {  	v6 =	vbroadcast v6, $0x0;
	_ =	sdelay $0x1  }
0x1fc: {  	v7 =	vld.idx.msk [tilespmem:v7+s18+$0x0], $0xffff;
	v6 =	vadd.s32 v5, v6;
	_ =	sdelay $0x4  }
0x1fd: {  	[tilespmem:v6+s17+$0x0] =	vst.idx.msk $0xffff, v7  }
0x1fe: {  	p3 =	slt.u32 s23, $0x20  }
.Ltmp35:
0x1ff: {  	_ = 	snop;
	(pc) =	sbr.rel @p3 .LBB2_41-.Ltmp35, $4  }
.Ltmp36:
0x200: {  	_ = 	snop;
	(pc) =	sbr.rel @!p3 .LBB2_33-.Ltmp36, $4  }
0x201: {  	_ = 	snop  }
0x202: {  	_ = 	snop  }
0x203: {  	_ = 	snop  }
0x204: {  	_ = 	snop  }
.LBB2_43:
.Ltmp37:
0x205: {  	(pc) =	sbr.rel .LBB2_47-.Ltmp37, $2  }
0x206: {  	_ =	sdelay $0x2  }
0x207: {  	s28 =	simm.s32 $0x0  }
.LBB2_50:
.Ltmp38:
0x208: {  	(pc) =	sbr.rel .LBB2_54-.Ltmp38, $2  }
0x209: {  	_ =	sdelay $0x2  }
0x20a: {  	s25 =	simm.s32 $0x0  }
.LBB2_45:
.Ltmp39:
0x20b: {  	(pc) =	sbr.rel .LBB2_47-.Ltmp39, $2  }
0x20c: {  	_ =	sdelay $0x2  }
0x20d: {  	s28 =	simm.s32 $0x0  }
.LBB2_52:
.Ltmp40:
0x20e: {  	(pc) =	sbr.rel .LBB2_54-.Ltmp40, $2  }
0x20f: {  	_ =	sdelay $0x2  }
0x210: {  	s25 =	simm.s32 $0x0  }
.LBB2_33:
0x211: {  	s0 =	simm.s32 $0x1A80  }
0x212: {  	v6 =	vld [tilespmem:s0+$0x0];
	_ =	sdelay $0x4  }
0x213: {  	v6 =	vmul.u32 $0x48, v6;
	_ =	sdelay $0x1  }
0x214: {  	s25 =	rddreg [dreg:$0x8];
	v6 =	vshrl.u32 v6, $0x3  }
0x215: {  	v6 =	vadd.s32 s25, v6  }
0x216: {  	(v2sf) =	vpush v6, $0x0;
	_ =	sdelay $0x1  }
0x217: {  	(v2sf) =	vpush v6, $0x1;
	_ =	sdelay $0x1  }
0x218: {  	(v2sf) =	vpush v6, $0x2;
	_ =	sdelay $0x1  }
0x219: {  	(v2sf) =	vpush v6, $0x3;
	_ =	sdelay $0x1  }
0x21a: {  	(v2sf) =	vpush v6, $0x4;
	_ =	sdelay $0x1  }
0x21b: {  	(v2sf) =	vpush v6, $0x5;
	_ =	sdelay $0x1  }
0x21c: {  	(v2sf) =	vpush v6, $0x6;
	_ =	sdelay $0x1  }
0x21d: {  	(v2sf) =	vpush v6, $0x7  }
0x21e: {  	s26 =	simm.s32 $0x11300;
	s5 =	spop (v2sf)  }
0x21f: {  	(v2sf) =	vpush v6, $0x8;
	[hbm4b:s5+s7] =	stream.linear.scatter [tilespmem:s26], [sflag:$0x3], $0x40, $0x38;
	[tilespmem:$0x1EB00] =	vst v63  }
0x220: {  	s28 =	simm.s32 $0x11348;
	s29 =	spop (v2sf)  }
0x221: {  	(v2sf) =	vpush v6, $0x9;
	[hbm4b:s29+s7] =	stream.linear.scatter [tilespmem:s28], [sflag:$0x3], $0x40, $0x38;
	[tilespmem:$0x1EB00] =	vst v63  }
0x222: {  	s30 =	simm.s32 $0x11390;
	s31 =	spop (v2sf)  }
0x223: {  	(v2sf) =	vpush v6, $0xA;
	[hbm4b:s31+s7] =	stream.linear.scatter [tilespmem:s30], [sflag:$0x3], $0x40, $0x38;
	[tilespmem:$0x1EB00] =	vst v63  }
0x224: {  	s5 =	simm.s32 $0x113D8;
	s24 =	spop (v2sf)  }
0x225: {  	(v2sf) =	vpush v6, $0xB;
	[hbm4b:s24+s7] =	stream.linear.scatter [tilespmem:s5], [sflag:$0x3], $0x40, $0x38;
	[tilespmem:$0x1EB00] =	vst v63  }
0x226: {  	s25 =	simm.s32 $0x11420;
	s26 =	spop (v2sf)  }
0x227: {  	(v2sf) =	vpush v6, $0xC;
	[hbm4b:s26+s7] =	stream.linear.scatter [tilespmem:s25], [sflag:$0x3], $0x40, $0x38;
	[tilespmem:$0x1EB00] =	vst v63  }
0x228: {  	s28 =	simm.s32 $0x11468;
	s29 =	spop (v2sf)  }
0x229: {  	(v2sf) =	vpush v6, $0xD;
	[hbm4b:s29+s7] =	stream.linear.scatter [tilespmem:s28], [sflag:$0x3], $0x40, $0x38;
	[tilespmem:$0x1EB00] =	vst v63  }
0x22a: {  	s30 =	simm.s32 $0x114B0;
	s31 =	spop (v2sf);
	(v2sf) =	vpush v6, $0xE  }
0x22b: {  	[hbm4b:s31+s7] =	stream.linear.scatter [tilespmem:s30], [sflag:$0x3], $0x40, $0x38;
	[tilespmem:$0x1EB00] =	vst v63  }
0x22c: {  	s5 =	simm.s32 $0x114F8;
	s24 =	spop (v2sf);
	(v2sf) =	vpush v6, $0xF  }
0x22d: {  	[hbm4b:s24+s7] =	stream.linear.scatter [tilespmem:s5], [sflag:$0x3], $0x40, $0x38;
	[tilespmem:$0x1EB00] =	vst v63  }
0x22e: {  	s25 =	simm.s32 $0x11540;
	s26 =	spop (v2sf)  }
0x22f: {  	[hbm4b:s26+s7] =	stream.linear.scatter [tilespmem:s25], [sflag:$0x3], $0x40, $0x38;
	[tilespmem:$0x1EB00] =	vst v63  }
0x230: {  	s28 =	simm.s32 $0x11588;
	s29 =	spop (v2sf)  }
0x231: {  	[hbm4b:s29+s7] =	stream.linear.scatter [tilespmem:s28], [sflag:$0x3], $0x40, $0x38;
	[tilespmem:$0x1EB00] =	vst v63  }
0x232: {  	s30 =	simm.s32 $0x115D0;
	s31 =	spop (v2sf)  }
0x233: {  	[hbm4b:s31+s7] =	stream.linear.scatter [tilespmem:s30], [sflag:$0x3], $0x40, $0x38;
	[tilespmem:$0x1EB00] =	vst v63  }
0x234: {  	s5 =	simm.s32 $0x11618;
	s24 =	spop (v2sf)  }
0x235: {  	[hbm4b:s24+s7] =	stream.linear.scatter [tilespmem:s5], [sflag:$0x3], $0x40, $0x38;
	[tilespmem:$0x1EB00] =	vst v63  }
0x236: {  	p2 =	sne.s32 s21, $0x1;
	s25 =	simm.s32 $0x11660;
	s26 =	spop (v2sf)  }
0x237: {  	[hbm4b:s26+s7] =	stream.linear.scatter [tilespmem:s25], [sflag:$0x3], $0x40, $0x38;
	[tilespmem:$0x1EB00] =	vst v63  }
.Ltmp41:
0x238: {  	s23 =	simm.s32 $0x11738;
	s29 =	spop (v2sf);
	(pc) =	sbr.rel @!p2 .LBB2_35-.Ltmp41, $4  }
0x239: {  	s28 =	simm.s32 $0x116A8;
	s30 =	simm.s32 $0x116F0;
	s31 =	spop (v2sf)  }
0x23a: {  	[hbm4b:s29+s7] =	stream.linear.scatter [tilespmem:s28], [sflag:$0x3], $0x40, $0x38;
	[tilespmem:$0x1EB00] =	vst v63  }
0x23b: {  	s0 =	spop (v2sf);
	s24 =	simm.s32 $0x11BB8;
	s25 =	simm.s32 $0x1A90  }
0x23c: {  	[hbm4b:s31+s7] =	stream.linear.scatter [tilespmem:s30], [sflag:$0x3], $0x40, $0x38;
	[tilespmem:$0x1EB00] =	vst v63  }
.LBB2_34:
0x23d: {  	[hbm4b:s0+s7] =	stream.linear.scatter [tilespmem:s23], [sflag:$0x3], $0x40, $0x38;
	[tilespmem:$0x1EB00] =	vst v63  }
0x23e: {  	v6 =	vld [tilespmem:s25+$0x0];
	_ =	sdelay $0x4  }
0x23f: {  	v6 =	vmul.u32 $0x48, v6;
	_ =	sdelay $0x1  }
0x240: {  	s5 =	rddreg [dreg:$0x8];
	v6 =	vshrl.u32 v6, $0x3  }
0x241: {  	v6 =	vadd.s32 s5, v6  }
0x242: {  	(v2sf) =	vpush v6, $0x0;
	_ =	sdelay $0x1  }
0x243: {  	(v2sf) =	vpush v6, $0x1;
	_ =	sdelay $0x1  }
0x244: {  	(v2sf) =	vpush v6, $0x2;
	_ =	sdelay $0x1  }
0x245: {  	(v2sf) =	vpush v6, $0x3;
	_ =	sdelay $0x1  }
0x246: {  	(v2sf) =	vpush v6, $0x4;
	_ =	sdelay $0x1  }
0x247: {  	(v2sf) =	vpush v6, $0x5;
	_ =	sdelay $0x1  }
0x248: {  	(v2sf) =	vpush v6, $0x6;
	_ =	sdelay $0x1  }
0x249: {  	(v2sf) =	vpush v6, $0x7  }
0x24a: {  	s26 =	sadd.s32 $0xFFFFFBC8, s24;
	s5 =	spop (v2sf)  }
0x24b: {  	(v2sf) =	vpush v6, $0x8;
	[hbm4b:s5+s7] =	stream.linear.scatter [tilespmem:s26], [sflag:$0x3], $0x40, $0x38;
	[tilespmem:$0x1EB00] =	vst v63  }
0x24c: {  	s28 =	sadd.s32 $0xFFFFFC10, s24;
	s29 =	spop (v2sf)  }
0x24d: {  	(v2sf) =	vpush v6, $0x9;
	[hbm4b:s29+s7] =	stream.linear.scatter [tilespmem:s28], [sflag:$0x3], $0x40, $0x38;
	[tilespmem:$0x1EB00] =	vst v63  }
0x24e: {  	s30 =	sadd.s32 $0xFFFFFC58, s24;
	s31 =	spop (v2sf)  }
0x24f: {  	(v2sf) =	vpush v6, $0xA;
	[hbm4b:s31+s7] =	stream.linear.scatter [tilespmem:s30], [sflag:$0x3], $0x40, $0x38;
	[tilespmem:$0x1EB00] =	vst v63  }
0x250: {  	s5 =	sadd.s32 $0xFFFFFCA0, s24;
	s26 =	spop (v2sf)  }
0x251: {  	(v2sf) =	vpush v6, $0xB;
	[hbm4b:s26+s7] =	stream.linear.scatter [tilespmem:s5], [sflag:$0x3], $0x40, $0x38;
	[tilespmem:$0x1EB00] =	vst v63  }
0x252: {  	s28 =	sadd.s32 $0xFFFFFCE8, s24;
	s29 =	spop (v2sf)  }
0x253: {  	(v2sf) =	vpush v6, $0xC;
	[hbm4b:s29+s7] =	stream.linear.scatter [tilespmem:s28], [sflag:$0x3], $0x40, $0x38;
	[tilespmem:$0x1EB00] =	vst v63  }
0x254: {  	s30 =	sadd.s32 $0xFFFFFD30, s24;
	s31 =	spop (v2sf)  }
0x255: {  	(v2sf) =	vpush v6, $0xD;
	[hbm4b:s31+s7] =	stream.linear.scatter [tilespmem:s30], [sflag:$0x3], $0x40, $0x38;
	[tilespmem:$0x1EB00] =	vst v63  }
0x256: {  	s5 =	sadd.s32 $0xFFFFFD78, s24;
	s26 =	spop (v2sf);
	(v2sf) =	vpush v6, $0xE  }
0x257: {  	[hbm4b:s26+s7] =	stream.linear.scatter [tilespmem:s5], [sflag:$0x3], $0x40, $0x38;
	[tilespmem:$0x1EB00] =	vst v63  }
0x258: {  	s28 =	sadd.s32 $0xFFFFFDC0, s24;
	s29 =	spop (v2sf);
	(v2sf) =	vpush v6, $0xF  }
0x259: {  	[hbm4b:s29+s7] =	stream.linear.scatter [tilespmem:s28], [sflag:$0x3], $0x40, $0x38;
	[tilespmem:$0x1EB00] =	vst v63  }
0x25a: {  	s30 =	sadd.s32 $0xFFFFFE08, s24;
	s31 =	spop (v2sf)  }
0x25b: {  	[hbm4b:s31+s7] =	stream.linear.scatter [tilespmem:s30], [sflag:$0x3], $0x40, $0x38;
	[tilespmem:$0x1EB00] =	vst v63  }
0x25c: {  	s5 =	sadd.s32 $0xFFFFFE50, s24;
	s26 =	spop (v2sf)  }
0x25d: {  	[hbm4b:s26+s7] =	stream.linear.scatter [tilespmem:s5], [sflag:$0x3], $0x40, $0x38;
	[tilespmem:$0x1EB00] =	vst v63  }
0x25e: {  	s28 =	sadd.s32 $0xFFFFFE98, s24;
	s29 =	spop (v2sf)  }
0x25f: {  	[hbm4b:s29+s7] =	stream.linear.scatter [tilespmem:s28], [sflag:$0x3], $0x40, $0x38;
	[tilespmem:$0x1EB00] =	vst v63  }
0x260: {  	p2 =	sne.s32 s22, $0x1;
	s30 =	sadd.s32 $0xFFFFFEE0, s24;
	s31 =	spop (v2sf)  }
0x261: {  	[hbm4b:s31+s7] =	stream.linear.scatter [tilespmem:s30], [sflag:$0x3], $0x40, $0x38;
	[tilespmem:$0x1EB00] =	vst v63  }
0x262: {  	s22 =	sadd.s32 $0xFFFFFFFF, s22;
	s5 =	sadd.s32 $0xFFFFFF28, s24;
	s26 =	spop (v2sf)  }
0x263: {  	[hbm4b:s26+s7] =	stream.linear.scatter [tilespmem:s5], [sflag:$0x3], $0x40, $0x38;
	[tilespmem:$0x1EB00] =	vst v63  }
.Ltmp42:
0x264: {  	s23 =	smov.u32 s24;
	s29 =	spop (v2sf);
	(pc) =	sbr.rel @p2 .LBB2_34-.Ltmp42, $4  }
0x265: {  	s25 =	sadd.s32 $0x10, s25;
	s28 =	sadd.s32 $0xFFFFFF70, s24;
	s31 =	spop (v2sf)  }
0x266: {  	[hbm4b:s29+s7] =	stream.linear.scatter [tilespmem:s28], [sflag:$0x3], $0x40, $0x38;
	[tilespmem:$0x1EB00] =	vst v63  }
0x267: {  	s30 =	sadd.s32 $0xFFFFFFB8, s24;
	s24 =	sadd.s32 $0x480, s24;
	s0 =	spop (v2sf)  }
0x268: {  	[hbm4b:s31+s7] =	stream.linear.scatter [tilespmem:s30], [sflag:$0x3], $0x40, $0x38;
	[tilespmem:$0x1EB00] =	vst v63  }
.LBB2_35:
0x269: {  	s31 =	sshll.u32 s21, $0x4  }
0x26a: {  	p2 =	sne.s32 s31, $0x1  }
.Ltmp43:
0x26b: {  	_ = 	snop;
	(pc) =	sbr.rel @!p2 .LBB2_37-.Ltmp43, $4  }
0x26c: {  	_ = 	snop  }
0x26d: {  	[hbm4b:s0+s7] =	stream.linear.scatter [tilespmem:s23], [sflag:$0x3], $0x40, $0x38;
	[tilespmem:$0x1EB00] =	vst v63  }
0x26e: {  	_ =	swait.ge [sflag:s19], $0x40  }
0x26f: {  	s0 =	sadd.s32 $0xFFFFFFFF, s31;
	[sflag:s19] =	ssyncset.done $0x0  }
.LBB2_36:
0x270: {  	p2 =	sne.s32 s0, $0x1;
	s0 =	sadd.s32 $0xFFFFFFFF, s0;
	[sflag:s19] =	ssyncadd.s32 $0xFFFFFFC0  }
.Ltmp44:
0x271: {  	(pc) =	sbr.rel @p2 .LBB2_36-.Ltmp44, $3  }
0x272: {  	_ =	sdelay $0x1  }
0x273: {  	_ =	swait.ge [sflag:s19], $0x40  }
0x274: {  	[sflag:s19] =	ssyncset.done $0x0  }
.Ltmp45:
0x275: {  	_ = 	snop;
	(pc) =	sbr.rel .LBB2_37-.Ltmp45, $1  }
0x276: {  	_ =	sdelay $0x3  }
.LBB2_39:
0x277: {  	_ =	sfence.sel $0x180000  }
0x278: {  	[bflag:$0x0] =	sbarrier.arrive $0xFFFF  }
0x279: {  	_ =	strace $0x90000047  }
0x27a: {  	s0 =	stileid.u32;
	[bflag:$0x2] =	sbarrier.arrive $0xFFFF  }
0x27b: {  	p0 =	sne.s32 s0, $0x0;
	s0 =	rddreg [dreg:$0x6]  }
0x27c: {  	s0 =	sadd.s32 @!p0 $0x100000, s0  }
0x27d: {  	[sflag:s0] =	ssyncadd.tile.s32 @!p0 $0x1;
	_ =	shalt  }
.Lfunc_end2:
_tile_overlayer_lowered:
.L_overlay_start_2:
0x27e: {  	(tag) =	ssettag $0x2  }
0x27f: {  	s0 =	rddreg [dreg:$0x0];
	s2 =	stileid.u32  }
0x280: {  	s1 =	rddreg [dreg:$0x1];
	p0 =	sne.s32 s2, $0x0  }
0x281: {  	s3 =	rddreg [dreg:$0x2];
	[bflag:$0x3] =	sbarrier.arrive $0xFFFF;
	s2 =	simm.s32 @!p0 $0x1C04  }
0x282: {  	[timem:s3], [sflag:s2] =	dma.local @!p0 [hbm:s0], s1  }
0x283: {  	s0 =	simm.s32 @!p0 $0x4  }
0x284: {  	_ =	swait.ge @!p0 [sflag:s0], s1  }
0x285: {  	s1 =	ssub.s32 @!p0 $0x0, s1;
	[sflag:s0] =	ssyncset.done @!p0 $0x0  }
0x286: {  	[sflag:s0] =	ssyncadd.s32 @!p0 s1  }
0x287: {  	[bflag:$0x3] =	sbarrier.arrive $0xFFFF  }
0x288: {  	_ =	shalt  }

// kernel: kernel.7.cloned.1.call-start
scs
__scs_entry_jumppad:
0x0: {  	(pc) =	sbr.rel $0x88, $3  }
0x1: {  	(tag) =	ssettag $0x0;
	lr =	simm.s32 $0x1  }
0x2: {  	[smem:$0x3F9D] =	sst lr;
	_ =	strace $0xD0000000  }
0x3: {  	_ = 	snop  }
0x4: {  	_ = 	snop  }
0x5: {  	_ = 	snop  }
0x6: {  	_ = 	snop  }
0x7: {  	_ = 	snop  }
__scs_overlays_trampoline_lowered:
0x8: {  	[smem:$0x3FAC] =	sst s0  }
0x9: {  	[smem:$0x3FAD] =	sst s1  }
0xa: {  	[smem:$0x3FAE] =	sst s2  }
0xb: {  	[smem:$0x3FAF] =	sst s3  }
0xc: {  	[smem:$0x3FB0] =	sst s4  }
0xd: {  	[smem:$0x3FB1] =	sst s5  }
0xe: {  	[smem:$0x3FB2] =	sst s6  }
0xf: {  	[smem:$0x3FB3] =	sst s7  }
0x10: {  	[smem:$0x3FB4] =	sst s8  }
0x11: {  	[smem:$0x3FB5] =	sst s9;
	s0 =	simm.s32 @!p0 $0x0  }
0x12: {  	s1 =	sld [smem:$0x3F9B];
	s0 =	simm.s32 @p0 $0x1  }
0x13: {  	[smem:$0x3FB6] =	sst s0;
	s0 =	simm.s32 @!p1 $0x0  }
0x14: {  	s2 =	sld [smem:$0x3F9A];
	s0 =	simm.s32 @p1 $0x1  }
0x15: {  	[smem:$0x3FB7] =	sst s0;
	s0 =	simm.s32 @!p2 $0x0  }
0x16: {  	s3 =	sld [smem:$0x3FDB];
	s0 =	simm.s32 @p2 $0x1  }
0x17: {  	s4 =	simm.s32 $0x1BF5;
	[smem:$0x3FB9] =	sst s0  }
0x18: {  	s0 =	sld [smem:$0x3F9C];
	_ =	swait.ge [sflag:s4], $0x0  }
0x19: {  	s7 =	sld [smem:$0x3F9D]  }
0x1a: {  	s8 =	sadd.s32 $0xFFFFE003, lr  }
0x1b: {  	s9 =	sadd.s32 $0xFFFFFEF7, lr;
	s5 =	simm.s32 $0xFFFFFFFF;
	p2 =	slt.u32 s8, $0xFFFFF086  }
0x1c: {  	p1 =	slt.u32 s9, $0xF7A;
	s5 =	simm.s32 @!p2 $0x0  }
0x1d: {  	s5 =	simm.s32 @p1 $0x1;
	p0 =	seq.s32 s7, s2  }
0x1e: {  	s7 =	smul.u32 @!p0 $0xF7A, s2;
	p2 =	seq.s32 @!p0 s5, $0x0  }
0x1f: {  	s9 =	smul.u32 $0xF7A, s1;
	s8 =	simm.s32 @!p0 $0x1BF5;
	p2 =	por !p2, p0  }
0x20: {  	[sflag:s8] =	ssyncset.s32 @!p0 $0xFFFFF086;
	s6 =	sadd.s32 @!p0 s3, s7;
	s7 =	simm.s32 @!p0 $0x108  }
0x21: {  	s3 =	sadd.s32 s3, s9;
	s6 =	sadd.s32 @!p0 $0x88, s6;
	s7 =	simm.s32 @p2 $0x1082  }
0x22: {  	[simem:s7], [sflag:s8] =	dma.local @!p0 [hbm:s6], $0xF7A  }
0x23: {  	s9 =	sor.u32 $0xD0000000, s2;
	s6 =	simm.s32 $0x108;
	_ =	swait.ge @!p0 [sflag:s8], $0x0  }
0x24: {  	s3 =	sadd.s32 $0x88, s3;
	s6 =	simm.s32 @!p1 $0x1082;
	[sflag:s4] =	ssyncset.s32 $0xFFFFF086  }
0x25: {  	[simem:s6], [sflag:s4] =	dma.local [hbm:s3], $0xF7A  }
0x26: {  	[smem:$0x3F9D] =	sst s1;
	(tag) =	ssettag s2;
	_ =	strace s9  }
0x27: {  	s1 =	sld [smem:$0x3FAD]  }
0x28: {  	s2 =	sld [smem:$0x3FAE]  }
0x29: {  	s4 =	sld [smem:$0x3FB0]  }
0x2a: {  	p0 =	seq.s32 s5, $0x0;
	s5 =	sld [smem:$0x3FB1]  }
0x2b: {  	s6 =	sld [smem:$0x3FB2]  }
0x2c: {  	s7 =	sld [smem:$0x3FB3]  }
0x2d: {  	s3 =	simm.s32 $0x108;
	s8 =	sld [smem:$0x3FB4]  }
0x2e: {  	s3 =	simm.s32 @!p0 $0x1082;
	s9 =	sld [smem:$0x3FB5]  }
0x2f: {  	lr =	sadd.s32 s0, s3;
	s0 =	sld [smem:$0x3FAC]  }
0x30: {  	s3 =	sld [smem:$0x3FAF]  }
0x31: {  	[smem:$0x3FB8] =	sst s10  }
0x32: {  	s10 =	sld [smem:$0x3FB6];
	_ =	sdelay $0x3  }
0x33: {  	p0 =	seq.s32 s10, $0x1;
	s10 =	sld [smem:$0x3FB8];
	_ =	sdelay $0x3  }
0x34: {  	[smem:$0x3FB8] =	sst s10  }
0x35: {  	s10 =	sld [smem:$0x3FB7];
	_ =	sdelay $0x3  }
0x36: {  	p1 =	seq.s32 s10, $0x1;
	s10 =	sld [smem:$0x3FB8];
	_ =	sdelay $0x3  }
0x37: {  	[smem:$0x3FB8] =	sst s10  }
0x38: {  	s10 =	sld [smem:$0x3FB9]  }
0x39: {  	_ = 	snop;
	(pc) =	sbr.ind lr, $3  }
0x3a: {  	_ = 	snop  }
0x3b: {  	_ = 	snop  }
0x3c: {  	p2 =	seq.s32 s10, $0x1;
	s10 =	sld [smem:$0x3FB8]  }
0x3d: {  	_ =	shalt  }
0x3e: {  	_ =	shalt  }
0x3f: {  	_ =	shalt  }
0x40: {  	_ =	shalt  }
0x41: {  	_ =	shalt  }
0x42: {  	_ =	shalt  }
0x43: {  	_ =	shalt  }
0x44: {  	_ =	shalt  }
0x45: {  	_ =	shalt  }
0x46: {  	_ =	shalt  }
0x47: {  	_ =	shalt  }
0x48: {  	_ =	shalt  }
0x49: {  	_ =	shalt  }
0x4a: {  	_ =	shalt  }
0x4b: {  	_ =	shalt  }
0x4c: {  	_ =	shalt  }
0x4d: {  	_ =	shalt  }
0x4e: {  	_ =	shalt  }
0x4f: {  	_ =	shalt  }
0x50: {  	_ =	shalt  }
0x51: {  	_ =	shalt  }
0x52: {  	_ =	shalt  }
0x53: {  	_ =	shalt  }
0x54: {  	_ =	shalt  }
0x55: {  	_ =	shalt  }
0x56: {  	_ =	shalt  }
0x57: {  	_ =	shalt  }
0x58: {  	_ =	shalt  }
0x59: {  	_ =	shalt  }
0x5a: {  	_ =	shalt  }
0x5b: {  	_ =	shalt  }
0x5c: {  	_ =	shalt  }
0x5d: {  	_ =	shalt  }
0x5e: {  	_ =	shalt  }
0x5f: {  	_ =	shalt  }
0x60: {  	_ =	shalt  }
0x61: {  	_ =	shalt  }
0x62: {  	_ =	shalt  }
0x63: {  	_ =	shalt  }
0x64: {  	_ =	shalt  }
0x65: {  	_ =	shalt  }
0x66: {  	_ =	shalt  }
0x67: {  	_ =	shalt  }
0x68: {  	_ =	shalt  }
0x69: {  	_ =	shalt  }
0x6a: {  	_ =	shalt  }
0x6b: {  	_ =	shalt  }
0x6c: {  	_ =	shalt  }
0x6d: {  	_ =	shalt  }
0x6e: {  	_ =	shalt  }
0x6f: {  	_ =	shalt  }
0x70: {  	_ =	shalt  }
0x71: {  	_ =	shalt  }
0x72: {  	_ =	shalt  }
0x73: {  	_ =	shalt  }
0x74: {  	_ =	shalt  }
0x75: {  	_ =	shalt  }
0x76: {  	_ =	shalt  }
0x77: {  	_ =	shalt  }
0x78: {  	_ =	shalt  }
0x79: {  	_ =	shalt  }
0x7a: {  	_ =	shalt  }
0x7b: {  	_ =	shalt  }
0x7c: {  	_ =	shalt  }
0x7d: {  	_ =	shalt  }
0x7e: {  	_ =	shalt  }
0x7f: {  	_ =	shalt  }
0x80: {  	_ =	shalt  }
0x81: {  	_ =	shalt  }
0x82: {  	_ =	shalt  }
0x83: {  	_ =	shalt  }
0x84: {  	_ =	shalt  }
0x85: {  	_ =	shalt  }
0x86: {  	_ =	shalt  }
0x87: {  	_ =	shalt  }
.Lfunc_end0:
.L_simem_size_0:
called_computation.1_lowered:
.L_overlay_start_0:
0x88: {  	s2 =	sld [smem:$0x3FD9]  }
0x89: {  	s3 =	sld [smem:$0x3FFE];
	_ =	sdelay $0x1  }
0x8a: {  	s1 =	srdreg.scid  }
0x8b: {  	s0 =	sand.u32 $0x1, s1  }
0x8c: {  	s17 =	sshll.u32 s0, $0xA;
	s2 =	sadd.s32 s3, s2  }
0x8d: {  	s2 =	sadd.s32 s2, s17  }
0x8e: {  	[smem:$0x3FC4] =	sst s2  }
0x8f: {  	_ = 	snop  }
0x90: {  	s2 =	sld [smem:$0x3FD0];
	(tm) =	ssettm $0x1  }
0x91: {  	s18 =	sld [smem:$0x3FFB];
	_ =	sdelay $0x3  }
0x92: {  	_ =	strace s18  }
0x93: {  	s3 =	sld [smem:$0x3FFC];
	_ =	sdelay $0x3  }
0x94: {  	_ =	strace s3  }
0x95: {  	s3 =	sld [smem:$0x3FFD];
	_ =	sdelay $0x3  }
0x96: {  	_ =	strace s3  }
0x97: {  	_ =	strace $0x8FFFFFFF  }
0x98: {  	s19 =	sld [smem:$0x3FDB];
	_ =	sdelay $0x1  }
0x99: {  	s4 =	simm.s32 $_scs_section_size  }
0x9a: {  	s5 =	simm.s32 $_size__tile_overlayer_lowered;
	s6 =	simm.s32 $_tile_overlayer_lowered  }
0x9b: {  	s22 =	simm.s32 $0x1BFF;
	s21 =	sshll.u32 s6, $0x1;
	s3 =	sadd.s32 s4, s19  }
0x9c: {  	s7 =	simm.s32 $0x0;
	s20 =	sshll.u32 s5, $0x1;
	s5 =	sadd.s32 s21, s3  }
0x9d: {  	[timem:s7], [sflag:s22] =	dma.local [hbm:s5], s20  }
0x9e: {  	_ =	swait.ge [sflag:s22], s20  }
0x9f: {  	s4 =	ssub.s32 $0x0, s20;
	[sflag:s22] =	ssyncset.done $0x0  }
0xa0: {  	[sflag:s22] =	ssyncadd.s32 s4;
	_ =	sdelay $0x1  }
0xa1: {  	s23 =	simm.s32 $0x1B8B  }
0xa2: {  	_ =	swait.ge [sflag:s23], $0x1  }
0xa3: {  	[sflag:s23] =	ssyncset.done $0x0  }
0xa4: {  	s25 =	simm.s32 $0x1B8E;
	s24 =	sld [smem:$0x3FFE];
	[sflag:s23] =	ssyncadd.s32 $0xFFFFFFFF  }
0xa5: {  	s26 =	simm.s32 $execute0_lowered;
	[smem:$0x3FD2] =	sst s25  }
0xa6: {  	s5 =	sshll.u32 s26, $0x1;
	_ =	strace $0x80000049;
	[dreg:$0x1] =	wrdreg $0xFFFFFFFF  }
0xa7: {  	s28 =	simm.s32 $_size_execute0_lowered;
	s3 =	sadd.s32 s3, s5;
	[dreg:$0x0] =	wrdreg $0x0  }
0xa8: {  	s5 =	sshll.u32 s28, $0x1;
	[dreg:$0x2] =	wrdreg s3  }
0xa9: {  	[dreg:$0x3] =	wrdreg s5  }
0xaa: {  	[dreg:$0x4] =	wrdreg $0xC0  }
0xab: {  	_ =	task [dreg:s7], $0x5FFFF  }
0xac: {  	[dreg:$0x1] =	wrdreg $0xFFFFFFFF  }
0xad: {  	[dreg:$0x0] =	wrdreg $0x60  }
0xae: {  	[dreg:$0x2] =	wrdreg s24  }
0xaf: {  	[dreg:$0x3] =	wrdreg s2  }
0xb0: {  	[dreg:$0x4] =	wrdreg $0x9  }
0xb1: {  	_ =	task.clear_ibuf [dreg:s7], $0x5FFFF;
	_ =	strace $0x90000049  }
0xb2: {  	s29 =	simm.s32 $0x9;
	_ =	strace $0x8000004B  }
0xb3: {  	_ =	swait.ge [sflag:s29], $0x1  }
0xb4: {  	[sflag:s29] =	ssyncadd.s32 $0xFFFFFFFF  }
0xb5: {  	_ =	strace $0x9000004B  }
0xb6: {  	_ =	sfence  }
0xb7: {  	s30 =	sld [smem:$0x0];
	_ =	sdelay $0x2  }
0xb8: {  	s31 =	sshll.u32 s1, $0xD;
	s1 =	sshrl.u32 s1, $0x2  }
0xb9: {  	s3 =	sand.u32 $0x4000, s31;
	s1 =	sadd.s32 s1, s30  }
0xba: {  	s0 =	sor.u32 s3, s0;
	s1 =	sshll.u32 s1, $0x11  }
0xbb: {  	s0 =	sor.u32 s1, s0  }
0xbc: {  	s0 =	sadd.s32 $0x8F2B, s0  }
0xbd: {  	[sflag:s0] =	ssyncadd.remote.s32 $0x1  }
0xbe: {  	_ =	sfence.sel $0xFFFF  }
0xbf: {  	[dreg:$0x0] =	wrdreg $0xFFFFFFFF;
	(pc) =	sbr.abs _section_cstart, $3  }
0xc0: {  	[dreg:$0x1] =	wrdreg $0xFFFFFFFF  }
0xc1: {  	_ =	task.clear_ibuf [dreg:s7], $0x2FFFF;
	_ =	strace $0x9FFFFFFF  }
0xc2: {  	(tm) =	ssettm $0x7FFFFFFF  }
0xc3: {  	_ =	shalt  }
tec
execute0_lowered:
.L_overlay_start_1:
0x0: {  	(tag) =	ssettag $0x1  }
0x1: {  	v0 =	vimm.s32 $0x18500840;
	v1 =	vimm.s32 $0x38702860  }
0x2: {  	v29 =	vlaneseq.u32;
	vm0 =	vcmask $0x1F10;
	v30 =	vimm.s32 $0x58104800  }
0x3: {  	v3 =	vimm.s32 $0x78306820;
	v31 =	vimm.s32 $0x19510941;
	v32 =	vimm.s32 $0x39712961  }
0x4: {  	v33 =	vimm.s32 $0x59114901;
	v34 =	vimm.s32 $0x79316921;
	v35 =	vimm.s32 $0x1A520A42  }
0x5: {  	v36 =	vimm.s32 $0x3A722A62;
	v41 =	vimm.s32 $0x5A124A02;
	v43 =	vimm.s32 $0x7A326A22  }
0x6: {  	v44 =	vimm.s32 $0x1B530B43;
	v47 =	vimm.s32 $0x3B732B63;
	v49 =	vimm.s32 $0x5B134B03  }
0x7: {  	v50 =	vimm.s32 $0x7B336B23;
	v54 =	vimm.s32 $0x1C540C44;
	v55 =	vimm.s32 $0x3C742C64  }
0x8: {  	v60 =	vimm.s32 $0x5C144C04;
	v61 =	vimm.s32 $0x7C346C24;
	v11 =	vimm.s32 $0x1D550D45  }
0x9: {  	v13 =	vimm.s32 $0x3D752D65;
	v14 =	vimm.s32 $0x5D154D05;
	v2 =	vunpack.c.0.s8.s32 v0  }
0xa: {  	v17 =	vimm.s32 $0x7D356D25;
	v19 =	vimm.s32 $0x1E560E46;
	v1 =	vunpack.c.0.s8.s32 v1  }
0xb: {  	v20 =	vimm.s32 $0x3E762E66;
	v25 =	vimm.s32 $0x5E164E06;
	v4 =	vunpack.c.0.s8.s32 v30;
	[tilespmem:$0x1F6A0] =	vst v2  }
0xc: {  	v27 =	vimm.s32 $0x7E366E26;
	v5 =	vunpack.c.0.s8.s32 v3;
	v6 =	vunpack.c.0.s8.s32 v31;
	[tilespmem:$0x1F6B0] =	vst v1  }
0xd: {  	v7 =	vunpack.c.0.s8.s32 v32;
	v8 =	vunpack.c.0.s8.s32 v33;
	v9 =	vunpack.c.0.s8.s32 v34;
	[tilespmem:$0x1F6C0] =	vst v4  }
0xe: {  	v37 =	vunpack.c.0.s8.s32 v35;
	v3 =	vunpack.c.0.s8.s32 v36;
	v42 =	vunpack.c.0.s8.s32 v41;
	[tilespmem:$0x1F6D0] =	vst v5  }
0xf: {  	v45 =	vunpack.c.0.s8.s32 v43;
	v46 =	vunpack.c.0.s8.s32 v44;
	v48 =	vunpack.c.0.s8.s32 v47;
	[tilespmem:$0x1F6F0] =	vst v6  }
0x10: {  	v51 =	vunpack.c.0.s8.s32 v49;
	v52 =	vunpack.c.0.s8.s32 v50;
	v62 =	vunpack.c.0.s8.s32 v60;
	[tilespmem:$0x1F700] =	vst v7  }
0x11: {  	v63 =	vunpack.c.0.s8.s32 v61;
	v12 =	vunpack.c.0.s8.s32 v11;
	v15 =	vunpack.c.0.s8.s32 v13;
	[tilespmem:$0x1F710] =	vst v8  }
0x12: {  	v16 =	vunpack.c.0.s8.s32 v14;
	v18 =	vunpack.c.0.s8.s32 v17;
	v21 =	vunpack.c.0.s8.s32 v19;
	[tilespmem:$0x1F720] =	vst v9  }
0x13: {  	v26 =	vunpack.c.0.s8.s32 v25;
	v43 =	vimm.s32 $0x60185008;
	v44 =	vimm.s32 $0x387028;
	[tilespmem:$0x1F750] =	vst v3  }
0x14: {  	v10 =	vunpack.c.0.s8.s32 v43;
	v11 =	vunpack.c.0.s8.s32 v44;
	v1 =	vsel vm0, v1, v2;
	[tilespmem:$0x1F760] =	vst v42  }
0x15: {  	v4 =	vsel vm0, v5, v4;
	v38 =	vsel vm0, v7, v6;
	v39 =	vsel vm0, v9, v8;
	[tilespmem:$0x1F770] =	vst v45  }
0x16: {  	v40 =	vsel vm0, v3, v37;
	[tilespmem:$0x1F780] =	vst v46;
	v3 =	vunpack.c.0.s8.s32 v54;
	v5 =	vunpack.c.0.s8.s32 v55  }
0x17: {  	[tilespmem:$0x1F790] =	vst v48;
	v7 =	vmul.u32 $0x48, v29;
	v2 =	vunpack.c.0.s8.s32 v20;
	v22 =	vsel vm0, v15, v12  }
0x18: {  	v1 =	vcombine.low v4, v1;
	[tilespmem:$0x1F7E0] =	vst v3;
	v59 =	vsel vm0, v5, v3;
	v3 =	vsel vm0, v63, v62  }
0x19: {  	[tilespmem:$0x1F7A0] =	vst v51;
	v23 =	vsel vm0, v18, v16;
	v29 =	vunpack.c.0.s8.s32 v27;
	v0 =	vcombine.low v3, v59  }
0x1a: {  	v4 =	vsel vm0, v45, v42;
	v24 =	vsel vm0, v2, v21;
	[tilespmem:$0x1F6E0] =	vst v1;
	v1 =	vcombine.low v39, v38  }
0x1b: {  	v38 =	vimm.s32 $0x20581048;
	v39 =	vimm.s32 $0x40783068;
	[tilespmem:$0x1F820] =	vst v0;
	v0 =	vcombine.low v23, v22  }
0x1c: {  	[tilespmem:$0x1F7B0] =	vst v52;
	v3 =	vsel vm0, v29, v26;
	v41 =	vunpack.c.0.s8.s32 v38;
	v42 =	vunpack.c.0.s8.s32 v39  }
0x1d: {  	v53 =	vsel vm0, v48, v46;
	v56 =	vsel vm0, v52, v51;
	[tilespmem:$0x1F870] =	vst v0;
	v0 =	vcombine.low v3, v24  }
0x1e: {  	[tilespmem:$0x1F800] =	vst v62;
	v58 =	vcombine.low v56, v53;
	v51 =	vsel vm0, v11, v10;
	v50 =	vsel vm0, v42, v41  }
0x1f: {  	[tilespmem:$0x1F900] =	vst v0;
	v0 =	vcombine.low v51, v50  }
0x20: {  	[tilespmem:$0x1F7D0] =	vst v58;
	v58 =	vimm.s32 $0x23A722A  }
0x21: {  	[tilespmem:$0x1F9A0] =	vst v0;
	v0 =	vunpack.c.0.s8.s32 v58  }
0x22: {  	[tilespmem:$0x1F810] =	vst v63;
	v59 =	vimm.s32 $0x235B134B  }
0x23: {  	[tilespmem:$0x1F9D0] =	vst v0;
	v0 =	vunpack.c.0.s8.s32 v59  }
0x24: {  	[tilespmem:$0x1F830] =	vst v12;
	v48 =	vimm.s32 $0x1397129;
	v62 =	vimm.s32 $0x631B530B  }
0x25: {  	v47 =	vimm.s32 $0x61195109;
	v6 =	vunpack.c.0.s8.s32 v48;
	[tilespmem:$0x1F9E0] =	vst v0;
	v0 =	vunpack.c.0.s8.s32 v62  }
0x26: {  	[tilespmem:$0x1F950] =	vst v11;
	v57 =	vcombine.low v4, v40;
	v4 =	vunpack.c.0.s8.s32 v47;
	v63 =	vimm.s32 $0x33B732B  }
0x27: {  	[tilespmem:$0x1FA00] =	vst v0;
	v0 =	vunpack.c.0.s8.s32 v63  }
0x28: {  	[tilespmem:$0x1F990] =	vst v6;
	v52 =	vsel vm0, v6, v4;
	v6 =	vimm.s32 $0x447C346C  }
0x29: {  	v45 =	vimm.s32 $0x21591149;
	[tilespmem:$0x1FA10] =	vst v0;
	v0 =	vunpack.c.0.s8.s32 v6  }
0x2a: {  	v8 =	vimm.s32 $0x641C540C;
	[tilespmem:$0x1F890] =	vst v2;
	v12 =	vunpack.c.0.s8.s32 v45  }
0x2b: {  	v46 =	vimm.s32 $0x41793169;
	[tilespmem:$0x1FA30] =	vst v0;
	v0 =	vunpack.c.0.s8.s32 v8  }
0x2c: {  	v11 =	vimm.s32 $0x255D154D;
	v2 =	vunpack.c.0.s8.s32 v46;
	[tilespmem:$0x1F960] =	vst v12  }
0x2d: {  	[tilespmem:$0x1FA40] =	vst v0;
	v0 =	vunpack.c.0.s8.s32 v11  }
0x2e: {  	[tilespmem:$0x1F970] =	vst v2;
	v2 =	vsel vm0, v2, v12;
	v12 =	vimm.s32 $0x457D356D  }
0x2f: {  	[tilespmem:$0x1FA60] =	vst v0;
	v0 =	vunpack.c.0.s8.s32 v12  }
0x30: {  	[tilespmem:$0x1F840] =	vst v15;
	v15 =	vimm.s32 $0x53D752D  }
0x31: {  	[tilespmem:$0x1FA70] =	vst v0;
	v0 =	vunpack.c.0.s8.s32 v15  }
0x32: {  	[tilespmem:$0x1F850] =	vst v16;
	v16 =	vimm.s32 $0x265E164E  }
0x33: {  	[tilespmem:$0x1FA90] =	vst v0;
	v0 =	vunpack.c.0.s8.s32 v16  }
0x34: {  	v19 =	vimm.s32 $0x661E560E;
	[tilespmem:$0x1F740] =	vst v37  }
0x35: {  	[tilespmem:$0x1FAA0] =	vst v0;
	v0 =	vunpack.c.0.s8.s32 v19  }
0x36: {  	[tilespmem:$0x1F860] =	vst v18;
	v20 =	vimm.s32 $0x63E762E  }
0x37: {  	[tilespmem:$0x1FAC0] =	vst v0;
	v0 =	vunpack.c.0.s8.s32 v20  }
0x38: {  	[tilespmem:$0x1F880] =	vst v21;
	v23 =	vimm.s32 $0x477F376F  }
0x39: {  	v28 =	vimm.s32 $0x1F570F47;
	[tilespmem:$0x1FAD0] =	vst v0;
	v0 =	vunpack.c.0.s8.s32 v23  }
0x3a: {  	v30 =	vunpack.c.0.s8.s32 v28;
	[tilespmem:$0x1F8A0] =	vst v26;
	v24 =	vimm.s32 $0x671F570F  }
0x3b: {  	v31 =	vimm.s32 $0x3F772F67;
	[tilespmem:$0x1FAF0] =	vst v0;
	v0 =	vunpack.c.0.s8.s32 v24  }
0x3c: {  	v32 =	vunpack.c.0.s8.s32 v31;
	[tilespmem:$0x1F8C0] =	vst v30;
	v27 =	vimm.s32 $0x28601850  }
0x3d: {  	v33 =	vimm.s32 $0x5F174F07;
	[tilespmem:$0x1FB00] =	vst v0;
	v0 =	vunpack.c.0.s8.s32 v27  }
0x3e: {  	v28 =	vimm.s32 $0x48003870;
	v35 =	vunpack.c.0.s8.s32 v33;
	[tilespmem:$0x1F8D0] =	vst v32  }
0x3f: {  	v34 =	vimm.s32 $0x7F376F27;
	[tilespmem:$0x1FB20] =	vst v0;
	v0 =	vunpack.c.0.s8.s32 v28  }
0x40: {  	v36 =	vunpack.c.0.s8.s32 v34;
	v31 =	vimm.s32 $0x8407830;
	[tilespmem:$0x1F8E0] =	vst v35  }
0x41: {  	[tilespmem:$0x1FB30] =	vst v0;
	v0 =	vunpack.c.0.s8.s32 v31  }
0x42: {  	v37 =	vsel vm0, v32, v30;
	[tilespmem:$0x1F8F0] =	vst v36;
	v32 =	vimm.s32 $0x29611951  }
0x43: {  	v60 =	vimm.s32 $0x437B336B;
	[tilespmem:$0x1FB50] =	vst v0;
	v0 =	vunpack.c.0.s8.s32 v32  }
0x44: {  	v61 =	vunpack.c.0.s8.s32 v60;
	[tilespmem:$0x1F940] =	vst v10;
	v40 =	vsel vm0, v36, v35;
	v35 =	vimm.s32 $0x69215911  }
0x45: {  	v13 =	vimm.s32 $0x651D550D;
	[tilespmem:$0x1FB60] =	vst v0;
	v0 =	vunpack.c.0.s8.s32 v35  }
0x46: {  	v14 =	vunpack.c.0.s8.s32 v13;
	[tilespmem:$0x1F9F0] =	vst v61;
	v36 =	vimm.s32 $0x9417931  }
0x47: {  	[tilespmem:$0x1FB80] =	vst v0;
	v0 =	vunpack.c.0.s8.s32 v36  }
0x48: {  	[tilespmem:$0x1FA80] =	vst v14;
	v39 =	vimm.s32 $0x4A023A72  }
0x49: {  	[tilespmem:$0x1FB90] =	vst v0;
	v0 =	vunpack.c.0.s8.s32 v39  }
0x4a: {  	[tilespmem:$0x1F7F0] =	vst v5;
	v49 =	vcombine.low v40, v37;
	v40 =	vimm.s32 $0x6A225A12  }
0x4b: {  	v17 =	vimm.s32 $0x467E366E;
	[tilespmem:$0x1FBB0] =	vst v0;
	v0 =	vunpack.c.0.s8.s32 v40  }
0x4c: {  	v43 =	vimm.s32 $0x2B631B53;
	v18 =	vunpack.c.0.s8.s32 v17;
	[tilespmem:$0x1F8B0] =	vst v29  }
0x4d: {  	v33 =	vimm.s32 $0x49013971;
	[tilespmem:$0x1FBC0] =	vst v0;
	v0 =	vunpack.c.0.s8.s32 v43  }
0x4e: {  	v44 =	vimm.s32 $0x4B033B73;
	v34 =	vunpack.c.0.s8.s32 v33;
	[tilespmem:$0x1FAB0] =	vst v18  }
0x4f: {  	v9 =	vimm.s32 $0x43C742C;
	[tilespmem:$0x1FBE0] =	vst v0;
	v0 =	vunpack.c.0.s8.s32 v44  }
0x50: {  	v10 =	vunpack.c.0.s8.s32 v9;
	[tilespmem:$0x1FB70] =	vst v34;
	v47 =	vimm.s32 $0xB437B33  }
0x51: {  	[tilespmem:$0x1FBF0] =	vst v0;
	v0 =	vunpack.c.0.s8.s32 v47  }
0x52: {  	v48 =	vimm.s32 $0x2C641C54;
	[tilespmem:$0x1FA50] =	vst v10  }
0x53: {  	[tilespmem:$0x1FC10] =	vst v0;
	v0 =	vunpack.c.0.s8.s32 v48  }
0x54: {  	[tilespmem:$0x1F7C0] =	vst v57;
	v51 =	vimm.s32 $0x6C245C14  }
0x55: {  	[tilespmem:$0x1FC20] =	vst v0;
	v0 =	vunpack.c.0.s8.s32 v51  }
0x56: {  	[tilespmem:$0x1F980] =	vst v4;
	v53 =	vcombine.low v52, v2;
	v52 =	vimm.s32 $0xC447C34  }
0x57: {  	v55 =	vimm.s32 $0x427A326A;
	[tilespmem:$0x1FC40] =	vst v0;
	v0 =	vunpack.c.0.s8.s32 v52  }
0x58: {  	[tilespmem:$0x1F730] =	vst v1;
	v3 =	vunpack.c.0.s8.s32 v55;
	v55 =	vimm.s32 $0x4D053D75  }
0x59: {  	v25 =	vimm.s32 $0x73F772F;
	v56 =	vimm.s32 $0x621A520A;
	[tilespmem:$0x1FC50] =	vst v0;
	v0 =	vunpack.c.0.s8.s32 v55  }
0x5a: {  	v26 =	vunpack.c.0.s8.s32 v25;
	v57 =	vunpack.c.0.s8.s32 v56;
	v56 =	vimm.s32 $0x6D255D15;
	[tilespmem:$0x1F910] =	vst v49  }
0x5b: {  	v45 =	vimm.s32 $0x6B235B13;
	[tilespmem:$0x1FC70] =	vst v0;
	v0 =	vunpack.c.0.s8.s32 v56  }
0x5c: {  	v46 =	vunpack.c.0.s8.s32 v45;
	[tilespmem:$0x1FB10] =	vst v26;
	v59 =	vimm.s32 $0x2E661E56  }
0x5d: {  	[tilespmem:$0x1FC80] =	vst v0;
	v0 =	vunpack.c.0.s8.s32 v59  }
0x5e: {  	v60 =	vimm.s32 $0x4E063E76;
	[tilespmem:$0x1FC00] =	vst v46  }
0x5f: {  	[tilespmem:$0x1FCA0] =	vst v0;
	v0 =	vunpack.c.0.s8.s32 v60  }
0x60: {  	[tilespmem:$0x1F920] =	vst v41;
	v63 =	vimm.s32 $0xE467E36  }
0x61: {  	v4 =	vimm.s32 $0x245C144C;
	[tilespmem:$0x1FCB0] =	vst v0;
	v0 =	vunpack.c.0.s8.s32 v63  }
0x62: {  	v5 =	vunpack.c.0.s8.s32 v4;
	v4 =	vimm.s32 $0x2F671F57;
	[tilespmem:$0x1F930] =	vst v42  }
0x63: {  	v29 =	vimm.s32 $0x68205810;
	[tilespmem:$0x1FCD0] =	vst v0;
	v0 =	vunpack.c.0.s8.s32 v4  }
0x64: {  	v30 =	vunpack.c.0.s8.s32 v29;
	[tilespmem:$0x1F9C0] =	vst v57;
	v8 =	vimm.s32 $0x6F275F17  }
0x65: {  	v37 =	vimm.s32 $0x2A621A52;
	[tilespmem:$0x1FCE0] =	vst v0;
	v0 =	vunpack.c.0.s8.s32 v8  }
0x66: {  	v9 =	vimm.s32 $0xF477F37;
	v38 =	vunpack.c.0.s8.s32 v37;
	[tilespmem:$0x1FB40] =	vst v30  }
0x67: {  	[tilespmem:$0x1FD00] =	vst v0;
	v0 =	vunpack.c.0.s8.s32 v9  }
0x68: {  	[tilespmem:$0x1FBA0] =	vst v38;
	v12 =	vimm.s32 $0x50084078  }
0x69: {  	[tilespmem:$0x1FD10] =	vst v0;
	v0 =	vunpack.c.0.s8.s32 v12  }
0x6a: {  	v13 =	vimm.s32 $0x70286018;
	[tilespmem:$0x1F9B0] =	vst v53  }
0x6b: {  	v21 =	vimm.s32 $0x275F174F;
	[tilespmem:$0x1FD30] =	vst v0;
	v0 =	vunpack.c.0.s8.s32 v13  }
0x6c: {  	v22 =	vunpack.c.0.s8.s32 v21;
	[tilespmem:$0x1FA20] =	vst v5;
	v16 =	vimm.s32 $0x31692159  }
0x6d: {  	v41 =	vimm.s32 $0xA427A32;
	[tilespmem:$0x1FD40] =	vst v0;
	v0 =	vunpack.c.0.s8.s32 v16  }
0x6e: {  	v17 =	vimm.s32 $0x51094179;
	[tilespmem:$0x1FAE0] =	vst v22;
	v42 =	vunpack.c.0.s8.s32 v41  }
0x6f: {  	v54 =	vimm.s32 $0x225A124A;
	v53 =	vimm.s32 $0x2D651D55;
	[tilespmem:$0x1FD60] =	vst v0;
	v0 =	vunpack.c.0.s8.s32 v17  }
0x70: {  	v2 =	vunpack.c.0.s8.s32 v54;
	v54 =	vunpack.c.0.s8.s32 v53;
	[tilespmem:$0x1FBD0] =	vst v42;
	v20 =	vimm.s32 $0x11490139  }
0x71: {  	v49 =	vimm.s32 $0x4C043C74;
	[tilespmem:$0x1FD70] =	vst v0;
	v0 =	vunpack.c.0.s8.s32 v20  }
0x72: {  	v21 =	vimm.s32 $0x326A225A;
	v50 =	vunpack.c.0.s8.s32 v49;
	[tilespmem:$0x1FC60] =	vst v54  }
0x73: {  	v57 =	vimm.s32 $0xD457D35;
	[tilespmem:$0x1FD90] =	vst v0;
	v0 =	vunpack.c.0.s8.s32 v21  }
0x74: {  	[tilespmem:$0x1FC30] =	vst v50;
	v58 =	vunpack.c.0.s8.s32 v57;
	v24 =	vimm.s32 $0x722A621A  }
0x75: {  	v61 =	vimm.s32 $0x6E265E16;
	[tilespmem:$0x1FDA0] =	vst v0;
	v0 =	vunpack.c.0.s8.s32 v24  }
0x76: {  	v25 =	vimm.s32 $0x124A023A;
	[tilespmem:$0x1FC90] =	vst v58;
	v62 =	vunpack.c.0.s8.s32 v61  }
0x77: {  	v5 =	vimm.s32 $0x4F073F77;
	[tilespmem:$0x1FDC0] =	vst v0;
	v0 =	vunpack.c.0.s8.s32 v25  }
0x78: {  	[tilespmem:$0x1FCC0] =	vst v62;
	v6 =	vunpack.c.0.s8.s32 v5;
	v28 =	vimm.s32 $0x530B437B  }
0x79: {  	v10 =	vimm.s32 $0x30682058;
	[tilespmem:$0x1FDD0] =	vst v0;
	v0 =	vunpack.c.0.s8.s32 v28  }
0x7a: {  	v29 =	vimm.s32 $0x732B631B;
	[tilespmem:$0x1FCF0] =	vst v6;
	v11 =	vunpack.c.0.s8.s32 v10  }
0x7b: {  	v14 =	vimm.s32 $0x10480038;
	[tilespmem:$0x1FDF0] =	vst v0;
	v0 =	vunpack.c.0.s8.s32 v29  }
0x7c: {  	[tilespmem:$0x1FD20] =	vst v11;
	v15 =	vunpack.c.0.s8.s32 v14;
	v32 =	vimm.s32 $0x346C245C  }
0x7d: {  	v18 =	vimm.s32 $0x71296119;
	[tilespmem:$0x1FE00] =	vst v0;
	v0 =	vunpack.c.0.s8.s32 v32  }
0x7e: {  	v33 =	vimm.s32 $0x540C447C;
	[tilespmem:$0x1FD50] =	vst v15;
	v19 =	vunpack.c.0.s8.s32 v18  }
0x7f: {  	v22 =	vimm.s32 $0x520A427A;
	[tilespmem:$0x1FE20] =	vst v0;
	v0 =	vunpack.c.0.s8.s32 v33  }
0x80: {  	[tilespmem:$0x1FD80] =	vst v19;
	v23 =	vunpack.c.0.s8.s32 v22;
	v36 =	vimm.s32 $0x144C043C  }
0x81: {  	v26 =	vimm.s32 $0x336B235B;
	[tilespmem:$0x1FE30] =	vst v0;
	v0 =	vunpack.c.0.s8.s32 v36  }
0x82: {  	v37 =	vimm.s32 $0x356D255D;
	[tilespmem:$0x1FDB0] =	vst v23;
	v27 =	vunpack.c.0.s8.s32 v26  }
0x83: {  	v30 =	vimm.s32 $0x134B033B;
	[tilespmem:$0x1FE50] =	vst v0;
	v0 =	vunpack.c.0.s8.s32 v37  }
0x84: {  	[tilespmem:$0x1FDE0] =	vst v27;
	v31 =	vunpack.c.0.s8.s32 v30;
	v40 =	vimm.s32 $0x752D651D  }
0x85: {  	v34 =	vimm.s32 $0x742C641C;
	[tilespmem:$0x1FE60] =	vst v0;
	v0 =	vunpack.c.0.s8.s32 v40  }
0x86: {  	v41 =	vimm.s32 $0x154D053D;
	[tilespmem:$0x1FE10] =	vst v31;
	v35 =	vunpack.c.0.s8.s32 v34  }
0x87: {  	v38 =	vimm.s32 $0x550D457D;
	[tilespmem:$0x1FE80] =	vst v0;
	v0 =	vunpack.c.0.s8.s32 v41  }
0x88: {  	[tilespmem:$0x1FE40] =	vst v35;
	v39 =	vunpack.c.0.s8.s32 v38;
	v44 =	vimm.s32 $0x560E467E  }
0x89: {  	v42 =	vimm.s32 $0x366E265E;
	[tilespmem:$0x1FE90] =	vst v0;
	v0 =	vunpack.c.0.s8.s32 v44  }
0x8a: {  	v45 =	vimm.s32 $0x762E661E;
	[tilespmem:$0x1FE70] =	vst v39;
	v43 =	vunpack.c.0.s8.s32 v42  }
0x8b: {  	v46 =	vimm.s32 $0x164E063E;
	[tilespmem:$0x1FEB0] =	vst v0;
	v0 =	vunpack.c.0.s8.s32 v45  }
0x8c: {  	[tilespmem:$0x1FEA0] =	vst v43;
	v47 =	vunpack.c.0.s8.s32 v46;
	v48 =	vimm.s32 $0x376F275F  }
0x8d: {  	v50 =	vimm.s32 $0x772F671F;
	[tilespmem:$0x1FEC0] =	vst v0;
	v0 =	vunpack.c.0.s8.s32 v48  }
0x8e: {  	s1 =	srdreg.scid;
	s0 =	stileid.u32;
	v49 =	vimm.s32 $0x570F477F;
	[tilespmem:$0x1FED0] =	vst v47;
	v51 =	vunpack.c.0.s8.s32 v50  }
0x8f: {  	s3 =	rddreg [dreg:$0x0];
	s4 =	sand.u32 $0x1, s1;
	s2 =	sshll.u32 s0, $0x1;
	[tilespmem:$0x1FEE0] =	vst v0;
	v0 =	vunpack.c.0.s8.s32 v49  }
0x90: {  	s5 =	rddreg [dreg:$0x1];
	s6 =	sor.u32 s4, s2;
	s2 =	simm.s32 $0x0;
	[tilespmem:$0x1FF00] =	vst v51  }
0x91: {  	[smem:$0x7FF] =	sst s2;
	v53 =	vor.u32 $0x1, v7;
	[tilespmem:$0x1FEF0] =	vst v0  }
0x92: {  	s1 =	rddreg [dreg:$0x2];
	v54 =	vor.u32 $0x2, v7;
	_ =	strace $0x8000004A;
	[tilespmem:$0x1FF20] =	vst v53  }
0x93: {  	v55 =	vor.u32 $0x3, v7;
	[tilespmem:$0x1FF30] =	vst v54  }
0x94: {  	v56 =	vor.u32 $0x4, v7;
	[tilespmem:$0x1FF40] =	vst v55  }
0x95: {  	v57 =	vor.u32 $0x5, v7;
	[tilespmem:$0x1FF50] =	vst v56  }
0x96: {  	v58 =	vor.u32 $0x6, v7;
	[tilespmem:$0x1FF60] =	vst v57  }
0x97: {  	v59 =	vor.u32 $0x7, v7;
	[tilespmem:$0x1FF70] =	vst v58  }
0x98: {  	v60 =	vadd.s32 $0x8, v7;
	[tilespmem:$0x1FF80] =	vst v59  }
0x99: {  	v61 =	vadd.s32 $0x9, v7;
	[tilespmem:$0x1FF90] =	vst v60  }
0x9a: {  	[tilespmem:$0x1FFA0] =	vst v61  }
0x9b: {  	v62 =	vadd.s32 $0xA, v7;
	[tilespmem:$0x1FFB0] =	vst v7  }
0x9c: {  	s9 =	simm.s32 $0x12000;
	s4 =	ssub.s32 $0x2, s4;
	[tilespmem:$0x1FFC0] =	vst v62  }
0x9d: {  	s7 =	smul.u32 $0x1200, s6;
	s8 =	sshrl.u32 s4, $0x1;
	s6 =	sshll.u32 s6, $0x6;
	v52 =	vimm.s32 $0x174F073F;
	[tilespmem:$0x1FFD0] =	vst v2  }
0x9e: {  	s10 =	simm.s32 $0x0;
	s8 =	ssub.s32 s4, s8;
	s5 =	sadd.s32 s5, s6;
	v63 =	vsel vm0, v3, v2;
	v0 =	vunpack.c.0.s8.s32 v52;
	[tilespmem:$0x1FFE0] =	vst v3  }
0x9f: {  	s7 =	sadd.s32 s7, s3;
	s6 =	smax.u32 s8, $0x1;
	s8 =	simm.s32 $0x9000;
	[tilespmem:$0x1FFF0] =	vst v63  }
0xa0: {  	s3 =	sadd.s32 $0x1200, s7;
	s4 =	sadd.s32 $0x25400, s7;
	s7 =	simm.s32 $0x1;
	[tilespmem:$0x1FF10] =	vst v0  }
.LBB2_1:
0xa1: {  	v0 =	vld [tilespmem:$0x1FDE0]  }
0xa2: {  	v1 =	vld [tilespmem:$0x1FDF0];
	_ =	sdelay $0x4  }
0xa3: {  	v0 =	vsel vm0, v1, v0;
	v1 =	vld [tilespmem:$0x1FDB0]  }
0xa4: {  	[tilespmem:$0x1F050] =	vst v0;
	v0 =	vld [tilespmem:$0x1FDA0];
	_ =	sdelay $0x4  }
0xa5: {  	v57 =	vsel vm0, v1, v0;
	v1 =	vld [tilespmem:$0x1FDC0]  }
0xa6: {  	v0 =	vld [tilespmem:$0x1FDD0];
	_ =	sdelay $0x4  }
0xa7: {  	v56 =	vsel vm0, v0, v1;
	v0 =	vld [tilespmem:$0x1FD60]  }
0xa8: {  	v1 =	vld [tilespmem:$0x1FD70];
	_ =	sdelay $0x4  }
0xa9: {  	v53 =	vsel vm0, v1, v0;
	v1 =	vld [tilespmem:$0x1FD80]  }
0xaa: {  	v0 =	vld [tilespmem:$0x1FD90];
	_ =	sdelay $0x4  }
0xab: {  	v52 =	vsel vm0, v0, v1;
	v0 =	vld [tilespmem:$0x1FD20]  }
0xac: {  	v1 =	vld [tilespmem:$0x1FD30];
	_ =	sdelay $0x4  }
0xad: {  	v50 =	vsel vm0, v1, v0;
	v1 =	vld [tilespmem:$0x1FD40]  }
0xae: {  	v0 =	vld [tilespmem:$0x1FD50];
	_ =	sdelay $0x3  }
0xaf: {  	v63 =	vld [tilespmem:$0x1FFB0]  }
0xb0: {  	v49 =	vsel vm0, v0, v1;
	v0 =	vld [tilespmem:$0x1FCE0]  }
0xb1: {  	v1 =	vld [tilespmem:$0x1FCF0];
	_ =	sdelay $0x4  }
0xb2: {  	v45 =	vsel vm0, v1, v0;
	v1 =	vld [tilespmem:$0x1FD00]  }
0xb3: {  	v0 =	vld [tilespmem:$0x1FD10];
	_ =	sdelay $0x3  }
0xb4: {  	v2 =	vld [tilespmem:$0x1FCB0]  }
0xb5: {  	v44 =	vsel vm0, v0, v1;
	v1 =	vld [tilespmem:$0x1FCA0];
	_ =	sdelay $0x4  }
0xb6: {  	v42 =	vsel vm0, v2, v1;
	v2 =	vld [tilespmem:$0x1FCC0]  }
0xb7: {  	v1 =	vld [tilespmem:$0x1FCD0];
	_ =	sdelay $0x3  }
0xb8: {  	v0 =	vmov s2  }
0xb9: {  	v41 =	vsel vm0, v1, v2;
	v1 =	vmul.u32 $0x48, v0;
	v0 =	vld [tilespmem:$0x1FC60]  }
0xba: {  	v2 =	vld [tilespmem:$0x1FC70];
	_ =	sdelay $0x4  }
0xbb: {  	v38 =	vsel vm0, v2, v0;
	v0 =	vld [tilespmem:$0x1FC20]  }
0xbc: {  	v2 =	vld [tilespmem:$0x1FC30];
	_ =	sdelay $0x4  }
0xbd: {  	v0 =	vsel vm0, v2, v0;
	v2 =	vld [tilespmem:$0x1FC80]  }
0xbe: {  	[tilespmem:$0x1EE80] =	vst v0;
	v0 =	vld [tilespmem:$0x1FC90];
	_ =	sdelay $0x3  }
0xbf: {  	v15 =	vbroadcast v1, $0x0;
	v1 =	vld [tilespmem:$0x1FC40]  }
0xc0: {  	v37 =	vsel vm0, v0, v2;
	v0 =	vld [tilespmem:$0x1FC50];
	_ =	sdelay $0x4  }
0xc1: {  	v0 =	vsel vm0, v0, v1;
	v1 =	vld [tilespmem:$0x1FBF0]  }
0xc2: {  	[tilespmem:$0x1EE90] =	vst v0;
	v0 =	vld [tilespmem:$0x1FBE0];
	_ =	sdelay $0x4  }
0xc3: {  	v59 =	vsel vm0, v1, v0;
	v1 =	vld [tilespmem:$0x1FC00]  }
0xc4: {  	v0 =	vld [tilespmem:$0x1FC10];
	_ =	sdelay $0x2  }
0xc5: {  	[tilespmem:s2], [sflag:$0x1] =	stream.linear.gather [hbm4b:s3+s2], $0x9000, $0x38;
	[tilespmem:$0x12200] =	vst v63  }
0xc6: {  	_ =	swait.ge [sflag:s7], $0x9000  }
0xc7: {  	v58 =	vsel vm0, v0, v1;
	v0 =	vld [tilespmem:$0x1FBA0]  }
0xc8: {  	v1 =	vld [tilespmem:$0x1FBB0];
	_ =	sdelay $0x4  }
0xc9: {  	v55 =	vsel vm0, v1, v0;
	v1 =	vld [tilespmem:$0x1FBC0]  }
0xca: {  	v0 =	vld [tilespmem:$0x1FBD0];
	_ =	sdelay $0x4  }
0xcb: {  	v54 =	vsel vm0, v0, v1;
	v0 =	vld [tilespmem:$0x1FB60]  }
0xcc: {  	v1 =	vld [tilespmem:$0x1FB70];
	_ =	sdelay $0x4  }
0xcd: {  	v48 =	vsel vm0, v1, v0;
	v1 =	vld [tilespmem:$0x1FB80]  }
0xce: {  	v0 =	vld [tilespmem:$0x1FB90];
	_ =	sdelay $0x3  }
0xcf: {  	v8 =	vld [tilespmem:$0x1F6E0]  }
0xd0: {  	v46 =	vsel vm0, v0, v1;
	v0 =	vld [tilespmem:$0x1FB20]  }
0xd1: {  	v1 =	vld [tilespmem:$0x1FB30]  }
0xd2: {  	[sflag:s7] =	ssyncset.done $0x0  }
0xd3: {  	v6 =	vadd.s32 v63, v15;
	[sflag:s7] =	ssyncadd.s32 $0xFFFF7000  }
0xd4: {  	v7 =	vand.u32 $0xFFFFFF80, v6;
	[tilespmem:s8], [sflag:$0x1] =	stream.linear.gather [hbm4b:s4+s2], $0x9000, $0x38;
	[tilespmem:$0x12200] =	vst v63  }
0xd5: {  	v7 =	vor.u32 v8, v7;
	v8 =	vld [tilespmem:$0x1FF20];
	_ =	swait.ge [sflag:s7], $0x9000  }
0xd6: {  	v40 =	vsel vm0, v1, v0;
	v1 =	vld [tilespmem:$0x1FB40]  }
0xd7: {  	v0 =	vld [tilespmem:$0x1FB50];
	_ =	sdelay $0x4  }
0xd8: {  	v12 =	vsel vm0, v0, v1;
	v0 =	vld [tilespmem:$0x1FAE0]  }
0xd9: {  	v1 =	vld [tilespmem:$0x1FAF0];
	_ =	sdelay $0x4  }
0xda: {  	v13 =	vsel vm0, v1, v0;
	v1 =	vld [tilespmem:$0x1FB00]  }
0xdb: {  	v0 =	vld [tilespmem:$0x1FB10];
	_ =	sdelay $0x2  }
0xdc: {  	v11 =	vld [tilespmem:$0x1F730]  }
0xdd: {  	v14 =	vld [tilespmem:$0x1F7C0]  }
0xde: {  	v10 =	vsel vm0, v0, v1;
	v0 =	vld [tilespmem:$0x1FAA0]  }
0xdf: {  	v1 =	vld [tilespmem:$0x1FAB0]  }
0xe0: {  	v32 =	vld [tilespmem:$0x1FF40]  }
0xe1: {  	v8 =	vadd.s32 v8, v15;
	v18 =	vld [tilespmem:$0x1F7D0]  }
0xe2: {  	v8 =	vand.u32 $0xFFFFFF80, v8;
	v22 =	vld [tilespmem:$0x1F820]  }
0xe3: {  	v8 =	vor.u32 v11, v8;
	v11 =	vld [tilespmem:$0x1FF30]  }
0xe4: {  	v17 =	vsel vm0, v1, v0;
	v1 =	vld [tilespmem:$0x1FAC0]  }
0xe5: {  	v0 =	vld [tilespmem:$0x1FAD0]  }
0xe6: {  	v25 =	vld [tilespmem:$0x1FA30]  }
0xe7: {  	v26 =	vld [tilespmem:$0x1F870]  }
0xe8: {  	v33 =	vld [tilespmem:$0x1F9E0]  }
0xe9: {  	v29 =	vld [tilespmem:$0x1F9F0]  }
0xea: {  	[sflag:s7] =	ssyncset.done $0x0;
	v11 =	vadd.s32 v11, v15;
	v19 =	vsel vm0, v0, v1;
	v0 =	vld [tilespmem:$0x1FA60]  }
0xeb: {  	[sflag:s7] =	ssyncadd.s32 $0xFFFF7000;
	v11 =	vand.u32 $0xFFFFFF80, v11;
	v1 =	vld [tilespmem:$0x1FA70]  }
0xec: {  	v16 =	vld.idx.msk [tilespmem:v7+s8+$0x0], $0xffff;
	v11 =	vor.u32 v14, v11;
	v14 =	vadd.s32 v32, v15  }
0xed: {  	v7 =	vld.idx.msk [tilespmem:v7+s2+$0x0], $0xffff;
	v14 =	vand.u32 $0xFFFFFF80, v14  }
0xee: {  	v14 =	vor.u32 v18, v14;
	v18 =	vld [tilespmem:$0x1FF50]  }
0xef: {  	v27 =	vld [tilespmem:$0x1FA40]  }
0xf0: {  	v21 =	vsel vm0, v1, v0;
	v1 =	vld [tilespmem:$0x1FA80]  }
0xf1: {  	v0 =	vld [tilespmem:$0x1FA90]  }
0xf2: {  	v31 =	vld [tilespmem:$0x1FA00]  }
0xf3: {  	v7 =	vmul.f32 v16, v7;
	v16 =	vsel vm0, v29, v33;
	v29 =	vld [tilespmem:$0x1F900];
	v18 =	vadd.s32 v18, v15  }
0xf4: {  	v33 =	vld [tilespmem:$0x1F9A0];
	v18 =	vand.u32 $0xFFFFFF80, v18  }
0xf5: {  	v18 =	vor.u32 v22, v18;
	v22 =	vld [tilespmem:$0x1FF60]  }
0xf6: {  	v23 =	vsel vm0, v0, v1;
	v0 =	vld [tilespmem:$0x1FA20]  }
0xf7: {  	v20 =	vld.idx.msk [tilespmem:v8+s2+$0x0], $0xffff  }
0xf8: {  	v8 =	vld.idx.msk [tilespmem:v8+s8+$0x0], $0xffff  }
0xf9: {  	v32 =	vld [tilespmem:$0x1F910]  }
0xfa: {  	v24 =	vld.idx.msk [tilespmem:v11+s2+$0x0], $0xffff  }
0xfb: {  	v22 =	vadd.s32 v22, v15;
	v25 =	vsel vm0, v25, v0;
	v0 =	vld [tilespmem:$0x1FA50]  }
0xfc: {  	v11 =	vld.idx.msk [tilespmem:v11+s8+$0x0], $0xffff;
	v22 =	vand.u32 $0xFFFFFF80, v22  }
0xfd: {  	v22 =	vor.u32 v26, v22;
	v26 =	vld [tilespmem:$0x1FF70]  }
0xfe: {  	v8 =	vmul.f32 v8, v20;
	v20 =	vld [tilespmem:$0x1FF90]  }
0xff: {  	v28 =	vld.idx.msk [tilespmem:v14+s2+$0x0], $0xffff  }
0x100: {  	v7 =	vadd.f32 $0.0e+00, v7;
	v27 =	vsel vm0, v0, v27;
	v0 =	vld [tilespmem:$0x1FA10]  }
0x101: {  	v14 =	vld.idx.msk [tilespmem:v14+s8+$0x0], $0xffff  }
0x102: {  	v7 =	vadd.f32 v8, v7;
	v8 =	vmul.f32 v11, v24;
	v11 =	vld [tilespmem:$0x1FFA0];
	v26 =	vadd.s32 v26, v15  }
0x103: {  	v24 =	vld [tilespmem:$0x1F9D0];
	v26 =	vand.u32 $0xFFFFFF80, v26  }
0x104: {  	v20 =	vadd.s32 v20, v15;
	v26 =	vor.u32 v29, v26;
	v29 =	vld [tilespmem:$0x1FF80]  }
0x105: {  	v20 =	vand.u32 $0xFFFFFF80, v20;
	v31 =	vsel vm0, v0, v31;
	v0 =	vld [tilespmem:$0x1F9C0]  }
0x106: {  	v20 =	vor.u32 v33, v20;
	v33 =	vld [tilespmem:$0x1FFF0]  }
0x107: {  	v14 =	vmul.f32 v14, v28;
	v28 =	vld [tilespmem:$0x1FFC0]  }
0x108: {  	v30 =	vld.idx.msk [tilespmem:v18+s2+$0x0], $0xffff  }
0x109: {  	v18 =	vld.idx.msk [tilespmem:v18+s8+$0x0], $0xffff  }
0x10a: {  	v7 =	vadd.f32 v8, v7;
	v29 =	vadd.s32 v29, v15;
	v8 =	vld.idx.msk [tilespmem:v26+s2+$0x0], $0xffff;
	v24 =	vsel vm0, v24, v0  }
0x10b: {  	v29 =	vand.u32 $0xFFFFFF80, v29;
	v33 =	vcombine.low v24, v33;
	v24 =	vld.idx.msk [tilespmem:v26+s8+$0x0], $0xffff  }
0x10c: {  	v29 =	vor.u32 v32, v29;
	v26 =	vld [tilespmem:$0x1F9B0];
	_ =	sdelay $0x1  }
0x10d: {  	v9 =	vadd.s32 $0x11, v63;
	v32 =	vld.idx.msk [tilespmem:v22+s2+$0x0], $0xffff  }
0x10e: {  	v4 =	vadd.s32 $0xE, v63;
	v2 =	vadd.s32 $0xC, v63;
	v11 =	vadd.s32 v11, v15;
	v22 =	vld.idx.msk [tilespmem:v22+s8+$0x0], $0xffff  }
0x10f: {  	v3 =	vadd.s32 $0xD, v63;
	[tilespmem:$0x1ED70] =	vst v2;
	v7 =	vadd.f32 v14, v7;
	v11 =	vand.u32 $0xFFFFFF80, v11  }
0x110: {  	v28 =	vadd.s32 v28, v15;
	v18 =	vmul.f32 v18, v30;
	v14 =	vld.idx.msk [tilespmem:v29+s2+$0x0], $0xffff;
	v11 =	vor.u32 v26, v11  }
0x111: {  	[tilespmem:$0x1ED90] =	vst v3;
	v1 =	vadd.s32 $0xB, v63;
	v0 =	vcombine.low v31, v16;
	v16 =	vld.idx.msk [tilespmem:v29+s8+$0x0], $0xffff;
	v26 =	vand.u32 $0xFFFFFF80, v28  }
0x112: {  	v7 =	vadd.f32 v18, v7;
	v29 =	vld.idx.msk [tilespmem:v20+s2+$0x0], $0xffff;
	v28 =	vadd.s32 v1, v15;
	v26 =	vor.u32 v33, v26  }
0x113: {  	[tilespmem:$0x1ED50] =	vst v1;
	v18 =	vmul.f32 v22, v32;
	v22 =	vadd.s32 v2, v15;
	v20 =	vld.idx.msk [tilespmem:v20+s8+$0x0], $0xffff;
	v28 =	vand.u32 $0xFFFFFF80, v28  }
0x114: {  	[tilespmem:$0x1ED80] =	vst v0;
	v1 =	vcombine.low v27, v25;
	v25 =	vor.u32 v0, v28;
	v0 =	vcombine.low v23, v21;
	v23 =	vld [tilespmem:$0x1FE10]  }
0x115: {  	[tilespmem:$0x1EDB0] =	vst v4;
	v22 =	vand.u32 $0xFFFFFF80, v22;
	v7 =	vadd.f32 v18, v7;
	v8 =	vmul.f32 v24, v8;
	v27 =	vld.idx.msk [tilespmem:v11+s2+$0x0], $0xffff  }
0x116: {  	[tilespmem:$0x1EE10] =	vst v9;
	v18 =	vadd.s32 v3, v15;
	v21 =	vor.u32 v1, v22;
	v11 =	vld.idx.msk [tilespmem:v11+s8+$0x0], $0xffff  }
0x117: {  	v4 =	vadd.s32 v4, v15;
	v18 =	vand.u32 $0xFFFFFF80, v18;
	[tilespmem:$0x1EDA0] =	vst v1;
	v7 =	vadd.f32 v8, v7;
	v22 =	vld.idx.msk [tilespmem:v26+s2+$0x0], $0xffff  }
0x118: {  	v8 =	vmul.f32 v16, v14;
	v1 =	vcombine.low v19, v17;
	v32 =	vor.u32 v0, v18;
	v16 =	vld.idx.msk [tilespmem:v26+s8+$0x0], $0xffff  }
0x119: {  	v5 =	vadd.s32 $0xF, v63;
	[tilespmem:$0x1ED60] =	vst v33;
	v14 =	vand.u32 $0xFFFFFF80, v4;
	v18 =	vld.idx.msk [tilespmem:v25+s2+$0x0], $0xffff  }
0x11a: {  	v7 =	vadd.f32 v8, v7;
	v8 =	vmul.f32 v20, v29;
	v14 =	vor.u32 v1, v14;
	v33 =	vld.idx.msk [tilespmem:v25+s8+$0x0], $0xffff  }
0x11b: {  	v6 =	vadd.s32 $0x10, v63;
	v19 =	vadd.s32 v5, v15;
	[tilespmem:$0x1EDC0] =	vst v0;
	v0 =	vcombine.low v10, v13;
	v2 =	vld.idx.msk [tilespmem:v21+s2+$0x0], $0xffff  }
0x11c: {  	v19 =	vand.u32 $0xFFFFFF80, v19;
	[tilespmem:$0x1EDE0] =	vst v1;
	v1 =	vcombine.low v12, v40;
	v7 =	vadd.f32 v8, v7;
	v10 =	vld.idx.msk [tilespmem:v21+s8+$0x0], $0xffff  }
0x11d: {  	v12 =	vor.u32 v0, v19;
	v19 =	vld.idx.msk [tilespmem:v32+s2+$0x0], $0xffff;
	v8 =	vmul.f32 v11, v27;
	v11 =	vadd.s32 v6, v15  }
0x11e: {  	v34 =	vadd.s32 $0x12, v63;
	[tilespmem:$0x1EE00] =	vst v0;
	v0 =	vcombine.low v46, v48;
	v46 =	vld.idx.msk [tilespmem:v32+s8+$0x0], $0xffff;
	v11 =	vand.u32 $0xFFFFFF80, v11  }
0x11f: {  	v40 =	vadd.s32 v9, v15;
	v7 =	vadd.f32 v8, v7;
	v9 =	vor.u32 v1, v11;
	v11 =	vld.idx.msk [tilespmem:v14+s2+$0x0], $0xffff  }
0x120: {  	[tilespmem:$0x1EE20] =	vst v1;
	v8 =	vmul.f32 v16, v22;
	v16 =	vand.u32 $0xFFFFFF80, v40;
	v1 =	vcombine.low v54, v55;
	v55 =	vld.idx.msk [tilespmem:v14+s8+$0x0], $0xffff  }
0x121: {  	v48 =	vadd.s32 v34, v15;
	[tilespmem:$0x1EE40] =	vst v0;
	v32 =	vor.u32 v0, v16;
	v0 =	vld [tilespmem:$0x1EE80]  }
0x122: {  	[tilespmem:$0x1EDD0] =	vst v5;
	v13 =	vand.u32 $0xFFFFFF80, v48;
	v7 =	vadd.f32 v8, v7;
	v8 =	vmul.f32 v33, v18;
	v33 =	vld.idx.msk [tilespmem:v12+s2+$0x0], $0xffff  }
0x123: {  	[tilespmem:$0x1EE60] =	vst v1;
	v3 =	vor.u32 v1, v13;
	v1 =	vld [tilespmem:$0x1EE90]  }
0x124: {  	v43 =	vadd.s32 $0x16, v63;
	[tilespmem:$0x1EDF0] =	vst v6;
	v6 =	vmul.f32 v46, v19;
	v19 =	vld [tilespmem:$0x1FEB0]  }
0x125: {  	v35 =	vadd.s32 $0x13, v63;
	[tilespmem:$0x1EE30] =	vst v34;
	v7 =	vadd.f32 v8, v7;
	v8 =	vmul.f32 v10, v2;
	v2 =	vld.idx.msk [tilespmem:v12+s8+$0x0], $0xffff  }
0x126: {  	v36 =	vadd.s32 $0x14, v63;
	[tilespmem:$0x1EE50] =	vst v35;
	v34 =	vcombine.low v58, v59;
	v10 =	vadd.s32 v35, v15;
	v35 =	vld.idx.msk [tilespmem:v9+s2+$0x0], $0xffff  }
0x127: {  	v39 =	vadd.s32 $0x15, v63;
	[tilespmem:$0x1EE70] =	vst v36;
	v10 =	vand.u32 $0xFFFFFF80, v10;
	v7 =	vadd.f32 v8, v7;
	v5 =	vld.idx.msk [tilespmem:v32+s8+$0x0], $0xffff  }
0x128: {  	v8 =	vadd.s32 v36, v15;
	v36 =	vcombine.low v1, v0;
	v0 =	vld.idx.msk [tilespmem:v9+s8+$0x0], $0xffff;
	v1 =	vor.u32 v34, v10  }
0x129: {  	v4 =	vmul.f32 v55, v11;
	v9 =	vld.idx.msk [tilespmem:v32+s2+$0x0], $0xffff;
	v8 =	vand.u32 $0xFFFFFF80, v8;
	v6 =	vadd.f32 v6, v7  }
0x12a: {  	v40 =	vadd.s32 v39, v15;
	v11 =	vcombine.low v37, v38;
	v10 =	vld.idx.msk [tilespmem:v3+s2+$0x0], $0xffff;
	v8 =	vor.u32 v36, v8  }
0x12b: {  	[tilespmem:$0x1EEF0] =	vst v43;
	v3 =	vld.idx.msk [tilespmem:v3+s8+$0x0], $0xffff;
	v7 =	vand.u32 $0xFFFFFF80, v40;
	v2 =	vmul.f32 v2, v33;
	v4 =	vadd.f32 v4, v6  }
0x12c: {  	v43 =	vadd.s32 v43, v15;
	v46 =	vcombine.low v41, v42;
	[tilespmem:$0x1EEE0] =	vst v36;
	v7 =	vor.u32 v11, v7;
	v36 =	vld [tilespmem:$0x1FE20]  }
0x12d: {  	[tilespmem:$0x1EF20] =	vst v11;
	v11 =	vld.idx.msk [tilespmem:v1+s2+$0x0], $0xffff;
	v2 =	vadd.f32 v2, v4;
	v0 =	vmul.f32 v0, v35  }
0x12e: {  	v62 =	vadd.s32 $0x19, v63;
	v47 =	vadd.s32 $0x17, v63;
	v6 =	vand.u32 $0xFFFFFF80, v43;
	v1 =	vld.idx.msk [tilespmem:v1+s8+$0x0], $0xffff  }
0x12f: {  	v6 =	vor.u32 v46, v6;
	v55 =	vld.idx.msk [tilespmem:v8+s2+$0x0], $0xffff;
	v0 =	vadd.f32 v0, v2;
	v2 =	vmul.f32 v5, v9  }
0x130: {  	v51 =	vadd.s32 $0x18, v63;
	v48 =	vadd.s32 v47, v15;
	v54 =	vcombine.low v44, v45;
	v8 =	vld.idx.msk [tilespmem:v8+s8+$0x0], $0xffff  }
0x131: {  	v4 =	vand.u32 $0xFFFFFF80, v48;
	v9 =	vld.idx.msk [tilespmem:v7+s2+$0x0], $0xffff;
	v0 =	vadd.f32 v2, v0;
	v2 =	vmul.f32 v3, v10  }
0x132: {  	v58 =	vadd.s32 v51, v15;
	v59 =	vcombine.low v49, v50;
	v4 =	vor.u32 v54, v4;
	v7 =	vld.idx.msk [tilespmem:v7+s8+$0x0], $0xffff  }
0x133: {  	[tilespmem:$0x1EFB0] =	vst v62;
	v5 =	vand.u32 $0xFFFFFF80, v58;
	v58 =	vld [tilespmem:$0x1FE40];
	v1 =	vmul.f32 v1, v11;
	v0 =	vadd.f32 v2, v0  }
0x134: {  	v5 =	vor.u32 v59, v5;
	v3 =	vadd.s32 v62, v15;
	v62 =	vcombine.low v52, v53;
	v10 =	vld.idx.msk [tilespmem:v6+s2+$0x0], $0xffff  }
0x135: {  	v3 =	vand.u32 $0xFFFFFF80, v3;
	v0 =	vadd.f32 v1, v0;
	v1 =	vmul.f32 v8, v55;
	v8 =	vld [tilespmem:$0x1FE00]  }
0x136: {  	v6 =	vld.idx.msk [tilespmem:v6+s8+$0x0], $0xffff;
	v3 =	vor.u32 v62, v3  }
0x137: {  	v11 =	vld.idx.msk [tilespmem:v4+s2+$0x0], $0xffff  }
0x138: {  	v4 =	vld.idx.msk [tilespmem:v4+s8+$0x0], $0xffff  }
0x139: {  	v60 =	vadd.s32 $0x1B, v63;
	v33 =	vld.idx.msk [tilespmem:v5+s2+$0x0], $0xffff;
	v0 =	vadd.f32 v1, v0;
	v1 =	vmul.f32 v7, v9  }
0x13a: {  	v5 =	vld.idx.msk [tilespmem:v5+s8+$0x0], $0xffff;
	v17 =	vsel vm0, v23, v8;
	v8 =	vadd.s32 v60, v15  }
0x13b: {  	[tilespmem:$0x1EEA0] =	vst v34;
	v0 =	vadd.f32 v1, v0;
	v1 =	vmul.f32 v6, v10;
	v34 =	vand.u32 $0xFFFFFF80, v8;
	v8 =	vld.idx.msk [tilespmem:v3+s2+$0x0], $0xffff  }
0x13c: {  	v61 =	vadd.s32 $0x1A, v63;
	v16 =	vcombine.low v56, v57;
	v3 =	vld.idx.msk [tilespmem:v3+s8+$0x0], $0xffff  }
0x13d: {  	[tilespmem:$0x1EFF0] =	vst v61;
	v2 =	vadd.s32 v61, v15;
	v61 =	vld [tilespmem:$0x1FE30];
	v0 =	vadd.f32 v1, v0;
	v1 =	vmul.f32 v4, v11  }
0x13e: {  	[tilespmem:$0x1F020] =	vst v62;
	v62 =	vld [tilespmem:$0x1FE50];
	v2 =	vand.u32 $0xFFFFFF80, v2  }
0x13f: {  	[tilespmem:$0x1EF00] =	vst v42;
	v42 =	vld [tilespmem:$0x1FED0];
	v2 =	vor.u32 v16, v2;
	v0 =	vadd.f32 v1, v0;
	v1 =	vmul.f32 v5, v33  }
0x140: {  	v32 =	vld [tilespmem:$0x1F050]  }
0x141: {  	v0 =	vadd.f32 v1, v0;
	v1 =	vmul.f32 v3, v8;
	v3 =	vld [tilespmem:$0x1FE60]  }
0x142: {  	v8 =	vld [tilespmem:$0x1FE70]  }
0x143: {  	[tilespmem:$0x1EED0] =	vst v37;
	v40 =	vld [tilespmem:$0x1FEA0];
	v9 =	vadd.s32 $0x1C, v63;
	v10 =	vsel vm0, v61, v36;
	v11 =	vsel vm0, v62, v58  }
0x144: {  	[tilespmem:$0x1F080] =	vst v9;
	v37 =	vadd.s32 v9, v15;
	v35 =	vld.idx.msk [tilespmem:v2+s2+$0x0], $0xffff;
	v9 =	vcombine.low v11, v10  }
0x145: {  	v2 =	vld.idx.msk [tilespmem:v2+s8+$0x0], $0xffff;
	v4 =	vand.u32 $0xFFFFFF80, v37  }
0x146: {  	[tilespmem:$0x1F0B0] =	vst v9;
	v4 =	vor.u32 v9, v4;
	v9 =	vld [tilespmem:$0x1FE80]  }
0x147: {  	v3 =	vsel vm0, v8, v3;
	v8 =	vld [tilespmem:$0x1FE90]  }
0x148: {  	[tilespmem:$0x1F040] =	vst v16;
	v16 =	vld [tilespmem:$0x1FEC0];
	_ =	sdelay $0x1  }
0x149: {  	[tilespmem:$0x1EF10] =	vst v41;
	v13 =	vcombine.low v17, v32  }
0x14a: {  	[tilespmem:$0x1EF50] =	vst v44;
	v0 =	vadd.f32 v1, v0;
	v1 =	vmul.f32 v2, v35;
	v2 =	vadd.s32 $0x1D, v63  }
0x14b: {  	v41 =	vsel vm0, v19, v40;
	v7 =	vor.u32 v13, v34;
	[tilespmem:$0x1F0C0] =	vst v2;
	v8 =	vsel vm0, v8, v9  }
0x14c: {  	v2 =	vadd.s32 v2, v15;
	v9 =	vsel vm0, v42, v16;
	[tilespmem:$0x1F0E0] =	vst v8;
	v8 =	vcombine.low v8, v3  }
0x14d: {  	v0 =	vadd.f32 v1, v0;
	v1 =	vand.u32 $0xFFFFFF80, v2;
	[tilespmem:$0x1F120] =	vst v9;
	v44 =	vcombine.low v9, v41;
	v9 =	vld [tilespmem:$0x1FEF0]  }
0x14e: {  	[tilespmem:$0x1F100] =	vst v8;
	v1 =	vor.u32 v8, v1;
	v8 =	vld [tilespmem:$0x1FEE0];
	_ =	sdelay $0x1  }
0x14f: {  	[tilespmem:$0x1F090] =	vst v10;
	v10 =	vld [tilespmem:$0x1FF00]  }
0x150: {  	[tilespmem:$0x1EEC0] =	vst v38;
	v38 =	vld.idx.msk [tilespmem:v7+s2+$0x0], $0xffff  }
0x151: {  	v7 =	vld.idx.msk [tilespmem:v7+s8+$0x0], $0xffff  }
0x152: {  	v8 =	vsel vm0, v9, v8;
	v9 =	vld [tilespmem:$0x1FF10]  }
0x153: {  	[tilespmem:$0x1F0D0] =	vst v3;
	v3 =	vld.idx.msk [tilespmem:v4+s2+$0x0], $0xffff  }
0x154: {  	v4 =	vld.idx.msk [tilespmem:v4+s8+$0x0], $0xffff;
	_ =	sdelay $0x1  }
0x155: {  	[tilespmem:$0x1EF40] =	vst v45  }
0x156: {  	v45 =	vadd.s32 $0x1F, v63;
	[tilespmem:$0x1EF60] =	vst v46;
	v2 =	vmul.f32 v7, v38;
	v9 =	vsel vm0, v9, v10  }
0x157: {  	v46 =	vadd.s32 v45, v15;
	[tilespmem:$0x1F150] =	vst v8;
	v8 =	vcombine.low v9, v8  }
0x158: {  	[tilespmem:$0x1EF30] =	vst v47;
	v0 =	vadd.f32 v2, v0;
	v2 =	vand.u32 $0xFFFFFF80, v46;
	v47 =	vmul.f32 v4, v3;
	v3 =	vld [tilespmem:$0x1F6C0]  }
0x159: {  	[tilespmem:$0x1F170] =	vst v8;
	v8 =	vor.u32 v8, v2;
	v2 =	vld [tilespmem:$0x1F6B0];
	_ =	sdelay $0x4  }
0x15a: {  	v10 =	vsel vm0, v3, v2;
	v2 =	vld [tilespmem:$0x1F6A0]  }
0x15b: {  	v3 =	vld [tilespmem:$0x1F6D0];
	_ =	sdelay $0x4  }
0x15c: {  	[tilespmem:$0x1EF70] =	vst v51;
	v48 =	vadd.s32 $0x20, v63;
	v2 =	vsel vm0, v2, v3  }
0x15d: {  	v3 =	vadd.s32 v48, v15;
	[tilespmem:$0x1F1A0] =	vst v2;
	v51 =	vcombine.low v2, v10;
	v2 =	vld [tilespmem:$0x1F700]  }
0x15e: {  	[tilespmem:$0x1EF90] =	vst v49;
	v49 =	vand.u32 $0xFFFFFF80, v3;
	v3 =	vld [tilespmem:$0x1F710];
	_ =	sdelay $0x4  }
0x15f: {  	[tilespmem:$0x1EFD0] =	vst v52;
	v52 =	vsel vm0, v3, v2;
	v2 =	vld [tilespmem:$0x1F6F0]  }
0x160: {  	v3 =	vld [tilespmem:$0x1F720];
	_ =	sdelay $0x4  }
0x161: {  	[tilespmem:$0x1EFA0] =	vst v54;
	v2 =	vsel vm0, v2, v3;
	v3 =	vld [tilespmem:$0x1F760]  }
0x162: {  	[tilespmem:$0x1F1E0] =	vst v2;
	v54 =	vcombine.low v2, v52;
	v2 =	vld [tilespmem:$0x1F750]  }
0x163: {  	[tilespmem:$0x1EEB0] =	vst v39;
	v39 =	vadd.s32 $0x1E, v63  }
0x164: {  	v43 =	vadd.s32 v39, v15  }
0x165: {  	v5 =	vand.u32 $0xFFFFFF80, v43  }
0x166: {  	v5 =	vor.u32 v44, v5  }
0x167: {  	[tilespmem:$0x1F010] =	vst v56;
	v56 =	vsel vm0, v3, v2;
	v2 =	vld [tilespmem:$0x1F740]  }
0x168: {  	v3 =	vld [tilespmem:$0x1F770]  }
0x169: {  	[tilespmem:$0x1EF80] =	vst v50  }
0x16a: {  	[tilespmem:$0x1EFC0] =	vst v53  }
0x16b: {  	[tilespmem:$0x1F0A0] =	vst v11;
	v11 =	vld.idx.msk [tilespmem:v5+s2+$0x0], $0xffff  }
0x16c: {  	[tilespmem:$0x1F160] =	vst v9;
	v9 =	vld.idx.msk [tilespmem:v1+s2+$0x0], $0xffff  }
0x16d: {  	[tilespmem:$0x1F000] =	vst v57;
	v55 =	vadd.s32 $0x22, v63;
	v1 =	vld.idx.msk [tilespmem:v1+s8+$0x0], $0xffff;
	v2 =	vsel vm0, v2, v3  }
0x16e: {  	v57 =	vadd.s32 v55, v15;
	v53 =	vld.idx.msk [tilespmem:v5+s8+$0x0], $0xffff;
	[tilespmem:$0x1F220] =	vst v2;
	v2 =	vcombine.low v2, v56  }
0x16f: {  	[tilespmem:$0x1EFE0] =	vst v59;
	v59 =	vand.u32 $0xFFFFFF80, v57;
	v12 =	vor.u32 v51, v49;
	v3 =	vld [tilespmem:$0x1F7A0]  }
0x170: {  	v50 =	vadd.s32 $0x21, v63;
	[tilespmem:$0x1F230] =	vst v2;
	v6 =	vor.u32 v2, v59;
	v2 =	vld [tilespmem:$0x1F790]  }
0x171: {  	[tilespmem:$0x1F190] =	vst v10;
	v10 =	vadd.s32 v50, v15  }
0x172: {  	v0 =	vadd.f32 v47, v0;
	v1 =	vmul.f32 v1, v9;
	v9 =	vld.idx.msk [tilespmem:v8+s2+$0x0], $0xffff;
	v10 =	vand.u32 $0xFFFFFF80, v10  }
0x173: {  	[tilespmem:$0x1F030] =	vst v60;
	v60 =	vld.idx.msk [tilespmem:v8+s8+$0x0], $0xffff;
	v10 =	vor.u32 v54, v10  }
0x174: {  	v0 =	vadd.f32 v1, v0;
	v1 =	vmul.f32 v53, v11;
	v11 =	vld.idx.msk [tilespmem:v12+s2+$0x0], $0xffff  }
0x175: {  	[tilespmem:$0x1F060] =	vst v17;
	v17 =	vsel vm0, v3, v2;
	v2 =	vld [tilespmem:$0x1F780]  }
0x176: {  	v3 =	vld [tilespmem:$0x1F7B0]  }
0x177: {  	v12 =	vld.idx.msk [tilespmem:v12+s8+$0x0], $0xffff  }
0x178: {  	v0 =	vadd.f32 v1, v0;
	v1 =	vld.idx.msk [tilespmem:v10+s2+$0x0], $0xffff  }
0x179: {  	v10 =	vld.idx.msk [tilespmem:v10+s8+$0x0], $0xffff  }
0x17a: {  	v9 =	vmul.f32 v60, v9;
	v33 =	vld.idx.msk [tilespmem:v6+s2+$0x0], $0xffff  }
0x17b: {  	v2 =	vsel vm0, v2, v3;
	v3 =	vld.idx.msk [tilespmem:v6+s8+$0x0], $0xffff  }
0x17c: {  	[tilespmem:$0x1F070] =	vst v13;
	v13 =	vadd.s32 $0x23, v63;
	v0 =	vadd.f32 v9, v0;
	v9 =	vmul.f32 v12, v11  }
0x17d: {  	v32 =	vadd.s32 v13, v15;
	[tilespmem:$0x1F260] =	vst v2;
	v2 =	vcombine.low v2, v17  }
0x17e: {  	[tilespmem:$0x1F240] =	vst v13;
	v13 =	vand.u32 $0xFFFFFF80, v32;
	v0 =	vadd.f32 v9, v0;
	v1 =	vmul.f32 v10, v1  }
0x17f: {  	[tilespmem:$0x1F270] =	vst v2;
	v11 =	vor.u32 v2, v13;
	v2 =	vld [tilespmem:$0x1F7F0]  }
0x180: {  	v0 =	vadd.f32 v1, v0;
	v1 =	vmul.f32 v3, v33;
	v3 =	vld [tilespmem:$0x1F800];
	_ =	sdelay $0x4  }
0x181: {  	v35 =	vsel vm0, v3, v2;
	v2 =	vld [tilespmem:$0x1F7E0]  }
0x182: {  	v3 =	vld [tilespmem:$0x1F810];
	_ =	sdelay $0x4  }
0x183: {  	v2 =	vsel vm0, v2, v3;
	v3 =	vld [tilespmem:$0x1F850]  }
0x184: {  	[tilespmem:$0x1F2A0] =	vst v2;
	v5 =	vcombine.low v2, v35;
	v2 =	vld [tilespmem:$0x1F840];
	_ =	sdelay $0x4  }
0x185: {  	v38 =	vsel vm0, v3, v2;
	v2 =	vld [tilespmem:$0x1F830]  }
0x186: {  	v3 =	vld [tilespmem:$0x1F860];
	_ =	sdelay $0x4  }
0x187: {  	[tilespmem:$0x1F0F0] =	vst v39;
	v37 =	vadd.s32 $0x25, v63;
	v2 =	vsel vm0, v2, v3  }
0x188: {  	v3 =	vadd.s32 v37, v15;
	[tilespmem:$0x1F2E0] =	vst v2;
	v39 =	vcombine.low v2, v38;
	v2 =	vld [tilespmem:$0x1F890]  }
0x189: {  	v18 =	vand.u32 $0xFFFFFF80, v3;
	v3 =	vld [tilespmem:$0x1F8A0];
	_ =	sdelay $0x4  }
0x18a: {  	[tilespmem:$0x1F110] =	vst v41;
	v41 =	vsel vm0, v3, v2;
	v2 =	vld [tilespmem:$0x1F880]  }
0x18b: {  	v3 =	vld [tilespmem:$0x1F8B0]  }
0x18c: {  	v36 =	vld.idx.msk [tilespmem:v11+s2+$0x0], $0xffff  }
0x18d: {  	v11 =	vld.idx.msk [tilespmem:v11+s8+$0x0], $0xffff;
	_ =	sdelay $0x2  }
0x18e: {  	v40 =	vadd.s32 $0x26, v63;
	v2 =	vsel vm0, v2, v3  }
0x18f: {  	v20 =	vor.u32 v39, v18;
	v18 =	vadd.s32 v40, v15;
	[tilespmem:$0x1F320] =	vst v2;
	v2 =	vcombine.low v2, v41  }
0x190: {  	v0 =	vadd.f32 v1, v0;
	v1 =	vmul.f32 v11, v36;
	v11 =	vand.u32 $0xFFFFFF80, v18;
	v3 =	vld [tilespmem:$0x1F940]  }
0x191: {  	[tilespmem:$0x1F330] =	vst v2;
	v11 =	vor.u32 v2, v11;
	v2 =	vld [tilespmem:$0x1F930];
	_ =	sdelay $0x4  }
0x192: {  	[tilespmem:$0x1F130] =	vst v44;
	v44 =	vsel vm0, v3, v2;
	v2 =	vld [tilespmem:$0x1F8D0]  }
0x193: {  	v3 =	vld [tilespmem:$0x1F8E0];
	_ =	sdelay $0x4  }
0x194: {  	[tilespmem:$0x1F140] =	vst v45;
	v45 =	vsel vm0, v3, v2;
	v2 =	vld [tilespmem:$0x1F8C0]  }
0x195: {  	v3 =	vld [tilespmem:$0x1F8F0];
	_ =	sdelay $0x3  }
0x196: {  	[tilespmem:$0x1F200] =	vst v55;
	v55 =	vld [tilespmem:$0x1FA40]  }
0x197: {  	v8 =	vsel vm0, v2, v3;
	v2 =	vld [tilespmem:$0x1F920]  }
0x198: {  	v3 =	vld [tilespmem:$0x1F950]  }
0x199: {  	v57 =	vld [tilespmem:$0x1FA50];
	v42 =	vadd.s32 $0x28, v63  }
0x19a: {  	[tilespmem:$0x1F370] =	vst v42;
	v4 =	vadd.s32 v42, v15;
	v42 =	vld [tilespmem:$0x1FB10]  }
0x19b: {  	v53 =	vld [tilespmem:$0x1FA80]  }
0x19c: {  	[tilespmem:$0x1F180] =	vst v48;
	v34 =	vadd.s32 $0x24, v63;
	v43 =	vadd.s32 $0x27, v63;
	v48 =	vld [tilespmem:$0x1F9C0]  }
0x19d: {  	[tilespmem:$0x1F1B0] =	vst v50;
	v22 =	vadd.s32 v43, v15;
	v60 =	vld [tilespmem:$0x1FA90];
	v2 =	vsel vm0, v2, v3;
	v3 =	vcombine.low v8, v45  }
0x19e: {  	v22 =	vand.u32 $0xFFFFFF80, v22;
	v50 =	vld [tilespmem:$0x1FA00];
	v10 =	vadd.s32 v34, v15;
	[tilespmem:$0x1F390] =	vst v2;
	v2 =	vcombine.low v2, v44  }
0x19f: {  	v49 =	vld [tilespmem:$0x1F9D0];
	v10 =	vand.u32 $0xFFFFFF80, v10;
	[tilespmem:$0x1F3A0] =	vst v3;
	v22 =	vor.u32 v3, v22;
	v3 =	vand.u32 $0xFFFFFF80, v4  }
0x1a0: {  	v0 =	vadd.f32 v1, v0;
	v10 =	vor.u32 v5, v10;
	[tilespmem:$0x1F3B0] =	vst v2;
	v1 =	vor.u32 v2, v3;
	v2 =	vld [tilespmem:$0x1F970]  }
0x1a1: {  	v3 =	vld [tilespmem:$0x1F980]  }
0x1a2: {  	[tilespmem:$0x1F1C0] =	vst v51;
	v51 =	vld [tilespmem:$0x1FA10]  }
0x1a3: {  	[tilespmem:$0x1F1D0] =	vst v52;
	v52 =	vld [tilespmem:$0x1FA70]  }
0x1a4: {  	v12 =	vld [tilespmem:$0x1FAC0]  }
0x1a5: {  	v21 =	vld.idx.msk [tilespmem:v10+s2+$0x0], $0xffff  }
0x1a6: {  	v47 =	vsel vm0, v3, v2;
	v2 =	vld [tilespmem:$0x1F960]  }
0x1a7: {  	v3 =	vld [tilespmem:$0x1F990]  }
0x1a8: {  	v10 =	vld.idx.msk [tilespmem:v10+s8+$0x0], $0xffff  }
0x1a9: {  	v25 =	vld.idx.msk [tilespmem:v20+s2+$0x0], $0xffff  }
0x1aa: {  	v20 =	vld.idx.msk [tilespmem:v20+s8+$0x0], $0xffff  }
0x1ab: {  	[tilespmem:$0x1F1F0] =	vst v54;
	v54 =	vld [tilespmem:$0x1FA30]  }
0x1ac: {  	v46 =	vadd.s32 $0x29, v63;
	[tilespmem:$0x1F210] =	vst v56;
	v56 =	vld [tilespmem:$0x1FA20];
	v26 =	vsel vm0, v2, v3  }
0x1ad: {  	v10 =	vmul.f32 v10, v21;
	v21 =	vadd.s32 v46, v15;
	v27 =	vld.idx.msk [tilespmem:v11+s2+$0x0], $0xffff;
	v2 =	vcombine.low v26, v47  }
0x1ae: {  	v21 =	vand.u32 $0xFFFFFF80, v21;
	v11 =	vld.idx.msk [tilespmem:v11+s8+$0x0], $0xffff  }
0x1af: {  	v0 =	vadd.f32 v10, v0;
	v10 =	vmul.f32 v20, v25;
	[tilespmem:$0x1F3D0] =	vst v2;
	v20 =	vor.u32 v2, v21;
	v2 =	vld [tilespmem:$0x1FFE0]  }
0x1b0: {  	v21 =	vld.idx.msk [tilespmem:v22+s2+$0x0], $0xffff  }
0x1b1: {  	v22 =	vld.idx.msk [tilespmem:v22+s8+$0x0], $0xffff  }
0x1b2: {  	v28 =	vld.idx.msk [tilespmem:v1+s2+$0x0], $0xffff;
	v3 =	vadd.s32 $0x2A, v63  }
0x1b3: {  	v11 =	vmul.f32 v11, v27;
	[tilespmem:$0x1F3E0] =	vst v3;
	v27 =	vadd.s32 v3, v15;
	v3 =	vld [tilespmem:$0x1F9F0]  }
0x1b4: {  	v0 =	vadd.f32 v10, v0;
	v25 =	vsel vm0, v48, v2;
	v2 =	vld [tilespmem:$0x1FFD0]  }
0x1b5: {  	v1 =	vld.idx.msk [tilespmem:v1+s8+$0x0], $0xffff  }
0x1b6: {  	v0 =	vadd.f32 v11, v0;
	v29 =	vld.idx.msk [tilespmem:v20+s2+$0x0], $0xffff;
	v11 =	vmul.f32 v22, v21  }
0x1b7: {  	v20 =	vld.idx.msk [tilespmem:v20+s8+$0x0], $0xffff  }
0x1b8: {  	v0 =	vadd.f32 v11, v0;
	v11 =	vsel vm0, v50, v3;
	v3 =	vld [tilespmem:$0x1F9E0]  }
0x1b9: {  	[tilespmem:$0x1F300] =	vst v40;
	v59 =	vld [tilespmem:$0x1FA60];
	v10 =	vsel vm0, v2, v49  }
0x1ba: {  	[tilespmem:$0x1F3C0] =	vst v46;
	v13 =	vld [tilespmem:$0x1FAD0];
	v1 =	vmul.f32 v1, v28;
	v2 =	vcombine.low v10, v25  }
0x1bb: {  	v31 =	vsel vm0, v55, v54;
	v46 =	vld [tilespmem:$0x1FB30];
	[tilespmem:$0x1F2F0] =	vst v39;
	v27 =	vand.u32 $0xFFFFFF80, v27  }
0x1bc: {  	v32 =	vsel vm0, v56, v57;
	v39 =	vld [tilespmem:$0x1FAF0];
	[tilespmem:$0x1F310] =	vst v41;
	v0 =	vadd.f32 v1, v0;
	v22 =	vor.u32 v2, v27  }
0x1bd: {  	v40 =	vld [tilespmem:$0x1FB00];
	v1 =	vmul.f32 v20, v29;
	v21 =	vsel vm0, v3, v51;
	v3 =	vadd.s32 $0x2C, v63;
	[tilespmem:$0x1F3F0] =	vst v2  }
0x1be: {  	v41 =	vld [tilespmem:$0x1FAE0];
	v2 =	vadd.s32 $0x2B, v63;
	[tilespmem:$0x1F420] =	vst v3;
	v29 =	vadd.s32 v3, v15;
	v3 =	vcombine.low v32, v31  }
0x1bf: {  	v0 =	vadd.f32 v1, v0;
	v51 =	vld [tilespmem:$0x1FB40];
	[tilespmem:$0x1F400] =	vst v2;
	v29 =	vand.u32 $0xFFFFFF80, v29  }
0x1c0: {  	v27 =	vadd.s32 v2, v15;
	v2 =	vcombine.low v21, v11;
	[tilespmem:$0x1F440] =	vst v3;
	v1 =	vor.u32 v3, v29;
	v3 =	vld [tilespmem:$0x1FAB0]  }
0x1c1: {  	v20 =	vand.u32 $0xFFFFFF80, v27;
	v27 =	vld.idx.msk [tilespmem:v22+s2+$0x0], $0xffff  }
0x1c2: {  	v20 =	vor.u32 v2, v20;
	v28 =	vld.idx.msk [tilespmem:v22+s8+$0x0], $0xffff  }
0x1c3: {  	v22 =	vsel vm0, v53, v52;
	v52 =	vld [tilespmem:$0x1FB20]  }
0x1c4: {  	v24 =	vmov v47;
	v47 =	vsel vm0, v59, v60;
	[tilespmem:$0x1F410] =	vst v2;
	v2 =	vadd.s32 $0x2D, v63;
	v53 =	vld [tilespmem:$0x1FB50]  }
0x1c5: {  	[tilespmem:$0x1F430] =	vst v2;
	v30 =	vadd.s32 v2, v15;
	v2 =	vcombine.low v47, v22;
	v48 =	vsel vm0, v12, v3;
	v3 =	vld [tilespmem:$0x1FAA0]  }
0x1c6: {  	[tilespmem:$0x1F350] =	vst v45;
	v29 =	vand.u32 $0xFFFFFF80, v30;
	v45 =	vld.idx.msk [tilespmem:v1+s2+$0x0], $0xffff  }
0x1c7: {  	[tilespmem:$0x1F250] =	vst v17;
	v29 =	vor.u32 v2, v29;
	v14 =	vld.idx.msk [tilespmem:v20+s2+$0x0], $0xffff  }
0x1c8: {  	v50 =	vsel vm0, v40, v39;
	[tilespmem:$0x1F450] =	vst v2;
	v2 =	vadd.s32 $0x2E, v63;
	v17 =	vld.idx.msk [tilespmem:v20+s8+$0x0], $0xffff;
	v20 =	vsel vm0, v41, v42  }
0x1c9: {  	v1 =	vld.idx.msk [tilespmem:v1+s8+$0x0], $0xffff;
	[tilespmem:$0x1F460] =	vst v2;
	v30 =	vmul.f32 v28, v27;
	v27 =	vadd.s32 v2, v15;
	v2 =	vadd.s32 $0x2F, v63  }
0x1ca: {  	v60 =	vld [tilespmem:$0x1FB80];
	[tilespmem:$0x1F470] =	vst v2;
	v28 =	vadd.s32 v2, v15;
	v2 =	vcombine.low v20, v50;
	v49 =	vsel vm0, v3, v13  }
0x1cb: {  	[tilespmem:$0x1F380] =	vst v44;
	v12 =	vld [tilespmem:$0x1FB90];
	v44 =	vand.u32 $0xFFFFFF80, v28;
	v3 =	vcombine.low v49, v48  }
0x1cc: {  	[tilespmem:$0x1F340] =	vst v43;
	v27 =	vand.u32 $0xFFFFFF80, v27;
	v36 =	vor.u32 v2, v44;
	v55 =	vld.idx.msk [tilespmem:v29+s2+$0x0], $0xffff  }
0x1cd: {  	v29 =	vld.idx.msk [tilespmem:v29+s8+$0x0], $0xffff;
	[tilespmem:$0x1F480] =	vst v3;
	v43 =	vor.u32 v3, v27;
	v3 =	vadd.s32 $0x30, v63  }
0x1ce: {  	v28 =	vsel vm0, v52, v53;
	v27 =	vsel vm0, v51, v46;
	[tilespmem:$0x1F4A0] =	vst v3;
	v54 =	vadd.s32 v3, v15;
	v3 =	vld [tilespmem:$0x1FB70]  }
0x1cf: {  	v42 =	vld [tilespmem:$0x1FBC0];
	v0 =	vadd.f32 v30, v0;
	[tilespmem:$0x1F490] =	vst v2;
	v30 =	vmul.f32 v17, v14;
	v2 =	vcombine.low v28, v27  }
0x1d0: {  	[tilespmem:$0x1F2D0] =	vst v38;
	v52 =	vld [tilespmem:$0x1FBF0];
	v38 =	vand.u32 $0xFFFFFF80, v54  }
0x1d1: {  	v1 =	vmul.f32 v1, v45;
	v0 =	vadd.f32 v30, v0;
	v56 =	vor.u32 v2, v38;
	v59 =	vld.idx.msk [tilespmem:v36+s2+$0x0], $0xffff  }
0x1d2: {  	v57 =	vld.idx.msk [tilespmem:v43+s2+$0x0], $0xffff  }
0x1d3: {  	v0 =	vadd.f32 v1, v0;
	v1 =	vmul.f32 v29, v55;
	v29 =	vsel vm0, v60, v3;
	v3 =	vld [tilespmem:$0x1FB60]  }
0x1d4: {  	[tilespmem:$0x1F290] =	vst v35;
	v35 =	vld.idx.msk [tilespmem:v43+s8+$0x0], $0xffff  }
0x1d5: {  	v36 =	vld.idx.msk [tilespmem:v36+s8+$0x0], $0xffff  }
0x1d6: {  	v38 =	vld.idx.msk [tilespmem:v56+s2+$0x0], $0xffff  }
0x1d7: {  	v33 =	vld.idx.msk [tilespmem:v56+s8+$0x0], $0xffff  }
0x1d8: {  	v30 =	vsel vm0, v3, v12;
	v3 =	vld [tilespmem:$0x1FBB0]  }
0x1d9: {  	v53 =	vld [tilespmem:$0x1FC00];
	v0 =	vadd.f32 v1, v0;
	v1 =	vmul.f32 v35, v57  }
0x1da: {  	v54 =	vld [tilespmem:$0x1FBE0]  }
0x1db: {  	[tilespmem:$0x1F4B0] =	vst v2;
	v2 =	vadd.s32 $0x31, v63;
	v55 =	vld [tilespmem:$0x1FC10];
	v0 =	vadd.f32 v1, v0;
	v1 =	vmul.f32 v36, v59  }
0x1dc: {  	[tilespmem:$0x1F4C0] =	vst v2;
	v13 =	vadd.s32 v2, v15;
	v43 =	vld [tilespmem:$0x1FBD0];
	v2 =	vcombine.low v30, v29  }
0x1dd: {  	v0 =	vadd.f32 v1, v0;
	v1 =	vmul.f32 v33, v38;
	v33 =	vsel vm0, v42, v3;
	v3 =	vld [tilespmem:$0x1FBA0]  }
0x1de: {  	v14 =	vand.u32 $0xFFFFFF80, v13;
	v13 =	vld [tilespmem:$0x1FC20]  }
0x1df: {  	v60 =	vld [tilespmem:$0x1FC30];
	v17 =	vor.u32 v2, v14  }
0x1e0: {  	v35 =	vsel vm0, v53, v52;
	v53 =	vld [tilespmem:$0x1FC80]  }
0x1e1: {  	[tilespmem:$0x1F280] =	vst v34;
	v12 =	vld [tilespmem:$0x1FC40]  }
0x1e2: {  	v36 =	vsel vm0, v54, v55;
	v54 =	vld [tilespmem:$0x1FC90];
	[tilespmem:$0x1F4D0] =	vst v2;
	v2 =	vadd.s32 $0x32, v63;
	v34 =	vsel vm0, v3, v43  }
0x1e3: {  	[tilespmem:$0x1F2B0] =	vst v37;
	v14 =	vld [tilespmem:$0x1FC50];
	v44 =	vadd.s32 v2, v15;
	v3 =	vcombine.low v34, v33  }
0x1e4: {  	[tilespmem:$0x1F4E0] =	vst v2;
	v2 =	vadd.s32 $0x33, v63;
	v45 =	vand.u32 $0xFFFFFF80, v44;
	v46 =	vld.idx.msk [tilespmem:v17+s2+$0x0], $0xffff  }
0x1e5: {  	[tilespmem:$0x1F4F0] =	vst v2;
	v51 =	vld.idx.msk [tilespmem:v17+s8+$0x0], $0xffff;
	v57 =	vor.u32 v3, v45  }
0x1e6: {  	v37 =	vsel vm0, v12, v60;
	v60 =	vld [tilespmem:$0x1FCA0];
	[tilespmem:$0x1F500] =	vst v3;
	v3 =	vadd.s32 $0x34, v63  }
0x1e7: {  	v56 =	vadd.s32 v2, v15;
	v2 =	vcombine.low v36, v35;
	[tilespmem:$0x1F520] =	vst v3;
	v52 =	vadd.s32 v3, v15;
	v3 =	vld [tilespmem:$0x1FC70]  }
0x1e8: {  	v12 =	vld [tilespmem:$0x1FCD0];
	v59 =	vand.u32 $0xFFFFFF80, v56  }
0x1e9: {  	v17 =	vor.u32 v2, v59;
	v59 =	vld [tilespmem:$0x1FCC0]  }
0x1ea: {  	v45 =	vmul.f32 v51, v46;
	v46 =	vld.idx.msk [tilespmem:v57+s2+$0x0], $0xffff  }
0x1eb: {  	v51 =	vld.idx.msk [tilespmem:v57+s8+$0x0], $0xffff  }
0x1ec: {  	v39 =	vsel vm0, v53, v3;
	v3 =	vld [tilespmem:$0x1FC60]  }
0x1ed: {  	v57 =	vld [tilespmem:$0x1FCB0]  }
0x1ee: {  	v38 =	vsel vm0, v13, v14  }
0x1ef: {  	[tilespmem:$0x1F510] =	vst v2;
	v2 =	vcombine.low v38, v37  }
0x1f0: {  	v0 =	vadd.f32 v1, v0;
	v42 =	vsel vm0, v60, v12;
	v60 =	vld [tilespmem:$0x1FD10];
	v1 =	vand.u32 $0xFFFFFF80, v52  }
0x1f1: {  	[tilespmem:$0x1F530] =	vst v2;
	v14 =	vld.idx.msk [tilespmem:v17+s2+$0x0], $0xffff;
	v1 =	vor.u32 v2, v1;
	v2 =	vadd.s32 $0x35, v63;
	v40 =	vsel vm0, v3, v54  }
0x1f2: {  	v55 =	vadd.s32 v2, v15;
	v41 =	vsel vm0, v59, v57;
	v57 =	vld [tilespmem:$0x1FD00];
	v3 =	vcombine.low v40, v39  }
0x1f3: {  	v56 =	vand.u32 $0xFFFFFF80, v55;
	v59 =	vld [tilespmem:$0x1FCE0]  }
0x1f4: {  	v54 =	vor.u32 v3, v56;
	v56 =	vld [tilespmem:$0x1FCF0]  }
0x1f5: {  	v17 =	vld.idx.msk [tilespmem:v17+s8+$0x0], $0xffff;
	[tilespmem:$0x1F540] =	vst v2;
	v2 =	vadd.s32 $0x36, v63  }
0x1f6: {  	[tilespmem:$0x1F550] =	vst v2;
	v6 =	vld.idx.msk [tilespmem:v1+s2+$0x0], $0xffff  }
0x1f7: {  	v0 =	vadd.f32 v45, v0;
	v1 =	vld.idx.msk [tilespmem:v1+s8+$0x0], $0xffff;
	[tilespmem:$0x1F560] =	vst v3;
	v3 =	vadd.s32 $0x37, v63  }
0x1f8: {  	v13 =	vadd.s32 v2, v15;
	v2 =	vcombine.low v42, v41;
	[tilespmem:$0x1F580] =	vst v3;
	v7 =	vadd.s32 v3, v15;
	v3 =	vld [tilespmem:$0x1FD30]  }
0x1f9: {  	v52 =	vand.u32 $0xFFFFFF80, v13;
	v44 =	vsel vm0, v59, v60;
	v60 =	vld [tilespmem:$0x1FD40];
	v43 =	vsel vm0, v57, v56  }
0x1fa: {  	v12 =	vmul.f32 v51, v46;
	[tilespmem:$0x1F570] =	vst v2;
	v52 =	vor.u32 v2, v52;
	v2 =	vcombine.low v44, v43  }
0x1fb: {  	v13 =	vand.u32 $0xFFFFFF80, v7  }
0x1fc: {  	v0 =	vadd.f32 v12, v0;
	v12 =	vld [tilespmem:$0x1FD50];
	v46 =	vor.u32 v2, v13  }
0x1fd: {  	v14 =	vmul.f32 v17, v14;
	v17 =	vld.idx.msk [tilespmem:v54+s2+$0x0], $0xffff  }
0x1fe: {  	v45 =	vsel vm0, v60, v3;
	v3 =	vld [tilespmem:$0x1FD20]  }
0x1ff: {  	v1 =	vmul.f32 v1, v6;
	v0 =	vadd.f32 v14, v0;
	v57 =	vld.idx.msk [tilespmem:v54+s8+$0x0], $0xffff;
	_ =	sdelay $0x1  }
0x200: {  	v0 =	vadd.f32 v1, v0;
	v1 =	vld.idx.msk [tilespmem:v46+s2+$0x0], $0xffff  }
0x201: {  	v55 =	vld.idx.msk [tilespmem:v46+s8+$0x0], $0xffff  }
0x202: {  	v59 =	vld.idx.msk [tilespmem:v52+s2+$0x0], $0xffff;
	[tilespmem:$0x1F590] =	vst v2;
	v2 =	vadd.s32 $0x38, v63;
	v46 =	vsel vm0, v3, v12  }
0x203: {  	[tilespmem:$0x1F5A0] =	vst v2;
	v13 =	vadd.s32 v2, v15;
	v51 =	vmul.f32 v57, v17;
	v57 =	vld [tilespmem:$0x1FD80];
	v2 =	vcombine.low v46, v45  }
0x204: {  	v53 =	vand.u32 $0xFFFFFF80, v13;
	v3 =	vld [tilespmem:$0x1FDB0]  }
0x205: {  	v17 =	vor.u32 v2, v53;
	v53 =	vld [tilespmem:$0x1FDC0]  }
0x206: {  	v1 =	vmul.f32 v55, v1;
	v55 =	vld [tilespmem:$0x1FD70]  }
0x207: {  	v52 =	vld.idx.msk [tilespmem:v52+s8+$0x0], $0xffff;
	_ =	sdelay $0x1  }
0x208: {  	v54 =	vld [tilespmem:$0x1FDD0]  }
0x209: {  	v60 =	vld [tilespmem:$0x1FD90]  }
0x20a: {  	v0 =	vadd.f32 v51, v0;
	v51 =	vsel vm0, v53, v3;
	v53 =	vsel vm0, v57, v55;
	v57 =	vld [tilespmem:$0x1FE20]  }
0x20b: {  	v14 =	vmul.f32 v52, v59;
	v59 =	vld [tilespmem:$0x1FD60]  }
0x20c: {  	v3 =	vld [tilespmem:$0x1FDA0]  }
0x20d: {  	v55 =	vsel vm0, v58, v61;
	v58 =	vld [tilespmem:$0x1FDF0]  }
0x20e: {  	v61 =	vld [tilespmem:$0x1FE00]  }
0x20f: {  	[tilespmem:$0x1F5B0] =	vst v2;
	v2 =	vadd.s32 $0x3A, v63;
	v56 =	vsel vm0, v57, v62;
	v62 =	vld [tilespmem:$0x1FDE0]  }
0x210: {  	v0 =	vadd.f32 v14, v0;
	v13 =	vadd.s32 v2, v15  }
0x211: {  	v52 =	vsel vm0, v3, v54;
	v3 =	vadd.s32 $0x39, v63;
	v54 =	vsel vm0, v59, v60  }
0x212: {  	v6 =	vadd.f32 v1, v0;
	[tilespmem:$0x1F5C0] =	vst v3;
	v12 =	vadd.s32 v3, v15;
	v3 =	vcombine.low v54, v53  }
0x213: {  	[tilespmem:$0x1F5D0] =	vst v2;
	v2 =	vcombine.low v52, v51;
	v1 =	vand.u32 $0xFFFFFF80, v12;
	v57 =	vsel vm0, v61, v58  }
0x214: {  	v59 =	vld.idx.msk [tilespmem:v17+s2+$0x0], $0xffff;
	[tilespmem:$0x1F5E0] =	vst v3;
	v1 =	vor.u32 v3, v1;
	v3 =	vadd.s32 $0x3B, v63;
	v58 =	vsel vm0, v62, v23  }
0x215: {  	v14 =	vand.u32 $0xFFFFFF80, v13;
	v17 =	vld.idx.msk [tilespmem:v17+s8+$0x0], $0xffff;
	[tilespmem:$0x1F600] =	vst v3;
	v12 =	vadd.s32 v3, v15;
	v3 =	vcombine.low v58, v57  }
0x216: {  	v61 =	vld [tilespmem:$0x1FE80];
	[tilespmem:$0x1F5F0] =	vst v2;
	v2 =	vor.u32 v2, v14;
	v14 =	vand.u32 $0xFFFFFF80, v12  }
0x217: {  	[tilespmem:$0x1F620] =	vst v3;
	v9 =	vor.u32 v3, v14;
	v3 =	vld [tilespmem:$0x1FE70];
	_ =	sdelay $0x3  }
0x218: {  	v62 =	vld [tilespmem:$0x1FE90]  }
0x219: {  	[tilespmem:$0x1F360] =	vst v8;
	v8 =	vmul.f32 v17, v59;
	v59 =	vsel vm0, v61, v3;
	v3 =	vld [tilespmem:$0x1FE60];
	_ =	sdelay $0x1  }
0x21a: {  	v0 =	vadd.s32 $0x3C, v63  }
0x21b: {  	[tilespmem:$0x1F610] =	vst v0;
	v13 =	vadd.s32 v0, v15;
	v0 =	vcombine.low v56, v55  }
0x21c: {  	v17 =	vand.u32 $0xFFFFFF80, v13;
	v12 =	vld.idx.msk [tilespmem:v1+s2+$0x0], $0xffff  }
0x21d: {  	[tilespmem:$0x1F630] =	vst v0;
	v7 =	vor.u32 v0, v17;
	v0 =	vadd.s32 $0x3D, v63;
	v13 =	vld.idx.msk [tilespmem:v1+s8+$0x0], $0xffff;
	v60 =	vsel vm0, v3, v62  }
0x21e: {  	[tilespmem:$0x1F2C0] =	vst v5;
	v5 =	vadd.s32 v0, v15;
	v14 =	vld [tilespmem:$0x1FEA0];
	v3 =	vcombine.low v60, v59  }
0x21f: {  	v1 =	vand.u32 $0xFFFFFF80, v5;
	v61 =	vsel vm0, v16, v19;
	v16 =	vld [tilespmem:$0x1FED0]  }
0x220: {  	v5 =	vor.u32 v3, v1;
	v1 =	vld [tilespmem:$0x1FEF0]  }
0x221: {  	[tilespmem:$0x1F660] =	vst v3;
	v3 =	vld [tilespmem:$0x1FF00];
	_ =	sdelay $0x2  }
0x222: {  	v4 =	vld.idx.msk [tilespmem:v2+s2+$0x0], $0xffff  }
0x223: {  	v62 =	vsel vm0, v14, v16;
	v14 =	vld.idx.msk [tilespmem:v2+s8+$0x0], $0xffff  }
0x224: {  	[tilespmem:$0x1F640] =	vst v0;
	v0 =	vadd.s32 $0x3E, v63;
	v2 =	vadd.s32 $0x3F, v63;
	v63 =	vsel vm0, v3, v1;
	v1 =	vld [tilespmem:$0x1FEE0]  }
0x225: {  	v3 =	vld [tilespmem:$0x1FF10];
	_ =	sdelay $0x2  }
0x226: {  	[tilespmem:$0x1F650] =	vst v0;
	v0 =	vadd.s32 v0, v15  }
0x227: {  	v16 =	vand.u32 $0xFFFFFF80, v0;
	v0 =	vcombine.low v62, v61  }
0x228: {  	[tilespmem:$0x1F670] =	vst v2;
	v15 =	vadd.s32 v2, v15;
	v1 =	vsel vm0, v1, v3;
	v3 =	vld.idx.msk [tilespmem:v9+s2+$0x0], $0xffff  }
0x229: {  	[tilespmem:$0x1F680] =	vst v0;
	v2 =	vor.u32 v0, v16;
	v9 =	vld.idx.msk [tilespmem:v9+s8+$0x0], $0xffff;
	v0 =	vcombine.low v1, v63  }
0x22a: {  	v8 =	vadd.f32 v8, v6;
	v12 =	vmul.f32 v13, v12;
	v17 =	vand.u32 $0xFFFFFF80, v15;
	v16 =	vld.idx.msk [tilespmem:v7+s2+$0x0], $0xffff  }
0x22b: {  	v7 =	vld.idx.msk [tilespmem:v7+s8+$0x0], $0xffff;
	[tilespmem:$0x1F690] =	vst v0;
	v0 =	vor.u32 v0, v17  }
0x22c: {  	v8 =	vadd.f32 v12, v8;
	v15 =	vld.idx.msk [tilespmem:v5+s2+$0x0], $0xffff;
	v17 =	vmul.f32 v14, v4  }
0x22d: {  	v5 =	vld.idx.msk [tilespmem:v5+s8+$0x0], $0xffff  }
0x22e: {  	v8 =	vadd.f32 v17, v8;
	v9 =	vmul.f32 v9, v3;
	v3 =	vld.idx.msk [tilespmem:v2+s2+$0x0], $0xffff  }
0x22f: {  	v2 =	vld.idx.msk [tilespmem:v2+s8+$0x0], $0xffff  }
0x230: {  	v8 =	vadd.f32 v9, v8;
	v9 =	vmul.f32 v7, v16;
	v16 =	vld.idx.msk [tilespmem:v0+s2+$0x0], $0xffff  }
0x231: {  	v17 =	vld.idx.msk [tilespmem:v0+s8+$0x0], $0xffff  }
0x232: {  	v0 =	vmul.f32 v5, v15;
	v8 =	vadd.f32 v9, v8;
	_ =	sdelay $0x1  }
0x233: {  	v4 =	vadd.f32 v0, v8;
	v0 =	vmul.f32 v2, v3;
	_ =	sdelay $0x1  }
0x234: {  	v2 =	vadd.f32 v0, v4;
	v0 =	vmul.f32 v17, v16;
	_ =	sdelay $0x1  }
0x235: {  	s11 =	simm.s32 $0x10;
	v2 =	vadd.f32 v0, v2  }
0x236: {  	v0 =	vmov s11  }
0x237: {  	s12 =	simm.s32 $0x20;
	s11 =	simm.s32 $0x12000;
	v0 =	vmul.u32 $0x48, v0;
	[tilespmem:s9+$0x0] =	vst v2  }
.LBB2_2:
0x238: {  	v2 =	vld [tilespmem:$0x1FFB0];
	_ =	sdelay $0x1  }
0x239: {  	v3 =	vld [tilespmem:$0x1F6E0]  }
0x23a: {  	v0 =	vbroadcast v0, $0x0;
	_ =	sdelay $0x1  }
0x23b: {  	v2 =	vadd.s32 v2, v0  }
0x23c: {  	v2 =	vand.u32 $0xFFFFFF80, v2  }
0x23d: {  	v2 =	vor.u32 v3, v2;
	v3 =	vld [tilespmem:$0x1FF20]  }
0x23e: {  	v4 =	vld [tilespmem:$0x1F730]  }
0x23f: {  	v14 =	vld [tilespmem:$0x1FF30]  }
0x240: {  	v5 =	vld [tilespmem:$0x1F7C0]  }
0x241: {  	v15 =	vld [tilespmem:$0x1FF40]  }
0x242: {  	v7 =	vld [tilespmem:$0x1F7D0];
	v3 =	vadd.s32 v3, v0  }
0x243: {  	v16 =	vld [tilespmem:$0x1FF50];
	v3 =	vand.u32 $0xFFFFFF80, v3  }
0x244: {  	v3 =	vor.u32 v4, v3;
	v4 =	vadd.s32 v14, v0  }
0x245: {  	v9 =	vld [tilespmem:$0x1F820];
	v4 =	vand.u32 $0xFFFFFF80, v4  }
0x246: {  	v4 =	vor.u32 v5, v4;
	v5 =	vadd.s32 v15, v0  }
0x247: {  	v13 =	vld [tilespmem:$0x1F870];
	v5 =	vand.u32 $0xFFFFFF80, v5  }
0x248: {  	v17 =	vld [tilespmem:$0x1FF70];
	v5 =	vor.u32 v7, v5;
	v7 =	vadd.s32 v16, v0  }
0x249: {  	v6 =	vld.idx.msk [tilespmem:v2+s8+$0x0], $0xffff;
	v7 =	vand.u32 $0xFFFFFF80, v7  }
0x24a: {  	v7 =	vor.u32 v9, v7;
	v9 =	vld [tilespmem:$0x1FF60]  }
0x24b: {  	v2 =	vld.idx.msk [tilespmem:v2+s2+$0x0], $0xffff  }
0x24c: {  	v16 =	vld [tilespmem:$0x1F900]  }
0x24d: {  	v8 =	vld.idx.msk [tilespmem:v3+s2+$0x0], $0xffff  }
0x24e: {  	v3 =	vld.idx.msk [tilespmem:v3+s8+$0x0], $0xffff  }
0x24f: {  	v12 =	vld.idx.msk [tilespmem:v4+s2+$0x0], $0xffff;
	v9 =	vadd.s32 v9, v0  }
0x250: {  	v4 =	vld.idx.msk [tilespmem:v4+s8+$0x0], $0xffff;
	v9 =	vand.u32 $0xFFFFFF80, v9  }
0x251: {  	v9 =	vor.u32 v13, v9;
	v13 =	vadd.s32 v17, v0;
	v17 =	vld [tilespmem:$0x1FF80]  }
0x252: {  	v14 =	vld.idx.msk [tilespmem:v5+s2+$0x0], $0xffff  }
0x253: {  	v2 =	vmul.f32 v6, v2;
	v3 =	vmul.f32 v3, v8;
	v8 =	vld [tilespmem:$0x1F910]  }
0x254: {  	v5 =	vld.idx.msk [tilespmem:v5+s8+$0x0], $0xffff;
	v13 =	vand.u32 $0xFFFFFF80, v13  }
0x255: {  	v2 =	vadd.f32 $0.0e+00, v2;
	v6 =	vor.u32 v16, v13;
	v16 =	vld [tilespmem:$0x1FF90]  }
0x256: {  	v13 =	vadd.s32 v17, v0;
	v17 =	vld [tilespmem:$0x1FFA0]  }
0x257: {  	v2 =	vadd.f32 v3, v2;
	v3 =	vmul.f32 v4, v12;
	v4 =	vld.idx.msk [tilespmem:v9+s8+$0x0], $0xffff;
	v13 =	vand.u32 $0xFFFFFF80, v13  }
0x258: {  	v8 =	vor.u32 v8, v13;
	v13 =	vld.idx.msk [tilespmem:v9+s2+$0x0], $0xffff  }
0x259: {  	v9 =	vld [tilespmem:$0x1F9A0];
	_ =	sdelay $0x1  }
0x25a: {  	v15 =	vld.idx.msk [tilespmem:v7+s2+$0x0], $0xffff  }
0x25b: {  	v7 =	vld.idx.msk [tilespmem:v7+s8+$0x0], $0xffff;
	v2 =	vadd.f32 v3, v2;
	v16 =	vadd.s32 v16, v0  }
0x25c: {  	v3 =	vmul.f32 v5, v14;
	v14 =	vld [tilespmem:$0x1F9B0];
	v16 =	vand.u32 $0xFFFFFF80, v16;
	v17 =	vadd.s32 v17, v0  }
0x25d: {  	v9 =	vor.u32 v9, v16;
	v16 =	vand.u32 $0xFFFFFF80, v17;
	v17 =	vld [tilespmem:$0x1FFC0];
	_ =	sdelay $0x1  }
0x25e: {  	v12 =	vld.idx.msk [tilespmem:v6+s2+$0x0], $0xffff  }
0x25f: {  	v5 =	vld.idx.msk [tilespmem:v6+s8+$0x0], $0xffff  }
0x260: {  	v2 =	vadd.f32 v3, v2;
	v3 =	vmul.f32 v7, v15;
	v7 =	vld.idx.msk [tilespmem:v8+s8+$0x0], $0xffff  }
0x261: {  	v6 =	vor.u32 v14, v16;
	v14 =	vld.idx.msk [tilespmem:v8+s2+$0x0], $0xffff;
	v17 =	vadd.s32 v17, v0  }
0x262: {  	v16 =	vand.u32 $0xFFFFFF80, v17;
	v17 =	vld [tilespmem:$0x1ED50]  }
0x263: {  	v8 =	vld [tilespmem:$0x1ED60];
	_ =	sdelay $0x2  }
0x264: {  	v15 =	vld.idx.msk [tilespmem:v9+s2+$0x0], $0xffff  }
0x265: {  	v2 =	vadd.f32 v3, v2;
	v3 =	vmul.f32 v4, v13;
	v4 =	vld.idx.msk [tilespmem:v9+s8+$0x0], $0xffff;
	v17 =	vadd.s32 v17, v0  }
0x266: {  	v8 =	vor.u32 v8, v16;
	v16 =	vand.u32 $0xFFFFFF80, v17;
	v17 =	vld [tilespmem:$0x1ED70]  }
0x267: {  	v9 =	vld [tilespmem:$0x1ED80];
	_ =	sdelay $0x3  }
0x268: {  	v2 =	vadd.f32 v3, v2;
	v3 =	vmul.f32 v5, v12;
	v12 =	vld [tilespmem:$0x1EDA0];
	v17 =	vadd.s32 v17, v0  }
0x269: {  	v9 =	vor.u32 v9, v16;
	v16 =	vand.u32 $0xFFFFFF80, v17;
	v17 =	vld [tilespmem:$0x1ED90];
	_ =	sdelay $0x1  }
0x26a: {  	v13 =	vld.idx.msk [tilespmem:v6+s2+$0x0], $0xffff  }
0x26b: {  	v5 =	vld.idx.msk [tilespmem:v6+s8+$0x0], $0xffff  }
0x26c: {  	v2 =	vadd.f32 v3, v2;
	v3 =	vmul.f32 v7, v14;
	v7 =	vld.idx.msk [tilespmem:v8+s8+$0x0], $0xffff  }
0x26d: {  	v6 =	vor.u32 v12, v16;
	v12 =	vld.idx.msk [tilespmem:v8+s2+$0x0], $0xffff;
	v17 =	vadd.s32 v17, v0  }
0x26e: {  	v16 =	vand.u32 $0xFFFFFF80, v17;
	v17 =	vld [tilespmem:$0x1EDB0]  }
0x26f: {  	v8 =	vld [tilespmem:$0x1EDC0];
	_ =	sdelay $0x2  }
0x270: {  	v14 =	vld.idx.msk [tilespmem:v9+s2+$0x0], $0xffff  }
0x271: {  	v2 =	vadd.f32 v3, v2;
	v3 =	vmul.f32 v4, v15;
	v4 =	vld.idx.msk [tilespmem:v9+s8+$0x0], $0xffff;
	v17 =	vadd.s32 v17, v0  }
0x272: {  	v8 =	vor.u32 v8, v16;
	v16 =	vand.u32 $0xFFFFFF80, v17;
	v17 =	vld [tilespmem:$0x1EDD0]  }
0x273: {  	v9 =	vld [tilespmem:$0x1EDE0];
	_ =	sdelay $0x3  }
0x274: {  	v2 =	vadd.f32 v3, v2;
	v3 =	vmul.f32 v5, v13;
	v13 =	vld [tilespmem:$0x1EE00];
	v17 =	vadd.s32 v17, v0  }
0x275: {  	v9 =	vor.u32 v9, v16;
	v16 =	vand.u32 $0xFFFFFF80, v17;
	v17 =	vld [tilespmem:$0x1EDF0];
	_ =	sdelay $0x1  }
0x276: {  	v15 =	vld.idx.msk [tilespmem:v6+s2+$0x0], $0xffff  }
0x277: {  	v5 =	vld.idx.msk [tilespmem:v6+s8+$0x0], $0xffff  }
0x278: {  	v2 =	vadd.f32 v3, v2;
	v3 =	vmul.f32 v7, v12;
	v7 =	vld.idx.msk [tilespmem:v8+s8+$0x0], $0xffff  }
0x279: {  	v6 =	vor.u32 v13, v16;
	v13 =	vld.idx.msk [tilespmem:v8+s2+$0x0], $0xffff;
	v17 =	vadd.s32 v17, v0  }
0x27a: {  	v16 =	vand.u32 $0xFFFFFF80, v17;
	v17 =	vld [tilespmem:$0x1EE10]  }
0x27b: {  	v8 =	vld [tilespmem:$0x1EE20];
	_ =	sdelay $0x2  }
0x27c: {  	v12 =	vld.idx.msk [tilespmem:v9+s2+$0x0], $0xffff  }
0x27d: {  	v2 =	vadd.f32 v3, v2;
	v3 =	vmul.f32 v4, v14;
	v4 =	vld.idx.msk [tilespmem:v9+s8+$0x0], $0xffff;
	v17 =	vadd.s32 v17, v0  }
0x27e: {  	v8 =	vor.u32 v8, v16;
	v16 =	vand.u32 $0xFFFFFF80, v17;
	v17 =	vld [tilespmem:$0x1EE30]  }
0x27f: {  	v9 =	vld [tilespmem:$0x1EE40];
	_ =	sdelay $0x3  }
0x280: {  	v2 =	vadd.f32 v3, v2;
	v3 =	vmul.f32 v5, v15;
	v15 =	vld [tilespmem:$0x1EE60];
	v17 =	vadd.s32 v17, v0  }
0x281: {  	v9 =	vor.u32 v9, v16;
	v16 =	vand.u32 $0xFFFFFF80, v17;
	v17 =	vld [tilespmem:$0x1EE50];
	_ =	sdelay $0x1  }
0x282: {  	v14 =	vld.idx.msk [tilespmem:v6+s2+$0x0], $0xffff  }
0x283: {  	v5 =	vld.idx.msk [tilespmem:v6+s8+$0x0], $0xffff  }
0x284: {  	v2 =	vadd.f32 v3, v2;
	v3 =	vmul.f32 v7, v13;
	v7 =	vld.idx.msk [tilespmem:v8+s8+$0x0], $0xffff  }
0x285: {  	v6 =	vor.u32 v15, v16;
	v15 =	vld.idx.msk [tilespmem:v8+s2+$0x0], $0xffff;
	v17 =	vadd.s32 v17, v0  }
0x286: {  	v16 =	vand.u32 $0xFFFFFF80, v17;
	v17 =	vld [tilespmem:$0x1EE70]  }
0x287: {  	v8 =	vld [tilespmem:$0x1EEA0];
	_ =	sdelay $0x2  }
0x288: {  	v13 =	vld.idx.msk [tilespmem:v9+s2+$0x0], $0xffff  }
0x289: {  	v2 =	vadd.f32 v3, v2;
	v3 =	vmul.f32 v4, v12;
	v4 =	vld.idx.msk [tilespmem:v9+s8+$0x0], $0xffff;
	v17 =	vadd.s32 v17, v0  }
0x28a: {  	v8 =	vor.u32 v8, v16;
	v16 =	vand.u32 $0xFFFFFF80, v17;
	v17 =	vld [tilespmem:$0x1EEB0]  }
0x28b: {  	v9 =	vld [tilespmem:$0x1EEE0];
	_ =	sdelay $0x1  }
0x28c: {  	v18 =	vld [tilespmem:$0x1EEC0]  }
0x28d: {  	v19 =	vld [tilespmem:$0x1EED0]  }
0x28e: {  	v17 =	vadd.s32 v17, v0  }
0x28f: {  	v9 =	vor.u32 v9, v16;
	v16 =	vand.u32 $0xFFFFFF80, v17;
	v17 =	vld [tilespmem:$0x1EEF0];
	_ =	sdelay $0x1  }
0x290: {  	v23 =	vld [tilespmem:$0x1EF10]  }
0x291: {  	v18 =	vcombine.low v19, v18;
	v19 =	vld [tilespmem:$0x1EF00]  }
0x292: {  	v12 =	vld.idx.msk [tilespmem:v6+s2+$0x0], $0xffff  }
0x293: {  	v2 =	vadd.f32 v3, v2;
	v3 =	vmul.f32 v5, v14;
	v5 =	vld.idx.msk [tilespmem:v6+s8+$0x0], $0xffff;
	v17 =	vadd.s32 v17, v0  }
0x294: {  	v6 =	vor.u32 v18, v16;
	v16 =	vand.u32 $0xFFFFFF80, v17;
	v17 =	vld [tilespmem:$0x1EF30];
	_ =	sdelay $0x1  }
0x295: {  	v19 =	vcombine.low v23, v19;
	v23 =	vld [tilespmem:$0x1EF50]  }
0x296: {  	v14 =	vld.idx.msk [tilespmem:v8+s2+$0x0], $0xffff  }
0x297: {  	v2 =	vadd.f32 v3, v2;
	v3 =	vmul.f32 v7, v15;
	v7 =	vld.idx.msk [tilespmem:v8+s8+$0x0], $0xffff  }
0x298: {  	v18 =	vld [tilespmem:$0x1EF40];
	v17 =	vadd.s32 v17, v0  }
0x299: {  	v8 =	vor.u32 v19, v16;
	v16 =	vand.u32 $0xFFFFFF80, v17;
	v17 =	vld [tilespmem:$0x1EF70];
	_ =	sdelay $0x1  }
0x29a: {  	v15 =	vld.idx.msk [tilespmem:v9+s2+$0x0], $0xffff  }
0x29b: {  	v2 =	vadd.f32 v3, v2;
	v3 =	vmul.f32 v4, v13;
	v4 =	vld.idx.msk [tilespmem:v9+s8+$0x0], $0xffff  }
0x29c: {  	v18 =	vcombine.low v23, v18;
	v23 =	vld [tilespmem:$0x1EF90]  }
0x29d: {  	v19 =	vld [tilespmem:$0x1EF80];
	v17 =	vadd.s32 v17, v0  }
0x29e: {  	v9 =	vor.u32 v18, v16;
	v16 =	vand.u32 $0xFFFFFF80, v17;
	v17 =	vld [tilespmem:$0x1EFB0];
	_ =	sdelay $0x1  }
0x29f: {  	v13 =	vld.idx.msk [tilespmem:v6+s2+$0x0], $0xffff  }
0x2a0: {  	v2 =	vadd.f32 v3, v2;
	v3 =	vmul.f32 v5, v12;
	v5 =	vld.idx.msk [tilespmem:v6+s8+$0x0], $0xffff  }
0x2a1: {  	v19 =	vcombine.low v23, v19;
	v23 =	vld [tilespmem:$0x1EFD0]  }
0x2a2: {  	v18 =	vld [tilespmem:$0x1EFC0];
	v17 =	vadd.s32 v17, v0  }
0x2a3: {  	v6 =	vor.u32 v19, v16;
	v16 =	vand.u32 $0xFFFFFF80, v17;
	v17 =	vld [tilespmem:$0x1EFF0];
	_ =	sdelay $0x1  }
0x2a4: {  	v12 =	vld.idx.msk [tilespmem:v8+s2+$0x0], $0xffff  }
0x2a5: {  	v2 =	vadd.f32 v3, v2;
	v3 =	vmul.f32 v7, v14;
	v7 =	vld.idx.msk [tilespmem:v8+s8+$0x0], $0xffff  }
0x2a6: {  	v18 =	vcombine.low v23, v18;
	v23 =	vld [tilespmem:$0x1F010]  }
0x2a7: {  	v19 =	vld [tilespmem:$0x1F000];
	v17 =	vadd.s32 v17, v0  }
0x2a8: {  	v8 =	vor.u32 v18, v16;
	v16 =	vand.u32 $0xFFFFFF80, v17;
	v17 =	vld [tilespmem:$0x1F030];
	_ =	sdelay $0x1  }
0x2a9: {  	v14 =	vld.idx.msk [tilespmem:v9+s2+$0x0], $0xffff  }
0x2aa: {  	v2 =	vadd.f32 v3, v2;
	v3 =	vmul.f32 v4, v15;
	v4 =	vld.idx.msk [tilespmem:v9+s8+$0x0], $0xffff  }
0x2ab: {  	v19 =	vcombine.low v23, v19;
	v23 =	vld [tilespmem:$0x1F060]  }
0x2ac: {  	v18 =	vld [tilespmem:$0x1F050];
	v17 =	vadd.s32 v17, v0  }
0x2ad: {  	v9 =	vor.u32 v19, v16;
	v16 =	vand.u32 $0xFFFFFF80, v17;
	v17 =	vld [tilespmem:$0x1F080];
	_ =	sdelay $0x1  }
0x2ae: {  	v15 =	vld.idx.msk [tilespmem:v6+s2+$0x0], $0xffff  }
0x2af: {  	v2 =	vadd.f32 v3, v2;
	v3 =	vmul.f32 v5, v13;
	v5 =	vld.idx.msk [tilespmem:v6+s8+$0x0], $0xffff  }
0x2b0: {  	v18 =	vcombine.low v23, v18;
	v23 =	vld [tilespmem:$0x1F0A0]  }
0x2b1: {  	v19 =	vld [tilespmem:$0x1F090];
	v17 =	vadd.s32 v17, v0  }
0x2b2: {  	v6 =	vor.u32 v18, v16;
	v16 =	vand.u32 $0xFFFFFF80, v17;
	v17 =	vld [tilespmem:$0x1F0C0];
	_ =	sdelay $0x1  }
0x2b3: {  	v13 =	vld.idx.msk [tilespmem:v8+s2+$0x0], $0xffff  }
0x2b4: {  	v2 =	vadd.f32 v3, v2;
	v3 =	vmul.f32 v7, v12;
	v7 =	vld.idx.msk [tilespmem:v8+s8+$0x0], $0xffff  }
0x2b5: {  	v19 =	vcombine.low v23, v19;
	v23 =	vld [tilespmem:$0x1F0E0]  }
0x2b6: {  	v18 =	vld [tilespmem:$0x1F0D0];
	v17 =	vadd.s32 v17, v0  }
0x2b7: {  	v8 =	vor.u32 v19, v16;
	v16 =	vand.u32 $0xFFFFFF80, v17;
	v17 =	vld [tilespmem:$0x1F0F0];
	_ =	sdelay $0x1  }
0x2b8: {  	v12 =	vld.idx.msk [tilespmem:v9+s2+$0x0], $0xffff  }
0x2b9: {  	v2 =	vadd.f32 v3, v2;
	v3 =	vmul.f32 v4, v14;
	v4 =	vld.idx.msk [tilespmem:v9+s8+$0x0], $0xffff  }
0x2ba: {  	v18 =	vcombine.low v23, v18;
	v23 =	vld [tilespmem:$0x1F120]  }
0x2bb: {  	v19 =	vld [tilespmem:$0x1F110];
	v17 =	vadd.s32 v17, v0  }
0x2bc: {  	v9 =	vor.u32 v18, v16;
	v16 =	vand.u32 $0xFFFFFF80, v17;
	v17 =	vld [tilespmem:$0x1F140];
	_ =	sdelay $0x1  }
0x2bd: {  	v14 =	vld.idx.msk [tilespmem:v6+s2+$0x0], $0xffff  }
0x2be: {  	v2 =	vadd.f32 v3, v2;
	v3 =	vmul.f32 v5, v15;
	v5 =	vld.idx.msk [tilespmem:v6+s8+$0x0], $0xffff  }
0x2bf: {  	v19 =	vcombine.low v23, v19;
	v23 =	vld [tilespmem:$0x1F160]  }
0x2c0: {  	v18 =	vld [tilespmem:$0x1F150];
	v17 =	vadd.s32 v17, v0  }
0x2c1: {  	v6 =	vor.u32 v19, v16;
	v16 =	vand.u32 $0xFFFFFF80, v17;
	v17 =	vld [tilespmem:$0x1F180];
	_ =	sdelay $0x1  }
0x2c2: {  	v15 =	vld.idx.msk [tilespmem:v8+s2+$0x0], $0xffff  }
0x2c3: {  	v2 =	vadd.f32 v3, v2;
	v3 =	vmul.f32 v7, v13;
	v7 =	vld.idx.msk [tilespmem:v8+s8+$0x0], $0xffff  }
0x2c4: {  	v18 =	vcombine.low v23, v18;
	v23 =	vld [tilespmem:$0x1F1A0]  }
0x2c5: {  	v19 =	vld [tilespmem:$0x1F190];
	v17 =	vadd.s32 v17, v0  }
0x2c6: {  	v8 =	vor.u32 v18, v16;
	v16 =	vand.u32 $0xFFFFFF80, v17;
	v17 =	vld [tilespmem:$0x1F1B0];
	_ =	sdelay $0x1  }
0x2c7: {  	v13 =	vld.idx.msk [tilespmem:v9+s2+$0x0], $0xffff  }
0x2c8: {  	v2 =	vadd.f32 v3, v2;
	v3 =	vmul.f32 v4, v12;
	v4 =	vld.idx.msk [tilespmem:v9+s8+$0x0], $0xffff  }
0x2c9: {  	v19 =	vcombine.low v23, v19;
	v23 =	vld [tilespmem:$0x1F1E0]  }
0x2ca: {  	v18 =	vld [tilespmem:$0x1F1D0];
	v17 =	vadd.s32 v17, v0  }
0x2cb: {  	v9 =	vor.u32 v19, v16;
	v16 =	vand.u32 $0xFFFFFF80, v17;
	v17 =	vld [tilespmem:$0x1F200];
	_ =	sdelay $0x1  }
0x2cc: {  	v12 =	vld.idx.msk [tilespmem:v6+s2+$0x0], $0xffff  }
0x2cd: {  	v2 =	vadd.f32 v3, v2;
	v3 =	vmul.f32 v5, v14;
	v5 =	vld.idx.msk [tilespmem:v6+s8+$0x0], $0xffff  }
0x2ce: {  	v18 =	vcombine.low v23, v18;
	v23 =	vld [tilespmem:$0x1F220]  }
0x2cf: {  	v19 =	vld [tilespmem:$0x1F210];
	v17 =	vadd.s32 v17, v0  }
0x2d0: {  	v6 =	vor.u32 v18, v16;
	v16 =	vand.u32 $0xFFFFFF80, v17;
	v17 =	vld [tilespmem:$0x1F240];
	_ =	sdelay $0x1  }
0x2d1: {  	v14 =	vld.idx.msk [tilespmem:v8+s2+$0x0], $0xffff  }
0x2d2: {  	v2 =	vadd.f32 v3, v2;
	v3 =	vmul.f32 v7, v15;
	v7 =	vld.idx.msk [tilespmem:v8+s8+$0x0], $0xffff  }
0x2d3: {  	v19 =	vcombine.low v23, v19;
	v23 =	vld [tilespmem:$0x1F260]  }
0x2d4: {  	v18 =	vld [tilespmem:$0x1F250];
	v17 =	vadd.s32 v17, v0  }
0x2d5: {  	v8 =	vor.u32 v19, v16;
	v16 =	vand.u32 $0xFFFFFF80, v17;
	v17 =	vld [tilespmem:$0x1F280];
	_ =	sdelay $0x1  }
0x2d6: {  	v15 =	vld.idx.msk [tilespmem:v9+s2+$0x0], $0xffff  }
0x2d7: {  	v2 =	vadd.f32 v3, v2;
	v3 =	vmul.f32 v4, v13;
	v4 =	vld.idx.msk [tilespmem:v9+s8+$0x0], $0xffff  }
0x2d8: {  	v18 =	vcombine.low v23, v18;
	v23 =	vld [tilespmem:$0x1F2A0]  }
0x2d9: {  	v19 =	vld [tilespmem:$0x1F290];
	v17 =	vadd.s32 v17, v0  }
0x2da: {  	v9 =	vor.u32 v18, v16;
	v16 =	vand.u32 $0xFFFFFF80, v17;
	v17 =	vld [tilespmem:$0x1F2B0];
	_ =	sdelay $0x1  }
0x2db: {  	v13 =	vld.idx.msk [tilespmem:v6+s2+$0x0], $0xffff  }
0x2dc: {  	v2 =	vadd.f32 v3, v2;
	v3 =	vmul.f32 v5, v12;
	v5 =	vld.idx.msk [tilespmem:v6+s8+$0x0], $0xffff  }
0x2dd: {  	v19 =	vcombine.low v23, v19;
	v23 =	vld [tilespmem:$0x1F2E0]  }
0x2de: {  	v18 =	vld [tilespmem:$0x1F2D0];
	v17 =	vadd.s32 v17, v0  }
0x2df: {  	v6 =	vor.u32 v19, v16;
	v16 =	vand.u32 $0xFFFFFF80, v17;
	v17 =	vld [tilespmem:$0x1F300];
	_ =	sdelay $0x1  }
0x2e0: {  	v12 =	vld.idx.msk [tilespmem:v8+s2+$0x0], $0xffff  }
0x2e1: {  	v2 =	vadd.f32 v3, v2;
	v3 =	vmul.f32 v7, v14;
	v7 =	vld.idx.msk [tilespmem:v8+s8+$0x0], $0xffff  }
0x2e2: {  	v18 =	vcombine.low v23, v18;
	v23 =	vld [tilespmem:$0x1F320]  }
0x2e3: {  	v19 =	vld [tilespmem:$0x1F310];
	v17 =	vadd.s32 v17, v0  }
0x2e4: {  	v8 =	vor.u32 v18, v16;
	v16 =	vand.u32 $0xFFFFFF80, v17;
	v17 =	vld [tilespmem:$0x1F340];
	_ =	sdelay $0x1  }
0x2e5: {  	v14 =	vld.idx.msk [tilespmem:v9+s2+$0x0], $0xffff  }
0x2e6: {  	v2 =	vadd.f32 v3, v2;
	v3 =	vmul.f32 v4, v15;
	v4 =	vld.idx.msk [tilespmem:v9+s8+$0x0], $0xffff  }
0x2e7: {  	v19 =	vcombine.low v23, v19;
	v23 =	vld [tilespmem:$0x1F360]  }
0x2e8: {  	v18 =	vld [tilespmem:$0x1F350];
	v17 =	vadd.s32 v17, v0  }
0x2e9: {  	v9 =	vor.u32 v19, v16;
	v16 =	vand.u32 $0xFFFFFF80, v17;
	v17 =	vld [tilespmem:$0x1F370];
	_ =	sdelay $0x1  }
0x2ea: {  	v15 =	vld.idx.msk [tilespmem:v6+s2+$0x0], $0xffff  }
0x2eb: {  	v2 =	vadd.f32 v3, v2;
	v3 =	vmul.f32 v5, v13;
	v5 =	vld.idx.msk [tilespmem:v6+s8+$0x0], $0xffff  }
0x2ec: {  	v18 =	vcombine.low v23, v18;
	v23 =	vld [tilespmem:$0x1F390]  }
0x2ed: {  	v19 =	vld [tilespmem:$0x1F380];
	v17 =	vadd.s32 v17, v0  }
0x2ee: {  	v6 =	vor.u32 v18, v16;
	v16 =	vand.u32 $0xFFFFFF80, v17;
	v17 =	vld [tilespmem:$0x1F3C0];
	_ =	sdelay $0x3  }
0x2ef: {  	v13 =	vld.idx.msk [tilespmem:v8+s2+$0x0], $0xffff;
	v19 =	vcombine.low v23, v19  }
0x2f0: {  	v2 =	vadd.f32 v3, v2;
	v3 =	vmul.f32 v7, v12;
	v7 =	vld.idx.msk [tilespmem:v8+s8+$0x0], $0xffff;
	v17 =	vadd.s32 v17, v0  }
0x2f1: {  	v8 =	vor.u32 v19, v16;
	v16 =	vand.u32 $0xFFFFFF80, v17;
	v17 =	vld [tilespmem:$0x1F3E0];
	_ =	sdelay $0x3  }
0x2f2: {  	v12 =	vld.idx.msk [tilespmem:v9+s2+$0x0], $0xffff;
	v18 =	vcombine.low v26, v24  }
0x2f3: {  	v2 =	vadd.f32 v3, v2;
	v3 =	vmul.f32 v4, v14;
	v4 =	vld.idx.msk [tilespmem:v9+s8+$0x0], $0xffff;
	v17 =	vadd.s32 v17, v0  }
0x2f4: {  	v9 =	vor.u32 v18, v16;
	v16 =	vand.u32 $0xFFFFFF80, v17;
	v17 =	vld [tilespmem:$0x1F400];
	_ =	sdelay $0x3  }
0x2f5: {  	v14 =	vld.idx.msk [tilespmem:v6+s2+$0x0], $0xffff;
	v19 =	vcombine.low v10, v25  }
0x2f6: {  	v2 =	vadd.f32 v3, v2;
	v3 =	vmul.f32 v5, v15;
	v5 =	vld.idx.msk [tilespmem:v6+s8+$0x0], $0xffff;
	v17 =	vadd.s32 v17, v0  }
0x2f7: {  	v6 =	vor.u32 v19, v16;
	v16 =	vand.u32 $0xFFFFFF80, v17;
	v17 =	vld [tilespmem:$0x1F420];
	_ =	sdelay $0x3  }
0x2f8: {  	v15 =	vld.idx.msk [tilespmem:v8+s2+$0x0], $0xffff;
	v18 =	vcombine.low v21, v11  }
0x2f9: {  	v2 =	vadd.f32 v3, v2;
	v3 =	vmul.f32 v7, v13;
	v7 =	vld.idx.msk [tilespmem:v8+s8+$0x0], $0xffff;
	v17 =	vadd.s32 v17, v0  }
0x2fa: {  	v8 =	vor.u32 v18, v16;
	v16 =	vand.u32 $0xFFFFFF80, v17;
	v17 =	vld [tilespmem:$0x1F430];
	_ =	sdelay $0x3  }
0x2fb: {  	v13 =	vld.idx.msk [tilespmem:v9+s2+$0x0], $0xffff;
	v19 =	vcombine.low v32, v31  }
0x2fc: {  	v2 =	vadd.f32 v3, v2;
	v3 =	vmul.f32 v4, v12;
	v4 =	vld.idx.msk [tilespmem:v9+s8+$0x0], $0xffff;
	v17 =	vadd.s32 v17, v0  }
0x2fd: {  	v9 =	vor.u32 v19, v16;
	v16 =	vand.u32 $0xFFFFFF80, v17;
	v17 =	vld [tilespmem:$0x1F460];
	_ =	sdelay $0x3  }
0x2fe: {  	v12 =	vld.idx.msk [tilespmem:v6+s2+$0x0], $0xffff;
	v18 =	vcombine.low v47, v22  }
0x2ff: {  	v2 =	vadd.f32 v3, v2;
	v3 =	vmul.f32 v5, v14;
	v5 =	vld.idx.msk [tilespmem:v6+s8+$0x0], $0xffff;
	v17 =	vadd.s32 v17, v0  }
0x300: {  	v6 =	vor.u32 v18, v16;
	v16 =	vand.u32 $0xFFFFFF80, v17;
	v17 =	vld [tilespmem:$0x1F470];
	_ =	sdelay $0x3  }
0x301: {  	v14 =	vld.idx.msk [tilespmem:v8+s2+$0x0], $0xffff;
	v19 =	vcombine.low v49, v48  }
0x302: {  	v2 =	vadd.f32 v3, v2;
	v3 =	vmul.f32 v7, v15;
	v7 =	vld.idx.msk [tilespmem:v8+s8+$0x0], $0xffff;
	v17 =	vadd.s32 v17, v0  }
0x303: {  	v8 =	vor.u32 v19, v16;
	v16 =	vand.u32 $0xFFFFFF80, v17;
	v17 =	vld [tilespmem:$0x1F4A0];
	_ =	sdelay $0x3  }
0x304: {  	v15 =	vld.idx.msk [tilespmem:v9+s2+$0x0], $0xffff;
	v18 =	vcombine.low v20, v50  }
0x305: {  	v2 =	vadd.f32 v3, v2;
	v3 =	vmul.f32 v4, v13;
	v4 =	vld.idx.msk [tilespmem:v9+s8+$0x0], $0xffff;
	v17 =	vadd.s32 v17, v0  }
0x306: {  	v9 =	vor.u32 v18, v16;
	v16 =	vand.u32 $0xFFFFFF80, v17;
	v17 =	vld [tilespmem:$0x1F4C0];
	_ =	sdelay $0x3  }
0x307: {  	v13 =	vld.idx.msk [tilespmem:v6+s2+$0x0], $0xffff;
	v19 =	vcombine.low v28, v27  }
0x308: {  	v2 =	vadd.f32 v3, v2;
	v3 =	vmul.f32 v5, v12;
	v5 =	vld.idx.msk [tilespmem:v6+s8+$0x0], $0xffff;
	v17 =	vadd.s32 v17, v0  }
0x309: {  	v6 =	vor.u32 v19, v16;
	v16 =	vand.u32 $0xFFFFFF80, v17;
	v17 =	vld [tilespmem:$0x1F4E0];
	_ =	sdelay $0x3  }
0x30a: {  	v12 =	vld.idx.msk [tilespmem:v8+s2+$0x0], $0xffff;
	v18 =	vcombine.low v30, v29  }
0x30b: {  	v2 =	vadd.f32 v3, v2;
	v3 =	vmul.f32 v7, v14;
	v7 =	vld.idx.msk [tilespmem:v8+s8+$0x0], $0xffff;
	v17 =	vadd.s32 v17, v0  }
0x30c: {  	v8 =	vor.u32 v18, v16;
	v16 =	vand.u32 $0xFFFFFF80, v17;
	v17 =	vld [tilespmem:$0x1F4F0];
	_ =	sdelay $0x3  }
0x30d: {  	v14 =	vld.idx.msk [tilespmem:v9+s2+$0x0], $0xffff;
	v19 =	vcombine.low v34, v33  }
0x30e: {  	v2 =	vadd.f32 v3, v2;
	v3 =	vmul.f32 v4, v15;
	v4 =	vld.idx.msk [tilespmem:v9+s8+$0x0], $0xffff;
	v17 =	vadd.s32 v17, v0  }
0x30f: {  	v9 =	vor.u32 v19, v16;
	v16 =	vand.u32 $0xFFFFFF80, v17;
	v17 =	vld [tilespmem:$0x1F520];
	_ =	sdelay $0x3  }
0x310: {  	v15 =	vld.idx.msk [tilespmem:v6+s2+$0x0], $0xffff;
	v18 =	vcombine.low v36, v35  }
0x311: {  	v2 =	vadd.f32 v3, v2;
	v3 =	vmul.f32 v5, v13;
	v5 =	vld.idx.msk [tilespmem:v6+s8+$0x0], $0xffff;
	v17 =	vadd.s32 v17, v0  }
0x312: {  	v6 =	vor.u32 v18, v16;
	v16 =	vand.u32 $0xFFFFFF80, v17;
	v17 =	vld [tilespmem:$0x1F540];
	_ =	sdelay $0x3  }
0x313: {  	v13 =	vld.idx.msk [tilespmem:v8+s2+$0x0], $0xffff;
	v19 =	vcombine.low v38, v37  }
0x314: {  	v2 =	vadd.f32 v3, v2;
	v3 =	vmul.f32 v7, v12;
	v7 =	vld.idx.msk [tilespmem:v8+s8+$0x0], $0xffff;
	v17 =	vadd.s32 v17, v0  }
0x315: {  	v8 =	vor.u32 v19, v16;
	v16 =	vand.u32 $0xFFFFFF80, v17;
	v17 =	vld [tilespmem:$0x1F550];
	_ =	sdelay $0x3  }
0x316: {  	v12 =	vld.idx.msk [tilespmem:v9+s2+$0x0], $0xffff;
	v18 =	vcombine.low v40, v39  }
0x317: {  	v2 =	vadd.f32 v3, v2;
	v3 =	vmul.f32 v4, v14;
	v4 =	vld.idx.msk [tilespmem:v9+s8+$0x0], $0xffff;
	v17 =	vadd.s32 v17, v0  }
0x318: {  	v9 =	vor.u32 v18, v16;
	v16 =	vand.u32 $0xFFFFFF80, v17;
	v17 =	vld [tilespmem:$0x1F580];
	_ =	sdelay $0x3  }
0x319: {  	v14 =	vld.idx.msk [tilespmem:v6+s2+$0x0], $0xffff;
	v19 =	vcombine.low v42, v41  }
0x31a: {  	v2 =	vadd.f32 v3, v2;
	v3 =	vmul.f32 v5, v15;
	v5 =	vld.idx.msk [tilespmem:v6+s8+$0x0], $0xffff;
	v17 =	vadd.s32 v17, v0  }
0x31b: {  	v6 =	vor.u32 v19, v16;
	v16 =	vand.u32 $0xFFFFFF80, v17;
	v17 =	vld [tilespmem:$0x1F5A0];
	_ =	sdelay $0x3  }
0x31c: {  	v15 =	vld.idx.msk [tilespmem:v8+s2+$0x0], $0xffff;
	v18 =	vcombine.low v44, v43  }
0x31d: {  	v2 =	vadd.f32 v3, v2;
	v3 =	vmul.f32 v7, v13;
	v7 =	vld.idx.msk [tilespmem:v8+s8+$0x0], $0xffff;
	v17 =	vadd.s32 v17, v0  }
0x31e: {  	v8 =	vor.u32 v18, v16;
	v16 =	vand.u32 $0xFFFFFF80, v17;
	v17 =	vld [tilespmem:$0x1F5C0];
	_ =	sdelay $0x3  }
0x31f: {  	v13 =	vld.idx.msk [tilespmem:v9+s2+$0x0], $0xffff;
	v19 =	vcombine.low v46, v45  }
0x320: {  	v2 =	vadd.f32 v3, v2;
	v3 =	vmul.f32 v4, v12;
	v4 =	vld.idx.msk [tilespmem:v9+s8+$0x0], $0xffff;
	v17 =	vadd.s32 v17, v0  }
0x321: {  	v9 =	vor.u32 v19, v16;
	v16 =	vand.u32 $0xFFFFFF80, v17;
	v17 =	vld [tilespmem:$0x1F5D0];
	_ =	sdelay $0x3  }
0x322: {  	v12 =	vld.idx.msk [tilespmem:v6+s2+$0x0], $0xffff;
	v18 =	vcombine.low v54, v53  }
0x323: {  	v2 =	vadd.f32 v3, v2;
	v3 =	vmul.f32 v5, v14;
	v5 =	vld.idx.msk [tilespmem:v6+s8+$0x0], $0xffff;
	v17 =	vadd.s32 v17, v0  }
0x324: {  	v6 =	vor.u32 v18, v16;
	v16 =	vand.u32 $0xFFFFFF80, v17;
	v17 =	vld [tilespmem:$0x1F600];
	_ =	sdelay $0x3  }
0x325: {  	v14 =	vld.idx.msk [tilespmem:v8+s2+$0x0], $0xffff;
	v19 =	vcombine.low v52, v51  }
0x326: {  	v2 =	vadd.f32 v3, v2;
	v3 =	vmul.f32 v7, v15;
	v7 =	vld.idx.msk [tilespmem:v8+s8+$0x0], $0xffff;
	v17 =	vadd.s32 v17, v0  }
0x327: {  	v8 =	vor.u32 v19, v16;
	v16 =	vand.u32 $0xFFFFFF80, v17;
	v17 =	vld [tilespmem:$0x1F610];
	_ =	sdelay $0x3  }
0x328: {  	v15 =	vld.idx.msk [tilespmem:v9+s2+$0x0], $0xffff;
	v18 =	vcombine.low v58, v57  }
0x329: {  	v2 =	vadd.f32 v3, v2;
	v3 =	vmul.f32 v4, v13;
	v4 =	vld.idx.msk [tilespmem:v9+s8+$0x0], $0xffff;
	v17 =	vadd.s32 v17, v0  }
0x32a: {  	v9 =	vor.u32 v18, v16;
	v16 =	vand.u32 $0xFFFFFF80, v17;
	v17 =	vld [tilespmem:$0x1F640];
	_ =	sdelay $0x3  }
0x32b: {  	v13 =	vld.idx.msk [tilespmem:v6+s2+$0x0], $0xffff;
	v19 =	vcombine.low v56, v55  }
0x32c: {  	v2 =	vadd.f32 v3, v2;
	v3 =	vmul.f32 v5, v12;
	v5 =	vld.idx.msk [tilespmem:v6+s8+$0x0], $0xffff;
	v17 =	vadd.s32 v17, v0  }
0x32d: {  	v6 =	vor.u32 v19, v16;
	v16 =	vand.u32 $0xFFFFFF80, v17;
	v17 =	vld [tilespmem:$0x1F650];
	_ =	sdelay $0x3  }
0x32e: {  	v12 =	vld.idx.msk [tilespmem:v8+s2+$0x0], $0xffff;
	v18 =	vcombine.low v60, v59  }
0x32f: {  	v2 =	vadd.f32 v3, v2;
	v3 =	vmul.f32 v7, v14;
	v7 =	vld.idx.msk [tilespmem:v8+s8+$0x0], $0xffff;
	v17 =	vadd.s32 v17, v0  }
0x330: {  	v8 =	vor.u32 v18, v16;
	v16 =	vand.u32 $0xFFFFFF80, v17;
	v17 =	vld [tilespmem:$0x1F670];
	_ =	sdelay $0x2  }
0x331: {  	v19 =	vcombine.low v62, v61  }
0x332: {  	v2 =	vadd.f32 v3, v2;
	v3 =	vmul.f32 v4, v15;
	v14 =	vld.idx.msk [tilespmem:v9+s2+$0x0], $0xffff  }
0x333: {  	v4 =	vld.idx.msk [tilespmem:v9+s8+$0x0], $0xffff;
	v9 =	vor.u32 v19, v16;
	v0 =	vadd.s32 v17, v0;
	v17 =	vcombine.low v1, v63  }
0x334: {  	v2 =	vadd.f32 v3, v2;
	v3 =	vmul.f32 v5, v13;
	v15 =	vld.idx.msk [tilespmem:v6+s2+$0x0], $0xffff;
	v0 =	vand.u32 $0xFFFFFF80, v0  }
0x335: {  	v5 =	vld.idx.msk [tilespmem:v6+s8+$0x0], $0xffff;
	v0 =	vor.u32 v17, v0  }
0x336: {  	v2 =	vadd.f32 v3, v2;
	v3 =	vmul.f32 v7, v12;
	v13 =	vld.idx.msk [tilespmem:v8+s2+$0x0], $0xffff  }
0x337: {  	v16 =	vld.idx.msk [tilespmem:v8+s8+$0x0], $0xffff  }
0x338: {  	v2 =	vadd.f32 v3, v2;
	v3 =	vmul.f32 v4, v14;
	v8 =	vld.idx.msk [tilespmem:v9+s2+$0x0], $0xffff  }
0x339: {  	v17 =	vld.idx.msk [tilespmem:v9+s8+$0x0], $0xffff  }
0x33a: {  	v2 =	vadd.f32 v3, v2;
	v3 =	vmul.f32 v5, v15;
	v9 =	vld.idx.msk [tilespmem:v0+s2+$0x0], $0xffff  }
0x33b: {  	v0 =	vld.idx.msk [tilespmem:v0+s8+$0x0], $0xffff  }
0x33c: {  	v2 =	vadd.f32 v3, v2;
	v3 =	vmul.f32 v16, v13;
	_ =	sdelay $0x1  }
0x33d: {  	v2 =	vadd.f32 v3, v2;
	v3 =	vmul.f32 v17, v8;
	_ =	sdelay $0x1  }
0x33e: {  	p0 =	sne.s32 s12, $0x1F0;
	v2 =	vadd.f32 v3, v2;
	v0 =	vmul.f32 v0, v9  }
.Ltmp0:
0x33f: {  	_ = 	snop;
	(pc) =	sbr.rel @p0 .LBB2_2-.Ltmp0, $4  }
0x340: {  	v0 =	vadd.f32 v0, v2  }
0x341: {  	s11 =	sadd.s32 $0x10, s11  }
0x342: {  	[tilespmem:s11+$0x0] =	vst v0;
	v0 =	vmov s12  }
0x343: {  	s12 =	sadd.s32 $0x10, s12;
	v0 =	vmul.u32 $0x48, v0  }
0x344: {  	v1 =	vld [tilespmem:$0x1FFB0]  }
0x345: {  	v2 =	vld [tilespmem:$0x1F6E0]  }
0x346: {  	v53 =	vld [tilespmem:$0x1FF20]  }
0x347: {  	v3 =	vld [tilespmem:$0x1F730]  }
0x348: {  	v54 =	vld [tilespmem:$0x1FF30]  }
0x349: {  	v4 =	vld [tilespmem:$0x1F7C0]  }
0x34a: {  	v55 =	vld [tilespmem:$0x1FF40]  }
0x34b: {  	v6 =	vld [tilespmem:$0x1F7D0]  }
0x34c: {  	v56 =	vld [tilespmem:$0x1FF50]  }
0x34d: {  	v8 =	vld [tilespmem:$0x1F820]  }
0x34e: {  	v57 =	vld [tilespmem:$0x1FF60]  }
0x34f: {  	v10 =	vld [tilespmem:$0x1F870]  }
0x350: {  	v58 =	vld [tilespmem:$0x1FF70]  }
0x351: {  	v11 =	vld [tilespmem:$0x1F900]  }
0x352: {  	v61 =	vld [tilespmem:$0x1FF80]  }
0x353: {  	v12 =	vld [tilespmem:$0x1F910]  }
0x354: {  	v16 =	vld [tilespmem:$0x1FF90]  }
0x355: {  	v20 =	vld [tilespmem:$0x1F9A0]  }
0x356: {  	v21 =	vld [tilespmem:$0x1FFA0]  }
0x357: {  	v25 =	vld [tilespmem:$0x1F9B0]  }
0x358: {  	v26 =	vld [tilespmem:$0x1FFC0]  }
0x359: {  	v30 =	vld [tilespmem:$0x1ED60]  }
0x35a: {  	v31 =	vld [tilespmem:$0x1ED50]  }
0x35b: {  	v35 =	vld [tilespmem:$0x1ED80];
	v0 =	vbroadcast v0, $0x0  }
0x35c: {  	v36 =	vld [tilespmem:$0x1ED70]  }
0x35d: {  	v40 =	vld [tilespmem:$0x1EDA0];
	v1 =	vadd.s32 v1, v0  }
0x35e: {  	v41 =	vld [tilespmem:$0x1ED90];
	v1 =	vand.u32 $0xFFFFFF80, v1  }
0x35f: {  	v45 =	vld [tilespmem:$0x1EDC0];
	v1 =	vor.u32 v2, v1;
	v2 =	vadd.s32 v53, v0  }
0x360: {  	v46 =	vld [tilespmem:$0x1EDB0];
	v2 =	vand.u32 $0xFFFFFF80, v2  }
0x361: {  	v50 =	vld [tilespmem:$0x1EDE0];
	v2 =	vor.u32 v3, v2;
	v3 =	vadd.s32 v54, v0  }
0x362: {  	v51 =	vld [tilespmem:$0x1EDD0];
	v3 =	vand.u32 $0xFFFFFF80, v3  }
0x363: {  	v3 =	vor.u32 v4, v3;
	v4 =	vadd.s32 v55, v0;
	v55 =	vld [tilespmem:$0x1EE00]  }
0x364: {  	v5 =	vld.idx.msk [tilespmem:v1+s8+$0x0], $0xffff  }
0x365: {  	v4 =	vand.u32 $0xFFFFFF80, v4;
	v1 =	vld.idx.msk [tilespmem:v1+s2+$0x0], $0xffff  }
0x366: {  	v4 =	vor.u32 v6, v4;
	v6 =	vadd.s32 v56, v0;
	v56 =	vld [tilespmem:$0x1EDF0]  }
0x367: {  	v7 =	vld.idx.msk [tilespmem:v2+s2+$0x0], $0xffff  }
0x368: {  	v6 =	vand.u32 $0xFFFFFF80, v6;
	v2 =	vld.idx.msk [tilespmem:v2+s8+$0x0], $0xffff  }
0x369: {  	v6 =	vor.u32 v8, v6;
	v8 =	vadd.s32 v57, v0;
	v9 =	vld.idx.msk [tilespmem:v3+s2+$0x0], $0xffff  }
0x36a: {  	v8 =	vand.u32 $0xFFFFFF80, v8;
	v3 =	vld.idx.msk [tilespmem:v3+s8+$0x0], $0xffff  }
0x36b: {  	v8 =	vor.u32 v10, v8;
	v10 =	vadd.s32 v58, v0;
	v60 =	vld.idx.msk [tilespmem:v4+s2+$0x0], $0xffff  }
0x36c: {  	v59 =	vand.u32 $0xFFFFFF80, v10;
	v4 =	vld.idx.msk [tilespmem:v4+s8+$0x0], $0xffff  }
0x36d: {  	v1 =	vmul.f32 v5, v1;
	v5 =	vor.u32 v11, v59;
	v11 =	vadd.s32 v61, v0;
	v61 =	vld [tilespmem:$0x1EE10]  }
0x36e: {  	v63 =	vld.idx.msk [tilespmem:v6+s2+$0x0], $0xffff  }
0x36f: {  	v2 =	vmul.f32 v2, v7;
	v1 =	vadd.f32 $0.0e+00, v1;
	v6 =	vld.idx.msk [tilespmem:v6+s8+$0x0], $0xffff  }
0x370: {  	v19 =	vld.idx.msk [tilespmem:v8+s2+$0x0], $0xffff  }
0x371: {  	v62 =	vand.u32 $0xFFFFFF80, v11;
	v1 =	vadd.f32 v2, v1;
	v17 =	vmul.f32 v3, v9;
	v8 =	vld.idx.msk [tilespmem:v8+s8+$0x0], $0xffff  }
0x372: {  	v7 =	vor.u32 v12, v62;
	v12 =	vadd.s32 v16, v0;
	v22 =	vmul.f32 v4, v60;
	v60 =	vld [tilespmem:$0x1EE20]  }
0x373: {  	v18 =	vand.u32 $0xFFFFFF80, v12;
	v1 =	vadd.f32 v17, v1;
	v17 =	vld [tilespmem:$0x1EE40]  }
0x374: {  	v3 =	vor.u32 v20, v18;
	v18 =	vld [tilespmem:$0x1EE30]  }
0x375: {  	v12 =	vadd.s32 v21, v0;
	v24 =	vld.idx.msk [tilespmem:v5+s2+$0x0], $0xffff  }
0x376: {  	v23 =	vand.u32 $0xFFFFFF80, v12;
	v5 =	vld.idx.msk [tilespmem:v5+s8+$0x0], $0xffff  }
0x377: {  	v12 =	vadd.s32 v26, v0;
	v4 =	vor.u32 v25, v23;
	v23 =	vld [tilespmem:$0x1EE50]  }
0x378: {  	v28 =	vand.u32 $0xFFFFFF80, v12;
	v1 =	vadd.f32 v22, v1;
	v22 =	vld [tilespmem:$0x1EE60]  }
0x379: {  	v27 =	vmul.f32 v6, v63;
	v6 =	vor.u32 v30, v28;
	v28 =	vld [tilespmem:$0x1EE70]  }
0x37a: {  	v29 =	vld.idx.msk [tilespmem:v7+s2+$0x0], $0xffff  }
0x37b: {  	v12 =	vadd.s32 v31, v0;
	v7 =	vld.idx.msk [tilespmem:v7+s8+$0x0], $0xffff  }
0x37c: {  	v33 =	vand.u32 $0xFFFFFF80, v12;
	v1 =	vadd.f32 v27, v1;
	v27 =	vld [tilespmem:$0x1EEA0]  }
0x37d: {  	v32 =	vmul.f32 v8, v19;
	v8 =	vor.u32 v35, v33;
	v33 =	vld [tilespmem:$0x1EEB0]  }
0x37e: {  	v34 =	vld.idx.msk [tilespmem:v3+s2+$0x0], $0xffff  }
0x37f: {  	v3 =	vld.idx.msk [tilespmem:v3+s8+$0x0], $0xffff  }
0x380: {  	v39 =	vld.idx.msk [tilespmem:v4+s2+$0x0], $0xffff  }
0x381: {  	v12 =	vadd.s32 v36, v0;
	v4 =	vld.idx.msk [tilespmem:v4+s8+$0x0], $0xffff  }
0x382: {  	v38 =	vand.u32 $0xFFFFFF80, v12;
	v1 =	vadd.f32 v32, v1;
	v32 =	vld [tilespmem:$0x1EEE0]  }
0x383: {  	v37 =	vmul.f32 v5, v24;
	v5 =	vor.u32 v40, v38;
	v38 =	vld [tilespmem:$0x1EEF0]  }
0x384: {  	v44 =	vld.idx.msk [tilespmem:v6+s2+$0x0], $0xffff  }
0x385: {  	v12 =	vadd.s32 v41, v0;
	v6 =	vld.idx.msk [tilespmem:v6+s8+$0x0], $0xffff  }
0x386: {  	v43 =	vand.u32 $0xFFFFFF80, v12;
	v1 =	vadd.f32 v37, v1;
	v37 =	vld [tilespmem:$0x1EF20]  }
0x387: {  	v42 =	vmul.f32 v7, v29;
	v7 =	vor.u32 v45, v43;
	v43 =	vld [tilespmem:$0x1EF30]  }
0x388: {  	v49 =	vld.idx.msk [tilespmem:v8+s2+$0x0], $0xffff  }
0x389: {  	v12 =	vadd.s32 v46, v0;
	v8 =	vld.idx.msk [tilespmem:v8+s8+$0x0], $0xffff  }
0x38a: {  	v48 =	vand.u32 $0xFFFFFF80, v12;
	v1 =	vadd.f32 v42, v1;
	v42 =	vld [tilespmem:$0x1EF60]  }
0x38b: {  	v47 =	vmul.f32 v3, v34;
	v3 =	vor.u32 v50, v48;
	v48 =	vld [tilespmem:$0x1EF70]  }
0x38c: {  	v12 =	vadd.s32 v51, v0;
	v54 =	vld.idx.msk [tilespmem:v5+s2+$0x0], $0xffff  }
0x38d: {  	v53 =	vand.u32 $0xFFFFFF80, v12;
	v5 =	vld.idx.msk [tilespmem:v5+s8+$0x0], $0xffff  }
0x38e: {  	v12 =	vadd.s32 v56, v0;
	v52 =	vmul.f32 v4, v39;
	v4 =	vor.u32 v55, v53;
	v53 =	vld [tilespmem:$0x1EFB0]  }
0x38f: {  	v58 =	vand.u32 $0xFFFFFF80, v12;
	v1 =	vadd.f32 v47, v1;
	v47 =	vld [tilespmem:$0x1EFA0]  }
0x390: {  	v57 =	vmul.f32 v6, v44;
	v6 =	vor.u32 v60, v58;
	v58 =	vld [tilespmem:$0x1EFF0]  }
0x391: {  	v59 =	vld.idx.msk [tilespmem:v7+s2+$0x0], $0xffff  }
0x392: {  	v12 =	vadd.s32 v61, v0;
	v7 =	vld.idx.msk [tilespmem:v7+s8+$0x0], $0xffff  }
0x393: {  	v63 =	vand.u32 $0xFFFFFF80, v12;
	v1 =	vadd.f32 v52, v1;
	v52 =	vld [tilespmem:$0x1EFE0]  }
0x394: {  	v62 =	vmul.f32 v8, v49;
	v8 =	vor.u32 v17, v63;
	v63 =	vld [tilespmem:$0x1F030]  }
0x395: {  	v16 =	vld.idx.msk [tilespmem:v3+s2+$0x0], $0xffff  }
0x396: {  	v3 =	vld.idx.msk [tilespmem:v3+s8+$0x0], $0xffff  }
0x397: {  	v21 =	vld.idx.msk [tilespmem:v4+s2+$0x0], $0xffff  }
0x398: {  	v12 =	vadd.s32 v18, v0;
	v4 =	vld.idx.msk [tilespmem:v4+s8+$0x0], $0xffff  }
0x399: {  	v20 =	vand.u32 $0xFFFFFF80, v12;
	v1 =	vadd.f32 v57, v1;
	v57 =	vld [tilespmem:$0x1F020]  }
0x39a: {  	v19 =	vmul.f32 v5, v54;
	v5 =	vor.u32 v22, v20;
	v20 =	vld [tilespmem:$0x1F080]  }
0x39b: {  	v26 =	vld.idx.msk [tilespmem:v6+s2+$0x0], $0xffff  }
0x39c: {  	v12 =	vadd.s32 v23, v0;
	v6 =	vld.idx.msk [tilespmem:v6+s8+$0x0], $0xffff  }
0x39d: {  	v25 =	vand.u32 $0xFFFFFF80, v12;
	v1 =	vadd.f32 v62, v1;
	v62 =	vld [tilespmem:$0x1F040]  }
0x39e: {  	v24 =	vmul.f32 v7, v59;
	v7 =	vor.u32 v27, v25;
	v25 =	vld [tilespmem:$0x1F0C0]  }
0x39f: {  	v31 =	vld.idx.msk [tilespmem:v8+s2+$0x0], $0xffff  }
0x3a0: {  	v12 =	vadd.s32 v28, v0;
	v8 =	vld.idx.msk [tilespmem:v8+s8+$0x0], $0xffff  }
0x3a1: {  	v30 =	vand.u32 $0xFFFFFF80, v12;
	v1 =	vadd.f32 v19, v1;
	v19 =	vld [tilespmem:$0x1F070]  }
0x3a2: {  	v29 =	vmul.f32 v3, v16;
	v3 =	vor.u32 v32, v30;
	v30 =	vld [tilespmem:$0x1F0F0]  }
0x3a3: {  	v12 =	vadd.s32 v33, v0;
	v36 =	vld.idx.msk [tilespmem:v5+s2+$0x0], $0xffff  }
0x3a4: {  	v35 =	vand.u32 $0xFFFFFF80, v12;
	v5 =	vld.idx.msk [tilespmem:v5+s8+$0x0], $0xffff  }
0x3a5: {  	v12 =	vadd.s32 v38, v0;
	v34 =	vmul.f32 v4, v21;
	v4 =	vor.u32 v37, v35;
	v35 =	vld [tilespmem:$0x1F140]  }
0x3a6: {  	v40 =	vand.u32 $0xFFFFFF80, v12;
	v1 =	vadd.f32 v24, v1;
	v24 =	vld [tilespmem:$0x1F0B0]  }
0x3a7: {  	v39 =	vmul.f32 v6, v26;
	v6 =	vor.u32 v42, v40;
	v40 =	vld [tilespmem:$0x1F180]  }
0x3a8: {  	v41 =	vld.idx.msk [tilespmem:v7+s2+$0x0], $0xffff  }
0x3a9: {  	v12 =	vadd.s32 v43, v0;
	v7 =	vld.idx.msk [tilespmem:v7+s8+$0x0], $0xffff  }
0x3aa: {  	v45 =	vand.u32 $0xFFFFFF80, v12;
	v1 =	vadd.f32 v29, v1;
	v29 =	vld [tilespmem:$0x1F100]  }
0x3ab: {  	v44 =	vmul.f32 v8, v31;
	v8 =	vor.u32 v47, v45;
	v45 =	vld [tilespmem:$0x1F1B0]  }
0x3ac: {  	v46 =	vld.idx.msk [tilespmem:v3+s2+$0x0], $0xffff  }
0x3ad: {  	v3 =	vld.idx.msk [tilespmem:v3+s8+$0x0], $0xffff  }
0x3ae: {  	v51 =	vld.idx.msk [tilespmem:v4+s2+$0x0], $0xffff  }
0x3af: {  	v12 =	vadd.s32 v48, v0;
	v4 =	vld.idx.msk [tilespmem:v4+s8+$0x0], $0xffff  }
0x3b0: {  	v50 =	vand.u32 $0xFFFFFF80, v12;
	v1 =	vadd.f32 v34, v1;
	v34 =	vld [tilespmem:$0x1F130]  }
0x3b1: {  	v49 =	vmul.f32 v5, v36;
	v5 =	vor.u32 v52, v50;
	v50 =	vld [tilespmem:$0x1F200]  }
0x3b2: {  	v56 =	vld.idx.msk [tilespmem:v6+s2+$0x0], $0xffff  }
0x3b3: {  	v12 =	vadd.s32 v53, v0;
	v6 =	vld.idx.msk [tilespmem:v6+s8+$0x0], $0xffff  }
0x3b4: {  	v55 =	vand.u32 $0xFFFFFF80, v12;
	v1 =	vadd.f32 v39, v1;
	v39 =	vld [tilespmem:$0x1F170]  }
0x3b5: {  	v54 =	vmul.f32 v7, v41;
	v7 =	vor.u32 v57, v55;
	v55 =	vld [tilespmem:$0x1F240]  }
0x3b6: {  	v61 =	vld.idx.msk [tilespmem:v8+s2+$0x0], $0xffff  }
0x3b7: {  	v12 =	vadd.s32 v58, v0;
	v8 =	vld.idx.msk [tilespmem:v8+s8+$0x0], $0xffff  }
0x3b8: {  	v60 =	vand.u32 $0xFFFFFF80, v12;
	v1 =	vadd.f32 v44, v1;
	v44 =	vld [tilespmem:$0x1F1C0]  }
0x3b9: {  	v59 =	vmul.f32 v3, v46;
	v3 =	vor.u32 v62, v60;
	v60 =	vld [tilespmem:$0x1F280]  }
0x3ba: {  	v12 =	vadd.s32 v63, v0;
	v18 =	vld.idx.msk [tilespmem:v5+s2+$0x0], $0xffff  }
0x3bb: {  	v17 =	vand.u32 $0xFFFFFF80, v12;
	v5 =	vld.idx.msk [tilespmem:v5+s8+$0x0], $0xffff  }
0x3bc: {  	v12 =	vadd.s32 v20, v0;
	v16 =	vmul.f32 v4, v51;
	v4 =	vor.u32 v19, v17;
	v17 =	vld [tilespmem:$0x1F2B0]  }
0x3bd: {  	v22 =	vand.u32 $0xFFFFFF80, v12;
	v1 =	vadd.f32 v49, v1;
	v49 =	vld [tilespmem:$0x1F1F0]  }
0x3be: {  	v21 =	vmul.f32 v6, v56;
	v6 =	vor.u32 v24, v22;
	v22 =	vld [tilespmem:$0x1F300]  }
0x3bf: {  	v23 =	vld.idx.msk [tilespmem:v7+s2+$0x0], $0xffff  }
0x3c0: {  	v12 =	vadd.s32 v25, v0;
	v7 =	vld.idx.msk [tilespmem:v7+s8+$0x0], $0xffff  }
0x3c1: {  	v27 =	vand.u32 $0xFFFFFF80, v12;
	v1 =	vadd.f32 v54, v1;
	v54 =	vld [tilespmem:$0x1F230]  }
0x3c2: {  	v26 =	vmul.f32 v8, v61;
	v8 =	vor.u32 v29, v27;
	v27 =	vld [tilespmem:$0x1F340]  }
0x3c3: {  	v28 =	vld.idx.msk [tilespmem:v3+s2+$0x0], $0xffff  }
0x3c4: {  	v3 =	vld.idx.msk [tilespmem:v3+s8+$0x0], $0xffff  }
0x3c5: {  	v33 =	vld.idx.msk [tilespmem:v4+s2+$0x0], $0xffff  }
0x3c6: {  	v12 =	vadd.s32 v30, v0;
	v4 =	vld.idx.msk [tilespmem:v4+s8+$0x0], $0xffff  }
0x3c7: {  	v32 =	vand.u32 $0xFFFFFF80, v12;
	v1 =	vadd.f32 v59, v1;
	v59 =	vld [tilespmem:$0x1F270]  }
0x3c8: {  	v31 =	vmul.f32 v5, v18;
	v5 =	vor.u32 v34, v32;
	v32 =	vld [tilespmem:$0x1F370]  }
0x3c9: {  	v38 =	vld.idx.msk [tilespmem:v6+s2+$0x0], $0xffff  }
0x3ca: {  	v12 =	vadd.s32 v35, v0;
	v6 =	vld.idx.msk [tilespmem:v6+s8+$0x0], $0xffff  }
0x3cb: {  	v37 =	vand.u32 $0xFFFFFF80, v12;
	v1 =	vadd.f32 v16, v1;
	v16 =	vld [tilespmem:$0x1F2C0]  }
0x3cc: {  	v36 =	vmul.f32 v7, v23;
	v7 =	vor.u32 v39, v37;
	v37 =	vld [tilespmem:$0x1F3C0]  }
0x3cd: {  	v43 =	vld.idx.msk [tilespmem:v8+s2+$0x0], $0xffff  }
0x3ce: {  	v12 =	vadd.s32 v40, v0;
	v8 =	vld.idx.msk [tilespmem:v8+s8+$0x0], $0xffff  }
0x3cf: {  	v42 =	vand.u32 $0xFFFFFF80, v12;
	v1 =	vadd.f32 v21, v1;
	v21 =	vld [tilespmem:$0x1F2F0]  }
0x3d0: {  	v41 =	vmul.f32 v3, v28;
	v3 =	vor.u32 v44, v42;
	v42 =	vld [tilespmem:$0x1F3E0]  }
0x3d1: {  	v12 =	vadd.s32 v45, v0;
	v48 =	vld.idx.msk [tilespmem:v5+s2+$0x0], $0xffff  }
0x3d2: {  	v47 =	vand.u32 $0xFFFFFF80, v12;
	v5 =	vld.idx.msk [tilespmem:v5+s8+$0x0], $0xffff  }
0x3d3: {  	v12 =	vadd.s32 v50, v0;
	v46 =	vmul.f32 v4, v33;
	v4 =	vor.u32 v49, v47;
	v47 =	vld [tilespmem:$0x1F400]  }
0x3d4: {  	v52 =	vand.u32 $0xFFFFFF80, v12;
	v1 =	vadd.f32 v26, v1;
	v26 =	vld [tilespmem:$0x1F330]  }
0x3d5: {  	v51 =	vmul.f32 v6, v38;
	v6 =	vor.u32 v54, v52;
	v52 =	vld [tilespmem:$0x1F420]  }
0x3d6: {  	v53 =	vld.idx.msk [tilespmem:v7+s2+$0x0], $0xffff  }
0x3d7: {  	v12 =	vadd.s32 v55, v0;
	v7 =	vld.idx.msk [tilespmem:v7+s8+$0x0], $0xffff  }
0x3d8: {  	v57 =	vand.u32 $0xFFFFFF80, v12;
	v1 =	vadd.f32 v31, v1;
	v31 =	vld [tilespmem:$0x1F3A0]  }
0x3d9: {  	v56 =	vmul.f32 v8, v43;
	v8 =	vor.u32 v59, v57;
	v57 =	vld [tilespmem:$0x1F430]  }
0x3da: {  	v58 =	vld.idx.msk [tilespmem:v3+s2+$0x0], $0xffff  }
0x3db: {  	v3 =	vld.idx.msk [tilespmem:v3+s8+$0x0], $0xffff  }
0x3dc: {  	v63 =	vld.idx.msk [tilespmem:v4+s2+$0x0], $0xffff  }
0x3dd: {  	v12 =	vadd.s32 v60, v0;
	v4 =	vld.idx.msk [tilespmem:v4+s8+$0x0], $0xffff  }
0x3de: {  	v62 =	vand.u32 $0xFFFFFF80, v12;
	v1 =	vadd.f32 v36, v1;
	v36 =	vld [tilespmem:$0x1F3B0]  }
0x3df: {  	v61 =	vmul.f32 v5, v48;
	v5 =	vor.u32 v16, v62;
	v62 =	vld [tilespmem:$0x1F460]  }
0x3e0: {  	v20 =	vld.idx.msk [tilespmem:v6+s2+$0x0], $0xffff  }
0x3e1: {  	v12 =	vadd.s32 v17, v0;
	v6 =	vld.idx.msk [tilespmem:v6+s8+$0x0], $0xffff  }
0x3e2: {  	v19 =	vand.u32 $0xFFFFFF80, v12;
	v12 =	vadd.s32 v22, v0;
	v1 =	vadd.f32 v41, v1;
	v41 =	vld [tilespmem:$0x1F3D0]  }
0x3e3: {  	v25 =	vand.u32 $0xFFFFFF80, v12;
	v18 =	vmul.f32 v7, v53;
	v7 =	vor.u32 v21, v19;
	v19 =	vld [tilespmem:$0x1F470]  }
0x3e4: {  	v9 =	vor.u32 v26, v25;
	v24 =	vld.idx.msk [tilespmem:v8+s2+$0x0], $0xffff  }
0x3e5: {  	v8 =	vld.idx.msk [tilespmem:v8+s8+$0x0], $0xffff  }
0x3e6: {  	v1 =	vadd.f32 v46, v1;
	v46 =	vld [tilespmem:$0x1F3F0]  }
0x3e7: {  	v12 =	vadd.s32 v27, v0;
	v29 =	vld.idx.msk [tilespmem:v5+s2+$0x0], $0xffff  }
0x3e8: {  	v30 =	vand.u32 $0xFFFFFF80, v12;
	v5 =	vld.idx.msk [tilespmem:v5+s8+$0x0], $0xffff  }
0x3e9: {  	v10 =	vor.u32 v31, v30;
	v39 =	vld.idx.msk [tilespmem:v9+s2+$0x0], $0xffff  }
0x3ea: {  	v9 =	vld.idx.msk [tilespmem:v9+s8+$0x0], $0xffff  }
0x3eb: {  	v12 =	vadd.s32 v32, v0;
	v1 =	vadd.f32 v51, v1;
	v51 =	vld [tilespmem:$0x1F410]  }
0x3ec: {  	v35 =	vand.u32 $0xFFFFFF80, v12;
	v34 =	vld.idx.msk [tilespmem:v7+s2+$0x0], $0xffff  }
0x3ed: {  	v11 =	vor.u32 v36, v35;
	v7 =	vld.idx.msk [tilespmem:v7+s8+$0x0], $0xffff  }
0x3ee: {  	v44 =	vld.idx.msk [tilespmem:v10+s2+$0x0], $0xffff  }
0x3ef: {  	v10 =	vld.idx.msk [tilespmem:v10+s8+$0x0], $0xffff  }
0x3f0: {  	v1 =	vadd.f32 v56, v1;
	v56 =	vld [tilespmem:$0x1F440]  }
0x3f1: {  	v38 =	vmul.f32 v8, v24;
	v24 =	vld [tilespmem:$0x1F4A0]  }
0x3f2: {  	v12 =	vadd.s32 v37, v0;
	v49 =	vld.idx.msk [tilespmem:v11+s2+$0x0], $0xffff  }
0x3f3: {  	v40 =	vand.u32 $0xFFFFFF80, v12;
	v11 =	vld.idx.msk [tilespmem:v11+s8+$0x0], $0xffff  }
0x3f4: {  	v8 =	vor.u32 v41, v40;
	v1 =	vadd.f32 v61, v1;
	v61 =	vld [tilespmem:$0x1F450]  }
0x3f5: {  	v43 =	vmul.f32 v5, v29;
	v29 =	vld [tilespmem:$0x1F4C0]  }
0x3f6: {  	v12 =	vadd.s32 v42, v0;
	v53 =	vmul.f32 v9, v39;
	v39 =	vld [tilespmem:$0x1F4F0]  }
0x3f7: {  	v45 =	vand.u32 $0xFFFFFF80, v12;
	v1 =	vadd.f32 v18, v1;
	v18 =	vld [tilespmem:$0x1F480]  }
0x3f8: {  	v5 =	vor.u32 v46, v45;
	v48 =	vmul.f32 v7, v34;
	v34 =	vld [tilespmem:$0x1F4E0]  }
0x3f9: {  	v54 =	vld.idx.msk [tilespmem:v8+s2+$0x0], $0xffff  }
0x3fa: {  	v12 =	vadd.s32 v47, v0;
	v23 =	vmul.f32 v3, v58;
	v8 =	vld.idx.msk [tilespmem:v8+s8+$0x0], $0xffff  }
0x3fb: {  	v50 =	vand.u32 $0xFFFFFF80, v12;
	v58 =	vmul.f32 v10, v44;
	v44 =	vld [tilespmem:$0x1F520]  }
0x3fc: {  	v12 =	vadd.s32 v52, v0;
	v7 =	vor.u32 v51, v50;
	v1 =	vadd.f32 v23, v1;
	v23 =	vld [tilespmem:$0x1F490]  }
0x3fd: {  	v55 =	vand.u32 $0xFFFFFF80, v12;
	v59 =	vld.idx.msk [tilespmem:v5+s2+$0x0], $0xffff  }
0x3fe: {  	v28 =	vmul.f32 v4, v63;
	v9 =	vor.u32 v56, v55;
	v5 =	vld.idx.msk [tilespmem:v5+s8+$0x0], $0xffff  }
0x3ff: {  	v63 =	vmul.f32 v11, v49;
	v49 =	vld [tilespmem:$0x1F540]  }
0x400: {  	v12 =	vadd.s32 v57, v0;
	v1 =	vadd.f32 v28, v1;
	v28 =	vld [tilespmem:$0x1F4B0]  }
0x401: {  	v60 =	vand.u32 $0xFFFFFF80, v12;
	v16 =	vld.idx.msk [tilespmem:v7+s2+$0x0], $0xffff  }
0x402: {  	v10 =	vor.u32 v61, v60;
	v7 =	vld.idx.msk [tilespmem:v7+s8+$0x0], $0xffff  }
0x403: {  	v33 =	vmul.f32 v6, v20;
	v21 =	vld.idx.msk [tilespmem:v9+s2+$0x0], $0xffff  }
0x404: {  	v12 =	vadd.s32 v62, v0;
	v9 =	vld.idx.msk [tilespmem:v9+s8+$0x0], $0xffff  }
0x405: {  	v17 =	vand.u32 $0xFFFFFF80, v12;
	v1 =	vadd.f32 v33, v1;
	v33 =	vld [tilespmem:$0x1F4D0]  }
0x406: {  	v11 =	vor.u32 v18, v17;
	v20 =	vmul.f32 v8, v54;
	v54 =	vld [tilespmem:$0x1F550]  }
0x407: {  	v26 =	vld.idx.msk [tilespmem:v10+s2+$0x0], $0xffff  }
0x408: {  	v10 =	vld.idx.msk [tilespmem:v10+s8+$0x0], $0xffff  }
0x409: {  	v12 =	vadd.s32 v19, v0;
	v1 =	vadd.f32 v38, v1;
	v38 =	vld [tilespmem:$0x1F500]  }
0x40a: {  	v22 =	vand.u32 $0xFFFFFF80, v12;
	v12 =	vadd.s32 v24, v0;
	v25 =	vmul.f32 v5, v59;
	v59 =	vld [tilespmem:$0x1F580]  }
0x40b: {  	v27 =	vand.u32 $0xFFFFFF80, v12;
	v12 =	vadd.s32 v29, v0;
	v31 =	vld.idx.msk [tilespmem:v11+s2+$0x0], $0xffff  }
0x40c: {  	v32 =	vand.u32 $0xFFFFFF80, v12;
	v12 =	vadd.s32 v34, v0;
	v8 =	vor.u32 v23, v22;
	v11 =	vld.idx.msk [tilespmem:v11+s8+$0x0], $0xffff  }
0x40d: {  	v37 =	vand.u32 $0xFFFFFF80, v12;
	v12 =	vadd.s32 v39, v0;
	v1 =	vadd.f32 v43, v1;
	v43 =	vld [tilespmem:$0x1F510]  }
0x40e: {  	v42 =	vand.u32 $0xFFFFFF80, v12;
	v12 =	vadd.s32 v44, v0;
	v30 =	vmul.f32 v7, v16;
	v16 =	vld [tilespmem:$0x1F5A0]  }
0x40f: {  	v47 =	vand.u32 $0xFFFFFF80, v12;
	v12 =	vadd.s32 v49, v0;
	v35 =	vmul.f32 v9, v21;
	v21 =	vld [tilespmem:$0x1F5C0]  }
0x410: {  	v5 =	vor.u32 v28, v27;
	v52 =	vand.u32 $0xFFFFFF80, v12;
	v12 =	vadd.s32 v54, v0;
	v54 =	vld [tilespmem:$0x1F690]  }
0x411: {  	v36 =	vld.idx.msk [tilespmem:v8+s2+$0x0], $0xffff  }
0x412: {  	v8 =	vld.idx.msk [tilespmem:v8+s8+$0x0], $0xffff  }
0x413: {  	v1 =	vadd.f32 v48, v1;
	v48 =	vld [tilespmem:$0x1F530]  }
0x414: {  	v7 =	vor.u32 v33, v32;
	v40 =	vmul.f32 v10, v26;
	v26 =	vld [tilespmem:$0x1F5D0]  }
0x415: {  	v41 =	vld.idx.msk [tilespmem:v5+s2+$0x0], $0xffff  }
0x416: {  	v5 =	vld.idx.msk [tilespmem:v5+s8+$0x0], $0xffff  }
0x417: {  	v1 =	vadd.f32 v53, v1;
	v53 =	vld [tilespmem:$0x1F560]  }
0x418: {  	v9 =	vor.u32 v38, v37;
	v45 =	vmul.f32 v11, v31;
	v31 =	vld [tilespmem:$0x1F600]  }
0x419: {  	v46 =	vld.idx.msk [tilespmem:v7+s2+$0x0], $0xffff  }
0x41a: {  	v1 =	vadd.f32 v58, v1;
	v7 =	vld.idx.msk [tilespmem:v7+s8+$0x0], $0xffff  }
0x41b: {  	v58 =	vld [tilespmem:$0x1F570]  }
0x41c: {  	v10 =	vor.u32 v43, v42;
	v50 =	vmul.f32 v8, v36;
	v36 =	vld [tilespmem:$0x1F610];
	v1 =	vadd.f32 v63, v1  }
0x41d: {  	v51 =	vld.idx.msk [tilespmem:v9+s2+$0x0], $0xffff  }
0x41e: {  	v9 =	vld.idx.msk [tilespmem:v9+s8+$0x0], $0xffff;
	v1 =	vadd.f32 v20, v1  }
0x41f: {  	v63 =	vld [tilespmem:$0x1F590]  }
0x420: {  	v11 =	vor.u32 v48, v47;
	v55 =	vmul.f32 v5, v41;
	v41 =	vld [tilespmem:$0x1F640];
	v1 =	vadd.f32 v25, v1  }
0x421: {  	v56 =	vld.idx.msk [tilespmem:v10+s2+$0x0], $0xffff  }
0x422: {  	v10 =	vld.idx.msk [tilespmem:v10+s8+$0x0], $0xffff;
	v1 =	vadd.f32 v30, v1  }
0x423: {  	v20 =	vld [tilespmem:$0x1F5B0]  }
0x424: {  	v8 =	vor.u32 v53, v52;
	v60 =	vmul.f32 v7, v46;
	v46 =	vld [tilespmem:$0x1F650];
	v1 =	vadd.f32 v35, v1  }
0x425: {  	v61 =	vld.idx.msk [tilespmem:v11+s2+$0x0], $0xffff  }
0x426: {  	v57 =	vand.u32 $0xFFFFFF80, v12;
	v11 =	vld.idx.msk [tilespmem:v11+s8+$0x0], $0xffff;
	v1 =	vadd.f32 v40, v1  }
0x427: {  	v5 =	vor.u32 v58, v57;
	v25 =	vld [tilespmem:$0x1F5E0]  }
0x428: {  	v12 =	vadd.s32 v59, v0;
	v17 =	vmul.f32 v9, v51;
	v51 =	vld [tilespmem:$0x1F680];
	v1 =	vadd.f32 v45, v1  }
0x429: {  	v62 =	vand.u32 $0xFFFFFF80, v12;
	v18 =	vld.idx.msk [tilespmem:v8+s2+$0x0], $0xffff  }
0x42a: {  	v7 =	vor.u32 v63, v62;
	v8 =	vld.idx.msk [tilespmem:v8+s8+$0x0], $0xffff;
	v1 =	vadd.f32 v50, v1  }
0x42b: {  	v12 =	vadd.s32 v16, v0;
	v30 =	vld [tilespmem:$0x1F5F0]  }
0x42c: {  	v19 =	vand.u32 $0xFFFFFF80, v12;
	v23 =	vld.idx.msk [tilespmem:v5+s2+$0x0], $0xffff;
	v1 =	vadd.f32 v55, v1  }
0x42d: {  	v9 =	vor.u32 v20, v19;
	v5 =	vld.idx.msk [tilespmem:v5+s8+$0x0], $0xffff  }
0x42e: {  	v12 =	vadd.s32 v21, v0;
	v35 =	vld [tilespmem:$0x1F620];
	v1 =	vadd.f32 v60, v1  }
0x42f: {  	v24 =	vand.u32 $0xFFFFFF80, v12;
	v28 =	vld.idx.msk [tilespmem:v7+s2+$0x0], $0xffff  }
0x430: {  	v22 =	vmul.f32 v10, v56;
	v10 =	vor.u32 v25, v24;
	v7 =	vld.idx.msk [tilespmem:v7+s8+$0x0], $0xffff;
	v1 =	vadd.f32 v17, v1  }
0x431: {  	v12 =	vadd.s32 v26, v0;
	v40 =	vld [tilespmem:$0x1F630]  }
0x432: {  	v29 =	vand.u32 $0xFFFFFF80, v12;
	v27 =	vmul.f32 v11, v61;
	v33 =	vld.idx.msk [tilespmem:v9+s2+$0x0], $0xffff;
	v1 =	vadd.f32 v22, v1  }
0x433: {  	v12 =	vadd.s32 v31, v0;
	v11 =	vor.u32 v30, v29;
	v9 =	vld.idx.msk [tilespmem:v9+s8+$0x0], $0xffff  }
0x434: {  	v34 =	vand.u32 $0xFFFFFF80, v12;
	v32 =	vmul.f32 v8, v18;
	v45 =	vld [tilespmem:$0x1F660];
	v1 =	vadd.f32 v27, v1  }
0x435: {  	v12 =	vadd.s32 v36, v0;
	v8 =	vor.u32 v35, v34;
	v38 =	vld.idx.msk [tilespmem:v10+s2+$0x0], $0xffff  }
0x436: {  	v39 =	vand.u32 $0xFFFFFF80, v12;
	v37 =	vmul.f32 v5, v23;
	v50 =	vld [tilespmem:$0x1F670];
	v1 =	vadd.f32 v32, v1  }
0x437: {  	v12 =	vadd.s32 v41, v0;
	v10 =	vld.idx.msk [tilespmem:v10+s8+$0x0], $0xffff;
	v5 =	vor.u32 v40, v39  }
0x438: {  	v44 =	vand.u32 $0xFFFFFF80, v12;
	v42 =	vmul.f32 v7, v28;
	v43 =	vld.idx.msk [tilespmem:v11+s2+$0x0], $0xffff;
	v1 =	vadd.f32 v37, v1  }
0x439: {  	v12 =	vadd.s32 v46, v0;
	v11 =	vld.idx.msk [tilespmem:v11+s8+$0x0], $0xffff;
	v7 =	vor.u32 v45, v44  }
0x43a: {  	v49 =	vand.u32 $0xFFFFFF80, v12;
	v47 =	vmul.f32 v9, v33;
	v48 =	vld.idx.msk [tilespmem:v8+s2+$0x0], $0xffff;
	v1 =	vadd.f32 v42, v1  }
0x43b: {  	v9 =	vor.u32 v51, v49;
	v8 =	vld.idx.msk [tilespmem:v8+s8+$0x0], $0xffff;
	v0 =	vadd.s32 v50, v0  }
0x43c: {  	v52 =	vmul.f32 v10, v38;
	v53 =	vld.idx.msk [tilespmem:v5+s2+$0x0], $0xffff;
	v0 =	vand.u32 $0xFFFFFF80, v0;
	v1 =	vadd.f32 v47, v1  }
0x43d: {  	v5 =	vld.idx.msk [tilespmem:v5+s8+$0x0], $0xffff;
	v0 =	vor.u32 v54, v0  }
0x43e: {  	v55 =	vmul.f32 v11, v43;
	v56 =	vld.idx.msk [tilespmem:v7+s2+$0x0], $0xffff;
	v1 =	vadd.f32 v52, v1  }
0x43f: {  	v7 =	vld.idx.msk [tilespmem:v7+s8+$0x0], $0xffff  }
0x440: {  	v58 =	vld.idx.msk [tilespmem:v9+s2+$0x0], $0xffff;
	v57 =	vmul.f32 v8, v48;
	v1 =	vadd.f32 v55, v1  }
0x441: {  	v59 =	vld.idx.msk [tilespmem:v9+s8+$0x0], $0xffff  }
0x442: {  	v60 =	vmul.f32 v5, v53;
	v61 =	vld.idx.msk [tilespmem:v0+s2+$0x0], $0xffff;
	v1 =	vadd.f32 v57, v1  }
0x443: {  	v0 =	vld.idx.msk [tilespmem:v0+s8+$0x0], $0xffff  }
0x444: {  	v62 =	vmul.f32 v7, v56;
	v1 =	vadd.f32 v60, v1;
	_ =	sdelay $0x1  }
0x445: {  	v63 =	vmul.f32 v59, v58;
	v1 =	vadd.f32 v62, v1;
	_ =	sdelay $0x1  }
0x446: {  	v0 =	vmul.f32 v0, v61;
	v1 =	vadd.f32 v63, v1;
	_ =	sdelay $0x1  }
0x447: {  	s10 =	sadd.s32 $0x1, s10;
	v0 =	vadd.f32 v0, v1  }
0x448: {  	s11 =	sadd.s32 $0x10, s11;
	p0 =	sne.s32 s10, s6  }
.Ltmp1:
0x449: {  	[tilespmem:s11+$0x0] =	vst v0;
	(pc) =	sbr.rel @p0 .LBB2_1-.Ltmp1, $4  }
0x44a: {  	[hbm4b:s5+s2] =	stream.linear.scatter [tilespmem:s9], [sflag:$0x1], $0x200, $0x38;
	[tilespmem:$0x12200] =	vst v63  }
0x44b: {  	_ =	swait.ge [sflag:s7], $0x200  }
0x44c: {  	[sflag:s7] =	ssyncset.done $0x0  }
0x44d: {  	[sflag:s7] =	ssyncadd.s32 $0xFFFFFE00  }
0x44e: {  	_ =	sfence.sel $0x180000  }
0x44f: {  	[bflag:$0x0] =	sbarrier.arrive $0xFFFF  }
0x450: {  	p0 =	sne.s32 s0, $0x0;
	_ =	strace $0x9000004A  }
0x451: {  	s0 =	sadd.s32 @!p0 $0x100000, s1;
	[bflag:$0x2] =	sbarrier.arrive $0xFFFF  }
0x452: {  	[sflag:s0] =	ssyncadd.tile.s32 @!p0 $0x1;
	_ =	shalt  }
.Lfunc_end2:
_tile_overlayer_lowered:
.L_overlay_start_2:
0x453: {  	(tag) =	ssettag $0x2  }
0x454: {  	s0 =	rddreg [dreg:$0x0];
	s2 =	stileid.u32  }
0x455: {  	s1 =	rddreg [dreg:$0x1];
	p0 =	sne.s32 s2, $0x0  }
0x456: {  	s3 =	rddreg [dreg:$0x2];
	[bflag:$0x3] =	sbarrier.arrive $0xFFFF;
	s2 =	simm.s32 @!p0 $0x1C01  }
0x457: {  	[timem:s3], [sflag:s2] =	dma.local @!p0 [hbm:s0], s1  }
0x458: {  	s0 =	simm.s32 @!p0 $0x1  }
0x459: {  	_ =	swait.ge @!p0 [sflag:s0], s1  }
0x45a: {  	s1 =	ssub.s32 @!p0 $0x0, s1;
	[sflag:s0] =	ssyncset.done @!p0 $0x0  }
0x45b: {  	[sflag:s0] =	ssyncadd.s32 @!p0 s1  }
0x45c: {  	[bflag:$0x3] =	sbarrier.arrive $0xFFFF  }
0x45d: {  	_ =	shalt  }

</sc_bundles>
